<compile_context>
chip_gen: v7x
topology: tpu7x:2x2x1
jax: 0.10.2.dev20260603
libtpu: 0.0.44.dev20260713+nightly
codegen_flags: <defaults>
</compile_context>

<pallas_src>
import functools

import jax
import jax.numpy as jnp
from jax import lax
from jax.experimental import pallas as pl
from jax.experimental.pallas import tpu as pltpu
from jax.experimental.pallas import tpu_sc as plsc

BIGRAM_VOCAB = 1000000
BIGRAM_DIM = 32
MODEL_DIM = 1024
MOD = BIGRAM_VOCAB - 1
SEQ = 4096
PACK = 128 // BIGRAM_DIM

_info = plsc.get_sparse_core_info()
NC, NS, L = _info.num_cores, _info.num_subcores, _info.num_lanes
NW = NC * NS

N_TOK = 16384
TOK_PER_W = N_TOK // NW
VECS_PER_W = TOK_PER_W // 16
GCHUNK = 128
NGC = TOK_PER_W // GCHUNK


def _sc_hash_gather(tok_hbm, table_hbm, emb_hbm, q_hbm, tok_v, h_v, q_v,
                    rows_v, sem):
    wid = lax.axis_index("s") * NC + lax.axis_index("c")
    base = pl.multiple_of(wid * TOK_PER_W, TOK_PER_W)

    pltpu.sync_copy(tok_hbm.at[pl.ds(base, TOK_PER_W)],
                    tok_v.at[pl.ds(16, TOK_PER_W)])
    prev_off = pl.multiple_of(jnp.maximum(base - 8, 0), 8)
    pltpu.sync_copy(tok_hbm.at[pl.ds(prev_off, 8)], tok_v.at[pl.ds(8, 8)])

    seq_phase = base % SEQ
    lane = lax.iota(jnp.int32, 16)

    for j in range(VECS_PER_W):
        cur = tok_v[pl.ds(16 + 16 * j, 16)]
        prv = tok_v[pl.ds(15 + 16 * j, 16)]
        h = lax.rem(lax.bitwise_xor(cur * 36313, prv * 27191),
                    jnp.int32(MOD))
        if j == 0:
            h = jnp.where(lane + seq_phase == 0, jnp.int32(MOD), h)
        c, r = j // 8, (j % 8) * 16
        h_v[c, pl.ds(r, 16)] = lax.bitwise_or(
            lax.bitwise_and(lax.shift_right_logical(h, 2),
                            jnp.int32(~(QROWS - 1))),
            lax.bitwise_and(h, QROWS - 1))
        q_v[pl.ds(16 * j, 16)] = lax.bitwise_and(
            lax.shift_right_logical(h, QROWS.bit_length() - 1), 3)

    copies = [
        pltpu.async_copy(table_hbm.at[h_v.at[c]],
                         rows_v.at[pl.ds(c * GCHUNK, GCHUNK), :], sem)
        for c in range(NGC)
    ]
    for cp in copies:
        cp.wait()

    pltpu.sync_copy(rows_v, emb_hbm.at[pl.ds(base, TOK_PER_W), :])
    pltpu.sync_copy(q_v, q_hbm.at[pl.ds(base, TOK_PER_W)])


def _sc_gather(tok_flat, table4):
    mesh = plsc.VectorSubcoreMesh(core_axis_name="c", subcore_axis_name="s")
    k = functools.partial(
        pl.kernel,
        mesh=mesh,
        out_type=(
            jax.ShapeDtypeStruct((N_TOK, 128), jnp.float32),
            jax.ShapeDtypeStruct((N_TOK,), jnp.int32),
        ),
        scratch_types=[
            pltpu.VMEM((TOK_PER_W + 16,), jnp.int32),
            pltpu.VMEM((NGC, GCHUNK), jnp.int32),
            pltpu.VMEM((TOK_PER_W,), jnp.int32),
            pltpu.VMEM((TOK_PER_W, 128), jnp.float32),
            pltpu.SemaphoreType.DMA,
        ],
    )(_sc_hash_gather)
    return k(tok_flat, table4)


REGION = BIGRAM_VOCAB // PACK
RETILE_C = 32768
RETILE_BLOCKS = -(-BIGRAM_VOCAB // RETILE_C)
TABLE4_ROWS = RETILE_BLOCKS * (RETILE_C // PACK)


QROWS = RETILE_C // PACK


def _retile_body(t_ref, out_ref):
    eye = jnp.eye(BIGRAM_DIM, dtype=jnp.bfloat16)
    xt = lax.dot_general(t_ref[...].astype(jnp.bfloat16), eye,
                         dimension_numbers=(((0,), (0,)), ((), ())),
                         preferred_element_type=jnp.float32)
    parts = [
        lax.slice(xt, (QROWS * g, 0), (QROWS * (g + 1), BIGRAM_DIM))
        for g in range(PACK)
    ]
    out_ref[...] = jnp.concatenate(parts, axis=1)


def _retile(table_t):
    return pl.pallas_call(
        _retile_body,
        grid=(RETILE_BLOCKS,),
        in_specs=[
            pl.BlockSpec((BIGRAM_DIM, RETILE_C), lambda i: (0, i)),
        ],
        out_specs=pl.BlockSpec((RETILE_C // PACK, 128), lambda i: (i, 0)),
        out_shape=jax.ShapeDtypeStruct((TABLE4_ROWS, 128), jnp.float32),
    )(table_t)


def _proj_body(scale_ref, emb_ref, q_ref, w_ref, out_ref):
    q = q_ref[0, 0, :]
    grp = lax.broadcasted_iota(jnp.int32, emb_ref.shape, 1) // BIGRAM_DIM
    sel = jnp.where(grp == q[:, None], emb_ref[...], 0.0)
    acc = lax.dot_general(sel, w_ref[...],
                          dimension_numbers=(((1,), (1,)), ((), ())),
                          preferred_element_type=jnp.float32)
    out_ref[...] = acc * scale_ref[0]


def _project(emb4, q3, proj_W4, scale):
    rows_blk = 512
    grid = (N_TOK // rows_blk,)
    return pl.pallas_call(
        _proj_body,
        grid=grid,
        in_specs=[
            pl.BlockSpec(memory_space=pltpu.SMEM),
            pl.BlockSpec((rows_blk, 128), lambda i: (i, 0)),
            pl.BlockSpec((1, 1, rows_blk), lambda i: (i, 0, 0)),
            pl.BlockSpec((MODEL_DIM, 128), lambda i: (0, 0)),
        ],
        out_specs=pl.BlockSpec((rows_blk, MODEL_DIM), lambda i: (i, 0)),
        out_shape=jax.ShapeDtypeStruct((N_TOK, MODEL_DIM), jnp.float32),
    )(scale, emb4, q3, proj_W4)


def kernel(token_ids, embed_table, proj_W, bigram_scale):
    b, s = token_ids.shape
    tok_flat = token_ids.astype(jnp.int32).reshape(-1)
    table4 = _retile(embed_table.T)
    emb4, q = _sc_gather(tok_flat, table4)
    q3 = q.reshape(N_TOK // 512, 1, 512)
    proj_W4 = jnp.concatenate([proj_W] * PACK, axis=1)
    scale = bigram_scale.astype(jnp.float32).reshape(1)
    out = _project(emb4, q3, proj_W4, scale)
    return out.reshape(b, s, MODEL_DIM)

# --- scband reference (transcript-rebuilt; emitter-appended) ---
"""Pipeline reference for scband-bigram-hash-35905926595321 (READ-ONLY COPY).

The authoritative reference and input builder live on the scoring server;
editing this copy changes nothing except your own understanding.
"""

import jax, jax.numpy as jnp
import numpy as np

BIGRAM_VOCAB = 1000000
BIGRAM_DIM = 32
MODEL_DIM = 1024
BATCH = 4
SEQ = 4096
TOKEN_VOCAB = 50257


def setup_inputs(seed: int = 0) -> dict:
    key = jax.random.key(seed)
    k1, k2, k3 = jax.random.split(key, 3)
    token_ids = jax.random.randint(k1, (BATCH, SEQ), 0, TOKEN_VOCAB, dtype=jnp.int32)
    # Learned parameters (module inits them to zeros; use small random values
    # so the computation is numerically non-degenerate for benchmarking).
    embed_table = jax.random.normal(k2, (BIGRAM_VOCAB, BIGRAM_DIM), dtype=jnp.float32) * 0.02
    proj_W = jax.random.normal(k3, (MODEL_DIM, BIGRAM_DIM), dtype=jnp.float32) * 0.02
    bigram_scale = jnp.asarray(0.05, dtype=jnp.float32)
    return {
        "token_ids": token_ids,
        "embed_table": embed_table,
        "proj_W": proj_W,
        "bigram_scale": bigram_scale,
    }


def reference(token_ids, embed_table, proj_W, bigram_scale):
    t = token_ids.astype(jnp.int32)
    mod = BIGRAM_VOCAB - 1
    # hash: h[...,0] = mod ; h[...,1:] = (36313*t[1:] XOR 27191*t[:-1]) % mod
    h_rest = jnp.mod(jnp.bitwise_xor(36313 * t[..., 1:], 27191 * t[..., :-1]), mod)
    h_first = jnp.full(t.shape[:-1] + (1,), mod, dtype=jnp.int32)
    h = jnp.concatenate([h_first, h_rest], axis=-1)
    # embedding lookup (gather)
    emb = jnp.take(embed_table, h, axis=0)
    # CastedLinear: F.linear(emb, W) with no bias -> emb @ W.T
    out = jnp.matmul(emb, proj_W.T)
    return out * bigram_scale.astype(out.dtype)

if __name__ == "__main__":
    import jax
    _d = setup_inputs()
    print(jax.jit(kernel)(*tuple(_d.values())))

</pallas_src>

<mosaic_0001>
#map = affine_map<(d0, d1) -> (0)>
#map1 = affine_map<(d0, d1) -> (0, 0)>
module attributes {stable_mosaic.version = 14 : i64} {
  func.func @_sc_hash_gather(%arg0: i32, %arg1: i32, %arg2: memref<16384xi32, #tpu.memory_space<hbm>>, %arg3: memref<253952x128xf32, #tpu.memory_space<hbm>>, %arg4: memref<16384x128xf32, #tpu.memory_space<hbm>>, %arg5: memref<16384xi32, #tpu.memory_space<hbm>>, %arg6: memref<528xi32, #tpu.memory_space<vmem>>, %arg7: memref<4x128xi32, #tpu.memory_space<vmem>>, %arg8: memref<512xi32, #tpu.memory_space<vmem>>, %arg9: memref<512x128xf32, #tpu.memory_space<vmem>>, %arg10: memref<!tpu.dma_semaphore, #tpu.memory_space<semaphore_mem>>) attributes {dimension_semantics = [#tpu.dimension_semantics<core_parallel>, #tpu.dimension_semantics<subcore_parallel>], iteration_bounds = array<i64: 2, 16>, scalar_prefetch = 0 : i64, scratch_operands = 5 : i64, tpu.core_type = #tpu.core_type<sc_vector_subcore>, window_params = [{transform_indices = #map}, {transform_indices = #map1}, {transform_indices = #map1}, {transform_indices = #map}]} {
    %mul3A = arith.constant 2 : i32
    %mul3A_0 = arith.muli %arg1, %mul3A : i32
    %add3A = arith.addi %mul3A_0, %arg0 : i32
    %mul3A_1 = arith.constant 512 : i32
    %mul3A_2 = arith.muli %add3A, %mul3A_1 : i32
    %multiple_of3A = tpu.assume_multiple %mul3A_2, 512 : i32
    "tpu.region"() ({
      %run_scoped3A = tpu.sem_alloc : memref<!tpu.dma_semaphore, #tpu.memory_space<semaphore_mem>>
      %dma_start3A_1439 = arith.constant 16 : i32
      %dma_start3A_1440 = tpu.memref_slice %arg6[%dma_start3A_1439] : memref<528xi32, #tpu.memory_space<vmem>> -> memref<512xi32, #tpu.memory_space<vmem>>
      %dma_start3A_1441 = tpu.memref_slice %arg2[%multiple_of3A] : memref<16384xi32, #tpu.memory_space<hbm>> -> memref<512xi32, #tpu.memory_space<hbm>>
      %dma_start3A_1442 = arith.constant 16 : i32
      %dma_start3A_1443 = tpu.memref_slice %arg6[%dma_start3A_1442] : memref<528xi32, #tpu.memory_space<vmem>> -> memref<512xi32, #tpu.memory_space<vmem>>
      %dma_start3A_1444 = tpu.memref_slice %arg2[%multiple_of3A] : memref<16384xi32, #tpu.memory_space<hbm>> -> memref<512xi32, #tpu.memory_space<hbm>>
      tpu.enqueue_dma source(%dma_start3A_1444 : memref<512xi32, #tpu.memory_space<hbm>>) target(%dma_start3A_1443 : memref<512xi32, #tpu.memory_space<vmem>>) target_semaphore(%run_scoped3A : memref<!tpu.dma_semaphore, #tpu.memory_space<semaphore_mem>>)
      %dma_wait3A_1445 = arith.constant 16 : i32
      %dma_wait3A_1446 = tpu.memref_slice %arg6[%dma_wait3A_1445] : memref<528xi32, #tpu.memory_space<vmem>> -> memref<512xi32, #tpu.memory_space<vmem>>
      %dma_wait3A_1447 = tpu.memref_slice %arg2[%multiple_of3A] : memref<16384xi32, #tpu.memory_space<hbm>> -> memref<512xi32, #tpu.memory_space<hbm>>
      %dma_wait3A_1448 = arith.constant 16 : i32
      %dma_wait3A_1449 = tpu.memref_slice %arg6[%dma_wait3A_1448] : memref<528xi32, #tpu.memory_space<vmem>> -> memref<512xi32, #tpu.memory_space<vmem>>
      %dma_wait3A_1450 = tpu.memref_slice %arg2[%multiple_of3A] : memref<16384xi32, #tpu.memory_space<hbm>> -> memref<512xi32, #tpu.memory_space<hbm>>
      tpu.wait_dma2 semaphore(%run_scoped3A : memref<!tpu.dma_semaphore, #tpu.memory_space<semaphore_mem>>) src(%dma_wait3A_1450 : memref<512xi32, #tpu.memory_space<hbm>>) dst(%dma_wait3A_1449 : memref<512xi32, #tpu.memory_space<vmem>>)
      tpu.yield
    }) : () -> ()
    %sub3A = arith.constant 8 : i32
    %sub3A_3 = arith.subi %multiple_of3A, %sub3A : i32
    %max3A = arith.constant 0 : i32
    %max3A_4 = arith.maxsi %sub3A_3, %max3A : i32
    %multiple_of3A_5 = tpu.assume_multiple %max3A_4, 8 : i32
    "tpu.region"() ({
      %run_scoped3A = tpu.sem_alloc : memref<!tpu.dma_semaphore, #tpu.memory_space<semaphore_mem>>
      %dma_start3A_1439 = arith.constant 8 : i32
      %dma_start3A_1440 = tpu.memref_slice %arg6[%dma_start3A_1439] : memref<528xi32, #tpu.memory_space<vmem>> -> memref<8xi32, #tpu.memory_space<vmem>>
      %dma_start3A_1441 = tpu.memref_slice %arg2[%multiple_of3A_5] : memref<16384xi32, #tpu.memory_space<hbm>> -> memref<8xi32, #tpu.memory_space<hbm>>
      %dma_start3A_1442 = arith.constant 8 : i32
      %dma_start3A_1443 = tpu.memref_slice %arg6[%dma_start3A_1442] : memref<528xi32, #tpu.memory_space<vmem>> -> memref<8xi32, #tpu.memory_space<vmem>>
      %dma_start3A_1444 = tpu.memref_slice %arg2[%multiple_of3A_5] : memref<16384xi32, #tpu.memory_space<hbm>> -> memref<8xi32, #tpu.memory_space<hbm>>
      tpu.enqueue_dma source(%dma_start3A_1444 : memref<8xi32, #tpu.memory_space<hbm>>) target(%dma_start3A_1443 : memref<8xi32, #tpu.memory_space<vmem>>) target_semaphore(%run_scoped3A : memref<!tpu.dma_semaphore, #tpu.memory_space<semaphore_mem>>)
      %dma_wait3A_1445 = arith.constant 8 : i32
      %dma_wait3A_1446 = tpu.memref_slice %arg6[%dma_wait3A_1445] : memref<528xi32, #tpu.memory_space<vmem>> -> memref<8xi32, #tpu.memory_space<vmem>>
      %dma_wait3A_1447 = tpu.memref_slice %arg2[%multiple_of3A_5] : memref<16384xi32, #tpu.memory_space<hbm>> -> memref<8xi32, #tpu.memory_space<hbm>>
      %dma_wait3A_1448 = arith.constant 8 : i32
      %dma_wait3A_1449 = tpu.memref_slice %arg6[%dma_wait3A_1448] : memref<528xi32, #tpu.memory_space<vmem>> -> memref<8xi32, #tpu.memory_space<vmem>>
      %dma_wait3A_1450 = tpu.memref_slice %arg2[%multiple_of3A_5] : memref<16384xi32, #tpu.memory_space<hbm>> -> memref<8xi32, #tpu.memory_space<hbm>>
      tpu.wait_dma2 semaphore(%run_scoped3A : memref<!tpu.dma_semaphore, #tpu.memory_space<semaphore_mem>>) src(%dma_wait3A_1450 : memref<8xi32, #tpu.memory_space<hbm>>) dst(%dma_wait3A_1449 : memref<8xi32, #tpu.memory_space<vmem>>)
      tpu.yield
    }) : () -> ()
    %jit3A = arith.constant 4096 : i32
    %eq3A = arith.constant 0 : i32
    %eq3A_6 = arith.cmpi eq, %jit3A, %eq3A : i32
    %jit3A_7 = arith.constant 1 : i32
    %select_n3A = arith.select %eq3A_6, %jit3A_7, %jit3A : i32
    %rem3A = arith.remsi %multiple_of3A, %select_n3A : i32
    %ne3A = arith.constant 0 : i32
    %ne3A_8 = arith.cmpi ne, %rem3A, %ne3A : i32
    %lt3A = arith.constant 0 : i32
    %lt3A_9 = arith.cmpi slt, %rem3A, %lt3A : i32
    %lt3A_10 = arith.constant 0 : i32
    %lt3A_11 = arith.cmpi slt, %select_n3A, %lt3A_10 : i32
    %ne3A_12 = arith.xori %lt3A_9, %lt3A_11 : i1
    %and3A = arith.andi %ne3A_12, %ne3A_8 : i1
    %add3A_13 = arith.addi %rem3A, %select_n3A : i32
    %select_n3A_14 = arith.select %and3A, %add3A_13, %rem3A : i32
    %iota3A = tpu.iota {dimensions = array<i32: 0>} : vector<16xi32>
    %get3A = arith.constant 16 : index
    %get3A_15 = tpu.vector_load %arg6[%get3A] {strides = array<i32>} : memref<528xi32, #tpu.memory_space<vmem>>, vector<16xi32>,
    %get3A_16 = vector.shape_cast %get3A_15 : vector<16xi32> to vector<16xi32>
    %get3A_17 = arith.constant 15 : index
    %get3A_18 = tpu.vector_load %arg6[%get3A_17] {strides = array<i32>} : memref<528xi32, #tpu.memory_space<vmem>>, vector<16xi32>,
    %get3A_19 = vector.shape_cast %get3A_18 : vector<16xi32> to vector<16xi32>
    %mul3A_20 = arith.constant 36313 : i32
    %mul3A_21 = vector.broadcast %mul3A_20 : i32 to vector<16xi32>
    %mul3A_22 = arith.muli %get3A_16, %mul3A_21 : vector<16xi32>
    %mul3A_23 = arith.constant 27191 : i32
    %mul3A_24 = vector.broadcast %mul3A_23 : i32 to vector<16xi32>
    %mul3A_25 = arith.muli %get3A_19, %mul3A_24 : vector<16xi32>
    %xor3A = arith.xori %mul3A_22, %mul3A_25 : vector<16xi32>
    %rem3A_26 = arith.constant 999999 : i32
    %rem3A_27 = vector.broadcast %rem3A_26 : i32 to vector<16xi32>
    %rem3A_28 = arith.remsi %xor3A, %rem3A_27 : vector<16xi32>
    %add3A_29 = vector.broadcast %select_n3A_14 : i32 to vector<16xi32>
    %add3A_30 = arith.addi %iota3A, %add3A_29 : vector<16xi32>
    %eq3A_31 = arith.constant 0 : i32
    %eq3A_32 = vector.broadcast %eq3A_31 : i32 to vector<16xi32>
    %eq3A_33 = arith.cmpi eq, %add3A_30, %eq3A_32 : vector<16xi32>
    %jit3A_34 = arith.constant 999999 : i32
    %broadcast_in_dim3A = vector.broadcast %jit3A_34 : i32 to vector<16xi32>
    %select_n3A_35 = arith.select %eq3A_33, %broadcast_in_dim3A, %rem3A_28 : vector<16xi1>, vector<16xi32>
    %shift_right_logical3A = arith.constant 2 : i32
    %shift_right_logical3A_36 = vector.broadcast %shift_right_logical3A : i32 to vector<16xi32>
    %shift_right_logical3A_37 = arith.shrui %select_n3A_35, %shift_right_logical3A_36 : vector<16xi32>
    %and3A_38 = arith.constant -8192 : i32
    %and3A_39 = vector.broadcast %and3A_38 : i32 to vector<16xi32>
    %and3A_40 = arith.andi %shift_right_logical3A_37, %and3A_39 : vector<16xi32>
    %and3A_41 = arith.constant 8191 : i32
    %and3A_42 = vector.broadcast %and3A_41 : i32 to vector<16xi32>
    %and3A_43 = arith.andi %select_n3A_35, %and3A_42 : vector<16xi32>
    %or3A = arith.ori %and3A_40, %and3A_43 : vector<16xi32>
    %swap3A = arith.constant 0 : i32
    %swap3A_44 = arith.index_cast %swap3A : i32 to index
    %swap3A_45 = arith.constant 0 : index
    %swap3A_46 = tpu.vector_load %arg7[%swap3A_44, %swap3A_45] {strides = array<i32>} : memref<4x128xi32, #tpu.memory_space<vmem>>, vector<1x16xi32>,
    %swap3A_47 = vector.shape_cast %swap3A_46 : vector<1x16xi32> to vector<16xi32>
    %swap3A_48 = vector.shape_cast %or3A : vector<16xi32> to vector<1x16xi32>
    tpu.vector_store %arg7[%swap3A_44, %swap3A_45], %swap3A_48 {strides = array<i32>} : memref<4x128xi32, #tpu.memory_space<vmem>>, vector<1x16xi32>,
    %shift_right_logical3A_49 = arith.constant 13 : i32
    %shift_right_logical3A_50 = vector.broadcast %shift_right_logical3A_49 : i32 to vector<16xi32>
    %shift_right_logical3A_51 = arith.shrui %select_n3A_35, %shift_right_logical3A_50 : vector<16xi32>
    %and3A_52 = arith.constant 3 : i32
    %and3A_53 = vector.broadcast %and3A_52 : i32 to vector<16xi32>
    %and3A_54 = arith.andi %shift_right_logical3A_51, %and3A_53 : vector<16xi32>
    %swap3A_55 = arith.constant 0 : index
    %swap3A_56 = tpu.vector_load %arg8[%swap3A_55] {strides = array<i32>} : memref<512xi32, #tpu.memory_space<vmem>>, vector<16xi32>,
    %swap3A_57 = vector.shape_cast %swap3A_56 : vector<16xi32> to vector<16xi32>
    %swap3A_58 = vector.shape_cast %and3A_54 : vector<16xi32> to vector<16xi32>
    tpu.vector_store %arg8[%swap3A_55], %swap3A_58 {strides = array<i32>} : memref<512xi32, #tpu.memory_space<vmem>>, vector<16xi32>,
    %get3A_59 = arith.constant 32 : index
    %get3A_60 = tpu.vector_load %arg6[%get3A_59] {strides = array<i32>} : memref<528xi32, #tpu.memory_space<vmem>>, vector<16xi32>,
    %get3A_61 = vector.shape_cast %get3A_60 : vector<16xi32> to vector<16xi32>
    %get3A_62 = arith.constant 31 : index
    %get3A_63 = tpu.vector_load %arg6[%get3A_62] {strides = array<i32>} : memref<528xi32, #tpu.memory_space<vmem>>, vector<16xi32>,
    %get3A_64 = vector.shape_cast %get3A_63 : vector<16xi32> to vector<16xi32>
    %mul3A_65 = arith.constant 36313 : i32
    %mul3A_66 = vector.broadcast %mul3A_65 : i32 to vector<16xi32>
    %mul3A_67 = arith.muli %get3A_61, %mul3A_66 : vector<16xi32>
    %mul3A_68 = arith.constant 27191 : i32
    %mul3A_69 = vector.broadcast %mul3A_68 : i32 to vector<16xi32>
    %mul3A_70 = arith.muli %get3A_64, %mul3A_69 : vector<16xi32>
    %xor3A_71 = arith.xori %mul3A_67, %mul3A_70 : vector<16xi32>
    %rem3A_72 = arith.constant 999999 : i32
    %rem3A_73 = vector.broadcast %rem3A_72 : i32 to vector<16xi32>
    %rem3A_74 = arith.remsi %xor3A_71, %rem3A_73 : vector<16xi32>
    %shift_right_logical3A_75 = arith.constant 2 : i32
    %shift_right_logical3A_76 = vector.broadcast %shift_right_logical3A_75 : i32 to vector<16xi32>
    %shift_right_logical3A_77 = arith.shrui %rem3A_74, %shift_right_logical3A_76 : vector<16xi32>
    %and3A_78 = arith.constant -8192 : i32
    %and3A_79 = vector.broadcast %and3A_78 : i32 to vector<16xi32>
    %and3A_80 = arith.andi %shift_right_logical3A_77, %and3A_79 : vector<16xi32>
    %and3A_81 = arith.constant 8191 : i32
    %and3A_82 = vector.broadcast %and3A_81 : i32 to vector<16xi32>
    %and3A_83 = arith.andi %rem3A_74, %and3A_82 : vector<16xi32>
    %or3A_84 = arith.ori %and3A_80, %and3A_83 : vector<16xi32>
    %swap3A_85 = arith.constant 0 : i32
    %swap3A_86 = arith.index_cast %swap3A_85 : i32 to index
    %swap3A_87 = arith.constant 16 : index
    %swap3A_88 = tpu.vector_load %arg7[%swap3A_86, %swap3A_87] {strides = array<i32>} : memref<4x128xi32, #tpu.memory_space<vmem>>, vector<1x16xi32>,
    %swap3A_89 = vector.shape_cast %swap3A_88 : vector<1x16xi32> to vector<16xi32>
    %swap3A_90 = vector.shape_cast %or3A_84 : vector<16xi32> to vector<1x16xi32>
    tpu.vector_store %arg7[%swap3A_86, %swap3A_87], %swap3A_90 {strides = array<i32>} : memref<4x128xi32, #tpu.memory_space<vmem>>, vector<1x16xi32>,
    %shift_right_logical3A_91 = arith.constant 13 : i32
    %shift_right_logical3A_92 = vector.broadcast %shift_right_logical3A_91 : i32 to vector<16xi32>
    %shift_right_logical3A_93 = arith.shrui %rem3A_74, %shift_right_logical3A_92 : vector<16xi32>
    %and3A_94 = arith.constant 3 : i32
    %and3A_95 = vector.broadcast %and3A_94 : i32 to vector<16xi32>
    %and3A_96 = arith.andi %shift_right_logical3A_93, %and3A_95 : vector<16xi32>
    %swap3A_97 = arith.constant 16 : index
    %swap3A_98 = tpu.vector_load %arg8[%swap3A_97] {strides = array<i32>} : memref<512xi32, #tpu.memory_space<vmem>>, vector<16xi32>,
    %swap3A_99 = vector.shape_cast %swap3A_98 : vector<16xi32> to vector<16xi32>
    %swap3A_100 = vector.shape_cast %and3A_96 : vector<16xi32> to vector<16xi32>
    tpu.vector_store %arg8[%swap3A_97], %swap3A_100 {strides = array<i32>} : memref<512xi32, #tpu.memory_space<vmem>>, vector<16xi32>,
    %get3A_101 = arith.constant 48 : index
    %get3A_102 = tpu.vector_load %arg6[%get3A_101] {strides = array<i32>} : memref<528xi32, #tpu.memory_space<vmem>>, vector<16xi32>,
    %get3A_103 = vector.shape_cast %get3A_102 : vector<16xi32> to vector<16xi32>
    %get3A_104 = arith.constant 47 : index
    %get3A_105 = tpu.vector_load %arg6[%get3A_104] {strides = array<i32>} : memref<528xi32, #tpu.memory_space<vmem>>, vector<16xi32>,
    %get3A_106 = vector.shape_cast %get3A_105 : vector<16xi32> to vector<16xi32>
    %mul3A_107 = arith.constant 36313 : i32
    %mul3A_108 = vector.broadcast %mul3A_107 : i32 to vector<16xi32>
    %mul3A_109 = arith.muli %get3A_103, %mul3A_108 : vector<16xi32>
    %mul3A_110 = arith.constant 27191 : i32
    %mul3A_111 = vector.broadcast %mul3A_110 : i32 to vector<16xi32>
    %mul3A_112 = arith.muli %get3A_106, %mul3A_111 : vector<16xi32>
    %xor3A_113 = arith.xori %mul3A_109, %mul3A_112 : vector<16xi32>
    %rem3A_114 = arith.constant 999999 : i32
    %rem3A_115 = vector.broadcast %rem3A_114 : i32 to vector<16xi32>
    %rem3A_116 = arith.remsi %xor3A_113, %rem3A_115 : vector<16xi32>
    %shift_right_logical3A_117 = arith.constant 2 : i32
    %shift_right_logical3A_118 = vector.broadcast %shift_right_logical3A_117 : i32 to vector<16xi32>
    %shift_right_logical3A_119 = arith.shrui %rem3A_116, %shift_right_logical3A_118 : vector<16xi32>
    %and3A_120 = arith.constant -8192 : i32
    %and3A_121 = vector.broadcast %and3A_120 : i32 to vector<16xi32>
    %and3A_122 = arith.andi %shift_right_logical3A_119, %and3A_121 : vector<16xi32>
    %and3A_123 = arith.constant 8191 : i32
    %and3A_124 = vector.broadcast %and3A_123 : i32 to vector<16xi32>
    %and3A_125 = arith.andi %rem3A_116, %and3A_124 : vector<16xi32>
    %or3A_126 = arith.ori %and3A_122, %and3A_125 : vector<16xi32>
    %swap3A_127 = arith.constant 0 : i32
    %swap3A_128 = arith.index_cast %swap3A_127 : i32 to index
    %swap3A_129 = arith.constant 32 : index
    %swap3A_130 = tpu.vector_load %arg7[%swap3A_128, %swap3A_129] {strides = array<i32>} : memref<4x128xi32, #tpu.memory_space<vmem>>, vector<1x16xi32>,
    %swap3A_131 = vector.shape_cast %swap3A_130 : vector<1x16xi32> to vector<16xi32>
    %swap3A_132 = vector.shape_cast %or3A_126 : vector<16xi32> to vector<1x16xi32>
    tpu.vector_store %arg7[%swap3A_128, %swap3A_129], %swap3A_132 {strides = array<i32>} : memref<4x128xi32, #tpu.memory_space<vmem>>, vector<1x16xi32>,
    %shift_right_logical3A_133 = arith.constant 13 : i32
    %shift_right_logical3A_134 = vector.broadcast %shift_right_logical3A_133 : i32 to vector<16xi32>
    %shift_right_logical3A_135 = arith.shrui %rem3A_116, %shift_right_logical3A_134 : vector<16xi32>
    %and3A_136 = arith.constant 3 : i32
    %and3A_137 = vector.broadcast %and3A_136 : i32 to vector<16xi32>
    %and3A_138 = arith.andi %shift_right_logical3A_135, %and3A_137 : vector<16xi32>
    %swap3A_139 = arith.constant 32 : index
    %swap3A_140 = tpu.vector_load %arg8[%swap3A_139] {strides = array<i32>} : memref<512xi32, #tpu.memory_space<vmem>>, vector<16xi32>,
    %swap3A_141 = vector.shape_cast %swap3A_140 : vector<16xi32> to vector<16xi32>
    %swap3A_142 = vector.shape_cast %and3A_138 : vector<16xi32> to vector<16xi32>
    tpu.vector_store %arg8[%swap3A_139], %swap3A_142 {strides = array<i32>} : memref<512xi32, #tpu.memory_space<vmem>>, vector<16xi32>,
    %get3A_143 = arith.constant 64 : index
    %get3A_144 = tpu.vector_load %arg6[%get3A_143] {strides = array<i32>} : memref<528xi32, #tpu.memory_space<vmem>>, vector<16xi32>,
    %get3A_145 = vector.shape_cast %get3A_144 : vector<16xi32> to vector<16xi32>
    %get3A_146 = arith.constant 63 : index
    %get3A_147 = tpu.vector_load %arg6[%get3A_146] {strides = array<i32>} : memref<528xi32, #tpu.memory_space<vmem>>, vector<16xi32>,
    %get3A_148 = vector.shape_cast %get3A_147 : vector<16xi32> to vector<16xi32>
    %mul3A_149 = arith.constant 36313 : i32
    %mul3A_150 = vector.broadcast %mul3A_149 : i32 to vector<16xi32>
    %mul3A_151 = arith.muli %get3A_145, %mul3A_150 : vector<16xi32>
    %mul3A_152 = arith.constant 27191 : i32
    %mul3A_153 = vector.broadcast %mul3A_152 : i32 to vector<16xi32>
    %mul3A_154 = arith.muli %get3A_148, %mul3A_153 : vector<16xi32>
    %xor3A_155 = arith.xori %mul3A_151, %mul3A_154 : vector<16xi32>
    %rem3A_156 = arith.constant 999999 : i32
    %rem3A_157 = vector.broadcast %rem3A_156 : i32 to vector<16xi32>
    %rem3A_158 = arith.remsi %xor3A_155, %rem3A_157 : vector<16xi32>
    %shift_right_logical3A_159 = arith.constant 2 : i32
    %shift_right_logical3A_160 = vector.broadcast %shift_right_logical3A_159 : i32 to vector<16xi32>
    %shift_right_logical3A_161 = arith.shrui %rem3A_158, %shift_right_logical3A_160 : vector<16xi32>
    %and3A_162 = arith.constant -8192 : i32
    %and3A_163 = vector.broadcast %and3A_162 : i32 to vector<16xi32>
    %and3A_164 = arith.andi %shift_right_logical3A_161, %and3A_163 : vector<16xi32>
    %and3A_165 = arith.constant 8191 : i32
    %and3A_166 = vector.broadcast %and3A_165 : i32 to vector<16xi32>
    %and3A_167 = arith.andi %rem3A_158, %and3A_166 : vector<16xi32>
    %or3A_168 = arith.ori %and3A_164, %and3A_167 : vector<16xi32>
    %swap3A_169 = arith.constant 0 : i32
    %swap3A_170 = arith.index_cast %swap3A_169 : i32 to index
    %swap3A_171 = arith.constant 48 : index
    %swap3A_172 = tpu.vector_load %arg7[%swap3A_170, %swap3A_171] {strides = array<i32>} : memref<4x128xi32, #tpu.memory_space<vmem>>, vector<1x16xi32>,
    %swap3A_173 = vector.shape_cast %swap3A_172 : vector<1x16xi32> to vector<16xi32>
    %swap3A_174 = vector.shape_cast %or3A_168 : vector<16xi32> to vector<1x16xi32>
    tpu.vector_store %arg7[%swap3A_170, %swap3A_171], %swap3A_174 {strides = array<i32>} : memref<4x128xi32, #tpu.memory_space<vmem>>, vector<1x16xi32>,
    %shift_right_logical3A_175 = arith.constant 13 : i32
    %shift_right_logical3A_176 = vector.broadcast %shift_right_logical3A_175 : i32 to vector<16xi32>
    %shift_right_logical3A_177 = arith.shrui %rem3A_158, %shift_right_logical3A_176 : vector<16xi32>
    %and3A_178 = arith.constant 3 : i32
    %and3A_179 = vector.broadcast %and3A_178 : i32 to vector<16xi32>
    %and3A_180 = arith.andi %shift_right_logical3A_177, %and3A_179 : vector<16xi32>
    %swap3A_181 = arith.constant 48 : index
    %swap3A_182 = tpu.vector_load %arg8[%swap3A_181] {strides = array<i32>} : memref<512xi32, #tpu.memory_space<vmem>>, vector<16xi32>,
    %swap3A_183 = vector.shape_cast %swap3A_182 : vector<16xi32> to vector<16xi32>
    %swap3A_184 = vector.shape_cast %and3A_180 : vector<16xi32> to vector<16xi32>
    tpu.vector_store %arg8[%swap3A_181], %swap3A_184 {strides = array<i32>} : memref<512xi32, #tpu.memory_space<vmem>>, vector<16xi32>,
    %get3A_185 = arith.constant 80 : index
    %get3A_186 = tpu.vector_load %arg6[%get3A_185] {strides = array<i32>} : memref<528xi32, #tpu.memory_space<vmem>>, vector<16xi32>,
    %get3A_187 = vector.shape_cast %get3A_186 : vector<16xi32> to vector<16xi32>
    %get3A_188 = arith.constant 79 : index
    %get3A_189 = tpu.vector_load %arg6[%get3A_188] {strides = array<i32>} : memref<528xi32, #tpu.memory_space<vmem>>, vector<16xi32>,
    %get3A_190 = vector.shape_cast %get3A_189 : vector<16xi32> to vector<16xi32>
    %mul3A_191 = arith.constant 36313 : i32
    %mul3A_192 = vector.broadcast %mul3A_191 : i32 to vector<16xi32>
    %mul3A_193 = arith.muli %get3A_187, %mul3A_192 : vector<16xi32>
    %mul3A_194 = arith.constant 27191 : i32
    %mul3A_195 = vector.broadcast %mul3A_194 : i32 to vector<16xi32>
    %mul3A_196 = arith.muli %get3A_190, %mul3A_195 : vector<16xi32>
    %xor3A_197 = arith.xori %mul3A_193, %mul3A_196 : vector<16xi32>
    %rem3A_198 = arith.constant 999999 : i32
    %rem3A_199 = vector.broadcast %rem3A_198 : i32 to vector<16xi32>
    %rem3A_200 = arith.remsi %xor3A_197, %rem3A_199 : vector<16xi32>
    %shift_right_logical3A_201 = arith.constant 2 : i32
    %shift_right_logical3A_202 = vector.broadcast %shift_right_logical3A_201 : i32 to vector<16xi32>
    %shift_right_logical3A_203 = arith.shrui %rem3A_200, %shift_right_logical3A_202 : vector<16xi32>
    %and3A_204 = arith.constant -8192 : i32
    %and3A_205 = vector.broadcast %and3A_204 : i32 to vector<16xi32>
    %and3A_206 = arith.andi %shift_right_logical3A_203, %and3A_205 : vector<16xi32>
    %and3A_207 = arith.constant 8191 : i32
    %and3A_208 = vector.broadcast %and3A_207 : i32 to vector<16xi32>
    %and3A_209 = arith.andi %rem3A_200, %and3A_208 : vector<16xi32>
    %or3A_210 = arith.ori %and3A_206, %and3A_209 : vector<16xi32>
    %swap3A_211 = arith.constant 0 : i32
    %swap3A_212 = arith.index_cast %swap3A_211 : i32 to index
    %swap3A_213 = arith.constant 64 : index
    %swap3A_214 = tpu.vector_load %arg7[%swap3A_212, %swap3A_213] {strides = array<i32>} : memref<4x128xi32, #tpu.memory_space<vmem>>, vector<1x16xi32>,
    %swap3A_215 = vector.shape_cast %swap3A_214 : vector<1x16xi32> to vector<16xi32>
    %swap3A_216 = vector.shape_cast %or3A_210 : vector<16xi32> to vector<1x16xi32>
    tpu.vector_store %arg7[%swap3A_212, %swap3A_213], %swap3A_216 {strides = array<i32>} : memref<4x128xi32, #tpu.memory_space<vmem>>, vector<1x16xi32>,
    %shift_right_logical3A_217 = arith.constant 13 : i32
    %shift_right_logical3A_218 = vector.broadcast %shift_right_logical3A_217 : i32 to vector<16xi32>
    %shift_right_logical3A_219 = arith.shrui %rem3A_200, %shift_right_logical3A_218 : vector<16xi32>
    %and3A_220 = arith.constant 3 : i32
    %and3A_221 = vector.broadcast %and3A_220 : i32 to vector<16xi32>
    %and3A_222 = arith.andi %shift_right_logical3A_219, %and3A_221 : vector<16xi32>
    %swap3A_223 = arith.constant 64 : index
    %swap3A_224 = tpu.vector_load %arg8[%swap3A_223] {strides = array<i32>} : memref<512xi32, #tpu.memory_space<vmem>>, vector<16xi32>,
    %swap3A_225 = vector.shape_cast %swap3A_224 : vector<16xi32> to vector<16xi32>
    %swap3A_226 = vector.shape_cast %and3A_222 : vector<16xi32> to vector<16xi32>
    tpu.vector_store %arg8[%swap3A_223], %swap3A_226 {strides = array<i32>} : memref<512xi32, #tpu.memory_space<vmem>>, vector<16xi32>,
    %get3A_227 = arith.constant 96 : index
    %get3A_228 = tpu.vector_load %arg6[%get3A_227] {strides = array<i32>} : memref<528xi32, #tpu.memory_space<vmem>>, vector<16xi32>,
    %get3A_229 = vector.shape_cast %get3A_228 : vector<16xi32> to vector<16xi32>
    %get3A_230 = arith.constant 95 : index
    %get3A_231 = tpu.vector_load %arg6[%get3A_230] {strides = array<i32>} : memref<528xi32, #tpu.memory_space<vmem>>, vector<16xi32>,
    %get3A_232 = vector.shape_cast %get3A_231 : vector<16xi32> to vector<16xi32>
    %mul3A_233 = arith.constant 36313 : i32
    %mul3A_234 = vector.broadcast %mul3A_233 : i32 to vector<16xi32>
    %mul3A_235 = arith.muli %get3A_229, %mul3A_234 : vector<16xi32>
    %mul3A_236 = arith.constant 27191 : i32
    %mul3A_237 = vector.broadcast %mul3A_236 : i32 to vector<16xi32>
    %mul3A_238 = arith.muli %get3A_232, %mul3A_237 : vector<16xi32>
    %xor3A_239 = arith.xori %mul3A_235, %mul3A_238 : vector<16xi32>
    %rem3A_240 = arith.constant 999999 : i32
    %rem3A_241 = vector.broadcast %rem3A_240 : i32 to vector<16xi32>
    %rem3A_242 = arith.remsi %xor3A_239, %rem3A_241 : vector<16xi32>
    %shift_right_logical3A_243 = arith.constant 2 : i32
    %shift_right_logical3A_244 = vector.broadcast %shift_right_logical3A_243 : i32 to vector<16xi32>
    %shift_right_logical3A_245 = arith.shrui %rem3A_242, %shift_right_logical3A_244 : vector<16xi32>
    %and3A_246 = arith.constant -8192 : i32
    %and3A_247 = vector.broadcast %and3A_246 : i32 to vector<16xi32>
    %and3A_248 = arith.andi %shift_right_logical3A_245, %and3A_247 : vector<16xi32>
    %and3A_249 = arith.constant 8191 : i32
    %and3A_250 = vector.broadcast %and3A_249 : i32 to vector<16xi32>
    %and3A_251 = arith.andi %rem3A_242, %and3A_250 : vector<16xi32>
    %or3A_252 = arith.ori %and3A_248, %and3A_251 : vector<16xi32>
    %swap3A_253 = arith.constant 0 : i32
    %swap3A_254 = arith.index_cast %swap3A_253 : i32 to index
    %swap3A_255 = arith.constant 80 : index
    %swap3A_256 = tpu.vector_load %arg7[%swap3A_254, %swap3A_255] {strides = array<i32>} : memref<4x128xi32, #tpu.memory_space<vmem>>, vector<1x16xi32>,
    %swap3A_257 = vector.shape_cast %swap3A_256 : vector<1x16xi32> to vector<16xi32>
    %swap3A_258 = vector.shape_cast %or3A_252 : vector<16xi32> to vector<1x16xi32>
    tpu.vector_store %arg7[%swap3A_254, %swap3A_255], %swap3A_258 {strides = array<i32>} : memref<4x128xi32, #tpu.memory_space<vmem>>, vector<1x16xi32>,
    %shift_right_logical3A_259 = arith.constant 13 : i32
    %shift_right_logical3A_260 = vector.broadcast %shift_right_logical3A_259 : i32 to vector<16xi32>
    %shift_right_logical3A_261 = arith.shrui %rem3A_242, %shift_right_logical3A_260 : vector<16xi32>
    %and3A_262 = arith.constant 3 : i32
    %and3A_263 = vector.broadcast %and3A_262 : i32 to vector<16xi32>
    %and3A_264 = arith.andi %shift_right_logical3A_261, %and3A_263 : vector<16xi32>
    %swap3A_265 = arith.constant 80 : index
    %swap3A_266 = tpu.vector_load %arg8[%swap3A_265] {strides = array<i32>} : memref<512xi32, #tpu.memory_space<vmem>>, vector<16xi32>,
    %swap3A_267 = vector.shape_cast %swap3A_266 : vector<16xi32> to vector<16xi32>
    %swap3A_268 = vector.shape_cast %and3A_264 : vector<16xi32> to vector<16xi32>
    tpu.vector_store %arg8[%swap3A_265], %swap3A_268 {strides = array<i32>} : memref<512xi32, #tpu.memory_space<vmem>>, vector<16xi32>,
    %get3A_269 = arith.constant 112 : index
    %get3A_270 = tpu.vector_load %arg6[%get3A_269] {strides = array<i32>} : memref<528xi32, #tpu.memory_space<vmem>>, vector<16xi32>,
    %get3A_271 = vector.shape_cast %get3A_270 : vector<16xi32> to vector<16xi32>
    %get3A_272 = arith.constant 111 : index
    %get3A_273 = tpu.vector_load %arg6[%get3A_272] {strides = array<i32>} : memref<528xi32, #tpu.memory_space<vmem>>, vector<16xi32>,
    %get3A_274 = vector.shape_cast %get3A_273 : vector<16xi32> to vector<16xi32>
    %mul3A_275 = arith.constant 36313 : i32
    %mul3A_276 = vector.broadcast %mul3A_275 : i32 to vector<16xi32>
    %mul3A_277 = arith.muli %get3A_271, %mul3A_276 : vector<16xi32>
    %mul3A_278 = arith.constant 27191 : i32
    %mul3A_279 = vector.broadcast %mul3A_278 : i32 to vector<16xi32>
    %mul3A_280 = arith.muli %get3A_274, %mul3A_279 : vector<16xi32>
    %xor3A_281 = arith.xori %mul3A_277, %mul3A_280 : vector<16xi32>
    %rem3A_282 = arith.constant 999999 : i32
    %rem3A_283 = vector.broadcast %rem3A_282 : i32 to vector<16xi32>
    %rem3A_284 = arith.remsi %xor3A_281, %rem3A_283 : vector<16xi32>
    %shift_right_logical3A_285 = arith.constant 2 : i32
    %shift_right_logical3A_286 = vector.broadcast %shift_right_logical3A_285 : i32 to vector<16xi32>
    %shift_right_logical3A_287 = arith.shrui %rem3A_284, %shift_right_logical3A_286 : vector<16xi32>
    %and3A_288 = arith.constant -8192 : i32
    %and3A_289 = vector.broadcast %and3A_288 : i32 to vector<16xi32>
    %and3A_290 = arith.andi %shift_right_logical3A_287, %and3A_289 : vector<16xi32>
    %and3A_291 = arith.constant 8191 : i32
    %and3A_292 = vector.broadcast %and3A_291 : i32 to vector<16xi32>
    %and3A_293 = arith.andi %rem3A_284, %and3A_292 : vector<16xi32>
    %or3A_294 = arith.ori %and3A_290, %and3A_293 : vector<16xi32>
    %swap3A_295 = arith.constant 0 : i32
    %swap3A_296 = arith.index_cast %swap3A_295 : i32 to index
    %swap3A_297 = arith.constant 96 : index
    %swap3A_298 = tpu.vector_load %arg7[%swap3A_296, %swap3A_297] {strides = array<i32>} : memref<4x128xi32, #tpu.memory_space<vmem>>, vector<1x16xi32>,
    %swap3A_299 = vector.shape_cast %swap3A_298 : vector<1x16xi32> to vector<16xi32>
    %swap3A_300 = vector.shape_cast %or3A_294 : vector<16xi32> to vector<1x16xi32>
    tpu.vector_store %arg7[%swap3A_296, %swap3A_297], %swap3A_300 {strides = array<i32>} : memref<4x128xi32, #tpu.memory_space<vmem>>, vector<1x16xi32>,
    %shift_right_logical3A_301 = arith.constant 13 : i32
    %shift_right_logical3A_302 = vector.broadcast %shift_right_logical3A_301 : i32 to vector<16xi32>
    %shift_right_logical3A_303 = arith.shrui %rem3A_284, %shift_right_logical3A_302 : vector<16xi32>
    %and3A_304 = arith.constant 3 : i32
    %and3A_305 = vector.broadcast %and3A_304 : i32 to vector<16xi32>
    %and3A_306 = arith.andi %shift_right_logical3A_303, %and3A_305 : vector<16xi32>
    %swap3A_307 = arith.constant 96 : index
    %swap3A_308 = tpu.vector_load %arg8[%swap3A_307] {strides = array<i32>} : memref<512xi32, #tpu.memory_space<vmem>>, vector<16xi32>,
    %swap3A_309 = vector.shape_cast %swap3A_308 : vector<16xi32> to vector<16xi32>
    %swap3A_310 = vector.shape_cast %and3A_306 : vector<16xi32> to vector<16xi32>
    tpu.vector_store %arg8[%swap3A_307], %swap3A_310 {strides = array<i32>} : memref<512xi32, #tpu.memory_space<vmem>>, vector<16xi32>,
    %get3A_311 = arith.constant 128 : index
    %get3A_312 = tpu.vector_load %arg6[%get3A_311] {strides = array<i32>} : memref<528xi32, #tpu.memory_space<vmem>>, vector<16xi32>,
    %get3A_313 = vector.shape_cast %get3A_312 : vector<16xi32> to vector<16xi32>
    %get3A_314 = arith.constant 127 : index
    %get3A_315 = tpu.vector_load %arg6[%get3A_314] {strides = array<i32>} : memref<528xi32, #tpu.memory_space<vmem>>, vector<16xi32>,
    %get3A_316 = vector.shape_cast %get3A_315 : vector<16xi32> to vector<16xi32>
    %mul3A_317 = arith.constant 36313 : i32
    %mul3A_318 = vector.broadcast %mul3A_317 : i32 to vector<16xi32>
    %mul3A_319 = arith.muli %get3A_313, %mul3A_318 : vector<16xi32>
    %mul3A_320 = arith.constant 27191 : i32
    %mul3A_321 = vector.broadcast %mul3A_320 : i32 to vector<16xi32>
    %mul3A_322 = arith.muli %get3A_316, %mul3A_321 : vector<16xi32>
    %xor3A_323 = arith.xori %mul3A_319, %mul3A_322 : vector<16xi32>
    %rem3A_324 = arith.constant 999999 : i32
    %rem3A_325 = vector.broadcast %rem3A_324 : i32 to vector<16xi32>
    %rem3A_326 = arith.remsi %xor3A_323, %rem3A_325 : vector<16xi32>
    %shift_right_logical3A_327 = arith.constant 2 : i32
    %shift_right_logical3A_328 = vector.broadcast %shift_right_logical3A_327 : i32 to vector<16xi32>
    %shift_right_logical3A_329 = arith.shrui %rem3A_326, %shift_right_logical3A_328 : vector<16xi32>
    %and3A_330 = arith.constant -8192 : i32
    %and3A_331 = vector.broadcast %and3A_330 : i32 to vector<16xi32>
    %and3A_332 = arith.andi %shift_right_logical3A_329, %and3A_331 : vector<16xi32>
    %and3A_333 = arith.constant 8191 : i32
    %and3A_334 = vector.broadcast %and3A_333 : i32 to vector<16xi32>
    %and3A_335 = arith.andi %rem3A_326, %and3A_334 : vector<16xi32>
    %or3A_336 = arith.ori %and3A_332, %and3A_335 : vector<16xi32>
    %swap3A_337 = arith.constant 0 : i32
    %swap3A_338 = arith.index_cast %swap3A_337 : i32 to index
    %swap3A_339 = arith.constant 112 : index
    %swap3A_340 = tpu.vector_load %arg7[%swap3A_338, %swap3A_339] {strides = array<i32>} : memref<4x128xi32, #tpu.memory_space<vmem>>, vector<1x16xi32>,
    %swap3A_341 = vector.shape_cast %swap3A_340 : vector<1x16xi32> to vector<16xi32>
    %swap3A_342 = vector.shape_cast %or3A_336 : vector<16xi32> to vector<1x16xi32>
    tpu.vector_store %arg7[%swap3A_338, %swap3A_339], %swap3A_342 {strides = array<i32>} : memref<4x128xi32, #tpu.memory_space<vmem>>, vector<1x16xi32>,
    %shift_right_logical3A_343 = arith.constant 13 : i32
    %shift_right_logical3A_344 = vector.broadcast %shift_right_logical3A_343 : i32 to vector<16xi32>
    %shift_right_logical3A_345 = arith.shrui %rem3A_326, %shift_right_logical3A_344 : vector<16xi32>
    %and3A_346 = arith.constant 3 : i32
    %and3A_347 = vector.broadcast %and3A_346 : i32 to vector<16xi32>
    %and3A_348 = arith.andi %shift_right_logical3A_345, %and3A_347 : vector<16xi32>
    %swap3A_349 = arith.constant 112 : index
    %swap3A_350 = tpu.vector_load %arg8[%swap3A_349] {strides = array<i32>} : memref<512xi32, #tpu.memory_space<vmem>>, vector<16xi32>,
    %swap3A_351 = vector.shape_cast %swap3A_350 : vector<16xi32> to vector<16xi32>
    %swap3A_352 = vector.shape_cast %and3A_348 : vector<16xi32> to vector<16xi32>
    tpu.vector_store %arg8[%swap3A_349], %swap3A_352 {strides = array<i32>} : memref<512xi32, #tpu.memory_space<vmem>>, vector<16xi32>,
    %get3A_353 = arith.constant 144 : index
    %get3A_354 = tpu.vector_load %arg6[%get3A_353] {strides = array<i32>} : memref<528xi32, #tpu.memory_space<vmem>>, vector<16xi32>,
    %get3A_355 = vector.shape_cast %get3A_354 : vector<16xi32> to vector<16xi32>
    %get3A_356 = arith.constant 143 : index
    %get3A_357 = tpu.vector_load %arg6[%get3A_356] {strides = array<i32>} : memref<528xi32, #tpu.memory_space<vmem>>, vector<16xi32>,
    %get3A_358 = vector.shape_cast %get3A_357 : vector<16xi32> to vector<16xi32>
    %mul3A_359 = arith.constant 36313 : i32
    %mul3A_360 = vector.broadcast %mul3A_359 : i32 to vector<16xi32>
    %mul3A_361 = arith.muli %get3A_355, %mul3A_360 : vector<16xi32>
    %mul3A_362 = arith.constant 27191 : i32
    %mul3A_363 = vector.broadcast %mul3A_362 : i32 to vector<16xi32>
    %mul3A_364 = arith.muli %get3A_358, %mul3A_363 : vector<16xi32>
    %xor3A_365 = arith.xori %mul3A_361, %mul3A_364 : vector<16xi32>
    %rem3A_366 = arith.constant 999999 : i32
    %rem3A_367 = vector.broadcast %rem3A_366 : i32 to vector<16xi32>
    %rem3A_368 = arith.remsi %xor3A_365, %rem3A_367 : vector<16xi32>
    %shift_right_logical3A_369 = arith.constant 2 : i32
    %shift_right_logical3A_370 = vector.broadcast %shift_right_logical3A_369 : i32 to vector<16xi32>
    %shift_right_logical3A_371 = arith.shrui %rem3A_368, %shift_right_logical3A_370 : vector<16xi32>
    %and3A_372 = arith.constant -8192 : i32
    %and3A_373 = vector.broadcast %and3A_372 : i32 to vector<16xi32>
    %and3A_374 = arith.andi %shift_right_logical3A_371, %and3A_373 : vector<16xi32>
    %and3A_375 = arith.constant 8191 : i32
    %and3A_376 = vector.broadcast %and3A_375 : i32 to vector<16xi32>
    %and3A_377 = arith.andi %rem3A_368, %and3A_376 : vector<16xi32>
    %or3A_378 = arith.ori %and3A_374, %and3A_377 : vector<16xi32>
    %swap3A_379 = arith.constant 1 : i32
    %swap3A_380 = arith.index_cast %swap3A_379 : i32 to index
    %swap3A_381 = arith.constant 0 : index
    %swap3A_382 = tpu.vector_load %arg7[%swap3A_380, %swap3A_381] {strides = array<i32>} : memref<4x128xi32, #tpu.memory_space<vmem>>, vector<1x16xi32>,
    %swap3A_383 = vector.shape_cast %swap3A_382 : vector<1x16xi32> to vector<16xi32>
    %swap3A_384 = vector.shape_cast %or3A_378 : vector<16xi32> to vector<1x16xi32>
    tpu.vector_store %arg7[%swap3A_380, %swap3A_381], %swap3A_384 {strides = array<i32>} : memref<4x128xi32, #tpu.memory_space<vmem>>, vector<1x16xi32>,
    %shift_right_logical3A_385 = arith.constant 13 : i32
    %shift_right_logical3A_386 = vector.broadcast %shift_right_logical3A_385 : i32 to vector<16xi32>
    %shift_right_logical3A_387 = arith.shrui %rem3A_368, %shift_right_logical3A_386 : vector<16xi32>
    %and3A_388 = arith.constant 3 : i32
    %and3A_389 = vector.broadcast %and3A_388 : i32 to vector<16xi32>
    %and3A_390 = arith.andi %shift_right_logical3A_387, %and3A_389 : vector<16xi32>
    %swap3A_391 = arith.constant 128 : index
    %swap3A_392 = tpu.vector_load %arg8[%swap3A_391] {strides = array<i32>} : memref<512xi32, #tpu.memory_space<vmem>>, vector<16xi32>,
    %swap3A_393 = vector.shape_cast %swap3A_392 : vector<16xi32> to vector<16xi32>
    %swap3A_394 = vector.shape_cast %and3A_390 : vector<16xi32> to vector<16xi32>
    tpu.vector_store %arg8[%swap3A_391], %swap3A_394 {strides = array<i32>} : memref<512xi32, #tpu.memory_space<vmem>>, vector<16xi32>,
    %get3A_395 = arith.constant 160 : index
    %get3A_396 = tpu.vector_load %arg6[%get3A_395] {strides = array<i32>} : memref<528xi32, #tpu.memory_space<vmem>>, vector<16xi32>,
    %get3A_397 = vector.shape_cast %get3A_396 : vector<16xi32> to vector<16xi32>
    %get3A_398 = arith.constant 159 : index
    %get3A_399 = tpu.vector_load %arg6[%get3A_398] {strides = array<i32>} : memref<528xi32, #tpu.memory_space<vmem>>, vector<16xi32>,
    %get3A_400 = vector.shape_cast %get3A_399 : vector<16xi32> to vector<16xi32>
    %mul3A_401 = arith.constant 36313 : i32
    %mul3A_402 = vector.broadcast %mul3A_401 : i32 to vector<16xi32>
    %mul3A_403 = arith.muli %get3A_397, %mul3A_402 : vector<16xi32>
    %mul3A_404 = arith.constant 27191 : i32
    %mul3A_405 = vector.broadcast %mul3A_404 : i32 to vector<16xi32>
    %mul3A_406 = arith.muli %get3A_400, %mul3A_405 : vector<16xi32>
    %xor3A_407 = arith.xori %mul3A_403, %mul3A_406 : vector<16xi32>
    %rem3A_408 = arith.constant 999999 : i32
    %rem3A_409 = vector.broadcast %rem3A_408 : i32 to vector<16xi32>
    %rem3A_410 = arith.remsi %xor3A_407, %rem3A_409 : vector<16xi32>
    %shift_right_logical3A_411 = arith.constant 2 : i32
    %shift_right_logical3A_412 = vector.broadcast %shift_right_logical3A_411 : i32 to vector<16xi32>
    %shift_right_logical3A_413 = arith.shrui %rem3A_410, %shift_right_logical3A_412 : vector<16xi32>
    %and3A_414 = arith.constant -8192 : i32
    %and3A_415 = vector.broadcast %and3A_414 : i32 to vector<16xi32>
    %and3A_416 = arith.andi %shift_right_logical3A_413, %and3A_415 : vector<16xi32>
    %and3A_417 = arith.constant 8191 : i32
    %and3A_418 = vector.broadcast %and3A_417 : i32 to vector<16xi32>
    %and3A_419 = arith.andi %rem3A_410, %and3A_418 : vector<16xi32>
    %or3A_420 = arith.ori %and3A_416, %and3A_419 : vector<16xi32>
    %swap3A_421 = arith.constant 1 : i32
    %swap3A_422 = arith.index_cast %swap3A_421 : i32 to index
    %swap3A_423 = arith.constant 16 : index
    %swap3A_424 = tpu.vector_load %arg7[%swap3A_422, %swap3A_423] {strides = array<i32>} : memref<4x128xi32, #tpu.memory_space<vmem>>, vector<1x16xi32>,
    %swap3A_425 = vector.shape_cast %swap3A_424 : vector<1x16xi32> to vector<16xi32>
    %swap3A_426 = vector.shape_cast %or3A_420 : vector<16xi32> to vector<1x16xi32>
    tpu.vector_store %arg7[%swap3A_422, %swap3A_423], %swap3A_426 {strides = array<i32>} : memref<4x128xi32, #tpu.memory_space<vmem>>, vector<1x16xi32>,
    %shift_right_logical3A_427 = arith.constant 13 : i32
    %shift_right_logical3A_428 = vector.broadcast %shift_right_logical3A_427 : i32 to vector<16xi32>
    %shift_right_logical3A_429 = arith.shrui %rem3A_410, %shift_right_logical3A_428 : vector<16xi32>
    %and3A_430 = arith.constant 3 : i32
    %and3A_431 = vector.broadcast %and3A_430 : i32 to vector<16xi32>
    %and3A_432 = arith.andi %shift_right_logical3A_429, %and3A_431 : vector<16xi32>
    %swap3A_433 = arith.constant 144 : index
    %swap3A_434 = tpu.vector_load %arg8[%swap3A_433] {strides = array<i32>} : memref<512xi32, #tpu.memory_space<vmem>>, vector<16xi32>,
    %swap3A_435 = vector.shape_cast %swap3A_434 : vector<16xi32> to vector<16xi32>
    %swap3A_436 = vector.shape_cast %and3A_432 : vector<16xi32> to vector<16xi32>
    tpu.vector_store %arg8[%swap3A_433], %swap3A_436 {strides = array<i32>} : memref<512xi32, #tpu.memory_space<vmem>>, vector<16xi32>,
    %get3A_437 = arith.constant 176 : index
    %get3A_438 = tpu.vector_load %arg6[%get3A_437] {strides = array<i32>} : memref<528xi32, #tpu.memory_space<vmem>>, vector<16xi32>,
    %get3A_439 = vector.shape_cast %get3A_438 : vector<16xi32> to vector<16xi32>
    %get3A_440 = arith.constant 175 : index
    %get3A_441 = tpu.vector_load %arg6[%get3A_440] {strides = array<i32>} : memref<528xi32, #tpu.memory_space<vmem>>, vector<16xi32>,
    %get3A_442 = vector.shape_cast %get3A_441 : vector<16xi32> to vector<16xi32>
    %mul3A_443 = arith.constant 36313 : i32
    %mul3A_444 = vector.broadcast %mul3A_443 : i32 to vector<16xi32>
    %mul3A_445 = arith.muli %get3A_439, %mul3A_444 : vector<16xi32>
    %mul3A_446 = arith.constant 27191 : i32
    %mul3A_447 = vector.broadcast %mul3A_446 : i32 to vector<16xi32>
    %mul3A_448 = arith.muli %get3A_442, %mul3A_447 : vector<16xi32>
    %xor3A_449 = arith.xori %mul3A_445, %mul3A_448 : vector<16xi32>
    %rem3A_450 = arith.constant 999999 : i32
    %rem3A_451 = vector.broadcast %rem3A_450 : i32 to vector<16xi32>
    %rem3A_452 = arith.remsi %xor3A_449, %rem3A_451 : vector<16xi32>
    %shift_right_logical3A_453 = arith.constant 2 : i32
    %shift_right_logical3A_454 = vector.broadcast %shift_right_logical3A_453 : i32 to vector<16xi32>
    %shift_right_logical3A_455 = arith.shrui %rem3A_452, %shift_right_logical3A_454 : vector<16xi32>
    %and3A_456 = arith.constant -8192 : i32
    %and3A_457 = vector.broadcast %and3A_456 : i32 to vector<16xi32>
    %and3A_458 = arith.andi %shift_right_logical3A_455, %and3A_457 : vector<16xi32>
    %and3A_459 = arith.constant 8191 : i32
    %and3A_460 = vector.broadcast %and3A_459 : i32 to vector<16xi32>
    %and3A_461 = arith.andi %rem3A_452, %and3A_460 : vector<16xi32>
    %or3A_462 = arith.ori %and3A_458, %and3A_461 : vector<16xi32>
    %swap3A_463 = arith.constant 1 : i32
    %swap3A_464 = arith.index_cast %swap3A_463 : i32 to index
    %swap3A_465 = arith.constant 32 : index
    %swap3A_466 = tpu.vector_load %arg7[%swap3A_464, %swap3A_465] {strides = array<i32>} : memref<4x128xi32, #tpu.memory_space<vmem>>, vector<1x16xi32>,
    %swap3A_467 = vector.shape_cast %swap3A_466 : vector<1x16xi32> to vector<16xi32>
    %swap3A_468 = vector.shape_cast %or3A_462 : vector<16xi32> to vector<1x16xi32>
    tpu.vector_store %arg7[%swap3A_464, %swap3A_465], %swap3A_468 {strides = array<i32>} : memref<4x128xi32, #tpu.memory_space<vmem>>, vector<1x16xi32>,
    %shift_right_logical3A_469 = arith.constant 13 : i32
    %shift_right_logical3A_470 = vector.broadcast %shift_right_logical3A_469 : i32 to vector<16xi32>
    %shift_right_logical3A_471 = arith.shrui %rem3A_452, %shift_right_logical3A_470 : vector<16xi32>
    %and3A_472 = arith.constant 3 : i32
    %and3A_473 = vector.broadcast %and3A_472 : i32 to vector<16xi32>
    %and3A_474 = arith.andi %shift_right_logical3A_471, %and3A_473 : vector<16xi32>
    %swap3A_475 = arith.constant 160 : index
    %swap3A_476 = tpu.vector_load %arg8[%swap3A_475] {strides = array<i32>} : memref<512xi32, #tpu.memory_space<vmem>>, vector<16xi32>,
    %swap3A_477 = vector.shape_cast %swap3A_476 : vector<16xi32> to vector<16xi32>
    %swap3A_478 = vector.shape_cast %and3A_474 : vector<16xi32> to vector<16xi32>
    tpu.vector_store %arg8[%swap3A_475], %swap3A_478 {strides = array<i32>} : memref<512xi32, #tpu.memory_space<vmem>>, vector<16xi32>,
    %get3A_479 = arith.constant 192 : index
    %get3A_480 = tpu.vector_load %arg6[%get3A_479] {strides = array<i32>} : memref<528xi32, #tpu.memory_space<vmem>>, vector<16xi32>,
    %get3A_481 = vector.shape_cast %get3A_480 : vector<16xi32> to vector<16xi32>
    %get3A_482 = arith.constant 191 : index
    %get3A_483 = tpu.vector_load %arg6[%get3A_482] {strides = array<i32>} : memref<528xi32, #tpu.memory_space<vmem>>, vector<16xi32>,
    %get3A_484 = vector.shape_cast %get3A_483 : vector<16xi32> to vector<16xi32>
    %mul3A_485 = arith.constant 36313 : i32
    %mul3A_486 = vector.broadcast %mul3A_485 : i32 to vector<16xi32>
    %mul3A_487 = arith.muli %get3A_481, %mul3A_486 : vector<16xi32>
    %mul3A_488 = arith.constant 27191 : i32
    %mul3A_489 = vector.broadcast %mul3A_488 : i32 to vector<16xi32>
    %mul3A_490 = arith.muli %get3A_484, %mul3A_489 : vector<16xi32>
    %xor3A_491 = arith.xori %mul3A_487, %mul3A_490 : vector<16xi32>
    %rem3A_492 = arith.constant 999999 : i32
    %rem3A_493 = vector.broadcast %rem3A_492 : i32 to vector<16xi32>
    %rem3A_494 = arith.remsi %xor3A_491, %rem3A_493 : vector<16xi32>
    %shift_right_logical3A_495 = arith.constant 2 : i32
    %shift_right_logical3A_496 = vector.broadcast %shift_right_logical3A_495 : i32 to vector<16xi32>
    %shift_right_logical3A_497 = arith.shrui %rem3A_494, %shift_right_logical3A_496 : vector<16xi32>
    %and3A_498 = arith.constant -8192 : i32
    %and3A_499 = vector.broadcast %and3A_498 : i32 to vector<16xi32>
    %and3A_500 = arith.andi %shift_right_logical3A_497, %and3A_499 : vector<16xi32>
    %and3A_501 = arith.constant 8191 : i32
    %and3A_502 = vector.broadcast %and3A_501 : i32 to vector<16xi32>
    %and3A_503 = arith.andi %rem3A_494, %and3A_502 : vector<16xi32>
    %or3A_504 = arith.ori %and3A_500, %and3A_503 : vector<16xi32>
    %swap3A_505 = arith.constant 1 : i32
    %swap3A_506 = arith.index_cast %swap3A_505 : i32 to index
    %swap3A_507 = arith.constant 48 : index
    %swap3A_508 = tpu.vector_load %arg7[%swap3A_506, %swap3A_507] {strides = array<i32>} : memref<4x128xi32, #tpu.memory_space<vmem>>, vector<1x16xi32>,
    %swap3A_509 = vector.shape_cast %swap3A_508 : vector<1x16xi32> to vector<16xi32>
    %swap3A_510 = vector.shape_cast %or3A_504 : vector<16xi32> to vector<1x16xi32>
    tpu.vector_store %arg7[%swap3A_506, %swap3A_507], %swap3A_510 {strides = array<i32>} : memref<4x128xi32, #tpu.memory_space<vmem>>, vector<1x16xi32>,
    %shift_right_logical3A_511 = arith.constant 13 : i32
    %shift_right_logical3A_512 = vector.broadcast %shift_right_logical3A_511 : i32 to vector<16xi32>
    %shift_right_logical3A_513 = arith.shrui %rem3A_494, %shift_right_logical3A_512 : vector<16xi32>
    %and3A_514 = arith.constant 3 : i32
    %and3A_515 = vector.broadcast %and3A_514 : i32 to vector<16xi32>
    %and3A_516 = arith.andi %shift_right_logical3A_513, %and3A_515 : vector<16xi32>
    %swap3A_517 = arith.constant 176 : index
    %swap3A_518 = tpu.vector_load %arg8[%swap3A_517] {strides = array<i32>} : memref<512xi32, #tpu.memory_space<vmem>>, vector<16xi32>,
    %swap3A_519 = vector.shape_cast %swap3A_518 : vector<16xi32> to vector<16xi32>
    %swap3A_520 = vector.shape_cast %and3A_516 : vector<16xi32> to vector<16xi32>
    tpu.vector_store %arg8[%swap3A_517], %swap3A_520 {strides = array<i32>} : memref<512xi32, #tpu.memory_space<vmem>>, vector<16xi32>,
    %get3A_521 = arith.constant 208 : index
    %get3A_522 = tpu.vector_load %arg6[%get3A_521] {strides = array<i32>} : memref<528xi32, #tpu.memory_space<vmem>>, vector<16xi32>,
    %get3A_523 = vector.shape_cast %get3A_522 : vector<16xi32> to vector<16xi32>
    %get3A_524 = arith.constant 207 : index
    %get3A_525 = tpu.vector_load %arg6[%get3A_524] {strides = array<i32>} : memref<528xi32, #tpu.memory_space<vmem>>, vector<16xi32>,
    %get3A_526 = vector.shape_cast %get3A_525 : vector<16xi32> to vector<16xi32>
    %mul3A_527 = arith.constant 36313 : i32
    %mul3A_528 = vector.broadcast %mul3A_527 : i32 to vector<16xi32>
    %mul3A_529 = arith.muli %get3A_523, %mul3A_528 : vector<16xi32>
    %mul3A_530 = arith.constant 27191 : i32
    %mul3A_531 = vector.broadcast %mul3A_530 : i32 to vector<16xi32>
    %mul3A_532 = arith.muli %get3A_526, %mul3A_531 : vector<16xi32>
    %xor3A_533 = arith.xori %mul3A_529, %mul3A_532 : vector<16xi32>
    %rem3A_534 = arith.constant 999999 : i32
    %rem3A_535 = vector.broadcast %rem3A_534 : i32 to vector<16xi32>
    %rem3A_536 = arith.remsi %xor3A_533, %rem3A_535 : vector<16xi32>
    %shift_right_logical3A_537 = arith.constant 2 : i32
    %shift_right_logical3A_538 = vector.broadcast %shift_right_logical3A_537 : i32 to vector<16xi32>
    %shift_right_logical3A_539 = arith.shrui %rem3A_536, %shift_right_logical3A_538 : vector<16xi32>
    %and3A_540 = arith.constant -8192 : i32
    %and3A_541 = vector.broadcast %and3A_540 : i32 to vector<16xi32>
    %and3A_542 = arith.andi %shift_right_logical3A_539, %and3A_541 : vector<16xi32>
    %and3A_543 = arith.constant 8191 : i32
    %and3A_544 = vector.broadcast %and3A_543 : i32 to vector<16xi32>
    %and3A_545 = arith.andi %rem3A_536, %and3A_544 : vector<16xi32>
    %or3A_546 = arith.ori %and3A_542, %and3A_545 : vector<16xi32>
    %swap3A_547 = arith.constant 1 : i32
    %swap3A_548 = arith.index_cast %swap3A_547 : i32 to index
    %swap3A_549 = arith.constant 64 : index
    %swap3A_550 = tpu.vector_load %arg7[%swap3A_548, %swap3A_549] {strides = array<i32>} : memref<4x128xi32, #tpu.memory_space<vmem>>, vector<1x16xi32>,
    %swap3A_551 = vector.shape_cast %swap3A_550 : vector<1x16xi32> to vector<16xi32>
    %swap3A_552 = vector.shape_cast %or3A_546 : vector<16xi32> to vector<1x16xi32>
    tpu.vector_store %arg7[%swap3A_548, %swap3A_549], %swap3A_552 {strides = array<i32>} : memref<4x128xi32, #tpu.memory_space<vmem>>, vector<1x16xi32>,
    %shift_right_logical3A_553 = arith.constant 13 : i32
    %shift_right_logical3A_554 = vector.broadcast %shift_right_logical3A_553 : i32 to vector<16xi32>
    %shift_right_logical3A_555 = arith.shrui %rem3A_536, %shift_right_logical3A_554 : vector<16xi32>
    %and3A_556 = arith.constant 3 : i32
    %and3A_557 = vector.broadcast %and3A_556 : i32 to vector<16xi32>
    %and3A_558 = arith.andi %shift_right_logical3A_555, %and3A_557 : vector<16xi32>
    %swap3A_559 = arith.constant 192 : index
    %swap3A_560 = tpu.vector_load %arg8[%swap3A_559] {strides = array<i32>} : memref<512xi32, #tpu.memory_space<vmem>>, vector<16xi32>,
    %swap3A_561 = vector.shape_cast %swap3A_560 : vector<16xi32> to vector<16xi32>
    %swap3A_562 = vector.shape_cast %and3A_558 : vector<16xi32> to vector<16xi32>
    tpu.vector_store %arg8[%swap3A_559], %swap3A_562 {strides = array<i32>} : memref<512xi32, #tpu.memory_space<vmem>>, vector<16xi32>,
    %get3A_563 = arith.constant 224 : index
    %get3A_564 = tpu.vector_load %arg6[%get3A_563] {strides = array<i32>} : memref<528xi32, #tpu.memory_space<vmem>>, vector<16xi32>,
    %get3A_565 = vector.shape_cast %get3A_564 : vector<16xi32> to vector<16xi32>
    %get3A_566 = arith.constant 223 : index
    %get3A_567 = tpu.vector_load %arg6[%get3A_566] {strides = array<i32>} : memref<528xi32, #tpu.memory_space<vmem>>, vector<16xi32>,
    %get3A_568 = vector.shape_cast %get3A_567 : vector<16xi32> to vector<16xi32>
    %mul3A_569 = arith.constant 36313 : i32
    %mul3A_570 = vector.broadcast %mul3A_569 : i32 to vector<16xi32>
    %mul3A_571 = arith.muli %get3A_565, %mul3A_570 : vector<16xi32>
    %mul3A_572 = arith.constant 27191 : i32
    %mul3A_573 = vector.broadcast %mul3A_572 : i32 to vector<16xi32>
    %mul3A_574 = arith.muli %get3A_568, %mul3A_573 : vector<16xi32>
    %xor3A_575 = arith.xori %mul3A_571, %mul3A_574 : vector<16xi32>
    %rem3A_576 = arith.constant 999999 : i32
    %rem3A_577 = vector.broadcast %rem3A_576 : i32 to vector<16xi32>
    %rem3A_578 = arith.remsi %xor3A_575, %rem3A_577 : vector<16xi32>
    %shift_right_logical3A_579 = arith.constant 2 : i32
    %shift_right_logical3A_580 = vector.broadcast %shift_right_logical3A_579 : i32 to vector<16xi32>
    %shift_right_logical3A_581 = arith.shrui %rem3A_578, %shift_right_logical3A_580 : vector<16xi32>
    %and3A_582 = arith.constant -8192 : i32
    %and3A_583 = vector.broadcast %and3A_582 : i32 to vector<16xi32>
    %and3A_584 = arith.andi %shift_right_logical3A_581, %and3A_583 : vector<16xi32>
    %and3A_585 = arith.constant 8191 : i32
    %and3A_586 = vector.broadcast %and3A_585 : i32 to vector<16xi32>
    %and3A_587 = arith.andi %rem3A_578, %and3A_586 : vector<16xi32>
    %or3A_588 = arith.ori %and3A_584, %and3A_587 : vector<16xi32>
    %swap3A_589 = arith.constant 1 : i32
    %swap3A_590 = arith.index_cast %swap3A_589 : i32 to index
    %swap3A_591 = arith.constant 80 : index
    %swap3A_592 = tpu.vector_load %arg7[%swap3A_590, %swap3A_591] {strides = array<i32>} : memref<4x128xi32, #tpu.memory_space<vmem>>, vector<1x16xi32>,
    %swap3A_593 = vector.shape_cast %swap3A_592 : vector<1x16xi32> to vector<16xi32>
    %swap3A_594 = vector.shape_cast %or3A_588 : vector<16xi32> to vector<1x16xi32>
    tpu.vector_store %arg7[%swap3A_590, %swap3A_591], %swap3A_594 {strides = array<i32>} : memref<4x128xi32, #tpu.memory_space<vmem>>, vector<1x16xi32>,
    %shift_right_logical3A_595 = arith.constant 13 : i32
    %shift_right_logical3A_596 = vector.broadcast %shift_right_logical3A_595 : i32 to vector<16xi32>
    %shift_right_logical3A_597 = arith.shrui %rem3A_578, %shift_right_logical3A_596 : vector<16xi32>
    %and3A_598 = arith.constant 3 : i32
    %and3A_599 = vector.broadcast %and3A_598 : i32 to vector<16xi32>
    %and3A_600 = arith.andi %shift_right_logical3A_597, %and3A_599 : vector<16xi32>
    %swap3A_601 = arith.constant 208 : index
    %swap3A_602 = tpu.vector_load %arg8[%swap3A_601] {strides = array<i32>} : memref<512xi32, #tpu.memory_space<vmem>>, vector<16xi32>,
    %swap3A_603 = vector.shape_cast %swap3A_602 : vector<16xi32> to vector<16xi32>
    %swap3A_604 = vector.shape_cast %and3A_600 : vector<16xi32> to vector<16xi32>
    tpu.vector_store %arg8[%swap3A_601], %swap3A_604 {strides = array<i32>} : memref<512xi32, #tpu.memory_space<vmem>>, vector<16xi32>,
    %get3A_605 = arith.constant 240 : index
    %get3A_606 = tpu.vector_load %arg6[%get3A_605] {strides = array<i32>} : memref<528xi32, #tpu.memory_space<vmem>>, vector<16xi32>,
    %get3A_607 = vector.shape_cast %get3A_606 : vector<16xi32> to vector<16xi32>
    %get3A_608 = arith.constant 239 : index
    %get3A_609 = tpu.vector_load %arg6[%get3A_608] {strides = array<i32>} : memref<528xi32, #tpu.memory_space<vmem>>, vector<16xi32>,
    %get3A_610 = vector.shape_cast %get3A_609 : vector<16xi32> to vector<16xi32>
    %mul3A_611 = arith.constant 36313 : i32
    %mul3A_612 = vector.broadcast %mul3A_611 : i32 to vector<16xi32>
    %mul3A_613 = arith.muli %get3A_607, %mul3A_612 : vector<16xi32>
    %mul3A_614 = arith.constant 27191 : i32
    %mul3A_615 = vector.broadcast %mul3A_614 : i32 to vector<16xi32>
    %mul3A_616 = arith.muli %get3A_610, %mul3A_615 : vector<16xi32>
    %xor3A_617 = arith.xori %mul3A_613, %mul3A_616 : vector<16xi32>
    %rem3A_618 = arith.constant 999999 : i32
    %rem3A_619 = vector.broadcast %rem3A_618 : i32 to vector<16xi32>
    %rem3A_620 = arith.remsi %xor3A_617, %rem3A_619 : vector<16xi32>
    %shift_right_logical3A_621 = arith.constant 2 : i32
    %shift_right_logical3A_622 = vector.broadcast %shift_right_logical3A_621 : i32 to vector<16xi32>
    %shift_right_logical3A_623 = arith.shrui %rem3A_620, %shift_right_logical3A_622 : vector<16xi32>
    %and3A_624 = arith.constant -8192 : i32
    %and3A_625 = vector.broadcast %and3A_624 : i32 to vector<16xi32>
    %and3A_626 = arith.andi %shift_right_logical3A_623, %and3A_625 : vector<16xi32>
    %and3A_627 = arith.constant 8191 : i32
    %and3A_628 = vector.broadcast %and3A_627 : i32 to vector<16xi32>
    %and3A_629 = arith.andi %rem3A_620, %and3A_628 : vector<16xi32>
    %or3A_630 = arith.ori %and3A_626, %and3A_629 : vector<16xi32>
    %swap3A_631 = arith.constant 1 : i32
    %swap3A_632 = arith.index_cast %swap3A_631 : i32 to index
    %swap3A_633 = arith.constant 96 : index
    %swap3A_634 = tpu.vector_load %arg7[%swap3A_632, %swap3A_633] {strides = array<i32>} : memref<4x128xi32, #tpu.memory_space<vmem>>, vector<1x16xi32>,
    %swap3A_635 = vector.shape_cast %swap3A_634 : vector<1x16xi32> to vector<16xi32>
    %swap3A_636 = vector.shape_cast %or3A_630 : vector<16xi32> to vector<1x16xi32>
    tpu.vector_store %arg7[%swap3A_632, %swap3A_633], %swap3A_636 {strides = array<i32>} : memref<4x128xi32, #tpu.memory_space<vmem>>, vector<1x16xi32>,
    %shift_right_logical3A_637 = arith.constant 13 : i32
    %shift_right_logical3A_638 = vector.broadcast %shift_right_logical3A_637 : i32 to vector<16xi32>
    %shift_right_logical3A_639 = arith.shrui %rem3A_620, %shift_right_logical3A_638 : vector<16xi32>
    %and3A_640 = arith.constant 3 : i32
    %and3A_641 = vector.broadcast %and3A_640 : i32 to vector<16xi32>
    %and3A_642 = arith.andi %shift_right_logical3A_639, %and3A_641 : vector<16xi32>
    %swap3A_643 = arith.constant 224 : index
    %swap3A_644 = tpu.vector_load %arg8[%swap3A_643] {strides = array<i32>} : memref<512xi32, #tpu.memory_space<vmem>>, vector<16xi32>,
    %swap3A_645 = vector.shape_cast %swap3A_644 : vector<16xi32> to vector<16xi32>
    %swap3A_646 = vector.shape_cast %and3A_642 : vector<16xi32> to vector<16xi32>
    tpu.vector_store %arg8[%swap3A_643], %swap3A_646 {strides = array<i32>} : memref<512xi32, #tpu.memory_space<vmem>>, vector<16xi32>,
    %get3A_647 = arith.constant 256 : index
    %get3A_648 = tpu.vector_load %arg6[%get3A_647] {strides = array<i32>} : memref<528xi32, #tpu.memory_space<vmem>>, vector<16xi32>,
    %get3A_649 = vector.shape_cast %get3A_648 : vector<16xi32> to vector<16xi32>
    %get3A_650 = arith.constant 255 : index
    %get3A_651 = tpu.vector_load %arg6[%get3A_650] {strides = array<i32>} : memref<528xi32, #tpu.memory_space<vmem>>, vector<16xi32>,
    %get3A_652 = vector.shape_cast %get3A_651 : vector<16xi32> to vector<16xi32>
    %mul3A_653 = arith.constant 36313 : i32
    %mul3A_654 = vector.broadcast %mul3A_653 : i32 to vector<16xi32>
    %mul3A_655 = arith.muli %get3A_649, %mul3A_654 : vector<16xi32>
    %mul3A_656 = arith.constant 27191 : i32
    %mul3A_657 = vector.broadcast %mul3A_656 : i32 to vector<16xi32>
    %mul3A_658 = arith.muli %get3A_652, %mul3A_657 : vector<16xi32>
    %xor3A_659 = arith.xori %mul3A_655, %mul3A_658 : vector<16xi32>
    %rem3A_660 = arith.constant 999999 : i32
    %rem3A_661 = vector.broadcast %rem3A_660 : i32 to vector<16xi32>
    %rem3A_662 = arith.remsi %xor3A_659, %rem3A_661 : vector<16xi32>
    %shift_right_logical3A_663 = arith.constant 2 : i32
    %shift_right_logical3A_664 = vector.broadcast %shift_right_logical3A_663 : i32 to vector<16xi32>
    %shift_right_logical3A_665 = arith.shrui %rem3A_662, %shift_right_logical3A_664 : vector<16xi32>
    %and3A_666 = arith.constant -8192 : i32
    %and3A_667 = vector.broadcast %and3A_666 : i32 to vector<16xi32>
    %and3A_668 = arith.andi %shift_right_logical3A_665, %and3A_667 : vector<16xi32>
    %and3A_669 = arith.constant 8191 : i32
    %and3A_670 = vector.broadcast %and3A_669 : i32 to vector<16xi32>
    %and3A_671 = arith.andi %rem3A_662, %and3A_670 : vector<16xi32>
    %or3A_672 = arith.ori %and3A_668, %and3A_671 : vector<16xi32>
    %swap3A_673 = arith.constant 1 : i32
    %swap3A_674 = arith.index_cast %swap3A_673 : i32 to index
    %swap3A_675 = arith.constant 112 : index
    %swap3A_676 = tpu.vector_load %arg7[%swap3A_674, %swap3A_675] {strides = array<i32>} : memref<4x128xi32, #tpu.memory_space<vmem>>, vector<1x16xi32>,
    %swap3A_677 = vector.shape_cast %swap3A_676 : vector<1x16xi32> to vector<16xi32>
    %swap3A_678 = vector.shape_cast %or3A_672 : vector<16xi32> to vector<1x16xi32>
    tpu.vector_store %arg7[%swap3A_674, %swap3A_675], %swap3A_678 {strides = array<i32>} : memref<4x128xi32, #tpu.memory_space<vmem>>, vector<1x16xi32>,
    %shift_right_logical3A_679 = arith.constant 13 : i32
    %shift_right_logical3A_680 = vector.broadcast %shift_right_logical3A_679 : i32 to vector<16xi32>
    %shift_right_logical3A_681 = arith.shrui %rem3A_662, %shift_right_logical3A_680 : vector<16xi32>
    %and3A_682 = arith.constant 3 : i32
    %and3A_683 = vector.broadcast %and3A_682 : i32 to vector<16xi32>
    %and3A_684 = arith.andi %shift_right_logical3A_681, %and3A_683 : vector<16xi32>
    %swap3A_685 = arith.constant 240 : index
    %swap3A_686 = tpu.vector_load %arg8[%swap3A_685] {strides = array<i32>} : memref<512xi32, #tpu.memory_space<vmem>>, vector<16xi32>,
    %swap3A_687 = vector.shape_cast %swap3A_686 : vector<16xi32> to vector<16xi32>
    %swap3A_688 = vector.shape_cast %and3A_684 : vector<16xi32> to vector<16xi32>
    tpu.vector_store %arg8[%swap3A_685], %swap3A_688 {strides = array<i32>} : memref<512xi32, #tpu.memory_space<vmem>>, vector<16xi32>,
    %get3A_689 = arith.constant 272 : index
    %get3A_690 = tpu.vector_load %arg6[%get3A_689] {strides = array<i32>} : memref<528xi32, #tpu.memory_space<vmem>>, vector<16xi32>,
    %get3A_691 = vector.shape_cast %get3A_690 : vector<16xi32> to vector<16xi32>
    %get3A_692 = arith.constant 271 : index
    %get3A_693 = tpu.vector_load %arg6[%get3A_692] {strides = array<i32>} : memref<528xi32, #tpu.memory_space<vmem>>, vector<16xi32>,
    %get3A_694 = vector.shape_cast %get3A_693 : vector<16xi32> to vector<16xi32>
    %mul3A_695 = arith.constant 36313 : i32
    %mul3A_696 = vector.broadcast %mul3A_695 : i32 to vector<16xi32>
    %mul3A_697 = arith.muli %get3A_691, %mul3A_696 : vector<16xi32>
    %mul3A_698 = arith.constant 27191 : i32
    %mul3A_699 = vector.broadcast %mul3A_698 : i32 to vector<16xi32>
    %mul3A_700 = arith.muli %get3A_694, %mul3A_699 : vector<16xi32>
    %xor3A_701 = arith.xori %mul3A_697, %mul3A_700 : vector<16xi32>
    %rem3A_702 = arith.constant 999999 : i32
    %rem3A_703 = vector.broadcast %rem3A_702 : i32 to vector<16xi32>
    %rem3A_704 = arith.remsi %xor3A_701, %rem3A_703 : vector<16xi32>
    %shift_right_logical3A_705 = arith.constant 2 : i32
    %shift_right_logical3A_706 = vector.broadcast %shift_right_logical3A_705 : i32 to vector<16xi32>
    %shift_right_logical3A_707 = arith.shrui %rem3A_704, %shift_right_logical3A_706 : vector<16xi32>
    %and3A_708 = arith.constant -8192 : i32
    %and3A_709 = vector.broadcast %and3A_708 : i32 to vector<16xi32>
    %and3A_710 = arith.andi %shift_right_logical3A_707, %and3A_709 : vector<16xi32>
    %and3A_711 = arith.constant 8191 : i32
    %and3A_712 = vector.broadcast %and3A_711 : i32 to vector<16xi32>
    %and3A_713 = arith.andi %rem3A_704, %and3A_712 : vector<16xi32>
    %or3A_714 = arith.ori %and3A_710, %and3A_713 : vector<16xi32>
    %swap3A_715 = arith.constant 2 : i32
    %swap3A_716 = arith.index_cast %swap3A_715 : i32 to index
    %swap3A_717 = arith.constant 0 : index
    %swap3A_718 = tpu.vector_load %arg7[%swap3A_716, %swap3A_717] {strides = array<i32>} : memref<4x128xi32, #tpu.memory_space<vmem>>, vector<1x16xi32>,
    %swap3A_719 = vector.shape_cast %swap3A_718 : vector<1x16xi32> to vector<16xi32>
    %swap3A_720 = vector.shape_cast %or3A_714 : vector<16xi32> to vector<1x16xi32>
    tpu.vector_store %arg7[%swap3A_716, %swap3A_717], %swap3A_720 {strides = array<i32>} : memref<4x128xi32, #tpu.memory_space<vmem>>, vector<1x16xi32>,
    %shift_right_logical3A_721 = arith.constant 13 : i32
    %shift_right_logical3A_722 = vector.broadcast %shift_right_logical3A_721 : i32 to vector<16xi32>
    %shift_right_logical3A_723 = arith.shrui %rem3A_704, %shift_right_logical3A_722 : vector<16xi32>
    %and3A_724 = arith.constant 3 : i32
    %and3A_725 = vector.broadcast %and3A_724 : i32 to vector<16xi32>
    %and3A_726 = arith.andi %shift_right_logical3A_723, %and3A_725 : vector<16xi32>
    %swap3A_727 = arith.constant 256 : index
    %swap3A_728 = tpu.vector_load %arg8[%swap3A_727] {strides = array<i32>} : memref<512xi32, #tpu.memory_space<vmem>>, vector<16xi32>,
    %swap3A_729 = vector.shape_cast %swap3A_728 : vector<16xi32> to vector<16xi32>
    %swap3A_730 = vector.shape_cast %and3A_726 : vector<16xi32> to vector<16xi32>
    tpu.vector_store %arg8[%swap3A_727], %swap3A_730 {strides = array<i32>} : memref<512xi32, #tpu.memory_space<vmem>>, vector<16xi32>,
    %get3A_731 = arith.constant 288 : index
    %get3A_732 = tpu.vector_load %arg6[%get3A_731] {strides = array<i32>} : memref<528xi32, #tpu.memory_space<vmem>>, vector<16xi32>,
    %get3A_733 = vector.shape_cast %get3A_732 : vector<16xi32> to vector<16xi32>
    %get3A_734 = arith.constant 287 : index
    %get3A_735 = tpu.vector_load %arg6[%get3A_734] {strides = array<i32>} : memref<528xi32, #tpu.memory_space<vmem>>, vector<16xi32>,
    %get3A_736 = vector.shape_cast %get3A_735 : vector<16xi32> to vector<16xi32>
    %mul3A_737 = arith.constant 36313 : i32
    %mul3A_738 = vector.broadcast %mul3A_737 : i32 to vector<16xi32>
    %mul3A_739 = arith.muli %get3A_733, %mul3A_738 : vector<16xi32>
    %mul3A_740 = arith.constant 27191 : i32
    %mul3A_741 = vector.broadcast %mul3A_740 : i32 to vector<16xi32>
    %mul3A_742 = arith.muli %get3A_736, %mul3A_741 : vector<16xi32>
    %xor3A_743 = arith.xori %mul3A_739, %mul3A_742 : vector<16xi32>
    %rem3A_744 = arith.constant 999999 : i32
    %rem3A_745 = vector.broadcast %rem3A_744 : i32 to vector<16xi32>
    %rem3A_746 = arith.remsi %xor3A_743, %rem3A_745 : vector<16xi32>
    %shift_right_logical3A_747 = arith.constant 2 : i32
    %shift_right_logical3A_748 = vector.broadcast %shift_right_logical3A_747 : i32 to vector<16xi32>
    %shift_right_logical3A_749 = arith.shrui %rem3A_746, %shift_right_logical3A_748 : vector<16xi32>
    %and3A_750 = arith.constant -8192 : i32
    %and3A_751 = vector.broadcast %and3A_750 : i32 to vector<16xi32>
    %and3A_752 = arith.andi %shift_right_logical3A_749, %and3A_751 : vector<16xi32>
    %and3A_753 = arith.constant 8191 : i32
    %and3A_754 = vector.broadcast %and3A_753 : i32 to vector<16xi32>
    %and3A_755 = arith.andi %rem3A_746, %and3A_754 : vector<16xi32>
    %or3A_756 = arith.ori %and3A_752, %and3A_755 : vector<16xi32>
    %swap3A_757 = arith.constant 2 : i32
    %swap3A_758 = arith.index_cast %swap3A_757 : i32 to index
    %swap3A_759 = arith.constant 16 : index
    %swap3A_760 = tpu.vector_load %arg7[%swap3A_758, %swap3A_759] {strides = array<i32>} : memref<4x128xi32, #tpu.memory_space<vmem>>, vector<1x16xi32>,
    %swap3A_761 = vector.shape_cast %swap3A_760 : vector<1x16xi32> to vector<16xi32>
    %swap3A_762 = vector.shape_cast %or3A_756 : vector<16xi32> to vector<1x16xi32>
    tpu.vector_store %arg7[%swap3A_758, %swap3A_759], %swap3A_762 {strides = array<i32>} : memref<4x128xi32, #tpu.memory_space<vmem>>, vector<1x16xi32>,
    %shift_right_logical3A_763 = arith.constant 13 : i32
    %shift_right_logical3A_764 = vector.broadcast %shift_right_logical3A_763 : i32 to vector<16xi32>
    %shift_right_logical3A_765 = arith.shrui %rem3A_746, %shift_right_logical3A_764 : vector<16xi32>
    %and3A_766 = arith.constant 3 : i32
    %and3A_767 = vector.broadcast %and3A_766 : i32 to vector<16xi32>
    %and3A_768 = arith.andi %shift_right_logical3A_765, %and3A_767 : vector<16xi32>
    %swap3A_769 = arith.constant 272 : index
    %swap3A_770 = tpu.vector_load %arg8[%swap3A_769] {strides = array<i32>} : memref<512xi32, #tpu.memory_space<vmem>>, vector<16xi32>,
    %swap3A_771 = vector.shape_cast %swap3A_770 : vector<16xi32> to vector<16xi32>
    %swap3A_772 = vector.shape_cast %and3A_768 : vector<16xi32> to vector<16xi32>
    tpu.vector_store %arg8[%swap3A_769], %swap3A_772 {strides = array<i32>} : memref<512xi32, #tpu.memory_space<vmem>>, vector<16xi32>,
    %get3A_773 = arith.constant 304 : index
    %get3A_774 = tpu.vector_load %arg6[%get3A_773] {strides = array<i32>} : memref<528xi32, #tpu.memory_space<vmem>>, vector<16xi32>,
    %get3A_775 = vector.shape_cast %get3A_774 : vector<16xi32> to vector<16xi32>
    %get3A_776 = arith.constant 303 : index
    %get3A_777 = tpu.vector_load %arg6[%get3A_776] {strides = array<i32>} : memref<528xi32, #tpu.memory_space<vmem>>, vector<16xi32>,
    %get3A_778 = vector.shape_cast %get3A_777 : vector<16xi32> to vector<16xi32>
    %mul3A_779 = arith.constant 36313 : i32
    %mul3A_780 = vector.broadcast %mul3A_779 : i32 to vector<16xi32>
    %mul3A_781 = arith.muli %get3A_775, %mul3A_780 : vector<16xi32>
    %mul3A_782 = arith.constant 27191 : i32
    %mul3A_783 = vector.broadcast %mul3A_782 : i32 to vector<16xi32>
    %mul3A_784 = arith.muli %get3A_778, %mul3A_783 : vector<16xi32>
    %xor3A_785 = arith.xori %mul3A_781, %mul3A_784 : vector<16xi32>
    %rem3A_786 = arith.constant 999999 : i32
    %rem3A_787 = vector.broadcast %rem3A_786 : i32 to vector<16xi32>
    %rem3A_788 = arith.remsi %xor3A_785, %rem3A_787 : vector<16xi32>
    %shift_right_logical3A_789 = arith.constant 2 : i32
    %shift_right_logical3A_790 = vector.broadcast %shift_right_logical3A_789 : i32 to vector<16xi32>
    %shift_right_logical3A_791 = arith.shrui %rem3A_788, %shift_right_logical3A_790 : vector<16xi32>
    %and3A_792 = arith.constant -8192 : i32
    %and3A_793 = vector.broadcast %and3A_792 : i32 to vector<16xi32>
    %and3A_794 = arith.andi %shift_right_logical3A_791, %and3A_793 : vector<16xi32>
    %and3A_795 = arith.constant 8191 : i32
    %and3A_796 = vector.broadcast %and3A_795 : i32 to vector<16xi32>
    %and3A_797 = arith.andi %rem3A_788, %and3A_796 : vector<16xi32>
    %or3A_798 = arith.ori %and3A_794, %and3A_797 : vector<16xi32>
    %swap3A_799 = arith.constant 2 : i32
    %swap3A_800 = arith.index_cast %swap3A_799 : i32 to index
    %swap3A_801 = arith.constant 32 : index
    %swap3A_802 = tpu.vector_load %arg7[%swap3A_800, %swap3A_801] {strides = array<i32>} : memref<4x128xi32, #tpu.memory_space<vmem>>, vector<1x16xi32>,
    %swap3A_803 = vector.shape_cast %swap3A_802 : vector<1x16xi32> to vector<16xi32>
    %swap3A_804 = vector.shape_cast %or3A_798 : vector<16xi32> to vector<1x16xi32>
    tpu.vector_store %arg7[%swap3A_800, %swap3A_801], %swap3A_804 {strides = array<i32>} : memref<4x128xi32, #tpu.memory_space<vmem>>, vector<1x16xi32>,
    %shift_right_logical3A_805 = arith.constant 13 : i32
    %shift_right_logical3A_806 = vector.broadcast %shift_right_logical3A_805 : i32 to vector<16xi32>
    %shift_right_logical3A_807 = arith.shrui %rem3A_788, %shift_right_logical3A_806 : vector<16xi32>
    %and3A_808 = arith.constant 3 : i32
    %and3A_809 = vector.broadcast %and3A_808 : i32 to vector<16xi32>
    %and3A_810 = arith.andi %shift_right_logical3A_807, %and3A_809 : vector<16xi32>
    %swap3A_811 = arith.constant 288 : index
    %swap3A_812 = tpu.vector_load %arg8[%swap3A_811] {strides = array<i32>} : memref<512xi32, #tpu.memory_space<vmem>>, vector<16xi32>,
    %swap3A_813 = vector.shape_cast %swap3A_812 : vector<16xi32> to vector<16xi32>
    %swap3A_814 = vector.shape_cast %and3A_810 : vector<16xi32> to vector<16xi32>
    tpu.vector_store %arg8[%swap3A_811], %swap3A_814 {strides = array<i32>} : memref<512xi32, #tpu.memory_space<vmem>>, vector<16xi32>,
    %get3A_815 = arith.constant 320 : index
    %get3A_816 = tpu.vector_load %arg6[%get3A_815] {strides = array<i32>} : memref<528xi32, #tpu.memory_space<vmem>>, vector<16xi32>,
    %get3A_817 = vector.shape_cast %get3A_816 : vector<16xi32> to vector<16xi32>
    %get3A_818 = arith.constant 319 : index
    %get3A_819 = tpu.vector_load %arg6[%get3A_818] {strides = array<i32>} : memref<528xi32, #tpu.memory_space<vmem>>, vector<16xi32>,
    %get3A_820 = vector.shape_cast %get3A_819 : vector<16xi32> to vector<16xi32>
    %mul3A_821 = arith.constant 36313 : i32
    %mul3A_822 = vector.broadcast %mul3A_821 : i32 to vector<16xi32>
    %mul3A_823 = arith.muli %get3A_817, %mul3A_822 : vector<16xi32>
    %mul3A_824 = arith.constant 27191 : i32
    %mul3A_825 = vector.broadcast %mul3A_824 : i32 to vector<16xi32>
    %mul3A_826 = arith.muli %get3A_820, %mul3A_825 : vector<16xi32>
    %xor3A_827 = arith.xori %mul3A_823, %mul3A_826 : vector<16xi32>
    %rem3A_828 = arith.constant 999999 : i32
    %rem3A_829 = vector.broadcast %rem3A_828 : i32 to vector<16xi32>
    %rem3A_830 = arith.remsi %xor3A_827, %rem3A_829 : vector<16xi32>
    %shift_right_logical3A_831 = arith.constant 2 : i32
    %shift_right_logical3A_832 = vector.broadcast %shift_right_logical3A_831 : i32 to vector<16xi32>
    %shift_right_logical3A_833 = arith.shrui %rem3A_830, %shift_right_logical3A_832 : vector<16xi32>
    %and3A_834 = arith.constant -8192 : i32
    %and3A_835 = vector.broadcast %and3A_834 : i32 to vector<16xi32>
    %and3A_836 = arith.andi %shift_right_logical3A_833, %and3A_835 : vector<16xi32>
    %and3A_837 = arith.constant 8191 : i32
    %and3A_838 = vector.broadcast %and3A_837 : i32 to vector<16xi32>
    %and3A_839 = arith.andi %rem3A_830, %and3A_838 : vector<16xi32>
    %or3A_840 = arith.ori %and3A_836, %and3A_839 : vector<16xi32>
    %swap3A_841 = arith.constant 2 : i32
    %swap3A_842 = arith.index_cast %swap3A_841 : i32 to index
    %swap3A_843 = arith.constant 48 : index
    %swap3A_844 = tpu.vector_load %arg7[%swap3A_842, %swap3A_843] {strides = array<i32>} : memref<4x128xi32, #tpu.memory_space<vmem>>, vector<1x16xi32>,
    %swap3A_845 = vector.shape_cast %swap3A_844 : vector<1x16xi32> to vector<16xi32>
    %swap3A_846 = vector.shape_cast %or3A_840 : vector<16xi32> to vector<1x16xi32>
    tpu.vector_store %arg7[%swap3A_842, %swap3A_843], %swap3A_846 {strides = array<i32>} : memref<4x128xi32, #tpu.memory_space<vmem>>, vector<1x16xi32>,
    %shift_right_logical3A_847 = arith.constant 13 : i32
    %shift_right_logical3A_848 = vector.broadcast %shift_right_logical3A_847 : i32 to vector<16xi32>
    %shift_right_logical3A_849 = arith.shrui %rem3A_830, %shift_right_logical3A_848 : vector<16xi32>
    %and3A_850 = arith.constant 3 : i32
    %and3A_851 = vector.broadcast %and3A_850 : i32 to vector<16xi32>
    %and3A_852 = arith.andi %shift_right_logical3A_849, %and3A_851 : vector<16xi32>
    %swap3A_853 = arith.constant 304 : index
    %swap3A_854 = tpu.vector_load %arg8[%swap3A_853] {strides = array<i32>} : memref<512xi32, #tpu.memory_space<vmem>>, vector<16xi32>,
    %swap3A_855 = vector.shape_cast %swap3A_854 : vector<16xi32> to vector<16xi32>
    %swap3A_856 = vector.shape_cast %and3A_852 : vector<16xi32> to vector<16xi32>
    tpu.vector_store %arg8[%swap3A_853], %swap3A_856 {strides = array<i32>} : memref<512xi32, #tpu.memory_space<vmem>>, vector<16xi32>,
    %get3A_857 = arith.constant 336 : index
    %get3A_858 = tpu.vector_load %arg6[%get3A_857] {strides = array<i32>} : memref<528xi32, #tpu.memory_space<vmem>>, vector<16xi32>,
    %get3A_859 = vector.shape_cast %get3A_858 : vector<16xi32> to vector<16xi32>
    %get3A_860 = arith.constant 335 : index
    %get3A_861 = tpu.vector_load %arg6[%get3A_860] {strides = array<i32>} : memref<528xi32, #tpu.memory_space<vmem>>, vector<16xi32>,
    %get3A_862 = vector.shape_cast %get3A_861 : vector<16xi32> to vector<16xi32>
    %mul3A_863 = arith.constant 36313 : i32
    %mul3A_864 = vector.broadcast %mul3A_863 : i32 to vector<16xi32>
    %mul3A_865 = arith.muli %get3A_859, %mul3A_864 : vector<16xi32>
    %mul3A_866 = arith.constant 27191 : i32
    %mul3A_867 = vector.broadcast %mul3A_866 : i32 to vector<16xi32>
    %mul3A_868 = arith.muli %get3A_862, %mul3A_867 : vector<16xi32>
    %xor3A_869 = arith.xori %mul3A_865, %mul3A_868 : vector<16xi32>
    %rem3A_870 = arith.constant 999999 : i32
    %rem3A_871 = vector.broadcast %rem3A_870 : i32 to vector<16xi32>
    %rem3A_872 = arith.remsi %xor3A_869, %rem3A_871 : vector<16xi32>
    %shift_right_logical3A_873 = arith.constant 2 : i32
    %shift_right_logical3A_874 = vector.broadcast %shift_right_logical3A_873 : i32 to vector<16xi32>
    %shift_right_logical3A_875 = arith.shrui %rem3A_872, %shift_right_logical3A_874 : vector<16xi32>
    %and3A_876 = arith.constant -8192 : i32
    %and3A_877 = vector.broadcast %and3A_876 : i32 to vector<16xi32>
    %and3A_878 = arith.andi %shift_right_logical3A_875, %and3A_877 : vector<16xi32>
    %and3A_879 = arith.constant 8191 : i32
    %and3A_880 = vector.broadcast %and3A_879 : i32 to vector<16xi32>
    %and3A_881 = arith.andi %rem3A_872, %and3A_880 : vector<16xi32>
    %or3A_882 = arith.ori %and3A_878, %and3A_881 : vector<16xi32>
    %swap3A_883 = arith.constant 2 : i32
    %swap3A_884 = arith.index_cast %swap3A_883 : i32 to index
    %swap3A_885 = arith.constant 64 : index
    %swap3A_886 = tpu.vector_load %arg7[%swap3A_884, %swap3A_885] {strides = array<i32>} : memref<4x128xi32, #tpu.memory_space<vmem>>, vector<1x16xi32>,
    %swap3A_887 = vector.shape_cast %swap3A_886 : vector<1x16xi32> to vector<16xi32>
    %swap3A_888 = vector.shape_cast %or3A_882 : vector<16xi32> to vector<1x16xi32>
    tpu.vector_store %arg7[%swap3A_884, %swap3A_885], %swap3A_888 {strides = array<i32>} : memref<4x128xi32, #tpu.memory_space<vmem>>, vector<1x16xi32>,
    %shift_right_logical3A_889 = arith.constant 13 : i32
    %shift_right_logical3A_890 = vector.broadcast %shift_right_logical3A_889 : i32 to vector<16xi32>
    %shift_right_logical3A_891 = arith.shrui %rem3A_872, %shift_right_logical3A_890 : vector<16xi32>
    %and3A_892 = arith.constant 3 : i32
    %and3A_893 = vector.broadcast %and3A_892 : i32 to vector<16xi32>
    %and3A_894 = arith.andi %shift_right_logical3A_891, %and3A_893 : vector<16xi32>
    %swap3A_895 = arith.constant 320 : index
    %swap3A_896 = tpu.vector_load %arg8[%swap3A_895] {strides = array<i32>} : memref<512xi32, #tpu.memory_space<vmem>>, vector<16xi32>,
    %swap3A_897 = vector.shape_cast %swap3A_896 : vector<16xi32> to vector<16xi32>
    %swap3A_898 = vector.shape_cast %and3A_894 : vector<16xi32> to vector<16xi32>
    tpu.vector_store %arg8[%swap3A_895], %swap3A_898 {strides = array<i32>} : memref<512xi32, #tpu.memory_space<vmem>>, vector<16xi32>,
    %get3A_899 = arith.constant 352 : index
    %get3A_900 = tpu.vector_load %arg6[%get3A_899] {strides = array<i32>} : memref<528xi32, #tpu.memory_space<vmem>>, vector<16xi32>,
    %get3A_901 = vector.shape_cast %get3A_900 : vector<16xi32> to vector<16xi32>
    %get3A_902 = arith.constant 351 : index
    %get3A_903 = tpu.vector_load %arg6[%get3A_902] {strides = array<i32>} : memref<528xi32, #tpu.memory_space<vmem>>, vector<16xi32>,
    %get3A_904 = vector.shape_cast %get3A_903 : vector<16xi32> to vector<16xi32>
    %mul3A_905 = arith.constant 36313 : i32
    %mul3A_906 = vector.broadcast %mul3A_905 : i32 to vector<16xi32>
    %mul3A_907 = arith.muli %get3A_901, %mul3A_906 : vector<16xi32>
    %mul3A_908 = arith.constant 27191 : i32
    %mul3A_909 = vector.broadcast %mul3A_908 : i32 to vector<16xi32>
    %mul3A_910 = arith.muli %get3A_904, %mul3A_909 : vector<16xi32>
    %xor3A_911 = arith.xori %mul3A_907, %mul3A_910 : vector<16xi32>
    %rem3A_912 = arith.constant 999999 : i32
    %rem3A_913 = vector.broadcast %rem3A_912 : i32 to vector<16xi32>
    %rem3A_914 = arith.remsi %xor3A_911, %rem3A_913 : vector<16xi32>
    %shift_right_logical3A_915 = arith.constant 2 : i32
    %shift_right_logical3A_916 = vector.broadcast %shift_right_logical3A_915 : i32 to vector<16xi32>
    %shift_right_logical3A_917 = arith.shrui %rem3A_914, %shift_right_logical3A_916 : vector<16xi32>
    %and3A_918 = arith.constant -8192 : i32
    %and3A_919 = vector.broadcast %and3A_918 : i32 to vector<16xi32>
    %and3A_920 = arith.andi %shift_right_logical3A_917, %and3A_919 : vector<16xi32>
    %and3A_921 = arith.constant 8191 : i32
    %and3A_922 = vector.broadcast %and3A_921 : i32 to vector<16xi32>
    %and3A_923 = arith.andi %rem3A_914, %and3A_922 : vector<16xi32>
    %or3A_924 = arith.ori %and3A_920, %and3A_923 : vector<16xi32>
    %swap3A_925 = arith.constant 2 : i32
    %swap3A_926 = arith.index_cast %swap3A_925 : i32 to index
    %swap3A_927 = arith.constant 80 : index
    %swap3A_928 = tpu.vector_load %arg7[%swap3A_926, %swap3A_927] {strides = array<i32>} : memref<4x128xi32, #tpu.memory_space<vmem>>, vector<1x16xi32>,
    %swap3A_929 = vector.shape_cast %swap3A_928 : vector<1x16xi32> to vector<16xi32>
    %swap3A_930 = vector.shape_cast %or3A_924 : vector<16xi32> to vector<1x16xi32>
    tpu.vector_store %arg7[%swap3A_926, %swap3A_927], %swap3A_930 {strides = array<i32>} : memref<4x128xi32, #tpu.memory_space<vmem>>, vector<1x16xi32>,
    %shift_right_logical3A_931 = arith.constant 13 : i32
    %shift_right_logical3A_932 = vector.broadcast %shift_right_logical3A_931 : i32 to vector<16xi32>
    %shift_right_logical3A_933 = arith.shrui %rem3A_914, %shift_right_logical3A_932 : vector<16xi32>
    %and3A_934 = arith.constant 3 : i32
    %and3A_935 = vector.broadcast %and3A_934 : i32 to vector<16xi32>
    %and3A_936 = arith.andi %shift_right_logical3A_933, %and3A_935 : vector<16xi32>
    %swap3A_937 = arith.constant 336 : index
    %swap3A_938 = tpu.vector_load %arg8[%swap3A_937] {strides = array<i32>} : memref<512xi32, #tpu.memory_space<vmem>>, vector<16xi32>,
    %swap3A_939 = vector.shape_cast %swap3A_938 : vector<16xi32> to vector<16xi32>
    %swap3A_940 = vector.shape_cast %and3A_936 : vector<16xi32> to vector<16xi32>
    tpu.vector_store %arg8[%swap3A_937], %swap3A_940 {strides = array<i32>} : memref<512xi32, #tpu.memory_space<vmem>>, vector<16xi32>,
    %get3A_941 = arith.constant 368 : index
    %get3A_942 = tpu.vector_load %arg6[%get3A_941] {strides = array<i32>} : memref<528xi32, #tpu.memory_space<vmem>>, vector<16xi32>,
    %get3A_943 = vector.shape_cast %get3A_942 : vector<16xi32> to vector<16xi32>
    %get3A_944 = arith.constant 367 : index
    %get3A_945 = tpu.vector_load %arg6[%get3A_944] {strides = array<i32>} : memref<528xi32, #tpu.memory_space<vmem>>, vector<16xi32>,
    %get3A_946 = vector.shape_cast %get3A_945 : vector<16xi32> to vector<16xi32>
    %mul3A_947 = arith.constant 36313 : i32
    %mul3A_948 = vector.broadcast %mul3A_947 : i32 to vector<16xi32>
    %mul3A_949 = arith.muli %get3A_943, %mul3A_948 : vector<16xi32>
    %mul3A_950 = arith.constant 27191 : i32
    %mul3A_951 = vector.broadcast %mul3A_950 : i32 to vector<16xi32>
    %mul3A_952 = arith.muli %get3A_946, %mul3A_951 : vector<16xi32>
    %xor3A_953 = arith.xori %mul3A_949, %mul3A_952 : vector<16xi32>
    %rem3A_954 = arith.constant 999999 : i32
    %rem3A_955 = vector.broadcast %rem3A_954 : i32 to vector<16xi32>
    %rem3A_956 = arith.remsi %xor3A_953, %rem3A_955 : vector<16xi32>
    %shift_right_logical3A_957 = arith.constant 2 : i32
    %shift_right_logical3A_958 = vector.broadcast %shift_right_logical3A_957 : i32 to vector<16xi32>
    %shift_right_logical3A_959 = arith.shrui %rem3A_956, %shift_right_logical3A_958 : vector<16xi32>
    %and3A_960 = arith.constant -8192 : i32
    %and3A_961 = vector.broadcast %and3A_960 : i32 to vector<16xi32>
    %and3A_962 = arith.andi %shift_right_logical3A_959, %and3A_961 : vector<16xi32>
    %and3A_963 = arith.constant 8191 : i32
    %and3A_964 = vector.broadcast %and3A_963 : i32 to vector<16xi32>
    %and3A_965 = arith.andi %rem3A_956, %and3A_964 : vector<16xi32>
    %or3A_966 = arith.ori %and3A_962, %and3A_965 : vector<16xi32>
    %swap3A_967 = arith.constant 2 : i32
    %swap3A_968 = arith.index_cast %swap3A_967 : i32 to index
    %swap3A_969 = arith.constant 96 : index
    %swap3A_970 = tpu.vector_load %arg7[%swap3A_968, %swap3A_969] {strides = array<i32>} : memref<4x128xi32, #tpu.memory_space<vmem>>, vector<1x16xi32>,
    %swap3A_971 = vector.shape_cast %swap3A_970 : vector<1x16xi32> to vector<16xi32>
    %swap3A_972 = vector.shape_cast %or3A_966 : vector<16xi32> to vector<1x16xi32>
    tpu.vector_store %arg7[%swap3A_968, %swap3A_969], %swap3A_972 {strides = array<i32>} : memref<4x128xi32, #tpu.memory_space<vmem>>, vector<1x16xi32>,
    %shift_right_logical3A_973 = arith.constant 13 : i32
    %shift_right_logical3A_974 = vector.broadcast %shift_right_logical3A_973 : i32 to vector<16xi32>
    %shift_right_logical3A_975 = arith.shrui %rem3A_956, %shift_right_logical3A_974 : vector<16xi32>
    %and3A_976 = arith.constant 3 : i32
    %and3A_977 = vector.broadcast %and3A_976 : i32 to vector<16xi32>
    %and3A_978 = arith.andi %shift_right_logical3A_975, %and3A_977 : vector<16xi32>
    %swap3A_979 = arith.constant 352 : index
    %swap3A_980 = tpu.vector_load %arg8[%swap3A_979] {strides = array<i32>} : memref<512xi32, #tpu.memory_space<vmem>>, vector<16xi32>,
    %swap3A_981 = vector.shape_cast %swap3A_980 : vector<16xi32> to vector<16xi32>
    %swap3A_982 = vector.shape_cast %and3A_978 : vector<16xi32> to vector<16xi32>
    tpu.vector_store %arg8[%swap3A_979], %swap3A_982 {strides = array<i32>} : memref<512xi32, #tpu.memory_space<vmem>>, vector<16xi32>,
    %get3A_983 = arith.constant 384 : index
    %get3A_984 = tpu.vector_load %arg6[%get3A_983] {strides = array<i32>} : memref<528xi32, #tpu.memory_space<vmem>>, vector<16xi32>,
    %get3A_985 = vector.shape_cast %get3A_984 : vector<16xi32> to vector<16xi32>
    %get3A_986 = arith.constant 383 : index
    %get3A_987 = tpu.vector_load %arg6[%get3A_986] {strides = array<i32>} : memref<528xi32, #tpu.memory_space<vmem>>, vector<16xi32>,
    %get3A_988 = vector.shape_cast %get3A_987 : vector<16xi32> to vector<16xi32>
    %mul3A_989 = arith.constant 36313 : i32
    %mul3A_990 = vector.broadcast %mul3A_989 : i32 to vector<16xi32>
    %mul3A_991 = arith.muli %get3A_985, %mul3A_990 : vector<16xi32>
    %mul3A_992 = arith.constant 27191 : i32
    %mul3A_993 = vector.broadcast %mul3A_992 : i32 to vector<16xi32>
    %mul3A_994 = arith.muli %get3A_988, %mul3A_993 : vector<16xi32>
    %xor3A_995 = arith.xori %mul3A_991, %mul3A_994 : vector<16xi32>
    %rem3A_996 = arith.constant 999999 : i32
    %rem3A_997 = vector.broadcast %rem3A_996 : i32 to vector<16xi32>
    %rem3A_998 = arith.remsi %xor3A_995, %rem3A_997 : vector<16xi32>
    %shift_right_logical3A_999 = arith.constant 2 : i32
    %shift_right_logical3A_1000 = vector.broadcast %shift_right_logical3A_999 : i32 to vector<16xi32>
    %shift_right_logical3A_1001 = arith.shrui %rem3A_998, %shift_right_logical3A_1000 : vector<16xi32>
    %and3A_1002 = arith.constant -8192 : i32
    %and3A_1003 = vector.broadcast %and3A_1002 : i32 to vector<16xi32>
    %and3A_1004 = arith.andi %shift_right_logical3A_1001, %and3A_1003 : vector<16xi32>
    %and3A_1005 = arith.constant 8191 : i32
    %and3A_1006 = vector.broadcast %and3A_1005 : i32 to vector<16xi32>
    %and3A_1007 = arith.andi %rem3A_998, %and3A_1006 : vector<16xi32>
    %or3A_1008 = arith.ori %and3A_1004, %and3A_1007 : vector<16xi32>
    %swap3A_1009 = arith.constant 2 : i32
    %swap3A_1010 = arith.index_cast %swap3A_1009 : i32 to index
    %swap3A_1011 = arith.constant 112 : index
    %swap3A_1012 = tpu.vector_load %arg7[%swap3A_1010, %swap3A_1011] {strides = array<i32>} : memref<4x128xi32, #tpu.memory_space<vmem>>, vector<1x16xi32>,
    %swap3A_1013 = vector.shape_cast %swap3A_1012 : vector<1x16xi32> to vector<16xi32>
    %swap3A_1014 = vector.shape_cast %or3A_1008 : vector<16xi32> to vector<1x16xi32>
    tpu.vector_store %arg7[%swap3A_1010, %swap3A_1011], %swap3A_1014 {strides = array<i32>} : memref<4x128xi32, #tpu.memory_space<vmem>>, vector<1x16xi32>,
    %shift_right_logical3A_1015 = arith.constant 13 : i32
    %shift_right_logical3A_1016 = vector.broadcast %shift_right_logical3A_1015 : i32 to vector<16xi32>
    %shift_right_logical3A_1017 = arith.shrui %rem3A_998, %shift_right_logical3A_1016 : vector<16xi32>
    %and3A_1018 = arith.constant 3 : i32
    %and3A_1019 = vector.broadcast %and3A_1018 : i32 to vector<16xi32>
    %and3A_1020 = arith.andi %shift_right_logical3A_1017, %and3A_1019 : vector<16xi32>
    %swap3A_1021 = arith.constant 368 : index
    %swap3A_1022 = tpu.vector_load %arg8[%swap3A_1021] {strides = array<i32>} : memref<512xi32, #tpu.memory_space<vmem>>, vector<16xi32>,
    %swap3A_1023 = vector.shape_cast %swap3A_1022 : vector<16xi32> to vector<16xi32>
    %swap3A_1024 = vector.shape_cast %and3A_1020 : vector<16xi32> to vector<16xi32>
    tpu.vector_store %arg8[%swap3A_1021], %swap3A_1024 {strides = array<i32>} : memref<512xi32, #tpu.memory_space<vmem>>, vector<16xi32>,
    %get3A_1025 = arith.constant 400 : index
    %get3A_1026 = tpu.vector_load %arg6[%get3A_1025] {strides = array<i32>} : memref<528xi32, #tpu.memory_space<vmem>>, vector<16xi32>,
    %get3A_1027 = vector.shape_cast %get3A_1026 : vector<16xi32> to vector<16xi32>
    %get3A_1028 = arith.constant 399 : index
    %get3A_1029 = tpu.vector_load %arg6[%get3A_1028] {strides = array<i32>} : memref<528xi32, #tpu.memory_space<vmem>>, vector<16xi32>,
    %get3A_1030 = vector.shape_cast %get3A_1029 : vector<16xi32> to vector<16xi32>
    %mul3A_1031 = arith.constant 36313 : i32
    %mul3A_1032 = vector.broadcast %mul3A_1031 : i32 to vector<16xi32>
    %mul3A_1033 = arith.muli %get3A_1027, %mul3A_1032 : vector<16xi32>
    %mul3A_1034 = arith.constant 27191 : i32
    %mul3A_1035 = vector.broadcast %mul3A_1034 : i32 to vector<16xi32>
    %mul3A_1036 = arith.muli %get3A_1030, %mul3A_1035 : vector<16xi32>
    %xor3A_1037 = arith.xori %mul3A_1033, %mul3A_1036 : vector<16xi32>
    %rem3A_1038 = arith.constant 999999 : i32
    %rem3A_1039 = vector.broadcast %rem3A_1038 : i32 to vector<16xi32>
    %rem3A_1040 = arith.remsi %xor3A_1037, %rem3A_1039 : vector<16xi32>
    %shift_right_logical3A_1041 = arith.constant 2 : i32
    %shift_right_logical3A_1042 = vector.broadcast %shift_right_logical3A_1041 : i32 to vector<16xi32>
    %shift_right_logical3A_1043 = arith.shrui %rem3A_1040, %shift_right_logical3A_1042 : vector<16xi32>
    %and3A_1044 = arith.constant -8192 : i32
    %and3A_1045 = vector.broadcast %and3A_1044 : i32 to vector<16xi32>
    %and3A_1046 = arith.andi %shift_right_logical3A_1043, %and3A_1045 : vector<16xi32>
    %and3A_1047 = arith.constant 8191 : i32
    %and3A_1048 = vector.broadcast %and3A_1047 : i32 to vector<16xi32>
    %and3A_1049 = arith.andi %rem3A_1040, %and3A_1048 : vector<16xi32>
    %or3A_1050 = arith.ori %and3A_1046, %and3A_1049 : vector<16xi32>
    %swap3A_1051 = arith.constant 3 : i32
    %swap3A_1052 = arith.index_cast %swap3A_1051 : i32 to index
    %swap3A_1053 = arith.constant 0 : index
    %swap3A_1054 = tpu.vector_load %arg7[%swap3A_1052, %swap3A_1053] {strides = array<i32>} : memref<4x128xi32, #tpu.memory_space<vmem>>, vector<1x16xi32>,
    %swap3A_1055 = vector.shape_cast %swap3A_1054 : vector<1x16xi32> to vector<16xi32>
    %swap3A_1056 = vector.shape_cast %or3A_1050 : vector<16xi32> to vector<1x16xi32>
    tpu.vector_store %arg7[%swap3A_1052, %swap3A_1053], %swap3A_1056 {strides = array<i32>} : memref<4x128xi32, #tpu.memory_space<vmem>>, vector<1x16xi32>,
    %shift_right_logical3A_1057 = arith.constant 13 : i32
    %shift_right_logical3A_1058 = vector.broadcast %shift_right_logical3A_1057 : i32 to vector<16xi32>
    %shift_right_logical3A_1059 = arith.shrui %rem3A_1040, %shift_right_logical3A_1058 : vector<16xi32>
    %and3A_1060 = arith.constant 3 : i32
    %and3A_1061 = vector.broadcast %and3A_1060 : i32 to vector<16xi32>
    %and3A_1062 = arith.andi %shift_right_logical3A_1059, %and3A_1061 : vector<16xi32>
    %swap3A_1063 = arith.constant 384 : index
    %swap3A_1064 = tpu.vector_load %arg8[%swap3A_1063] {strides = array<i32>} : memref<512xi32, #tpu.memory_space<vmem>>, vector<16xi32>,
    %swap3A_1065 = vector.shape_cast %swap3A_1064 : vector<16xi32> to vector<16xi32>
    %swap3A_1066 = vector.shape_cast %and3A_1062 : vector<16xi32> to vector<16xi32>
    tpu.vector_store %arg8[%swap3A_1063], %swap3A_1066 {strides = array<i32>} : memref<512xi32, #tpu.memory_space<vmem>>, vector<16xi32>,
    %get3A_1067 = arith.constant 416 : index
    %get3A_1068 = tpu.vector_load %arg6[%get3A_1067] {strides = array<i32>} : memref<528xi32, #tpu.memory_space<vmem>>, vector<16xi32>,
    %get3A_1069 = vector.shape_cast %get3A_1068 : vector<16xi32> to vector<16xi32>
    %get3A_1070 = arith.constant 415 : index
    %get3A_1071 = tpu.vector_load %arg6[%get3A_1070] {strides = array<i32>} : memref<528xi32, #tpu.memory_space<vmem>>, vector<16xi32>,
    %get3A_1072 = vector.shape_cast %get3A_1071 : vector<16xi32> to vector<16xi32>
    %mul3A_1073 = arith.constant 36313 : i32
    %mul3A_1074 = vector.broadcast %mul3A_1073 : i32 to vector<16xi32>
    %mul3A_1075 = arith.muli %get3A_1069, %mul3A_1074 : vector<16xi32>
    %mul3A_1076 = arith.constant 27191 : i32
    %mul3A_1077 = vector.broadcast %mul3A_1076 : i32 to vector<16xi32>
    %mul3A_1078 = arith.muli %get3A_1072, %mul3A_1077 : vector<16xi32>
    %xor3A_1079 = arith.xori %mul3A_1075, %mul3A_1078 : vector<16xi32>
    %rem3A_1080 = arith.constant 999999 : i32
    %rem3A_1081 = vector.broadcast %rem3A_1080 : i32 to vector<16xi32>
    %rem3A_1082 = arith.remsi %xor3A_1079, %rem3A_1081 : vector<16xi32>
    %shift_right_logical3A_1083 = arith.constant 2 : i32
    %shift_right_logical3A_1084 = vector.broadcast %shift_right_logical3A_1083 : i32 to vector<16xi32>
    %shift_right_logical3A_1085 = arith.shrui %rem3A_1082, %shift_right_logical3A_1084 : vector<16xi32>
    %and3A_1086 = arith.constant -8192 : i32
    %and3A_1087 = vector.broadcast %and3A_1086 : i32 to vector<16xi32>
    %and3A_1088 = arith.andi %shift_right_logical3A_1085, %and3A_1087 : vector<16xi32>
    %and3A_1089 = arith.constant 8191 : i32
    %and3A_1090 = vector.broadcast %and3A_1089 : i32 to vector<16xi32>
    %and3A_1091 = arith.andi %rem3A_1082, %and3A_1090 : vector<16xi32>
    %or3A_1092 = arith.ori %and3A_1088, %and3A_1091 : vector<16xi32>
    %swap3A_1093 = arith.constant 3 : i32
    %swap3A_1094 = arith.index_cast %swap3A_1093 : i32 to index
    %swap3A_1095 = arith.constant 16 : index
    %swap3A_1096 = tpu.vector_load %arg7[%swap3A_1094, %swap3A_1095] {strides = array<i32>} : memref<4x128xi32, #tpu.memory_space<vmem>>, vector<1x16xi32>,
    %swap3A_1097 = vector.shape_cast %swap3A_1096 : vector<1x16xi32> to vector<16xi32>
    %swap3A_1098 = vector.shape_cast %or3A_1092 : vector<16xi32> to vector<1x16xi32>
    tpu.vector_store %arg7[%swap3A_1094, %swap3A_1095], %swap3A_1098 {strides = array<i32>} : memref<4x128xi32, #tpu.memory_space<vmem>>, vector<1x16xi32>,
    %shift_right_logical3A_1099 = arith.constant 13 : i32
    %shift_right_logical3A_1100 = vector.broadcast %shift_right_logical3A_1099 : i32 to vector<16xi32>
    %shift_right_logical3A_1101 = arith.shrui %rem3A_1082, %shift_right_logical3A_1100 : vector<16xi32>
    %and3A_1102 = arith.constant 3 : i32
    %and3A_1103 = vector.broadcast %and3A_1102 : i32 to vector<16xi32>
    %and3A_1104 = arith.andi %shift_right_logical3A_1101, %and3A_1103 : vector<16xi32>
    %swap3A_1105 = arith.constant 400 : index
    %swap3A_1106 = tpu.vector_load %arg8[%swap3A_1105] {strides = array<i32>} : memref<512xi32, #tpu.memory_space<vmem>>, vector<16xi32>,
    %swap3A_1107 = vector.shape_cast %swap3A_1106 : vector<16xi32> to vector<16xi32>
    %swap3A_1108 = vector.shape_cast %and3A_1104 : vector<16xi32> to vector<16xi32>
    tpu.vector_store %arg8[%swap3A_1105], %swap3A_1108 {strides = array<i32>} : memref<512xi32, #tpu.memory_space<vmem>>, vector<16xi32>,
    %get3A_1109 = arith.constant 432 : index
    %get3A_1110 = tpu.vector_load %arg6[%get3A_1109] {strides = array<i32>} : memref<528xi32, #tpu.memory_space<vmem>>, vector<16xi32>,
    %get3A_1111 = vector.shape_cast %get3A_1110 : vector<16xi32> to vector<16xi32>
    %get3A_1112 = arith.constant 431 : index
    %get3A_1113 = tpu.vector_load %arg6[%get3A_1112] {strides = array<i32>} : memref<528xi32, #tpu.memory_space<vmem>>, vector<16xi32>,
    %get3A_1114 = vector.shape_cast %get3A_1113 : vector<16xi32> to vector<16xi32>
    %mul3A_1115 = arith.constant 36313 : i32
    %mul3A_1116 = vector.broadcast %mul3A_1115 : i32 to vector<16xi32>
    %mul3A_1117 = arith.muli %get3A_1111, %mul3A_1116 : vector<16xi32>
    %mul3A_1118 = arith.constant 27191 : i32
    %mul3A_1119 = vector.broadcast %mul3A_1118 : i32 to vector<16xi32>
    %mul3A_1120 = arith.muli %get3A_1114, %mul3A_1119 : vector<16xi32>
    %xor3A_1121 = arith.xori %mul3A_1117, %mul3A_1120 : vector<16xi32>
    %rem3A_1122 = arith.constant 999999 : i32
    %rem3A_1123 = vector.broadcast %rem3A_1122 : i32 to vector<16xi32>
    %rem3A_1124 = arith.remsi %xor3A_1121, %rem3A_1123 : vector<16xi32>
    %shift_right_logical3A_1125 = arith.constant 2 : i32
    %shift_right_logical3A_1126 = vector.broadcast %shift_right_logical3A_1125 : i32 to vector<16xi32>
    %shift_right_logical3A_1127 = arith.shrui %rem3A_1124, %shift_right_logical3A_1126 : vector<16xi32>
    %and3A_1128 = arith.constant -8192 : i32
    %and3A_1129 = vector.broadcast %and3A_1128 : i32 to vector<16xi32>
    %and3A_1130 = arith.andi %shift_right_logical3A_1127, %and3A_1129 : vector<16xi32>
    %and3A_1131 = arith.constant 8191 : i32
    %and3A_1132 = vector.broadcast %and3A_1131 : i32 to vector<16xi32>
    %and3A_1133 = arith.andi %rem3A_1124, %and3A_1132 : vector<16xi32>
    %or3A_1134 = arith.ori %and3A_1130, %and3A_1133 : vector<16xi32>
    %swap3A_1135 = arith.constant 3 : i32
    %swap3A_1136 = arith.index_cast %swap3A_1135 : i32 to index
    %swap3A_1137 = arith.constant 32 : index
    %swap3A_1138 = tpu.vector_load %arg7[%swap3A_1136, %swap3A_1137] {strides = array<i32>} : memref<4x128xi32, #tpu.memory_space<vmem>>, vector<1x16xi32>,
    %swap3A_1139 = vector.shape_cast %swap3A_1138 : vector<1x16xi32> to vector<16xi32>
    %swap3A_1140 = vector.shape_cast %or3A_1134 : vector<16xi32> to vector<1x16xi32>
    tpu.vector_store %arg7[%swap3A_1136, %swap3A_1137], %swap3A_1140 {strides = array<i32>} : memref<4x128xi32, #tpu.memory_space<vmem>>, vector<1x16xi32>,
    %shift_right_logical3A_1141 = arith.constant 13 : i32
    %shift_right_logical3A_1142 = vector.broadcast %shift_right_logical3A_1141 : i32 to vector<16xi32>
    %shift_right_logical3A_1143 = arith.shrui %rem3A_1124, %shift_right_logical3A_1142 : vector<16xi32>
    %and3A_1144 = arith.constant 3 : i32
    %and3A_1145 = vector.broadcast %and3A_1144 : i32 to vector<16xi32>
    %and3A_1146 = arith.andi %shift_right_logical3A_1143, %and3A_1145 : vector<16xi32>
    %swap3A_1147 = arith.constant 416 : index
    %swap3A_1148 = tpu.vector_load %arg8[%swap3A_1147] {strides = array<i32>} : memref<512xi32, #tpu.memory_space<vmem>>, vector<16xi32>,
    %swap3A_1149 = vector.shape_cast %swap3A_1148 : vector<16xi32> to vector<16xi32>
    %swap3A_1150 = vector.shape_cast %and3A_1146 : vector<16xi32> to vector<16xi32>
    tpu.vector_store %arg8[%swap3A_1147], %swap3A_1150 {strides = array<i32>} : memref<512xi32, #tpu.memory_space<vmem>>, vector<16xi32>,
    %get3A_1151 = arith.constant 448 : index
    %get3A_1152 = tpu.vector_load %arg6[%get3A_1151] {strides = array<i32>} : memref<528xi32, #tpu.memory_space<vmem>>, vector<16xi32>,
    %get3A_1153 = vector.shape_cast %get3A_1152 : vector<16xi32> to vector<16xi32>
    %get3A_1154 = arith.constant 447 : index
    %get3A_1155 = tpu.vector_load %arg6[%get3A_1154] {strides = array<i32>} : memref<528xi32, #tpu.memory_space<vmem>>, vector<16xi32>,
    %get3A_1156 = vector.shape_cast %get3A_1155 : vector<16xi32> to vector<16xi32>
    %mul3A_1157 = arith.constant 36313 : i32
    %mul3A_1158 = vector.broadcast %mul3A_1157 : i32 to vector<16xi32>
    %mul3A_1159 = arith.muli %get3A_1153, %mul3A_1158 : vector<16xi32>
    %mul3A_1160 = arith.constant 27191 : i32
    %mul3A_1161 = vector.broadcast %mul3A_1160 : i32 to vector<16xi32>
    %mul3A_1162 = arith.muli %get3A_1156, %mul3A_1161 : vector<16xi32>
    %xor3A_1163 = arith.xori %mul3A_1159, %mul3A_1162 : vector<16xi32>
    %rem3A_1164 = arith.constant 999999 : i32
    %rem3A_1165 = vector.broadcast %rem3A_1164 : i32 to vector<16xi32>
    %rem3A_1166 = arith.remsi %xor3A_1163, %rem3A_1165 : vector<16xi32>
    %shift_right_logical3A_1167 = arith.constant 2 : i32
    %shift_right_logical3A_1168 = vector.broadcast %shift_right_logical3A_1167 : i32 to vector<16xi32>
    %shift_right_logical3A_1169 = arith.shrui %rem3A_1166, %shift_right_logical3A_1168 : vector<16xi32>
    %and3A_1170 = arith.constant -8192 : i32
    %and3A_1171 = vector.broadcast %and3A_1170 : i32 to vector<16xi32>
    %and3A_1172 = arith.andi %shift_right_logical3A_1169, %and3A_1171 : vector<16xi32>
    %and3A_1173 = arith.constant 8191 : i32
    %and3A_1174 = vector.broadcast %and3A_1173 : i32 to vector<16xi32>
    %and3A_1175 = arith.andi %rem3A_1166, %and3A_1174 : vector<16xi32>
    %or3A_1176 = arith.ori %and3A_1172, %and3A_1175 : vector<16xi32>
    %swap3A_1177 = arith.constant 3 : i32
    %swap3A_1178 = arith.index_cast %swap3A_1177 : i32 to index
    %swap3A_1179 = arith.constant 48 : index
    %swap3A_1180 = tpu.vector_load %arg7[%swap3A_1178, %swap3A_1179] {strides = array<i32>} : memref<4x128xi32, #tpu.memory_space<vmem>>, vector<1x16xi32>,
    %swap3A_1181 = vector.shape_cast %swap3A_1180 : vector<1x16xi32> to vector<16xi32>
    %swap3A_1182 = vector.shape_cast %or3A_1176 : vector<16xi32> to vector<1x16xi32>
    tpu.vector_store %arg7[%swap3A_1178, %swap3A_1179], %swap3A_1182 {strides = array<i32>} : memref<4x128xi32, #tpu.memory_space<vmem>>, vector<1x16xi32>,
    %shift_right_logical3A_1183 = arith.constant 13 : i32
    %shift_right_logical3A_1184 = vector.broadcast %shift_right_logical3A_1183 : i32 to vector<16xi32>
    %shift_right_logical3A_1185 = arith.shrui %rem3A_1166, %shift_right_logical3A_1184 : vector<16xi32>
    %and3A_1186 = arith.constant 3 : i32
    %and3A_1187 = vector.broadcast %and3A_1186 : i32 to vector<16xi32>
    %and3A_1188 = arith.andi %shift_right_logical3A_1185, %and3A_1187 : vector<16xi32>
    %swap3A_1189 = arith.constant 432 : index
    %swap3A_1190 = tpu.vector_load %arg8[%swap3A_1189] {strides = array<i32>} : memref<512xi32, #tpu.memory_space<vmem>>, vector<16xi32>,
    %swap3A_1191 = vector.shape_cast %swap3A_1190 : vector<16xi32> to vector<16xi32>
    %swap3A_1192 = vector.shape_cast %and3A_1188 : vector<16xi32> to vector<16xi32>
    tpu.vector_store %arg8[%swap3A_1189], %swap3A_1192 {strides = array<i32>} : memref<512xi32, #tpu.memory_space<vmem>>, vector<16xi32>,
    %get3A_1193 = arith.constant 464 : index
    %get3A_1194 = tpu.vector_load %arg6[%get3A_1193] {strides = array<i32>} : memref<528xi32, #tpu.memory_space<vmem>>, vector<16xi32>,
    %get3A_1195 = vector.shape_cast %get3A_1194 : vector<16xi32> to vector<16xi32>
    %get3A_1196 = arith.constant 463 : index
    %get3A_1197 = tpu.vector_load %arg6[%get3A_1196] {strides = array<i32>} : memref<528xi32, #tpu.memory_space<vmem>>, vector<16xi32>,
    %get3A_1198 = vector.shape_cast %get3A_1197 : vector<16xi32> to vector<16xi32>
    %mul3A_1199 = arith.constant 36313 : i32
    %mul3A_1200 = vector.broadcast %mul3A_1199 : i32 to vector<16xi32>
    %mul3A_1201 = arith.muli %get3A_1195, %mul3A_1200 : vector<16xi32>
    %mul3A_1202 = arith.constant 27191 : i32
    %mul3A_1203 = vector.broadcast %mul3A_1202 : i32 to vector<16xi32>
    %mul3A_1204 = arith.muli %get3A_1198, %mul3A_1203 : vector<16xi32>
    %xor3A_1205 = arith.xori %mul3A_1201, %mul3A_1204 : vector<16xi32>
    %rem3A_1206 = arith.constant 999999 : i32
    %rem3A_1207 = vector.broadcast %rem3A_1206 : i32 to vector<16xi32>
    %rem3A_1208 = arith.remsi %xor3A_1205, %rem3A_1207 : vector<16xi32>
    %shift_right_logical3A_1209 = arith.constant 2 : i32
    %shift_right_logical3A_1210 = vector.broadcast %shift_right_logical3A_1209 : i32 to vector<16xi32>
    %shift_right_logical3A_1211 = arith.shrui %rem3A_1208, %shift_right_logical3A_1210 : vector<16xi32>
    %and3A_1212 = arith.constant -8192 : i32
    %and3A_1213 = vector.broadcast %and3A_1212 : i32 to vector<16xi32>
    %and3A_1214 = arith.andi %shift_right_logical3A_1211, %and3A_1213 : vector<16xi32>
    %and3A_1215 = arith.constant 8191 : i32
    %and3A_1216 = vector.broadcast %and3A_1215 : i32 to vector<16xi32>
    %and3A_1217 = arith.andi %rem3A_1208, %and3A_1216 : vector<16xi32>
    %or3A_1218 = arith.ori %and3A_1214, %and3A_1217 : vector<16xi32>
    %swap3A_1219 = arith.constant 3 : i32
    %swap3A_1220 = arith.index_cast %swap3A_1219 : i32 to index
    %swap3A_1221 = arith.constant 64 : index
    %swap3A_1222 = tpu.vector_load %arg7[%swap3A_1220, %swap3A_1221] {strides = array<i32>} : memref<4x128xi32, #tpu.memory_space<vmem>>, vector<1x16xi32>,
    %swap3A_1223 = vector.shape_cast %swap3A_1222 : vector<1x16xi32> to vector<16xi32>
    %swap3A_1224 = vector.shape_cast %or3A_1218 : vector<16xi32> to vector<1x16xi32>
    tpu.vector_store %arg7[%swap3A_1220, %swap3A_1221], %swap3A_1224 {strides = array<i32>} : memref<4x128xi32, #tpu.memory_space<vmem>>, vector<1x16xi32>,
    %shift_right_logical3A_1225 = arith.constant 13 : i32
    %shift_right_logical3A_1226 = vector.broadcast %shift_right_logical3A_1225 : i32 to vector<16xi32>
    %shift_right_logical3A_1227 = arith.shrui %rem3A_1208, %shift_right_logical3A_1226 : vector<16xi32>
    %and3A_1228 = arith.constant 3 : i32
    %and3A_1229 = vector.broadcast %and3A_1228 : i32 to vector<16xi32>
    %and3A_1230 = arith.andi %shift_right_logical3A_1227, %and3A_1229 : vector<16xi32>
    %swap3A_1231 = arith.constant 448 : index
    %swap3A_1232 = tpu.vector_load %arg8[%swap3A_1231] {strides = array<i32>} : memref<512xi32, #tpu.memory_space<vmem>>, vector<16xi32>,
    %swap3A_1233 = vector.shape_cast %swap3A_1232 : vector<16xi32> to vector<16xi32>
    %swap3A_1234 = vector.shape_cast %and3A_1230 : vector<16xi32> to vector<16xi32>
    tpu.vector_store %arg8[%swap3A_1231], %swap3A_1234 {strides = array<i32>} : memref<512xi32, #tpu.memory_space<vmem>>, vector<16xi32>,
    %get3A_1235 = arith.constant 480 : index
    %get3A_1236 = tpu.vector_load %arg6[%get3A_1235] {strides = array<i32>} : memref<528xi32, #tpu.memory_space<vmem>>, vector<16xi32>,
    %get3A_1237 = vector.shape_cast %get3A_1236 : vector<16xi32> to vector<16xi32>
    %get3A_1238 = arith.constant 479 : index
    %get3A_1239 = tpu.vector_load %arg6[%get3A_1238] {strides = array<i32>} : memref<528xi32, #tpu.memory_space<vmem>>, vector<16xi32>,
    %get3A_1240 = vector.shape_cast %get3A_1239 : vector<16xi32> to vector<16xi32>
    %mul3A_1241 = arith.constant 36313 : i32
    %mul3A_1242 = vector.broadcast %mul3A_1241 : i32 to vector<16xi32>
    %mul3A_1243 = arith.muli %get3A_1237, %mul3A_1242 : vector<16xi32>
    %mul3A_1244 = arith.constant 27191 : i32
    %mul3A_1245 = vector.broadcast %mul3A_1244 : i32 to vector<16xi32>
    %mul3A_1246 = arith.muli %get3A_1240, %mul3A_1245 : vector<16xi32>
    %xor3A_1247 = arith.xori %mul3A_1243, %mul3A_1246 : vector<16xi32>
    %rem3A_1248 = arith.constant 999999 : i32
    %rem3A_1249 = vector.broadcast %rem3A_1248 : i32 to vector<16xi32>
    %rem3A_1250 = arith.remsi %xor3A_1247, %rem3A_1249 : vector<16xi32>
    %shift_right_logical3A_1251 = arith.constant 2 : i32
    %shift_right_logical3A_1252 = vector.broadcast %shift_right_logical3A_1251 : i32 to vector<16xi32>
    %shift_right_logical3A_1253 = arith.shrui %rem3A_1250, %shift_right_logical3A_1252 : vector<16xi32>
    %and3A_1254 = arith.constant -8192 : i32
    %and3A_1255 = vector.broadcast %and3A_1254 : i32 to vector<16xi32>
    %and3A_1256 = arith.andi %shift_right_logical3A_1253, %and3A_1255 : vector<16xi32>
    %and3A_1257 = arith.constant 8191 : i32
    %and3A_1258 = vector.broadcast %and3A_1257 : i32 to vector<16xi32>
    %and3A_1259 = arith.andi %rem3A_1250, %and3A_1258 : vector<16xi32>
    %or3A_1260 = arith.ori %and3A_1256, %and3A_1259 : vector<16xi32>
    %swap3A_1261 = arith.constant 3 : i32
    %swap3A_1262 = arith.index_cast %swap3A_1261 : i32 to index
    %swap3A_1263 = arith.constant 80 : index
    %swap3A_1264 = tpu.vector_load %arg7[%swap3A_1262, %swap3A_1263] {strides = array<i32>} : memref<4x128xi32, #tpu.memory_space<vmem>>, vector<1x16xi32>,
    %swap3A_1265 = vector.shape_cast %swap3A_1264 : vector<1x16xi32> to vector<16xi32>
    %swap3A_1266 = vector.shape_cast %or3A_1260 : vector<16xi32> to vector<1x16xi32>
    tpu.vector_store %arg7[%swap3A_1262, %swap3A_1263], %swap3A_1266 {strides = array<i32>} : memref<4x128xi32, #tpu.memory_space<vmem>>, vector<1x16xi32>,
    %shift_right_logical3A_1267 = arith.constant 13 : i32
    %shift_right_logical3A_1268 = vector.broadcast %shift_right_logical3A_1267 : i32 to vector<16xi32>
    %shift_right_logical3A_1269 = arith.shrui %rem3A_1250, %shift_right_logical3A_1268 : vector<16xi32>
    %and3A_1270 = arith.constant 3 : i32
    %and3A_1271 = vector.broadcast %and3A_1270 : i32 to vector<16xi32>
    %and3A_1272 = arith.andi %shift_right_logical3A_1269, %and3A_1271 : vector<16xi32>
    %swap3A_1273 = arith.constant 464 : index
    %swap3A_1274 = tpu.vector_load %arg8[%swap3A_1273] {strides = array<i32>} : memref<512xi32, #tpu.memory_space<vmem>>, vector<16xi32>,
    %swap3A_1275 = vector.shape_cast %swap3A_1274 : vector<16xi32> to vector<16xi32>
    %swap3A_1276 = vector.shape_cast %and3A_1272 : vector<16xi32> to vector<16xi32>
    tpu.vector_store %arg8[%swap3A_1273], %swap3A_1276 {strides = array<i32>} : memref<512xi32, #tpu.memory_space<vmem>>, vector<16xi32>,
    %get3A_1277 = arith.constant 496 : index
    %get3A_1278 = tpu.vector_load %arg6[%get3A_1277] {strides = array<i32>} : memref<528xi32, #tpu.memory_space<vmem>>, vector<16xi32>,
    %get3A_1279 = vector.shape_cast %get3A_1278 : vector<16xi32> to vector<16xi32>
    %get3A_1280 = arith.constant 495 : index
    %get3A_1281 = tpu.vector_load %arg6[%get3A_1280] {strides = array<i32>} : memref<528xi32, #tpu.memory_space<vmem>>, vector<16xi32>,
    %get3A_1282 = vector.shape_cast %get3A_1281 : vector<16xi32> to vector<16xi32>
    %mul3A_1283 = arith.constant 36313 : i32
    %mul3A_1284 = vector.broadcast %mul3A_1283 : i32 to vector<16xi32>
    %mul3A_1285 = arith.muli %get3A_1279, %mul3A_1284 : vector<16xi32>
    %mul3A_1286 = arith.constant 27191 : i32
    %mul3A_1287 = vector.broadcast %mul3A_1286 : i32 to vector<16xi32>
    %mul3A_1288 = arith.muli %get3A_1282, %mul3A_1287 : vector<16xi32>
    %xor3A_1289 = arith.xori %mul3A_1285, %mul3A_1288 : vector<16xi32>
    %rem3A_1290 = arith.constant 999999 : i32
    %rem3A_1291 = vector.broadcast %rem3A_1290 : i32 to vector<16xi32>
    %rem3A_1292 = arith.remsi %xor3A_1289, %rem3A_1291 : vector<16xi32>
    %shift_right_logical3A_1293 = arith.constant 2 : i32
    %shift_right_logical3A_1294 = vector.broadcast %shift_right_logical3A_1293 : i32 to vector<16xi32>
    %shift_right_logical3A_1295 = arith.shrui %rem3A_1292, %shift_right_logical3A_1294 : vector<16xi32>
    %and3A_1296 = arith.constant -8192 : i32
    %and3A_1297 = vector.broadcast %and3A_1296 : i32 to vector<16xi32>
    %and3A_1298 = arith.andi %shift_right_logical3A_1295, %and3A_1297 : vector<16xi32>
    %and3A_1299 = arith.constant 8191 : i32
    %and3A_1300 = vector.broadcast %and3A_1299 : i32 to vector<16xi32>
    %and3A_1301 = arith.andi %rem3A_1292, %and3A_1300 : vector<16xi32>
    %or3A_1302 = arith.ori %and3A_1298, %and3A_1301 : vector<16xi32>
    %swap3A_1303 = arith.constant 3 : i32
    %swap3A_1304 = arith.index_cast %swap3A_1303 : i32 to index
    %swap3A_1305 = arith.constant 96 : index
    %swap3A_1306 = tpu.vector_load %arg7[%swap3A_1304, %swap3A_1305] {strides = array<i32>} : memref<4x128xi32, #tpu.memory_space<vmem>>, vector<1x16xi32>,
    %swap3A_1307 = vector.shape_cast %swap3A_1306 : vector<1x16xi32> to vector<16xi32>
    %swap3A_1308 = vector.shape_cast %or3A_1302 : vector<16xi32> to vector<1x16xi32>
    tpu.vector_store %arg7[%swap3A_1304, %swap3A_1305], %swap3A_1308 {strides = array<i32>} : memref<4x128xi32, #tpu.memory_space<vmem>>, vector<1x16xi32>,
    %shift_right_logical3A_1309 = arith.constant 13 : i32
    %shift_right_logical3A_1310 = vector.broadcast %shift_right_logical3A_1309 : i32 to vector<16xi32>
    %shift_right_logical3A_1311 = arith.shrui %rem3A_1292, %shift_right_logical3A_1310 : vector<16xi32>
    %and3A_1312 = arith.constant 3 : i32
    %and3A_1313 = vector.broadcast %and3A_1312 : i32 to vector<16xi32>
    %and3A_1314 = arith.andi %shift_right_logical3A_1311, %and3A_1313 : vector<16xi32>
    %swap3A_1315 = arith.constant 480 : index
    %swap3A_1316 = tpu.vector_load %arg8[%swap3A_1315] {strides = array<i32>} : memref<512xi32, #tpu.memory_space<vmem>>, vector<16xi32>,
    %swap3A_1317 = vector.shape_cast %swap3A_1316 : vector<16xi32> to vector<16xi32>
    %swap3A_1318 = vector.shape_cast %and3A_1314 : vector<16xi32> to vector<16xi32>
    tpu.vector_store %arg8[%swap3A_1315], %swap3A_1318 {strides = array<i32>} : memref<512xi32, #tpu.memory_space<vmem>>, vector<16xi32>,
    %get3A_1319 = arith.constant 512 : index
    %get3A_1320 = tpu.vector_load %arg6[%get3A_1319] {strides = array<i32>} : memref<528xi32, #tpu.memory_space<vmem>>, vector<16xi32>,
    %get3A_1321 = vector.shape_cast %get3A_1320 : vector<16xi32> to vector<16xi32>
    %get3A_1322 = arith.constant 511 : index
    %get3A_1323 = tpu.vector_load %arg6[%get3A_1322] {strides = array<i32>} : memref<528xi32, #tpu.memory_space<vmem>>, vector<16xi32>,
    %get3A_1324 = vector.shape_cast %get3A_1323 : vector<16xi32> to vector<16xi32>
    %mul3A_1325 = arith.constant 36313 : i32
    %mul3A_1326 = vector.broadcast %mul3A_1325 : i32 to vector<16xi32>
    %mul3A_1327 = arith.muli %get3A_1321, %mul3A_1326 : vector<16xi32>
    %mul3A_1328 = arith.constant 27191 : i32
    %mul3A_1329 = vector.broadcast %mul3A_1328 : i32 to vector<16xi32>
    %mul3A_1330 = arith.muli %get3A_1324, %mul3A_1329 : vector<16xi32>
    %xor3A_1331 = arith.xori %mul3A_1327, %mul3A_1330 : vector<16xi32>
    %rem3A_1332 = arith.constant 999999 : i32
    %rem3A_1333 = vector.broadcast %rem3A_1332 : i32 to vector<16xi32>
    %rem3A_1334 = arith.remsi %xor3A_1331, %rem3A_1333 : vector<16xi32>
    %shift_right_logical3A_1335 = arith.constant 2 : i32
    %shift_right_logical3A_1336 = vector.broadcast %shift_right_logical3A_1335 : i32 to vector<16xi32>
    %shift_right_logical3A_1337 = arith.shrui %rem3A_1334, %shift_right_logical3A_1336 : vector<16xi32>
    %and3A_1338 = arith.constant -8192 : i32
    %and3A_1339 = vector.broadcast %and3A_1338 : i32 to vector<16xi32>
    %and3A_1340 = arith.andi %shift_right_logical3A_1337, %and3A_1339 : vector<16xi32>
    %and3A_1341 = arith.constant 8191 : i32
    %and3A_1342 = vector.broadcast %and3A_1341 : i32 to vector<16xi32>
    %and3A_1343 = arith.andi %rem3A_1334, %and3A_1342 : vector<16xi32>
    %or3A_1344 = arith.ori %and3A_1340, %and3A_1343 : vector<16xi32>
    %swap3A_1345 = arith.constant 3 : i32
    %swap3A_1346 = arith.index_cast %swap3A_1345 : i32 to index
    %swap3A_1347 = arith.constant 112 : index
    %swap3A_1348 = tpu.vector_load %arg7[%swap3A_1346, %swap3A_1347] {strides = array<i32>} : memref<4x128xi32, #tpu.memory_space<vmem>>, vector<1x16xi32>,
    %swap3A_1349 = vector.shape_cast %swap3A_1348 : vector<1x16xi32> to vector<16xi32>
    %swap3A_1350 = vector.shape_cast %or3A_1344 : vector<16xi32> to vector<1x16xi32>
    tpu.vector_store %arg7[%swap3A_1346, %swap3A_1347], %swap3A_1350 {strides = array<i32>} : memref<4x128xi32, #tpu.memory_space<vmem>>, vector<1x16xi32>,
    %shift_right_logical3A_1351 = arith.constant 13 : i32
    %shift_right_logical3A_1352 = vector.broadcast %shift_right_logical3A_1351 : i32 to vector<16xi32>
    %shift_right_logical3A_1353 = arith.shrui %rem3A_1334, %shift_right_logical3A_1352 : vector<16xi32>
    %and3A_1354 = arith.constant 3 : i32
    %and3A_1355 = vector.broadcast %and3A_1354 : i32 to vector<16xi32>
    %and3A_1356 = arith.andi %shift_right_logical3A_1353, %and3A_1355 : vector<16xi32>
    %swap3A_1357 = arith.constant 496 : index
    %swap3A_1358 = tpu.vector_load %arg8[%swap3A_1357] {strides = array<i32>} : memref<512xi32, #tpu.memory_space<vmem>>, vector<16xi32>,
    %swap3A_1359 = vector.shape_cast %swap3A_1358 : vector<16xi32> to vector<16xi32>
    %swap3A_1360 = vector.shape_cast %and3A_1356 : vector<16xi32> to vector<16xi32>
    tpu.vector_store %arg8[%swap3A_1357], %swap3A_1360 {strides = array<i32>} : memref<512xi32, #tpu.memory_space<vmem>>, vector<16xi32>,
    %dma_start3A = arith.constant 0 : i32
    %dma_start3A_1361 = arith.constant 0 : i32
    %dma_start3A_1362 = arith.constant 0 : i32
    %dma_start3A_1363 = tpu.memref_slice %arg9[%dma_start3A_1361, %dma_start3A_1362] : memref<512x128xf32, #tpu.memory_space<vmem>> -> memref<128x128xf32, #tpu.memory_space<vmem>>
    %dma_start3A_1364 = arith.constant 0 : i32
    %dma_start3A_1365 = tpu.memref_slice %arg7[%dma_start3A, %dma_start3A_1364] : memref<4x128xi32, #tpu.memory_space<vmem>> -> memref<1x128xi32, #tpu.memory_space<vmem>>
    %dma_start3A_1366 = tpu.memref_squeeze %dma_start3A_1365 : memref<1x128xi32, #tpu.memory_space<vmem>> -> memref<128xi32, #tpu.memory_space<vmem>>
    %dma_start3A_1367 = arith.constant 0 : i32
    %dma_start3A_1368 = arith.constant 0 : i32
    %dma_start3A_1369 = tpu.memref_slice %arg3[%dma_start3A_1367, %dma_start3A_1368] : memref<253952x128xf32, #tpu.memory_space<hbm>> -> memref<253952x128xf32, #tpu.memory_space<hbm>>
    tpu.enqueue_indirect_dma source(%dma_start3A_1369 : memref<253952x128xf32, #tpu.memory_space<hbm>>) target(%dma_start3A_1363 : memref<128x128xf32, #tpu.memory_space<vmem>>) offsets(%dma_start3A_1366 : memref<128xi32, #tpu.memory_space<vmem>>) semaphore(%arg10 : memref<!tpu.dma_semaphore, #tpu.memory_space<semaphore_mem>>)
    %dma_start3A_1370 = arith.constant 1 : i32
    %dma_start3A_1371 = arith.constant 128 : i32
    %dma_start3A_1372 = arith.constant 0 : i32
    %dma_start3A_1373 = tpu.memref_slice %arg9[%dma_start3A_1371, %dma_start3A_1372] : memref<512x128xf32, #tpu.memory_space<vmem>> -> memref<128x128xf32, #tpu.memory_space<vmem>>
    %dma_start3A_1374 = arith.constant 0 : i32
    %dma_start3A_1375 = tpu.memref_slice %arg7[%dma_start3A_1370, %dma_start3A_1374] : memref<4x128xi32, #tpu.memory_space<vmem>> -> memref<1x128xi32, #tpu.memory_space<vmem>>
    %dma_start3A_1376 = tpu.memref_squeeze %dma_start3A_1375 : memref<1x128xi32, #tpu.memory_space<vmem>> -> memref<128xi32, #tpu.memory_space<vmem>>
    %dma_start3A_1377 = arith.constant 0 : i32
    %dma_start3A_1378 = arith.constant 0 : i32
    %dma_start3A_1379 = tpu.memref_slice %arg3[%dma_start3A_1377, %dma_start3A_1378] : memref<253952x128xf32, #tpu.memory_space<hbm>> -> memref<253952x128xf32, #tpu.memory_space<hbm>>
    tpu.enqueue_indirect_dma source(%dma_start3A_1379 : memref<253952x128xf32, #tpu.memory_space<hbm>>) target(%dma_start3A_1373 : memref<128x128xf32, #tpu.memory_space<vmem>>) offsets(%dma_start3A_1376 : memref<128xi32, #tpu.memory_space<vmem>>) semaphore(%arg10 : memref<!tpu.dma_semaphore, #tpu.memory_space<semaphore_mem>>)
    %dma_start3A_1380 = arith.constant 2 : i32
    %dma_start3A_1381 = arith.constant 256 : i32
    %dma_start3A_1382 = arith.constant 0 : i32
    %dma_start3A_1383 = tpu.memref_slice %arg9[%dma_start3A_1381, %dma_start3A_1382] : memref<512x128xf32, #tpu.memory_space<vmem>> -> memref<128x128xf32, #tpu.memory_space<vmem>>
    %dma_start3A_1384 = arith.constant 0 : i32
    %dma_start3A_1385 = tpu.memref_slice %arg7[%dma_start3A_1380, %dma_start3A_1384] : memref<4x128xi32, #tpu.memory_space<vmem>> -> memref<1x128xi32, #tpu.memory_space<vmem>>
    %dma_start3A_1386 = tpu.memref_squeeze %dma_start3A_1385 : memref<1x128xi32, #tpu.memory_space<vmem>> -> memref<128xi32, #tpu.memory_space<vmem>>
    %dma_start3A_1387 = arith.constant 0 : i32
    %dma_start3A_1388 = arith.constant 0 : i32
    %dma_start3A_1389 = tpu.memref_slice %arg3[%dma_start3A_1387, %dma_start3A_1388] : memref<253952x128xf32, #tpu.memory_space<hbm>> -> memref<253952x128xf32, #tpu.memory_space<hbm>>
    tpu.enqueue_indirect_dma source(%dma_start3A_1389 : memref<253952x128xf32, #tpu.memory_space<hbm>>) target(%dma_start3A_1383 : memref<128x128xf32, #tpu.memory_space<vmem>>) offsets(%dma_start3A_1386 : memref<128xi32, #tpu.memory_space<vmem>>) semaphore(%arg10 : memref<!tpu.dma_semaphore, #tpu.memory_space<semaphore_mem>>)
    %dma_start3A_1390 = arith.constant 3 : i32
    %dma_start3A_1391 = arith.constant 384 : i32
    %dma_start3A_1392 = arith.constant 0 : i32
    %dma_start3A_1393 = tpu.memref_slice %arg9[%dma_start3A_1391, %dma_start3A_1392] : memref<512x128xf32, #tpu.memory_space<vmem>> -> memref<128x128xf32, #tpu.memory_space<vmem>>
    %dma_start3A_1394 = arith.constant 0 : i32
    %dma_start3A_1395 = tpu.memref_slice %arg7[%dma_start3A_1390, %dma_start3A_1394] : memref<4x128xi32, #tpu.memory_space<vmem>> -> memref<1x128xi32, #tpu.memory_space<vmem>>
    %dma_start3A_1396 = tpu.memref_squeeze %dma_start3A_1395 : memref<1x128xi32, #tpu.memory_space<vmem>> -> memref<128xi32, #tpu.memory_space<vmem>>
    %dma_start3A_1397 = arith.constant 0 : i32
    %dma_start3A_1398 = arith.constant 0 : i32
    %dma_start3A_1399 = tpu.memref_slice %arg3[%dma_start3A_1397, %dma_start3A_1398] : memref<253952x128xf32, #tpu.memory_space<hbm>> -> memref<253952x128xf32, #tpu.memory_space<hbm>>
    tpu.enqueue_indirect_dma source(%dma_start3A_1399 : memref<253952x128xf32, #tpu.memory_space<hbm>>) target(%dma_start3A_1393 : memref<128x128xf32, #tpu.memory_space<vmem>>) offsets(%dma_start3A_1396 : memref<128xi32, #tpu.memory_space<vmem>>) semaphore(%arg10 : memref<!tpu.dma_semaphore, #tpu.memory_space<semaphore_mem>>)
    %dma_wait3A = arith.constant 0 : i32
    %dma_wait3A_1400 = arith.constant 0 : i32
    %dma_wait3A_1401 = arith.constant 0 : i32
    %dma_wait3A_1402 = tpu.memref_slice %arg9[%dma_wait3A_1400, %dma_wait3A_1401] : memref<512x128xf32, #tpu.memory_space<vmem>> -> memref<128x128xf32, #tpu.memory_space<vmem>>
    %dma_wait3A_1403 = arith.constant 0 : i32
    %dma_wait3A_1404 = tpu.memref_slice %arg7[%dma_wait3A, %dma_wait3A_1403] : memref<4x128xi32, #tpu.memory_space<vmem>> -> memref<1x128xi32, #tpu.memory_space<vmem>>
    %dma_wait3A_1405 = tpu.memref_squeeze %dma_wait3A_1404 : memref<1x128xi32, #tpu.memory_space<vmem>> -> memref<128xi32, #tpu.memory_space<vmem>>
    %dma_wait3A_1406 = arith.constant 0 : i32
    %dma_wait3A_1407 = arith.constant 0 : i32
    %dma_wait3A_1408 = tpu.memref_slice %arg3[%dma_wait3A_1406, %dma_wait3A_1407] : memref<253952x128xf32, #tpu.memory_space<hbm>> -> memref<253952x128xf32, #tpu.memory_space<hbm>>
    tpu.wait_indirect_dma semaphore(%arg10 : memref<!tpu.dma_semaphore, #tpu.memory_space<semaphore_mem>>) src(%dma_wait3A_1408 : memref<253952x128xf32, #tpu.memory_space<hbm>>) dst(%dma_wait3A_1402 : memref<128x128xf32, #tpu.memory_space<vmem>>)
    %dma_wait3A_1409 = arith.constant 1 : i32
    %dma_wait3A_1410 = arith.constant 128 : i32
    %dma_wait3A_1411 = arith.constant 0 : i32
    %dma_wait3A_1412 = tpu.memref_slice %arg9[%dma_wait3A_1410, %dma_wait3A_1411] : memref<512x128xf32, #tpu.memory_space<vmem>> -> memref<128x128xf32, #tpu.memory_space<vmem>>
    %dma_wait3A_1413 = arith.constant 0 : i32
    %dma_wait3A_1414 = tpu.memref_slice %arg7[%dma_wait3A_1409, %dma_wait3A_1413] : memref<4x128xi32, #tpu.memory_space<vmem>> -> memref<1x128xi32, #tpu.memory_space<vmem>>
    %dma_wait3A_1415 = tpu.memref_squeeze %dma_wait3A_1414 : memref<1x128xi32, #tpu.memory_space<vmem>> -> memref<128xi32, #tpu.memory_space<vmem>>
    %dma_wait3A_1416 = arith.constant 0 : i32
    %dma_wait3A_1417 = arith.constant 0 : i32
    %dma_wait3A_1418 = tpu.memref_slice %arg3[%dma_wait3A_1416, %dma_wait3A_1417] : memref<253952x128xf32, #tpu.memory_space<hbm>> -> memref<253952x128xf32, #tpu.memory_space<hbm>>
    tpu.wait_indirect_dma semaphore(%arg10 : memref<!tpu.dma_semaphore, #tpu.memory_space<semaphore_mem>>) src(%dma_wait3A_1418 : memref<253952x128xf32, #tpu.memory_space<hbm>>) dst(%dma_wait3A_1412 : memref<128x128xf32, #tpu.memory_space<vmem>>)
    %dma_wait3A_1419 = arith.constant 2 : i32
    %dma_wait3A_1420 = arith.constant 256 : i32
    %dma_wait3A_1421 = arith.constant 0 : i32
    %dma_wait3A_1422 = tpu.memref_slice %arg9[%dma_wait3A_1420, %dma_wait3A_1421] : memref<512x128xf32, #tpu.memory_space<vmem>> -> memref<128x128xf32, #tpu.memory_space<vmem>>
    %dma_wait3A_1423 = arith.constant 0 : i32
    %dma_wait3A_1424 = tpu.memref_slice %arg7[%dma_wait3A_1419, %dma_wait3A_1423] : memref<4x128xi32, #tpu.memory_space<vmem>> -> memref<1x128xi32, #tpu.memory_space<vmem>>
    %dma_wait3A_1425 = tpu.memref_squeeze %dma_wait3A_1424 : memref<1x128xi32, #tpu.memory_space<vmem>> -> memref<128xi32, #tpu.memory_space<vmem>>
    %dma_wait3A_1426 = arith.constant 0 : i32
    %dma_wait3A_1427 = arith.constant 0 : i32
    %dma_wait3A_1428 = tpu.memref_slice %arg3[%dma_wait3A_1426, %dma_wait3A_1427] : memref<253952x128xf32, #tpu.memory_space<hbm>> -> memref<253952x128xf32, #tpu.memory_space<hbm>>
    tpu.wait_indirect_dma semaphore(%arg10 : memref<!tpu.dma_semaphore, #tpu.memory_space<semaphore_mem>>) src(%dma_wait3A_1428 : memref<253952x128xf32, #tpu.memory_space<hbm>>) dst(%dma_wait3A_1422 : memref<128x128xf32, #tpu.memory_space<vmem>>)
    %dma_wait3A_1429 = arith.constant 3 : i32
    %dma_wait3A_1430 = arith.constant 384 : i32
    %dma_wait3A_1431 = arith.constant 0 : i32
    %dma_wait3A_1432 = tpu.memref_slice %arg9[%dma_wait3A_1430, %dma_wait3A_1431] : memref<512x128xf32, #tpu.memory_space<vmem>> -> memref<128x128xf32, #tpu.memory_space<vmem>>
    %dma_wait3A_1433 = arith.constant 0 : i32
    %dma_wait3A_1434 = tpu.memref_slice %arg7[%dma_wait3A_1429, %dma_wait3A_1433] : memref<4x128xi32, #tpu.memory_space<vmem>> -> memref<1x128xi32, #tpu.memory_space<vmem>>
    %dma_wait3A_1435 = tpu.memref_squeeze %dma_wait3A_1434 : memref<1x128xi32, #tpu.memory_space<vmem>> -> memref<128xi32, #tpu.memory_space<vmem>>
    %dma_wait3A_1436 = arith.constant 0 : i32
    %dma_wait3A_1437 = arith.constant 0 : i32
    %dma_wait3A_1438 = tpu.memref_slice %arg3[%dma_wait3A_1436, %dma_wait3A_1437] : memref<253952x128xf32, #tpu.memory_space<hbm>> -> memref<253952x128xf32, #tpu.memory_space<hbm>>
    tpu.wait_indirect_dma semaphore(%arg10 : memref<!tpu.dma_semaphore, #tpu.memory_space<semaphore_mem>>) src(%dma_wait3A_1438 : memref<253952x128xf32, #tpu.memory_space<hbm>>) dst(%dma_wait3A_1432 : memref<128x128xf32, #tpu.memory_space<vmem>>)
    "tpu.region"() ({
      %run_scoped3A = tpu.sem_alloc : memref<!tpu.dma_semaphore, #tpu.memory_space<semaphore_mem>>
      %dma_start3A_1439 = arith.constant 0 : i32
      %dma_start3A_1440 = tpu.memref_slice %arg4[%multiple_of3A, %dma_start3A_1439] : memref<16384x128xf32, #tpu.memory_space<hbm>> -> memref<512x128xf32, #tpu.memory_space<hbm>>
      %dma_start3A_1441 = arith.constant 0 : i32
      %dma_start3A_1442 = tpu.memref_slice %arg4[%multiple_of3A, %dma_start3A_1441] : memref<16384x128xf32, #tpu.memory_space<hbm>> -> memref<512x128xf32, #tpu.memory_space<hbm>>
      tpu.enqueue_dma source(%arg9 : memref<512x128xf32, #tpu.memory_space<vmem>>) target(%dma_start3A_1442 : memref<512x128xf32, #tpu.memory_space<hbm>>) target_semaphore(%run_scoped3A : memref<!tpu.dma_semaphore, #tpu.memory_space<semaphore_mem>>)
      %dma_wait3A_1443 = arith.constant 0 : i32
      %dma_wait3A_1444 = tpu.memref_slice %arg4[%multiple_of3A, %dma_wait3A_1443] : memref<16384x128xf32, #tpu.memory_space<hbm>> -> memref<512x128xf32, #tpu.memory_space<hbm>>
      %dma_wait3A_1445 = arith.constant 0 : i32
      %dma_wait3A_1446 = tpu.memref_slice %arg4[%multiple_of3A, %dma_wait3A_1445] : memref<16384x128xf32, #tpu.memory_space<hbm>> -> memref<512x128xf32, #tpu.memory_space<hbm>>
      tpu.wait_dma2 semaphore(%run_scoped3A : memref<!tpu.dma_semaphore, #tpu.memory_space<semaphore_mem>>) src(%arg9 : memref<512x128xf32, #tpu.memory_space<vmem>>) dst(%dma_wait3A_1446 : memref<512x128xf32, #tpu.memory_space<hbm>>)
      tpu.yield
    }) : () -> ()
    "tpu.region"() ({
      %run_scoped3A = tpu.sem_alloc : memref<!tpu.dma_semaphore, #tpu.memory_space<semaphore_mem>>
      %dma_start3A_1439 = tpu.memref_slice %arg5[%multiple_of3A] : memref<16384xi32, #tpu.memory_space<hbm>> -> memref<512xi32, #tpu.memory_space<hbm>>
      %dma_start3A_1440 = tpu.memref_slice %arg5[%multiple_of3A] : memref<16384xi32, #tpu.memory_space<hbm>> -> memref<512xi32, #tpu.memory_space<hbm>>
      tpu.enqueue_dma source(%arg8 : memref<512xi32, #tpu.memory_space<vmem>>) target(%dma_start3A_1440 : memref<512xi32, #tpu.memory_space<hbm>>) target_semaphore(%run_scoped3A : memref<!tpu.dma_semaphore, #tpu.memory_space<semaphore_mem>>)
      %dma_wait3A_1441 = tpu.memref_slice %arg5[%multiple_of3A] : memref<16384xi32, #tpu.memory_space<hbm>> -> memref<512xi32, #tpu.memory_space<hbm>>
      %dma_wait3A_1442 = tpu.memref_slice %arg5[%multiple_of3A] : memref<16384xi32, #tpu.memory_space<hbm>> -> memref<512xi32, #tpu.memory_space<hbm>>
      tpu.wait_dma2 semaphore(%run_scoped3A : memref<!tpu.dma_semaphore, #tpu.memory_space<semaphore_mem>>) src(%arg8 : memref<512xi32, #tpu.memory_space<vmem>>) dst(%dma_wait3A_1442 : memref<512xi32, #tpu.memory_space<hbm>>)
      tpu.yield
    }) : () -> ()
    return
  }
}

module attributes {stable_mosaic.version = 14 : i64} {
  func.func @_retile_body(%arg0: i32, %arg1: memref<32x32768xf32, #tpu.memory_space<vmem>>, %arg2: memref<8192x128xf32, #tpu.memory_space<vmem>>) attributes {dimension_semantics = [#tpu.dimension_semantics<arbitrary>], iteration_bounds = array<i64: 31>, scalar_prefetch = 0 : i64, scratch_operands = 0 : i64, tpu.core_type = #tpu.core_type<tc>, window_params = [{transform_indices = @transform_0, window_bounds = array<i64: 32, 32768>}, {transform_indices = @transform_1, window_bounds = array<i64: 8192, 128>}]} {
    %iota3A = tpu.iota {dimensions = array<i32: 0>} : vector<32x32xi32>
    %iota3A_0 = tpu.iota {dimensions = array<i32: 1>} : vector<32x32xi32>
    %add3A = arith.constant 0 : i32
    %add3A_1 = vector.broadcast %add3A : i32 to vector<32x32xi32>
    %add3A_2 = arith.addi %iota3A, %add3A_1 : vector<32x32xi32>
    %eq3A = arith.cmpi eq, %add3A_2, %iota3A_0 : vector<32x32xi32>
    %convert_element_type3A = arith.extui %eq3A : vector<32x32xi1> to vector<32x32xi32>
    %convert_element_type3A_3 = arith.sitofp %convert_element_type3A : vector<32x32xi32> to vector<32x32xf32>
    %convert_element_type3A_4 = arith.truncf %convert_element_type3A_3 : vector<32x32xf32> to vector<32x32xbf16>
    %get3A = arith.constant 0 : index
    %get3A_5 = arith.constant 0 : index
    %get3A_6 = vector.load %arg1[%get3A, %get3A_5] : memref<32x32768xf32, #tpu.memory_space<vmem>>, vector<32x32768xf32>
    %convert_element_type3A_7 = arith.truncf %get3A_6 : vector<32x32768xf32> to vector<32x32768xbf16>
    %dot_general3A = arith.constant dense<0.000000e+00> : vector<32768x32xf32>
    %dot_general3A_8 = tpu.matmul %convert_element_type3A_7, %convert_element_type3A_4, %dot_general3A {dimension_numbers = #tpu.dot_dimension_numbers<[0], [0], [1], [1], [0, 1, 1, 1], [], []>, transpose_lhs_hint = false} : vector<32x32768xbf16>, vector<32x32xbf16>, vector<32768x32xf32> -> vector<32768x32xf32>
    %slice3A = vector.extract_strided_slice %dot_general3A_8 {offsets = [0, 0], sizes = [8192, 32], strides = [1, 1]} : vector<32768x32xf32> to vector<8192x32xf32>
    %slice3A_9 = vector.extract_strided_slice %dot_general3A_8 {offsets = [8192, 0], sizes = [8192, 32], strides = [1, 1]} : vector<32768x32xf32> to vector<8192x32xf32>
    %slice3A_10 = vector.extract_strided_slice %dot_general3A_8 {offsets = [16384, 0], sizes = [8192, 32], strides = [1, 1]} : vector<32768x32xf32> to vector<8192x32xf32>
    %slice3A_11 = vector.extract_strided_slice %dot_general3A_8 {offsets = [24576, 0], sizes = [8192, 32], strides = [1, 1]} : vector<32768x32xf32> to vector<8192x32xf32>
    %concatenate3A = tpu.concatenate %slice3A, %slice3A_9, %slice3A_10, %slice3A_11 in 1 : vector<8192x32xf32>, vector<8192x32xf32>, vector<8192x32xf32>, vector<8192x32xf32> -> vector<8192x128xf32>
    %swap3A = arith.constant 0 : index
    %swap3A_12 = arith.constant 0 : index
    %swap3A_13 = vector.load %arg2[%swap3A, %swap3A_12] : memref<8192x128xf32, #tpu.memory_space<vmem>>, vector<8192x128xf32>
    tpu.vector_store %arg2[%swap3A, %swap3A_12], %concatenate3A {strides = array<i32>} : memref<8192x128xf32, #tpu.memory_space<vmem>>, vector<8192x128xf32>,
    return
  }
  func.func @transform_0(%arg0: i32) -> (i32, i32) {
    %c0_i32 = arith.constant 0 : i32
    %c0_i32_0 = arith.constant 0 : i32
    return %c0_i32, %arg0 : i32, i32
  }
  func.func @transform_1(%arg0: i32) -> (i32, i32) {
    %c0_i32 = arith.constant 0 : i32
    %c0_i32_0 = arith.constant 0 : i32
    return %arg0, %c0_i32 : i32, i32
  }
}

module attributes {stable_mosaic.version = 14 : i64} {
  func.func @_proj_body(%arg0: i32, %arg1: memref<1xf32, #tpu.memory_space<smem>>, %arg2: memref<512x128xf32, #tpu.memory_space<vmem>>, %arg3: memref<1x1x512xi32, #tpu.memory_space<vmem>>, %arg4: memref<1024x128xf32, #tpu.memory_space<vmem>>, %arg5: memref<512x1024xf32, #tpu.memory_space<vmem>>) attributes {dimension_semantics = [#tpu.dimension_semantics<arbitrary>], iteration_bounds = array<i64: 32>, scalar_prefetch = 0 : i64, scratch_operands = 0 : i64, tpu.core_type = #tpu.core_type<tc>, window_params = [{transform_indices = @transform_0, window_bounds = array<i64: 1>}, {transform_indices = @transform_1, window_bounds = array<i64: 512, 128>}, {transform_indices = @transform_2, window_bounds = array<i64: 1, 1, 512>}, {pipeline_mode = #tpu.pipeline_mode<synchronous>, transform_indices = @transform_3, window_bounds = array<i64: 1024, 128>}, {transform_indices = @transform_4, window_bounds = array<i64: 512, 1024>}]} {
    %get3A = arith.constant 0 : index
    %get3A_0 = arith.constant 0 : index
    %get3A_1 = arith.constant 0 : index
    %get3A_2 = vector.load %arg3[%get3A, %get3A_0, %get3A_1] : memref<1x1x512xi32, #tpu.memory_space<vmem>>, vector<1x1x512xi32>
    %get3A_3 = vector.shape_cast %get3A_2 : vector<1x1x512xi32> to vector<512xi32>
    %iota3A = tpu.iota {dimensions = array<i32: 1>} : vector<512x128xi32>
    %jit3A = arith.constant 32 : i32
    %div3A = vector.broadcast %jit3A : i32 to vector<512x128xi32>
    %div3A_4 = arith.divsi %iota3A, %div3A : vector<512x128xi32>
    %sign3A = arith.constant 0 : i32
    %sign3A_5 = vector.broadcast %sign3A : i32 to vector<512x128xi32>
    %sign3A_6 = arith.cmpi sgt, %iota3A, %sign3A_5 : vector<512x128xi32>
    %sign3A_7 = arith.extui %sign3A_6 : vector<512x128xi1> to vector<512x128xi32>
    %sign3A_8 = arith.constant 0 : i32
    %sign3A_9 = vector.broadcast %sign3A_8 : i32 to vector<512x128xi32>
    %sign3A_10 = arith.cmpi slt, %iota3A, %sign3A_9 : vector<512x128xi32>
    %sign3A_11 = arith.extui %sign3A_10 : vector<512x128xi1> to vector<512x128xi32>
    %sign3A_12 = arith.subi %sign3A_7, %sign3A_11 : vector<512x128xi32>
    %sign3A_13 = arith.constant 0 : i32
    %sign3A_14 = arith.cmpi sgt, %jit3A, %sign3A_13 : i32
    %sign3A_15 = arith.extui %sign3A_14 : i1 to i32
    %sign3A_16 = arith.constant 0 : i32
    %sign3A_17 = arith.cmpi slt, %jit3A, %sign3A_16 : i32
    %sign3A_18 = arith.extui %sign3A_17 : i1 to i32
    %sign3A_19 = arith.subi %sign3A_15, %sign3A_18 : i32
    %ne3A = vector.broadcast %sign3A_19 : i32 to vector<512x128xi32>
    %ne3A_20 = arith.cmpi ne, %sign3A_12, %ne3A : vector<512x128xi32>
    %rem3A = vector.broadcast %jit3A : i32 to vector<512x128xi32>
    %rem3A_21 = arith.remsi %iota3A, %rem3A : vector<512x128xi32>
    %ne3A_22 = arith.constant 0 : i32
    %ne3A_23 = vector.broadcast %ne3A_22 : i32 to vector<512x128xi32>
    %ne3A_24 = arith.cmpi ne, %rem3A_21, %ne3A_23 : vector<512x128xi32>
    %and3A = arith.andi %ne3A_20, %ne3A_24 : vector<512x128xi1>
    %sub3A = arith.constant 1 : i32
    %sub3A_25 = vector.broadcast %sub3A : i32 to vector<512x128xi32>
    %sub3A_26 = arith.subi %div3A_4, %sub3A_25 : vector<512x128xi32>
    %select_n3A = arith.select %and3A, %sub3A_26, %div3A_4 : vector<512x128xi1>, vector<512x128xi32>
    %broadcast_in_dim3A = vector.shape_cast %get3A_3 : vector<512xi32> to vector<512x1xi32>
    %eq3A = vector.broadcast %broadcast_in_dim3A : vector<512x1xi32> to vector<512x128xi32>
    %eq3A_27 = arith.cmpi eq, %select_n3A, %eq3A : vector<512x128xi32>
    %get3A_28 = arith.constant 0 : index
    %get3A_29 = arith.constant 0 : index
    %get3A_30 = vector.load %arg2[%get3A_28, %get3A_29] : memref<512x128xf32, #tpu.memory_space<vmem>>, vector<512x128xf32>
    %jit3A_31 = arith.constant 0.000000e+00 : f32
    %broadcast_in_dim3A_32 = vector.broadcast %jit3A_31 : f32 to vector<512x128xf32>
    %select_n3A_33 = arith.select %eq3A_27, %get3A_30, %broadcast_in_dim3A_32 : vector<512x128xi1>, vector<512x128xf32>
    %get3A_34 = arith.constant 0 : index
    %get3A_35 = arith.constant 0 : index
    %get3A_36 = vector.load %arg4[%get3A_34, %get3A_35] : memref<1024x128xf32, #tpu.memory_space<vmem>>, vector<1024x128xf32>
    %dot_general3A = arith.constant dense<0.000000e+00> : vector<512x1024xf32>
    %dot_general3A_37 = tpu.matmul %select_n3A_33, %get3A_36, %dot_general3A {dimension_numbers = #tpu.dot_dimension_numbers<[1], [1], [0], [0], [0, 0, 1, 0], [], []>, transpose_lhs_hint = false} : vector<512x128xf32>, vector<1024x128xf32>, vector<512x1024xf32> -> vector<512x1024xf32>
    %get3A_38 = arith.constant 0 : index
    %get3A_39 = memref.load %arg1[%get3A_38] : memref<1xf32, #tpu.memory_space<smem>>
    %mul3A = vector.broadcast %get3A_39 : f32 to vector<512x1024xf32>
    %mul3A_40 = arith.mulf %dot_general3A_37, %mul3A : vector<512x1024xf32>
    %swap3A = arith.constant 0 : index
    %swap3A_41 = arith.constant 0 : index
    %swap3A_42 = vector.load %arg5[%swap3A, %swap3A_41] : memref<512x1024xf32, #tpu.memory_space<vmem>>, vector<512x1024xf32>
    tpu.vector_store %arg5[%swap3A, %swap3A_41], %mul3A_40 {strides = array<i32>} : memref<512x1024xf32, #tpu.memory_space<vmem>>, vector<512x1024xf32>,
    return
  }
  func.func @transform_0(%arg0: i32) -> i32 {
    %c0_i32 = arith.constant 0 : i32
    %c0_i32_0 = arith.constant 0 : i32
    return %c0_i32 : i32
  }
  func.func @transform_1(%arg0: i32) -> (i32, i32) {
    %c0_i32 = arith.constant 0 : i32
    %c0_i32_0 = arith.constant 0 : i32
    return %arg0, %c0_i32 : i32, i32
  }
  func.func @transform_2(%arg0: i32) -> (i32, i32, i32) {
    %c0_i32 = arith.constant 0 : i32
    %c0_i32_0 = arith.constant 0 : i32
    %c0_i32_1 = arith.constant 0 : i32
    return %arg0, %c0_i32, %c0_i32_0 : i32, i32, i32
  }
  func.func @transform_3(%arg0: i32) -> (i32, i32) {
    %c0_i32 = arith.constant 0 : i32
    %c0_i32_0 = arith.constant 0 : i32
    %c0_i32_1 = arith.constant 0 : i32
    return %c0_i32, %c0_i32_0 : i32, i32
  }
  func.func @transform_4(%arg0: i32) -> (i32, i32) {
    %c0_i32 = arith.constant 0 : i32
    %c0_i32_0 = arith.constant 0 : i32
    return %arg0, %c0_i32 : i32, i32
  }
}

</mosaic_0001>

<sc_bundles>
// kernel: kernel.5.cloned.1.call-start
scs
__scs_entry_jumppad:
0x0: {  	(pc) =	sbr.rel $0x88, $3  }
0x1: {  	(tag) =	ssettag $0x0;
	lr =	simm.s32 $0x1  }
0x2: {  	[smem:$0x3F9D] =	sst lr;
	_ =	strace $0xD0000000  }
0x3: {  	_ = 	snop  }
0x4: {  	_ = 	snop  }
0x5: {  	_ = 	snop  }
0x6: {  	_ = 	snop  }
0x7: {  	_ = 	snop  }
__scs_overlays_trampoline_lowered:
0x8: {  	[smem:$0x3FAC] =	sst s0  }
0x9: {  	[smem:$0x3FAD] =	sst s1  }
0xa: {  	[smem:$0x3FAE] =	sst s2  }
0xb: {  	[smem:$0x3FAF] =	sst s3  }
0xc: {  	[smem:$0x3FB0] =	sst s4  }
0xd: {  	[smem:$0x3FB1] =	sst s5  }
0xe: {  	[smem:$0x3FB2] =	sst s6  }
0xf: {  	[smem:$0x3FB3] =	sst s7  }
0x10: {  	[smem:$0x3FB4] =	sst s8  }
0x11: {  	[smem:$0x3FB5] =	sst s9;
	s0 =	simm.s32 @!p0 $0x0  }
0x12: {  	s1 =	sld [smem:$0x3F9B];
	s0 =	simm.s32 @p0 $0x1  }
0x13: {  	[smem:$0x3FB6] =	sst s0;
	s0 =	simm.s32 @!p1 $0x0  }
0x14: {  	s2 =	sld [smem:$0x3F9A];
	s0 =	simm.s32 @p1 $0x1  }
0x15: {  	[smem:$0x3FB7] =	sst s0;
	s0 =	simm.s32 @!p2 $0x0  }
0x16: {  	s3 =	sld [smem:$0x3FDB];
	s0 =	simm.s32 @p2 $0x1  }
0x17: {  	s4 =	simm.s32 $0x1BF5;
	[smem:$0x3FB9] =	sst s0  }
0x18: {  	s0 =	sld [smem:$0x3F9C];
	_ =	swait.ge [sflag:s4], $0x0  }
0x19: {  	s7 =	sld [smem:$0x3F9D]  }
0x1a: {  	s8 =	sadd.s32 $0xFFFFE003, lr  }
0x1b: {  	s9 =	sadd.s32 $0xFFFFFEF7, lr;
	s5 =	simm.s32 $0xFFFFFFFF;
	p2 =	slt.u32 s8, $0xFFFFF086  }
0x1c: {  	p1 =	slt.u32 s9, $0xF7A;
	s5 =	simm.s32 @!p2 $0x0  }
0x1d: {  	s5 =	simm.s32 @p1 $0x1;
	p0 =	seq.s32 s7, s2  }
0x1e: {  	s7 =	smul.u32 @!p0 $0xF7A, s2;
	p2 =	seq.s32 @!p0 s5, $0x0  }
0x1f: {  	s9 =	smul.u32 $0xF7A, s1;
	s8 =	simm.s32 @!p0 $0x1BF5;
	p2 =	por !p2, p0  }
0x20: {  	[sflag:s8] =	ssyncset.s32 @!p0 $0xFFFFF086;
	s6 =	sadd.s32 @!p0 s3, s7;
	s7 =	simm.s32 @!p0 $0x108  }
0x21: {  	s3 =	sadd.s32 s3, s9;
	s6 =	sadd.s32 @!p0 $0x88, s6;
	s7 =	simm.s32 @p2 $0x1082  }
0x22: {  	[simem:s7], [sflag:s8] =	dma.local @!p0 [hbm:s6], $0xF7A  }
0x23: {  	s9 =	sor.u32 $0xD0000000, s2;
	s6 =	simm.s32 $0x108;
	_ =	swait.ge @!p0 [sflag:s8], $0x0  }
0x24: {  	s3 =	sadd.s32 $0x88, s3;
	s6 =	simm.s32 @!p1 $0x1082;
	[sflag:s4] =	ssyncset.s32 $0xFFFFF086  }
0x25: {  	[simem:s6], [sflag:s4] =	dma.local [hbm:s3], $0xF7A  }
0x26: {  	[smem:$0x3F9D] =	sst s1;
	(tag) =	ssettag s2;
	_ =	strace s9  }
0x27: {  	s1 =	sld [smem:$0x3FAD]  }
0x28: {  	s2 =	sld [smem:$0x3FAE]  }
0x29: {  	s4 =	sld [smem:$0x3FB0]  }
0x2a: {  	p0 =	seq.s32 s5, $0x0;
	s5 =	sld [smem:$0x3FB1]  }
0x2b: {  	s6 =	sld [smem:$0x3FB2]  }
0x2c: {  	s7 =	sld [smem:$0x3FB3]  }
0x2d: {  	s3 =	simm.s32 $0x108;
	s8 =	sld [smem:$0x3FB4]  }
0x2e: {  	s3 =	simm.s32 @!p0 $0x1082;
	s9 =	sld [smem:$0x3FB5]  }
0x2f: {  	lr =	sadd.s32 s0, s3;
	s0 =	sld [smem:$0x3FAC]  }
0x30: {  	s3 =	sld [smem:$0x3FAF]  }
0x31: {  	[smem:$0x3FB8] =	sst s10  }
0x32: {  	s10 =	sld [smem:$0x3FB6];
	_ =	sdelay $0x3  }
0x33: {  	p0 =	seq.s32 s10, $0x1;
	s10 =	sld [smem:$0x3FB8];
	_ =	sdelay $0x3  }
0x34: {  	[smem:$0x3FB8] =	sst s10  }
0x35: {  	s10 =	sld [smem:$0x3FB7];
	_ =	sdelay $0x3  }
0x36: {  	p1 =	seq.s32 s10, $0x1;
	s10 =	sld [smem:$0x3FB8];
	_ =	sdelay $0x3  }
0x37: {  	[smem:$0x3FB8] =	sst s10  }
0x38: {  	s10 =	sld [smem:$0x3FB9]  }
0x39: {  	_ = 	snop;
	(pc) =	sbr.ind lr, $3  }
0x3a: {  	_ = 	snop  }
0x3b: {  	_ = 	snop  }
0x3c: {  	p2 =	seq.s32 s10, $0x1;
	s10 =	sld [smem:$0x3FB8]  }
0x3d: {  	_ =	shalt  }
0x3e: {  	_ =	shalt  }
0x3f: {  	_ =	shalt  }
0x40: {  	_ =	shalt  }
0x41: {  	_ =	shalt  }
0x42: {  	_ =	shalt  }
0x43: {  	_ =	shalt  }
0x44: {  	_ =	shalt  }
0x45: {  	_ =	shalt  }
0x46: {  	_ =	shalt  }
0x47: {  	_ =	shalt  }
0x48: {  	_ =	shalt  }
0x49: {  	_ =	shalt  }
0x4a: {  	_ =	shalt  }
0x4b: {  	_ =	shalt  }
0x4c: {  	_ =	shalt  }
0x4d: {  	_ =	shalt  }
0x4e: {  	_ =	shalt  }
0x4f: {  	_ =	shalt  }
0x50: {  	_ =	shalt  }
0x51: {  	_ =	shalt  }
0x52: {  	_ =	shalt  }
0x53: {  	_ =	shalt  }
0x54: {  	_ =	shalt  }
0x55: {  	_ =	shalt  }
0x56: {  	_ =	shalt  }
0x57: {  	_ =	shalt  }
0x58: {  	_ =	shalt  }
0x59: {  	_ =	shalt  }
0x5a: {  	_ =	shalt  }
0x5b: {  	_ =	shalt  }
0x5c: {  	_ =	shalt  }
0x5d: {  	_ =	shalt  }
0x5e: {  	_ =	shalt  }
0x5f: {  	_ =	shalt  }
0x60: {  	_ =	shalt  }
0x61: {  	_ =	shalt  }
0x62: {  	_ =	shalt  }
0x63: {  	_ =	shalt  }
0x64: {  	_ =	shalt  }
0x65: {  	_ =	shalt  }
0x66: {  	_ =	shalt  }
0x67: {  	_ =	shalt  }
0x68: {  	_ =	shalt  }
0x69: {  	_ =	shalt  }
0x6a: {  	_ =	shalt  }
0x6b: {  	_ =	shalt  }
0x6c: {  	_ =	shalt  }
0x6d: {  	_ =	shalt  }
0x6e: {  	_ =	shalt  }
0x6f: {  	_ =	shalt  }
0x70: {  	_ =	shalt  }
0x71: {  	_ =	shalt  }
0x72: {  	_ =	shalt  }
0x73: {  	_ =	shalt  }
0x74: {  	_ =	shalt  }
0x75: {  	_ =	shalt  }
0x76: {  	_ =	shalt  }
0x77: {  	_ =	shalt  }
0x78: {  	_ =	shalt  }
0x79: {  	_ =	shalt  }
0x7a: {  	_ =	shalt  }
0x7b: {  	_ =	shalt  }
0x7c: {  	_ =	shalt  }
0x7d: {  	_ =	shalt  }
0x7e: {  	_ =	shalt  }
0x7f: {  	_ =	shalt  }
0x80: {  	_ =	shalt  }
0x81: {  	_ =	shalt  }
0x82: {  	_ =	shalt  }
0x83: {  	_ =	shalt  }
0x84: {  	_ =	shalt  }
0x85: {  	_ =	shalt  }
0x86: {  	_ =	shalt  }
0x87: {  	_ =	shalt  }
.Lfunc_end0:
.L_simem_size_0:
called_computation_lowered:
.L_overlay_start_0:
0x88: {  	s2 =	sld [smem:$0x3FD9]  }
0x89: {  	s3 =	sld [smem:$0x3FFE];
	_ =	sdelay $0x1  }
0x8a: {  	s1 =	srdreg.scid  }
0x8b: {  	s0 =	sand.u32 $0x1, s1  }
0x8c: {  	s17 =	sshll.u32 s0, $0xA;
	s2 =	sadd.s32 s3, s2  }
0x8d: {  	s2 =	sadd.s32 s2, s17  }
0x8e: {  	[smem:$0x3FC4] =	sst s2  }
0x8f: {  	_ = 	snop  }
0x90: {  	s2 =	sld [smem:$0x3FD0];
	(tm) =	ssettm $0x1  }
0x91: {  	s18 =	sld [smem:$0x3FFB];
	_ =	sdelay $0x3  }
0x92: {  	_ =	strace s18  }
0x93: {  	s3 =	sld [smem:$0x3FFC];
	_ =	sdelay $0x3  }
0x94: {  	_ =	strace s3  }
0x95: {  	s3 =	sld [smem:$0x3FFD];
	_ =	sdelay $0x3  }
0x96: {  	_ =	strace s3  }
0x97: {  	_ =	strace $0x8FFFFFFF  }
0x98: {  	s19 =	sld [smem:$0x3FDB];
	_ =	sdelay $0x1  }
0x99: {  	s4 =	simm.s32 $_scs_section_size  }
0x9a: {  	s5 =	simm.s32 $_size__tile_overlayer_lowered;
	s6 =	simm.s32 $_tile_overlayer_lowered  }
0x9b: {  	s22 =	simm.s32 $0x1BFF;
	s21 =	sshll.u32 s6, $0x1;
	s3 =	sadd.s32 s4, s19  }
0x9c: {  	s7 =	simm.s32 $0x0;
	s20 =	sshll.u32 s5, $0x1;
	s5 =	sadd.s32 s21, s3  }
0x9d: {  	[timem:s7], [sflag:s22] =	dma.local [hbm:s5], s20  }
0x9e: {  	_ =	swait.ge [sflag:s22], s20  }
0x9f: {  	s4 =	ssub.s32 $0x0, s20;
	[sflag:s22] =	ssyncset.done $0x0  }
0xa0: {  	[sflag:s22] =	ssyncadd.s32 s4;
	_ =	sdelay $0x1  }
0xa1: {  	s23 =	simm.s32 $0x1B8B  }
0xa2: {  	_ =	swait.ge [sflag:s23], $0x1  }
0xa3: {  	[sflag:s23] =	ssyncset.done $0x0  }
0xa4: {  	s25 =	simm.s32 $0x1B8E;
	s24 =	sld [smem:$0x3FFE];
	[sflag:s23] =	ssyncadd.s32 $0xFFFFFFFF  }
0xa5: {  	s26 =	simm.s32 $execute0_lowered;
	[smem:$0x3FD2] =	sst s25  }
0xa6: {  	s5 =	sshll.u32 s26, $0x1;
	_ =	strace $0x80000046;
	[dreg:$0x1] =	wrdreg $0xFFFFFFFF  }
0xa7: {  	s28 =	simm.s32 $_size_execute0_lowered;
	s3 =	sadd.s32 s3, s5;
	[dreg:$0x0] =	wrdreg $0x0  }
0xa8: {  	s5 =	sshll.u32 s28, $0x1;
	[dreg:$0x2] =	wrdreg s3  }
0xa9: {  	[dreg:$0x3] =	wrdreg s5  }
0xaa: {  	[dreg:$0x4] =	wrdreg $0xC0  }
0xab: {  	_ =	task [dreg:s7], $0x5FFFF  }
0xac: {  	[dreg:$0x1] =	wrdreg $0xFFFFFFFF  }
0xad: {  	[dreg:$0x0] =	wrdreg $0x60  }
0xae: {  	[dreg:$0x2] =	wrdreg s24  }
0xaf: {  	[dreg:$0x3] =	wrdreg s2  }
0xb0: {  	[dreg:$0x4] =	wrdreg $0x9  }
0xb1: {  	_ =	task.clear_ibuf [dreg:s7], $0x5FFFF;
	_ =	strace $0x90000046  }
0xb2: {  	s29 =	simm.s32 $0x9;
	_ =	strace $0x80000048  }
0xb3: {  	_ =	swait.ge [sflag:s29], $0x1  }
0xb4: {  	[sflag:s29] =	ssyncadd.s32 $0xFFFFFFFF  }
0xb5: {  	_ =	strace $0x90000048  }
0xb6: {  	_ =	sfence  }
0xb7: {  	s30 =	sld [smem:$0x0];
	_ =	sdelay $0x2  }
0xb8: {  	s31 =	sshll.u32 s1, $0xD;
	s1 =	sshrl.u32 s1, $0x2  }
0xb9: {  	s3 =	sand.u32 $0x4000, s31;
	s1 =	sadd.s32 s1, s30  }
0xba: {  	s0 =	sor.u32 s3, s0;
	s1 =	sshll.u32 s1, $0x11  }
0xbb: {  	s0 =	sor.u32 s1, s0  }
0xbc: {  	s0 =	sadd.s32 $0x8F2B, s0  }
0xbd: {  	[sflag:s0] =	ssyncadd.remote.s32 $0x1  }
0xbe: {  	_ =	sfence.sel $0xFFFF  }
0xbf: {  	[dreg:$0x0] =	wrdreg $0xFFFFFFFF;
	(pc) =	sbr.abs _section_cstart, $3  }
0xc0: {  	[dreg:$0x1] =	wrdreg $0xFFFFFFFF  }
0xc1: {  	_ =	task.clear_ibuf [dreg:s7], $0x2FFFF;
	_ =	strace $0x9FFFFFFF  }
0xc2: {  	(tm) =	ssettm $0x7FFFFFFF  }
0xc3: {  	_ =	shalt  }
tec
execute0_lowered:
.L_overlay_start_1:
0x0: {  	(tag) =	ssettag $0x1  }
0x1: {  	s1 =	rddreg [dreg:$0x0]  }
0x2: {  	s2 =	rddreg [dreg:$0x1];
	s5 =	simm.s32 $0x0  }
0x3: {  	s0 =	srdreg.scid;
	s20 =	simm.s32 $0x10;
	[smem:$0x7FF] =	sst s5  }
0x4: {  	s21 =	simm.s32 $0x8;
	_ =	strace $0x80000047;
	[dreg:$0x7] =	wrdreg s20  }
0x5: {  	s3 =	stileid.u32;
	s22 =	simm.s32 $0x280;
	[dreg:$0x8] =	wrdreg s21  }
0x6: {  	s23 =	simm.s32 $0x300;
	s24 =	simm.s32 $0x4680;
	[dreg:$0x9] =	wrdreg s22  }
0x7: {  	s26 =	simm.s32 $0x380;
	s28 =	simm.s32 $0x8680;
	[dreg:$0xa] =	wrdreg s23  }
0x8: {  	s29 =	simm.s32 $0x400;
	s30 =	simm.s32 $0xC680;
	[dreg:$0xb] =	wrdreg s24  }
0x9: {  	s31 =	simm.s32 $0x480;
	s0 =	sand.u32 $0x1, s0;
	[dreg:$0xc] =	wrdreg s26  }
0xa: {  	s3 =	sshll.u32 s3, $0xA;
	s4 =	sshll.u32 s0, $0x9;
	[dreg:$0xd] =	wrdreg s28  }
0xb: {  	s17 =	sadd.s32 $0x3E1000, s1;
	[dreg:$0xe] =	wrdreg s29;
	s3 =	sor.u32 s4, s3  }
0xc: {  	v1 =	vlaneseq.u32;
	v2 =	vimm.s32 $0xECA86420;
	s0 =	ssub.s32 $0x2, s0;
	[dreg:$0xf] =	wrdreg s30;
	s4 =	smax.u32 s3, $0x8  }
0xd: {  	vm1 =	vcmask $0xB08;
	vm2 =	vcmask $0x1310;
	vm3 =	vcmask $0x1B18;
	s6 =	sshrl.u32 s3, $0x3;
	s18 =	sshll.u32 s3, $0x4;
	s3 =	sand.u32 $0xE00, s3  }
0xe: {  	vm9 =	vmmov $0xff;
	vm5 =	vcmask $0x300;
	[dreg:$0x10] =	wrdreg s31;
	s25 =	sshrl.u32 s0, $0x1;
	s7 =	sadd.s32 s17, s6;
	v0 =	vmov s3  }
0xf: {  	vm11 =	vcmask $0x704;
	s4 =	sadd.s32 $0xFFFFFFF8, s4;
	s2 =	sadd.s32 s2, s18;
	[dreg:$0x3] =	wrdreg s7;
	vm0 =	veq.s32 v0, v1;
	v0 =	vimm.s32 $0x0  }
0x10: {  	vm12 =	vcmask $0xF0C;
	vm6 =	vcmask $0x2320;
	s6 =	sadd.s32 s6, s1;
	s1 =	sadd.s32 $0x1000, s1;
	[dreg:$0x5] =	wrdreg s2;
	v0 =	vsel vm0, $0xFFFFFFFF, v0  }
0x11: {  	vm13 =	vcmask $0x1714;
	vm7 =	vcmask $0x2B28;
	s4 =	sshrl.u32 s4, $0x3;
	s19 =	sadd.s32 $0x3E1800, s6;
	[dreg:$0x11] =	wrdreg s1;
	[tilespmem:$0x1FFF0] =	vst v0;
	v0 =	vunpack.c.l.s4.s8 v2  }
0x12: {  	vm8 =	vcmask $0x3330;
	vm14 =	vcmask $0x1F1C;
	vm4 =	vcmask $0x3B38;
	s0 =	ssub.s32 s0, s25;
	s4 =	sadd.s32 s17, s4;
	[dreg:$0x6] =	wrdreg s19  }
0x13: {  	vm15 =	vcmask $0x2724;
	s2 =	smax.u32 s0, $0x1;
	v1 =	vmul.u32 $0x2, v1;
	[dreg:$0x4] =	wrdreg s4;
	v56 =	vunpack.c.0.s8.s32 v0  }
.LBB2_1:
0x14: {  	[dreg:$0x12] =	wrdreg s2  }
0x15: {  	s0 =	rddreg [dreg:$0x3]  }
0x16: {  	s1 =	rddreg [dreg:$0x7];
	s3 =	simm.s32 $0x0;
	s26 =	simm.s32 $0x2  }
0x17: {  	[tilespmem:s1], [sflag:$0x2] =	stream.linear.gather [hbm4b:s0+s3], $0x200, $0x38;
	[tilespmem:$0x10680] =	vst v63  }
0x18: {  	_ =	swait.ge [sflag:s26], $0x200  }
0x19: {  	s28 =	rddreg [dreg:$0x4];
	[sflag:s26] =	ssyncset.done $0x0  }
0x1a: {  	s29 =	rddreg [dreg:$0x8];
	[sflag:s26] =	ssyncadd.s32 $0xFFFFFE00  }
0x1b: {  	[tilespmem:s29], [sflag:$0x2] =	stream.linear.gather [hbm4b:s28+s3], $0x8, $0x38;
	[tilespmem:$0x10680] =	vst v63  }
0x1c: {  	_ =	swait.ge [sflag:s26], $0x8  }
0x1d: {  	[sflag:s26] =	ssyncset.done $0x0  }
0x1e: {  	[sflag:s26] =	ssyncadd.s32 $0xFFFFFFF8  }
0x1f: {  	v2 =	vld [tilespmem:$0x10]  }
0x20: {  	v3 =	vld [tilespmem:$0xF];
	_ =	sdelay $0x4  }
0x21: {  	v2 =	vmul.u32 $0x8DD9, v2;
	v3 =	vmul.u32 $0x6A37, v3;
	_ =	sdelay $0x1  }
0x22: {  	v3 =	vxor.u32 v2, v3  }
0x23: {  	(v2sf) =	vpush v3, $0xD;
	_ =	sdelay $0x1  }
0x24: {  	(v2sf) =	vpush v3, $0xC;
	_ =	sdelay $0x1  }
0x25: {  	(v2sf) =	vpush v3, $0xE;
	_ =	sdelay $0x1  }
0x26: {  	(v2sf) =	vpush v3, $0xF;
	_ =	sdelay $0x1  }
0x27: {  	(v2sf) =	vpush v3, $0x9;
	_ =	sdelay $0x1  }
0x28: {  	(v2sf) =	vpush v3, $0x8;
	_ =	sdelay $0x1  }
0x29: {  	(v2sf) =	vpush v3, $0xA;
	_ =	sdelay $0x1  }
0x2a: {  	(v2sf) =	vpush v3, $0xB  }
0x2b: {  	s30 =	spop (v2sf);
	(v2sf) =	vpush v3, $0x0  }
0x2c: {  	s31 =	smulhi.u32 $0x431BE2E9, s30;
	s0 =	sshra.s32 s30, $0x1F  }
0x2d: {  	s2 =	spop (v2sf);
	(v2sf) =	vpush v3, $0x1;
	s5 =	smul.u32 $0x431BE2E9, s0  }
0x2e: {  	s16 =	smulhi.u32 $0x431BE2E9, s2;
	s0 =	sshra.s32 s2, $0x1F;
	(v2sf) =	vpush v3, $0x2  }
0x2f: {  	s3 =	spop (v2sf);
	s14 =	smul.u32 $0x431BE2E9, s0  }
0x30: {  	s17 =	smulhi.u32 $0x431BE2E9, s3;
	s0 =	sshra.s32 s3, $0x1F;
	(v2sf) =	vpush v3, $0x3  }
0x31: {  	v4 =	vld [tilespmem:$0x1F];
	s4 =	spop (v2sf);
	s6 =	smul.u32 $0x431BE2E9, s0  }
0x32: {  	v2 =	vld [tilespmem:$0x20];
	s18 =	smulhi.u32 $0x431BE2E9, s4;
	s0 =	sshra.s32 s4, $0x1F;
	(v2sf) =	vpush v3, $0x4  }
0x33: {  	s7 =	spop (v2sf);
	s20 =	smul.u32 $0x431BE2E9, s0;
	(v2sf) =	vpush v3, $0x5  }
0x34: {  	s19 =	smulhi.u32 $0x431BE2E9, s7;
	s0 =	sshra.s32 s7, $0x1F  }
0x35: {  	s8 =	spop (v2sf);
	s22 =	smul.u32 $0x431BE2E9, s0;
	(v2sf) =	vpush v3, $0x6  }
0x36: {  	s21 =	smulhi.u32 $0x431BE2E9, s8;
	s0 =	sshra.s32 s8, $0x1F  }
0x37: {  	v4 =	vmul.u32 $0x6A37, v4;
	v2 =	vmul.u32 $0x8DD9, v2;
	s9 =	spop (v2sf);
	s24 =	smul.u32 $0x431BE2E9, s0;
	(v2sf) =	vpush v3, $0x7  }
0x38: {  	s23 =	smulhi.u32 $0x431BE2E9, s9;
	s0 =	sshra.s32 s9, $0x1F  }
0x39: {  	v2 =	vxor.u32 v2, v4;
	s10 =	spop (v2sf);
	s25 =	smul.u32 $0x431BE2E9, s0  }
0x3a: {  	s26 =	smulhi.u32 $0x431BE2E9, s10;
	s0 =	sshra.s32 s10, $0x1F;
	s11 =	spop (v2sf);
	(v2sf) =	vpush v2, $0xD  }
0x3b: {  	s30 =	smul.u32 $0x431BE2E9, s0  }
0x3c: {  	s28 =	smulhi.u32 $0x431BE2E9, s11;
	s12 =	spop (v2sf);
	(v2sf) =	vpush v2, $0xC  }
0x3d: {  	s29 =	smulhi.u32 $0x431BE2E9, s12;
	s13 =	spop (v2sf)  }
0x3e: {  	[smem:$0x4CE] =	sst s31;
	(v2sf) =	vpush v2, $0xE;
	s31 =	smulhi.u32 $0x431BE2E9, s13;
	s2 =	sshra.s32 s13, $0x1F  }
0x3f: {  	s15 =	spop (v2sf);
	s8 =	smul.u32 $0x431BE2E9, s2  }
0x40: {  	s3 =	smulhi.u32 $0x431BE2E9, s15;
	s2 =	sshra.s32 s15, $0x1F  }
0x41: {  	(v2sf) =	vpush v2, $0xF;
	s4 =	spop (v2sf);
	s10 =	smul.u32 $0x431BE2E9, s2  }
0x42: {  	s7 =	smulhi.u32 $0x431BE2E9, s4;
	s2 =	sshra.s32 s4, $0x1F;
	s9 =	spop (v2sf)  }
0x43: {  	s0 =	sshra.s32 s11, $0x1F;
	(v2sf) =	vpush v2, $0x9;
	[smem:$0x4CF] =	sst s3;
	s11 =	smul.u32 $0x431BE2E9, s2  }
0x44: {  	s13 =	smulhi.u32 $0x431BE2E9, s9;
	s2 =	sshra.s32 s9, $0x1F;
	s15 =	spop (v2sf)  }
0x45: {  	[smem:$0x4D0] =	sst s7;
	s3 =	smul.u32 $0x431BE2E9, s2  }
0x46: {  	(v2sf) =	vpush v2, $0x8;
	s4 =	smulhi.u32 $0x431BE2E9, s15;
	s7 =	spop (v2sf)  }
0x47: {  	s2 =	sshra.s32 s15, $0x1F;
	s9 =	smulhi.u32 $0x431BE2E9, s7  }
0x48: {  	(v2sf) =	vpush v2, $0xA;
	[smem:$0x4D2] =	sst s4;
	s4 =	smul.u32 $0x431BE2E9, s2  }
0x49: {  	[smem:$0x4D3] =	sst s9;
	s9 =	spop (v2sf)  }
0x4a: {  	[smem:$0x4D1] =	sst s13;
	s13 =	smulhi.u32 $0x431BE2E9, s9  }
0x4b: {  	(v2sf) =	vpush v2, $0xB;
	s2 =	sshra.s32 s7, $0x1F;
	s9 =	sshra.s32 s9, $0x1F;
	s7 =	spop (v2sf)  }
0x4c: {  	s15 =	smul.u32 $0x431BE2E9, s9;
	[smem:$0x4D4] =	sst s13  }
0x4d: {  	(v2sf) =	vpush v2, $0x0;
	s9 =	sshra.s32 s7, $0x1F;
	s13 =	smulhi.u32 $0x431BE2E9, s7;
	s7 =	spop (v2sf)  }
0x4e: {  	[smem:$0x4D5] =	sst s15;
	s15 =	smul.u32 $0x431BE2E9, s9  }
0x4f: {  	[smem:$0x4D6] =	sst s13;
	s13 =	smulhi.u32 $0x431BE2E9, s7  }
0x50: {  	(v2sf) =	vpush v2, $0x1;
	s9 =	sshra.s32 s7, $0x1F;
	s7 =	spop (v2sf);
	[smem:$0x4D7] =	sst s15  }
0x51: {  	s15 =	smul.u32 $0x431BE2E9, s9;
	[smem:$0x4D8] =	sst s13  }
0x52: {  	s9 =	sshra.s32 s7, $0x1F;
	s13 =	smulhi.u32 $0x431BE2E9, s7;
	s7 =	spop (v2sf)  }
0x53: {  	[smem:$0x4D9] =	sst s15;
	s15 =	smul.u32 $0x431BE2E9, s9  }
0x54: {  	(v2sf) =	vpush v2, $0x2;
	[smem:$0x4DA] =	sst s13;
	s13 =	smulhi.u32 $0x431BE2E9, s7  }
0x55: {  	s9 =	sshra.s32 s7, $0x1F;
	s7 =	spop (v2sf);
	[smem:$0x4DB] =	sst s15  }
0x56: {  	(v2sf) =	vpush v2, $0x3;
	s15 =	smul.u32 $0x431BE2E9, s9;
	[smem:$0x4DC] =	sst s13  }
0x57: {  	s9 =	sshra.s32 s7, $0x1F;
	s13 =	smulhi.u32 $0x431BE2E9, s7;
	s7 =	spop (v2sf)  }
0x58: {  	[smem:$0x4DD] =	sst s15;
	s15 =	smul.u32 $0x431BE2E9, s9  }
0x59: {  	[smem:$0x4DE] =	sst s13;
	s13 =	smulhi.u32 $0x431BE2E9, s7  }
0x5a: {  	(v2sf) =	vpush v2, $0x4;
	s9 =	sshra.s32 s7, $0x1F;
	s7 =	spop (v2sf);
	[smem:$0x4DF] =	sst s15  }
0x5b: {  	s15 =	smul.u32 $0x431BE2E9, s9;
	[smem:$0x4E0] =	sst s13  }
0x5c: {  	s9 =	sshra.s32 s7, $0x1F;
	s13 =	smulhi.u32 $0x431BE2E9, s7;
	s7 =	spop (v2sf)  }
0x5d: {  	[smem:$0x4E1] =	sst s15;
	s15 =	smul.u32 $0x431BE2E9, s9  }
0x5e: {  	(v2sf) =	vpush v2, $0x5;
	[smem:$0x4E2] =	sst s13;
	s13 =	smulhi.u32 $0x431BE2E9, s7  }
0x5f: {  	[smem:$0x4E3] =	sst s15;
	s15 =	spop (v2sf)  }
0x60: {  	s1 =	sshra.s32 s12, $0x1F;
	s9 =	sshra.s32 s7, $0x1F;
	s7 =	smulhi.u32 $0x431BE2E9, s15  }
0x61: {  	v38 =	vld [tilespmem:$0x30];
	s12 =	smul.u32 $0x431BE2E9, s1;
	[smem:$0x4E4] =	sst s13  }
0x62: {  	v5 =	vld [tilespmem:$0x2F];
	(v2sf) =	vpush v2, $0x6;
	s13 =	smul.u32 $0x431BE2E9, s9;
	s9 =	sshra.s32 s15, $0x1F;
	[smem:$0x4E5] =	sst s7  }
0x63: {  	s14 =	sadd.s32 s14, s16;
	s7 =	smul.u32 $0x431BE2E9, s9;
	s9 =	spop (v2sf)  }
0x64: {  	[smem:$0x506] =	sst s14;
	s15 =	smulhi.u32 $0x431BE2E9, s9;
	s9 =	sshra.s32 s9, $0x1F  }
0x65: {  	s6 =	sadd.s32 s6, s17;
	s1 =	smul.u32 $0x431BE2E9, s9;
	s9 =	spop (v2sf)  }
0x66: {  	(v2sf) =	vpush v2, $0x7;
	[smem:$0x4E6] =	sst s15;
	s15 =	smulhi.u32 $0x431BE2E9, s9;
	s9 =	sshra.s32 s9, $0x1F  }
0x67: {  	v5 =	vmul.u32 $0x6A37, v5;
	v4 =	vmul.u32 $0x8DD9, v38;
	[smem:$0x508] =	sst s6;
	s17 =	sadd.s32 s20, s18;
	s9 =	smul.u32 $0x431BE2E9, s9  }
0x68: {  	[smem:$0x509] =	sst s17  }
0x69: {  	v5 =	vxor.u32 v4, v5;
	s19 =	sadd.s32 s22, s19;
	[smem:$0x4E8] =	sst s9;
	s9 =	spop (v2sf)  }
0x6a: {  	(v2sf) =	vpush v5, $0xD;
	[smem:$0x4E7] =	sst s15;
	s15 =	smulhi.u32 $0x431BE2E9, s9;
	s9 =	sshra.s32 s9, $0x1F  }
0x6b: {  	[smem:$0x50A] =	sst s19;
	s21 =	sadd.s32 s24, s21;
	s9 =	smul.u32 $0x431BE2E9, s9  }
0x6c: {  	[smem:$0x50B] =	sst s21  }
0x6d: {  	s24 =	sadd.s32 s25, s23;
	[smem:$0x4EA] =	sst s9;
	s9 =	spop (v2sf)  }
0x6e: {  	(v2sf) =	vpush v5, $0xC;
	[smem:$0x4E9] =	sst s15;
	s15 =	smulhi.u32 $0x431BE2E9, s9;
	s9 =	sshra.s32 s9, $0x1F  }
0x6f: {  	[smem:$0x50E] =	sst s24;
	s9 =	smul.u32 $0x431BE2E9, s9  }
0x70: {  	s0 =	smul.u32 $0x431BE2E9, s0;
	s24 =	sld [smem:$0x4D1]  }
0x71: {  	[smem:$0x4EC] =	sst s9;
	s9 =	spop (v2sf)  }
0x72: {  	(v2sf) =	vpush v5, $0xE;
	[smem:$0x4EB] =	sst s15;
	s15 =	smulhi.u32 $0x431BE2E9, s9;
	s9 =	sshra.s32 s9, $0x1F  }
0x73: {  	s19 =	sld [smem:$0x4CF];
	s9 =	smul.u32 $0x431BE2E9, s9  }
0x74: {  	s23 =	sadd.s32 s0, s28;
	s28 =	sld [smem:$0x4D2]  }
0x75: {  	s3 =	sadd.s32 s3, s24;
	[smem:$0x4EE] =	sst s9;
	s9 =	spop (v2sf)  }
0x76: {  	[smem:$0x4ED] =	sst s15;
	s15 =	smulhi.u32 $0x431BE2E9, s9;
	s9 =	sshra.s32 s9, $0x1F  }
0x77: {  	[smem:$0x50F] =	sst s3;
	s9 =	smul.u32 $0x431BE2E9, s9  }
0x78: {  	s2 =	smul.u32 $0x431BE2E9, s2;
	s3 =	sadd.s32 s4, s28;
	s4 =	sld [smem:$0x4D3]  }
0x79: {  	[smem:$0x4F0] =	sst s9;
	s9 =	spop (v2sf)  }
0x7a: {  	[smem:$0x4EF] =	sst s15;
	s15 =	smulhi.u32 $0x431BE2E9, s9;
	s9 =	sshra.s32 s9, $0x1F  }
0x7b: {  	s21 =	sld [smem:$0x4D0];
	s9 =	smul.u32 $0x431BE2E9, s9  }
0x7c: {  	[smem:$0x511] =	sst s3;
	(v2sf) =	vpush v5, $0xF  }
0x7d: {  	s2 =	sadd.s32 s2, s4;
	(v2sf) =	vpush v5, $0x9;
	[smem:$0x4F2] =	sst s9;
	s9 =	spop (v2sf)  }
0x7e: {  	[smem:$0x4F1] =	sst s15;
	s15 =	smulhi.u32 $0x431BE2E9, s9;
	s9 =	sshra.s32 s9, $0x1F  }
0x7f: {  	[smem:$0x507] =	sst s2;
	(v2sf) =	vpush v5, $0x8;
	s9 =	smul.u32 $0x431BE2E9, s9  }
0x80: {  	s6 =	sld [smem:$0x4D4]  }
0x81: {  	(v2sf) =	vpush v5, $0xA;
	[smem:$0x4F4] =	sst s9;
	s9 =	spop (v2sf)  }
0x82: {  	[smem:$0x4F3] =	sst s15;
	s15 =	smulhi.u32 $0x431BE2E9, s9  }
0x83: {  	s4 =	sld [smem:$0x4DE];
	(v2sf) =	vpush v5, $0xB;
	s9 =	sshra.s32 s9, $0x1F  }
0x84: {  	s9 =	smul.u32 $0x431BE2E9, s9;
	[smem:$0x4F5] =	sst s15  }
0x85: {  	s15 =	sld [smem:$0x4CE]  }
0x86: {  	[smem:$0x4F6] =	sst s9  }
0x87: {  	(v2sf) =	vpush v5, $0x0;
	s9 =	sadd.s32 s30, s26;
	s30 =	sadd.s32 s8, s31;
	s8 =	sld [smem:$0x4D5]  }
0x88: {  	[smem:$0x510] =	sst s9;
	s5 =	sadd.s32 s5, s15  }
0x89: {  	(v2sf) =	vpush v5, $0x1;
	[smem:$0x505] =	sst s5  }
0x8a: {  	s2 =	sadd.s32 s8, s6;
	s6 =	sld [smem:$0x4E0]  }
0x8b: {  	s5 =	spop (v2sf);
	s8 =	sld [smem:$0x4E1]  }
0x8c: {  	s15 =	smulhi.u32 $0x431BE2E9, s5;
	s5 =	sshra.s32 s5, $0x1F;
	s16 =	spop (v2sf)  }
0x8d: {  	[smem:$0x512] =	sst s2;
	s5 =	smul.u32 $0x431BE2E9, s5  }
0x8e: {  	s18 =	smulhi.u32 $0x431BE2E9, s16;
	s20 =	spop (v2sf)  }
0x8f: {  	[smem:$0x4F7] =	sst s15;
	s22 =	smulhi.u32 $0x431BE2E9, s20  }
0x90: {  	s25 =	spop (v2sf);
	[smem:$0x4F8] =	sst s5  }
0x91: {  	[smem:$0x4F9] =	sst s18;
	s14 =	smulhi.u32 $0x431BE2E9, s25  }
0x92: {  	s5 =	sshra.s32 s16, $0x1F;
	s16 =	spop (v2sf);
	[smem:$0x4FB] =	sst s22  }
0x93: {  	s17 =	smulhi.u32 $0x431BE2E9, s16;
	s0 =	sshra.s32 s16, $0x1F;
	s16 =	sld [smem:$0x4DA]  }
0x94: {  	(v2sf) =	vpush v5, $0x2;
	s5 =	smul.u32 $0x431BE2E9, s5;
	[smem:$0x4FD] =	sst s14  }
0x95: {  	s14 =	sld [smem:$0x4D9]  }
0x96: {  	s18 =	spop (v2sf);
	[smem:$0x4FA] =	sst s5  }
0x97: {  	s0 =	smul.u32 $0x431BE2E9, s0;
	[smem:$0x4FF] =	sst s17  }
0x98: {  	s22 =	spop (v2sf);
	s17 =	sld [smem:$0x4DB]  }
0x99: {  	s5 =	sshra.s32 s20, $0x1F;
	s20 =	smulhi.u32 $0x431BE2E9, s18;
	[smem:$0x500] =	sst s0  }
0x9a: {  	(v2sf) =	vpush v5, $0x3;
	s26 =	smulhi.u32 $0x431BE2E9, s22;
	s0 =	sshra.s32 s18, $0x1F;
	s18 =	sld [smem:$0x4DC]  }
0x9b: {  	s5 =	smul.u32 $0x431BE2E9, s5;
	[smem:$0x501] =	sst s20  }
0x9c: {  	(v2sf) =	vpush v5, $0x4;
	[smem:$0x503] =	sst s26  }
0x9d: {  	s0 =	smul.u32 $0x431BE2E9, s0;
	[smem:$0x4FC] =	sst s5  }
0x9e: {  	s5 =	sshra.s32 s25, $0x1F;
	s25 =	sadd.s32 s12, s29;
	s12 =	sld [smem:$0x4D8]  }
0x9f: {  	(v2sf) =	vpush v5, $0x5;
	[smem:$0x502] =	sst s0  }
0xa0: {  	s15 =	smul.u32 $0x431BE2E9, s5;
	s5 =	sadd.s32 s10, s19;
	s10 =	sld [smem:$0x4D6]  }
0xa1: {  	s19 =	sld [smem:$0x4DD]  }
0xa2: {  	(v2sf) =	vpush v5, $0x6;
	[smem:$0x50C] =	sst s5  }
0xa3: {  	s29 =	spop (v2sf);
	s5 =	sadd.s32 s11, s21;
	s11 =	sld [smem:$0x4D7]  }
0xa4: {  	[smem:$0x50D] =	sst s5;
	s5 =	smulhi.u32 $0x431BE2E9, s29  }
0xa5: {  	[smem:$0x4FE] =	sst s15  }
0xa6: {  	s0 =	sshra.s32 s22, $0x1F;
	[smem:$0x504] =	sst s5  }
0xa7: {  	s31 =	smul.u32 $0x431BE2E9, s0;
	s0 =	sshra.s32 s29, $0x1F;
	s5 =	sld [smem:$0x4DF]  }
0xa8: {  	v39 =	vld [tilespmem:$0x40];
	s28 =	smul.u32 $0x431BE2E9, s0;
	s2 =	sadd.s32 s11, s10;
	s10 =	sld [smem:$0x4E2]  }
0xa9: {  	v6 =	vld [tilespmem:$0x3F];
	s9 =	spop (v2sf);
	s11 =	sld [smem:$0x4E3]  }
0xaa: {  	[smem:$0x513] =	sst s2;
	s29 =	smulhi.u32 $0x431BE2E9, s9;
	s0 =	sshra.s32 s9, $0x1F  }
0xab: {  	s2 =	sadd.s32 s14, s12;
	s15 =	spop (v2sf);
	s12 =	sld [smem:$0x4E4]  }
0xac: {  	[smem:$0x515] =	sst s2;
	s26 =	smul.u32 $0x431BE2E9, s0  }
0xad: {  	s24 =	smulhi.u32 $0x431BE2E9, s15;
	s0 =	sshra.s32 s15, $0x1F;
	s15 =	sld [smem:$0x4E5]  }
0xae: {  	v6 =	vmul.u32 $0x6A37, v6;
	v4 =	vmul.u32 $0x8DD9, v39;
	(v2sf) =	vpush v5, $0x7;
	s2 =	sadd.s32 s17, s16;
	s20 =	spop (v2sf);
	s16 =	sld [smem:$0x4E6]  }
0xaf: {  	[smem:$0x517] =	sst s2;
	s2 =	sadd.s32 s19, s18;
	s22 =	smul.u32 $0x431BE2E9, s0  }
0xb0: {  	v4 =	vxor.u32 v4, v6;
	s21 =	smulhi.u32 $0x431BE2E9, s20;
	s0 =	sshra.s32 s20, $0x1F;
	[smem:$0x519] =	sst s2  }
0xb1: {  	(v2sf) =	vpush v4, $0xD;
	s9 =	spop (v2sf);
	s2 =	sadd.s32 s5, s4;
	s4 =	sld [smem:$0x4E7]  }
0xb2: {  	s20 =	smul.u32 $0x431BE2E9, s0;
	s5 =	sld [smem:$0x4E8]  }
0xb3: {  	(v2sf) =	vpush v4, $0xC;
	s19 =	smulhi.u32 $0x431BE2E9, s9;
	s0 =	sshra.s32 s9, $0x1F;
	s9 =	sld [smem:$0x4EB]  }
0xb4: {  	[smem:$0x51A] =	sst s2  }
0xb5: {  	s2 =	sadd.s32 s8, s6;
	s6 =	sld [smem:$0x4E9]  }
0xb6: {  	(v2sf) =	vpush v4, $0xE;
	s1 =	sadd.s32 s1, s16;
	[smem:$0x51C] =	sst s2  }
0xb7: {  	[smem:$0x51B] =	sst s1  }
0xb8: {  	s2 =	sadd.s32 s11, s10;
	s10 =	sld [smem:$0x4EC]  }
0xb9: {  	s11 =	sld [smem:$0x4ED]  }
0xba: {  	[smem:$0x51E] =	sst s2  }
0xbb: {  	s2 =	sadd.s32 s13, s12;
	s12 =	sld [smem:$0x4EE]  }
0xbc: {  	s1 =	sadd.s32 s5, s4;
	s4 =	sld [smem:$0x4EF]  }
0xbd: {  	s14 =	spop (v2sf);
	s5 =	sld [smem:$0x4F0]  }
0xbe: {  	(v2sf) =	vpush v4, $0xF;
	s18 =	smul.u32 $0x431BE2E9, s0;
	[smem:$0x516] =	sst s2  }
0xbf: {  	s17 =	smulhi.u32 $0x431BE2E9, s14;
	s0 =	sshra.s32 s14, $0x1F;
	[smem:$0x51D] =	sst s1  }
0xc0: {  	(v2sf) =	vpush v4, $0x9;
	s3 =	spop (v2sf);
	s2 =	sadd.s32 s7, s15;
	s7 =	sld [smem:$0x4EA]  }
0xc1: {  	s16 =	smul.u32 $0x431BE2E9, s0;
	[smem:$0x518] =	sst s2  }
0xc2: {  	s0 =	sshra.s32 s3, $0x1F;
	s8 =	spop (v2sf);
	s2 =	sld [smem:$0x4F3]  }
0xc3: {  	s14 =	smul.u32 $0x431BE2E9, s0;
	s1 =	sadd.s32 s7, s6;
	s6 =	sld [smem:$0x4F1]  }
0xc4: {  	s0 =	sshra.s32 s8, $0x1F;
	s15 =	smulhi.u32 $0x431BE2E9, s3;
	s7 =	sld [smem:$0x4F2]  }
0xc5: {  	s3 =	spop (v2sf);
	[smem:$0x51F] =	sst s1;
	s1 =	sadd.s32 s10, s9  }
0xc6: {  	[smem:$0x520] =	sst s1;
	s1 =	sadd.s32 s12, s11;
	s11 =	smul.u32 $0x431BE2E9, s0  }
0xc7: {  	(v2sf) =	vpush v4, $0x8;
	s12 =	smulhi.u32 $0x431BE2E9, s3;
	s0 =	sshra.s32 s3, $0x1F;
	s3 =	sld [smem:$0x4F4]  }
0xc8: {  	[smem:$0x521] =	sst s1  }
0xc9: {  	s1 =	sadd.s32 s5, s4;
	s4 =	sld [smem:$0x4F5]  }
0xca: {  	s5 =	sld [smem:$0x4F6]  }
0xcb: {  	s13 =	smulhi.u32 $0x431BE2E9, s8;
	[smem:$0x514] =	sst s1;
	s1 =	sadd.s32 s7, s6  }
0xcc: {  	s9 =	smul.u32 $0x431BE2E9, s0;
	[smem:$0x522] =	sst s1  }
0xcd: {  	s8 =	spop (v2sf);
	s1 =	sadd.s32 s3, s2;
	s3 =	sld [smem:$0x4F7]  }
0xce: {  	s10 =	smulhi.u32 $0x431BE2E9, s8;
	s0 =	sshra.s32 s8, $0x1F;
	[smem:$0x523] =	sst s1  }
0xcf: {  	s6 =	spop (v2sf);
	s1 =	sadd.s32 s5, s4;
	s4 =	sld [smem:$0x4F8]  }
0xd0: {  	s7 =	smul.u32 $0x431BE2E9, s0;
	s5 =	sld [smem:$0x4F9]  }
0xd1: {  	s8 =	smulhi.u32 $0x431BE2E9, s6;
	s0 =	sshra.s32 s6, $0x1F;
	s6 =	sld [smem:$0x4FA]  }
0xd2: {  	[smem:$0x524] =	sst s1  }
0xd3: {  	s1 =	sadd.s32 s4, s3;
	s4 =	sld [smem:$0x4FB]  }
0xd4: {  	[smem:$0x525] =	sst s1  }
0xd5: {  	s1 =	sadd.s32 s6, s5;
	s6 =	sld [smem:$0x4FC]  }
0xd6: {  	s3 =	spop (v2sf)  }
0xd7: {  	s5 =	smul.u32 $0x431BE2E9, s0;
	s0 =	sshra.s32 s3, $0x1F;
	[smem:$0x526] =	sst s1  }
0xd8: {  	s1 =	sadd.s32 s6, s4;
	s6 =	smulhi.u32 $0x431BE2E9, s3;
	s3 =	sld [smem:$0x4FD]  }
0xd9: {  	s4 =	sld [smem:$0x4FE]  }
0xda: {  	s2 =	sld [smem:$0x4FF]  }
0xdb: {  	(v2sf) =	vpush v4, $0xA;
	[smem:$0x528] =	sst s1  }
0xdc: {  	s1 =	sadd.s32 s4, s3;
	s4 =	sld [smem:$0x500]  }
0xdd: {  	(v2sf) =	vpush v4, $0xB  }
0xde: {  	[smem:$0x529] =	sst s1  }
0xdf: {  	(v2sf) =	vpush v4, $0x0;
	s1 =	sadd.s32 s4, s2;
	s2 =	sld [smem:$0x502]  }
0xe0: {  	[smem:$0x52A] =	sst s1  }
0xe1: {  	(v2sf) =	vpush v4, $0x1;
	s1 =	sld [smem:$0x501];
	_ =	sdelay $0x1  }
0xe2: {  	(v2sf) =	vpush v4, $0x2  }
0xe3: {  	s1 =	sadd.s32 s2, s1  }
0xe4: {  	s29 =	sadd.s32 s26, s29;
	(v2sf) =	vpush v4, $0x3;
	[smem:$0x527] =	sst s1  }
0xe5: {  	s24 =	sadd.s32 s22, s24;
	s14 =	sadd.s32 s14, s15;
	s1 =	sld [smem:$0x503]  }
0xe6: {  	s21 =	sadd.s32 s20, s21;
	[smem:$0x52C] =	sst s14;
	s11 =	sadd.s32 s11, s13;
	(v2sf) =	vpush v4, $0x4  }
0xe7: {  	s19 =	sadd.s32 s18, s19;
	[smem:$0x52D] =	sst s11;
	s7 =	sadd.s32 s7, s10;
	(v2sf) =	vpush v4, $0x5  }
0xe8: {  	[smem:$0x52E] =	sst s7;
	s3 =	smul.u32 $0x431BE2E9, s0;
	s1 =	sadd.s32 s31, s1  }
0xe9: {  	s17 =	sadd.s32 s16, s17;
	s0 =	spop (v2sf);
	(v2sf) =	vpush v4, $0x6;
	[smem:$0x52B] =	sst s1  }
0xea: {  	s4 =	smulhi.u32 $0x431BE2E9, s0;
	s0 =	sshra.s32 s0, $0x1F;
	s1 =	sld [smem:$0x504]  }
0xeb: {  	s5 =	sadd.s32 s5, s8;
	s2 =	smul.u32 $0x431BE2E9, s0;
	s0 =	spop (v2sf);
	(v2sf) =	vpush v4, $0x7  }
0xec: {  	s8 =	sld [smem:$0x506];
	s31 =	smulhi.u32 $0x431BE2E9, s0;
	s0 =	sshra.s32 s0, $0x1F  }
0xed: {  	s28 =	sadd.s32 s28, s1;
	s1 =	smul.u32 $0x431BE2E9, s0;
	s0 =	spop (v2sf)  }
0xee: {  	[smem:$0x52F] =	sst s5;
	s26 =	smulhi.u32 $0x431BE2E9, s0;
	s0 =	sshra.s32 s0, $0x1F  }
0xef: {  	s3 =	sadd.s32 s3, s6;
	s22 =	spop (v2sf);
	s0 =	smul.u32 $0x431BE2E9, s0  }
0xf0: {  	[smem:$0x530] =	sst s3;
	s20 =	smulhi.u32 $0x431BE2E9, s22;
	s22 =	sshra.s32 s22, $0x1F  }
0xf1: {  	s2 =	sadd.s32 s2, s4;
	s18 =	smul.u32 $0x431BE2E9, s22;
	s22 =	spop (v2sf)  }
0xf2: {  	[smem:$0x531] =	sst s2;
	s16 =	smulhi.u32 $0x431BE2E9, s22;
	s22 =	sshra.s32 s22, $0x1F  }
0xf3: {  	s14 =	smul.u32 $0x431BE2E9, s22;
	s22 =	spop (v2sf)  }
0xf4: {  	s1 =	sadd.s32 s1, s31;
	s13 =	smulhi.u32 $0x431BE2E9, s22;
	s15 =	sshra.s32 s22, $0x1F  }
0xf5: {  	s22 =	sadd.s32 s9, s12;
	s12 =	spop (v2sf);
	s9 =	smul.u32 $0x431BE2E9, s15  }
0xf6: {  	s7 =	smulhi.u32 $0x431BE2E9, s12;
	s15 =	sshra.s32 s12, $0x1F;
	s11 =	spop (v2sf)  }
0xf7: {  	s14 =	sadd.s32 s14, s16;
	s16 =	sshrl.u32 s23, $0x1F;
	s5 =	smul.u32 $0x431BE2E9, s15  }
0xf8: {  	s3 =	smulhi.u32 $0x431BE2E9, s11;
	s12 =	sshra.s32 s11, $0x1F;
	s15 =	spop (v2sf)  }
0xf9: {  	s11 =	sadd.s32 s0, s26;
	v8 =	vmov s16;
	s16 =	sshrl.u32 s30, $0x1F;
	s2 =	smul.u32 $0x431BE2E9, s12  }
0xfa: {  	s6 =	smulhi.u32 $0x431BE2E9, s15;
	s4 =	sshra.s32 s15, $0x1F;
	s15 =	spop (v2sf)  }
0xfb: {  	s12 =	sadd.s32 s18, s20;
	s31 =	sadd.s32 s9, s13;
	s18 =	sld [smem:$0x507]  }
0xfc: {  	s9 =	sshrl.u32 s8, $0x1F;
	s13 =	sld [smem:$0x508];
	s10 =	smul.u32 $0x431BE2E9, s4  }
0xfd: {  	s20 =	smulhi.u32 $0x431BE2E9, s15;
	s4 =	sshra.s32 s15, $0x1F;
	[smem:$0x533] =	sst s31  }
0xfe: {  	v8 =	vnsel vm5, $0x0, v8;
	s26 =	sadd.s32 s5, s7;
	s7 =	sld [smem:$0x505];
	v7 =	vmov s9;
	s9 =	sshrl.u32 s25, $0x1F  }
0xff: {  	s4 =	smul.u32 $0x431BE2E9, s4;
	s2 =	sadd.s32 s2, s3;
	v8 =	vsel vm1, s9, v8;
	s9 =	sld [smem:$0x50B]  }
0x100: {  	[smem:$0x534] =	sst s2;
	s0 =	sadd.s32 s10, s6;
	s10 =	sshra.s32 s18, $0x1F  }
0x101: {  	s6 =	sld [smem:$0x509];
	s31 =	sadd.s32 s4, s20;
	v40 =	vmov s10;
	s20 =	sshra.s32 s23, $0x12  }
0x102: {  	v8 =	vsel vm2, s16, v8;
	s16 =	sld [smem:$0x50D];
	s23 =	sshra.s32 s23, $0x1F;
	v6 =	vsel vm5, s20, v40  }
0x103: {  	[smem:$0x535] =	sst s0;
	s0 =	sshrl.u32 s7, $0x1F;
	s10 =	sshra.s32 s25, $0x12;
	v6 =	vsel vm11, s23, v6  }
0x104: {  	s15 =	sshrl.u32 s13, $0x1F;
	v7 =	vsel vm1, s0, v7;
	v6 =	vsel vm1, s10, v6;
	s10 =	sld [smem:$0x50C]  }
0x105: {  	s3 =	sshra.s32 s8, $0x12;
	v7 =	vsel vm2, s15, v7;
	s15 =	sld [smem:$0x50A]  }
0x106: {  	s2 =	sshra.s32 s13, $0x12;
	s13 =	sshra.s32 s25, $0x1F;
	s8 =	sshrl.u32 s6, $0x1F  }
0x107: {  	s25 =	sshra.s32 s30, $0x12;
	v7 =	vsel vm3, s8, v7;
	s8 =	sld [smem:$0x50E];
	s23 =	sshrl.u32 s10, $0x1F  }
0x108: {  	v6 =	vsel vm12, s13, v6;
	s5 =	sshrl.u32 s15, $0x1F;
	s4 =	sshra.s32 s15, $0x12;
	s15 =	sshrl.u32 s16, $0x1F;
	v8 =	vsel vm3, s23, v8  }
0x109: {  	s13 =	sshra.s32 s30, $0x1F;
	v6 =	vsel vm2, s25, v6;
	v8 =	vsel vm6, s15, v8;
	s15 =	sld [smem:$0x50F]  }
0x10a: {  	s20 =	sshrl.u32 s9, $0x1F;
	v6 =	vsel vm13, s13, v6;
	s13 =	sld [smem:$0x511]  }
0x10b: {  	[smem:$0x532] =	sst s1;
	s1 =	sshra.s32 s7, $0x12;
	v9 =	vmov s20  }
0x10c: {  	v9 =	vsel vm1, s5, v9;
	s20 =	sshrl.u32 s8, $0x1F;
	s25 =	sshra.s32 s10, $0x12;
	s23 =	sshrl.u32 s15, $0x1F  }
0x10d: {  	s0 =	sshra.s32 s6, $0x12;
	s30 =	sshra.s32 s10, $0x1F;
	v9 =	vsel vm2, s20, v9;
	v6 =	vsel vm3, s25, v6;
	s20 =	sshrl.u32 s13, $0x1F;
	v8 =	vsel vm7, s23, v8  }
0x10e: {  	v42 =	vmov s3;
	s10 =	sld [smem:$0x510];
	s25 =	sshrl.u32 s18, $0x1F;
	v6 =	vsel vm14, s30, v6;
	s30 =	sshra.s32 s16, $0x12;
	v8 =	vsel vm8, s20, v8  }
0x10f: {  	v6 =	vsel vm6, s30, v6;
	s30 =	sshra.s32 s13, $0x12;
	s23 =	sshra.s32 s9, $0x12;
	s9 =	sld [smem:$0x512];
	v41 =	vsel vm4, s25, v8;
	v8 =	vsel vm1, s1, v42  }
0x110: {  	s20 =	sshra.s32 s16, $0x1F;
	v8 =	vsel vm2, s2, v8;
	s2 =	sshra.s32 s13, $0x1F;
	s13 =	sld [smem:$0x513]  }
0x111: {  	v11 =	vmov s23;
	s23 =	sshra.s32 s15, $0x12;
	v6 =	vsel vm15, s20, v6;
	s25 =	sshra.s32 s15, $0x1F;
	s15 =	sld [smem:$0x514]  }
0x112: {  	vm0 =	vcmask $0x2F2C;
	s8 =	sshra.s32 s8, $0x12;
	s7 =	sshrl.u32 s10, $0x1F;
	s20 =	sld [smem:$0x515];
	v6 =	vsel vm7, s23, v6  }
0x113: {  	s6 =	sshra.s32 s10, $0x12;
	v6 =	vsel vm0, s25, v6;
	s25 =	sld [smem:$0x516];
	s16 =	sshrl.u32 s13, $0x1F  }
0x114: {  	v11 =	vsel vm1, s4, v11;
	s4 =	sshra.s32 s18, $0x12;
	s10 =	sshrl.u32 s9, $0x1F;
	v45 =	vmov s16;
	s16 =	sld [smem:$0x518]  }
0x115: {  	v13 =	vsel vm3, s0, v8;
	s0 =	sshra.s32 s9, $0x12;
	s18 =	sshra.s32 s15, $0x1F;
	s23 =	sshrl.u32 s20, $0x1F  }
0x116: {  	vm10 =	vcmask $0x3734;
	v6 =	vsel vm8, s30, v6;
	s1 =	sshra.s32 s20, $0x12;
	s5 =	sshra.s32 s13, $0x12;
	v46 =	vsel vm1, s10, v45;
	s10 =	sld [smem:$0x517]  }
0x117: {  	v44 =	vmov s18;
	v6 =	vsel vm10, s2, v6;
	s30 =	sshra.s32 s25, $0x12;
	s9 =	sshra.s32 s25, $0x1F;
	s18 =	sshra.s32 s16, $0x12  }
0x118: {  	v15 =	vsel vm4, s4, v6;
	v6 =	vsel vm2, s23, v46;
	s20 =	sshrl.u32 s16, $0x1F;
	s23 =	sshra.s32 s16, $0x1F;
	s16 =	sld [smem:$0x51B]  }
0x119: {  	v8 =	vsel vm5, s30, v44;
	s13 =	sshrl.u32 s10, $0x1F;
	s4 =	sshra.s32 s10, $0x12;
	s10 =	sld [smem:$0x51A]  }
0x11a: {  	v43 =	vsel vm2, s8, v11;
	s8 =	sshrl.u32 s25, $0x1F;
	s25 =	sld [smem:$0x519];
	v8 =	vsel vm11, s9, v8  }
0x11b: {  	v12 =	vsel vm1, s18, v8;
	s18 =	sshra.s32 s16, $0x12  }
0x11c: {  	v48 =	vsel vm3, s13, v6;
	v49 =	vsel vm12, s23, v12;
	s13 =	sshrl.u32 s10, $0x1F;
	s2 =	sshra.s32 s10, $0x12;
	s10 =	sld [smem:$0x51C]  }
0x11d: {  	s30 =	sshrl.u32 s25, $0x1F;
	v6 =	vsel vm2, s18, v49;
	s18 =	sld [smem:$0x51E];
	v50 =	vmov s13  }
0x11e: {  	v47 =	vmov s8;
	v12 =	vsel vm1, s30, v50;
	s30 =	sld [smem:$0x51D]  }
0x11f: {  	v11 =	vnsel vm5, $0x0, v47;
	s23 =	sshra.s32 s16, $0x1F  }
0x120: {  	v16 =	vsel vm3, s6, v43;
	s6 =	sshra.s32 s25, $0x12;
	v11 =	vsel vm1, s20, v11;
	s20 =	sshrl.u32 s16, $0x1F;
	v6 =	vsel vm13, s23, v6;
	s23 =	sld [smem:$0x51F]  }
0x121: {  	v11 =	vsel vm2, s20, v11;
	s25 =	sshrl.u32 s10, $0x1F;
	s20 =	sshrl.u32 s18, $0x1F;
	s8 =	sshrl.u32 s30, $0x1F  }
0x122: {  	v12 =	vsel vm2, s25, v12;
	s13 =	sshra.s32 s30, $0x12;
	s16 =	sshra.s32 s30, $0x1F;
	s30 =	sld [smem:$0x520]  }
0x123: {  	v12 =	vsel vm3, s20, v12;
	s20 =	sld [smem:$0x521]  }
0x124: {  	v10 =	vsel vm3, s7, v9;
	s3 =	sshra.s32 s10, $0x12;
	s7 =	sshra.s32 s18, $0x12;
	v6 =	vsel vm3, s13, v6  }
0x125: {  	s25 =	sshrl.u32 s23, $0x1F;
	s18 =	sshra.s32 s23, $0x1F;
	v11 =	vsel vm3, s8, v11;
	v6 =	vsel vm14, s16, v6;
	s16 =	sshra.s32 s23, $0x12  }
0x126: {  	v14 =	vmov s5;
	v11 =	vsel vm6, s25, v11;
	s8 =	sshrl.u32 s30, $0x1F;
	v6 =	vsel vm6, s16, v6;
	s23 =	sshrl.u32 s20, $0x1F;
	s25 =	sshra.s32 s30, $0x12  }
0x127: {  	v17 =	vsel vm1, s0, v14;
	s13 =	sshra.s32 s20, $0x12;
	s16 =	sshra.s32 s20, $0x1F;
	s20 =	sld [smem:$0x522];
	v11 =	vsel vm7, s8, v11;
	v6 =	vsel vm15, s18, v6  }
0x128: {  	v52 =	vmov s2;
	s10 =	sshrl.u32 s15, $0x1F;
	s30 =	sshra.s32 s30, $0x1F;
	v11 =	vsel vm8, s23, v11;
	v6 =	vsel vm7, s25, v6;
	s25 =	sld [smem:$0x523]  }
0x129: {  	v14 =	vsel vm4, s10, v11;
	v6 =	vsel vm0, s30, v6;
	v11 =	vsel vm1, s6, v52;
	s6 =	sld [smem:$0x524]  }
0x12a: {  	s18 =	sshra.s32 s15, $0x12;
	s23 =	sshrl.u32 s20, $0x1F;
	v6 =	vsel vm8, s13, v6;
	s13 =	sld [smem:$0x525]  }
0x12b: {  	v20 =	vld [tilespmem:$0x50];
	s2 =	sshra.s32 s20, $0x12;
	s30 =	sshrl.u32 s25, $0x1F;
	v6 =	vsel vm10, s16, v6;
	s16 =	sld [smem:$0x526]  }
0x12c: {  	v21 =	vld [tilespmem:$0x4F];
	v51 =	vsel vm2, s1, v17;
	s1 =	sshra.s32 s25, $0x12;
	s25 =	sld [smem:$0x528];
	s10 =	sshrl.u32 s6, $0x1F  }
0x12d: {  	v18 =	vmov s30;
	s5 =	sshra.s32 s6, $0x12;
	v53 =	vsel vm4, s18, v6;
	s18 =	sld [smem:$0x527];
	s15 =	sshrl.u32 s13, $0x1F  }
0x12e: {  	v22 =	vsel vm1, s23, v18;
	s0 =	sshra.s32 s13, $0x12;
	s23 =	sshra.s32 s17, $0x1F;
	s13 =	sshrl.u32 s16, $0x1F  }
0x12f: {  	v17 =	vsel vm3, s4, v51;
	v54 =	vsel vm2, s10, v22;
	s4 =	sshra.s32 s16, $0x12;
	s30 =	sshrl.u32 s25, $0x1F;
	s16 =	sld [smem:$0x52A]  }
0x130: {  	v20 =	vmul.u32 $0x8DD9, v20;
	v11 =	vsel vm2, s3, v11;
	s6 =	sshra.s32 s25, $0x12;
	s20 =	sshrl.u32 s18, $0x1F;
	v55 =	vsel vm3, s15, v54;
	s15 =	sld [smem:$0x529]  }
0x131: {  	v21 =	vmul.u32 $0x6A37, v21;
	v19 =	vsel vm3, s7, v11;
	s10 =	sshra.s32 s18, $0x12;
	s9 =	sshra.s32 s18, $0x1F;
	v23 =	vmov s30;
	s18 =	sld [smem:$0x52B]  }
0x132: {  	v30 =	vmov s1;
	v58 =	vmov s23;
	s30 =	sshrl.u32 s28, $0x1F;
	v61 =	vsel vm1, s13, v23;
	s13 =	sld [smem:$0x531];
	s3 =	sshrl.u32 s16, $0x1F  }
0x133: {  	v33 =	vsel vm1, s2, v30;
	v57 =	vmov s20;
	v22 =	vsel vm5, s10, v58;
	s10 =	sshra.s32 s16, $0x12;
	s16 =	sshra.s32 s24, $0x12;
	s7 =	sshrl.u32 s15, $0x1F  }
0x134: {  	v35 =	vmov s6;
	v22 =	vsel vm11, s9, v22;
	v6 =	vnsel vm5, $0x0, v57;
	s8 =	sshra.s32 s15, $0x12;
	s20 =	sshrl.u32 s18, $0x1F;
	s23 =	sshra.s32 s18, $0x12  }
0x135: {  	s25 =	sshra.s32 s18, $0x1F;
	s15 =	sshra.s32 s28, $0x12;
	s18 =	sshra.s32 s28, $0x1F;
	v24 =	vsel vm1, s20, v6;
	v22 =	vsel vm1, s23, v22;
	v6 =	vxor.u32 v20, v21  }
0x136: {  	s28 =	sshrl.u32 s21, $0x1F;
	s20 =	sshrl.u32 s29, $0x1F;
	s23 =	sshra.s32 s29, $0x12;
	v59 =	vsel vm2, s30, v24;
	v60 =	vsel vm12, s25, v22;
	(v2sf) =	vpush v6, $0xD  }
0x137: {  	s25 =	sshra.s32 s29, $0x1F;
	s30 =	sshrl.u32 s24, $0x1F;
	v22 =	vsel vm2, s7, v61;
	s29 =	sshra.s32 s21, $0x12;
	v20 =	vsel vm3, s20, v59;
	v21 =	vsel vm2, s15, v60  }
0x138: {  	s20 =	sshra.s32 s24, $0x1F;
	v63 =	vsel vm3, s3, v22;
	s24 =	sshrl.u32 s17, $0x1F;
	v22 =	vsel vm2, s5, v33;
	s5 =	sld [smem:$0x530];
	v20 =	vsel vm6, s30, v20  }
0x139: {  	v24 =	vsel vm1, s4, v35;
	s15 =	sshra.s32 s17, $0x12;
	s3 =	sshra.s32 s22, $0x12;
	v21 =	vsel vm13, s18, v21;
	v62 =	vsel vm7, s28, v20;
	s28 =	sld [smem:$0x52D]  }
0x13a: {  	(v2sf) =	vpush v6, $0xC;
	v25 =	vsel vm2, s8, v24;
	s8 =	sshrl.u32 s14, $0x1F;
	s30 =	sshra.s32 s21, $0x1F;
	s21 =	sshrl.u32 s19, $0x1F;
	v21 =	vsel vm3, s23, v21  }
0x13b: {  	s23 =	sshra.s32 s19, $0x12;
	s19 =	sshra.s32 s19, $0x1F;
	v29 =	vsel vm8, s21, v62;
	v21 =	vsel vm14, s25, v21;
	s25 =	sld [smem:$0x52C]  }
0x13c: {  	(v2sf) =	vpush v6, $0xE;
	s6 =	sshra.s32 s5, $0x12;
	v31 =	vsel vm6, s16, v21;
	v32 =	vsel vm4, s24, v29;
	s24 =	sshrl.u32 s13, $0x1F;
	s16 =	sshrl.u32 s28, $0x1F  }
0x13d: {  	(v2sf) =	vpush v6, $0xF;
	v34 =	vsel vm15, s20, v31;
	s9 =	sshra.s32 s28, $0x12;
	s20 =	sshrl.u32 s22, $0x1F;
	s22 =	sshrl.u32 s5, $0x1F  }
0x13e: {  	s28 =	sshrl.u32 s12, $0x1F;
	s5 =	sshra.s32 s13, $0x12;
	v23 =	vsel vm7, s29, v34;
	s29 =	sld [smem:$0x52E]  }
0x13f: {  	v7 =	vcombine.low v10, v7;
	s13 =	sshra.s32 s14, $0x1F;
	s17 =	sshrl.u32 s25, $0x1F;
	s1 =	sshra.s32 s25, $0x12  }
0x140: {  	v38 =	vmov s16;
	s16 =	sshrl.u32 s26, $0x1F;
	v27 =	vmov s22;
	s22 =	sshra.s32 s12, $0x12;
	v23 =	vsel vm0, s30, v23;
	s30 =	sld [smem:$0x52F]  }
0x141: {  	v7 =	vperm.xlane v7, v56;
	(v2sf) =	vpush v6, $0x9;
	v23 =	vsel vm8, s23, v23;
	s23 =	sshrl.u32 s11, $0x1F;
	s21 =	sshrl.u32 s29, $0x1F;
	s2 =	sshra.s32 s29, $0x12  }
0x142: {  	v9 =	vperm.xlane v41, v1;
	s29 =	sld [smem:$0x532];
	v37 =	vsel vm10, s19, v23;
	v26 =	vmov s23;
	s19 =	smov.u32 s26;
	s23 =	sshra.s32 s11, $0x12  }
0x143: {  	v36 =	vsel vm3, s0, v22;
	(v2sf) =	vpush v6, $0x8;
	s18 =	sshrl.u32 s30, $0x1F;
	s7 =	sshra.s32 s30, $0x12;
	s30 =	sld [smem:$0x533];
	v26 =	vnsel vm5, $0x0, v26  }
0x144: {  	v23 =	vsel vm1, s17, v38;
	s26 =	sshra.s32 s31, $0x1F;
	v22 =	vsel vm4, s15, v37;
	s15 =	sshra.s32 s11, $0x1F;
	v26 =	vsel vm1, s28, v26;
	s28 =	sld [smem:$0x535]  }
0x145: {  	v13 =	vcombine.low v16, v13;
	(v2sf) =	vpush v6, $0xA;
	v23 =	vsel vm2, s20, v23;
	s25 =	sshrl.u32 s29, $0x1F;
	s4 =	sshra.s32 s29, $0x12;
	s29 =	sld [smem:$0x534]  }
0x146: {  	v25 =	vsel vm3, s10, v25;
	v23 =	vsel vm3, s21, v23;
	s21 =	sshra.s32 s12, $0x1F;
	v26 =	vsel vm2, s8, v26;
	s8 =	sshra.s32 s14, $0x12;
	s10 =	sshrl.u32 s30, $0x1F  }
0x147: {  	v7 =	vsel vm9, v9, v7;
	(v2sf) =	vpush v6, $0xB;
	s20 =	sshra.s32 s30, $0x12;
	s14 =	sshra.s32 s30, $0x1F;
	s11 =	sshrl.u32 s28, $0x1F  }
0x148: {  	v13 =	vperm.xlane v13, v56;
	v15 =	vperm.xlane v15, v1;
	v26 =	vsel vm3, s10, v26;
	s12 =	spop (v2sf);
	s10 =	sshra.s32 s28, $0x1F;
	s17 =	sshrl.u32 s29, $0x1F  }
0x149: {  	(v2sf) =	vpush v6, $0x0;
	v27 =	vsel vm1, s18, v27;
	v26 =	vsel vm6, s16, v26;
	s16 =	smulhi.u32 $0x431BE2E9, s12;
	s0 =	sshra.s32 s12, $0x1F;
	s18 =	spop (v2sf)  }
0x14a: {  	v41 =	vsel vm9, v15, v13;
	(v2sf) =	vpush v6, $0x1;
	v26 =	vsel vm7, s17, v26;
	s17 =	sshra.s32 s19, $0x12;
	s0 =	smul.u32 $0x431BE2E9, s0;
	s19 =	sshra.s32 s19, $0x1F  }
0x14b: {  	v7 =	vadd.s32 v7, v41;
	(v2sf) =	vpush v6, $0x2;
	v27 =	vsel vm2, s24, v27;
	s24 =	smulhi.u32 $0x431BE2E9, s18;
	s12 =	sshra.s32 s18, $0x1F;
	s30 =	spop (v2sf)  }
0x14c: {  	v40 =	vmov s9;
	(v2sf) =	vpush v6, $0x3;
	v39 =	vsel vm3, s25, v27;
	s25 =	smul.u32 $0x431BE2E9, s12;
	s12 =	sshra.s32 s28, $0x12;
	s28 =	spop (v2sf)  }
0x14d: {  	v42 =	vmov s26;
	(v2sf) =	vpush v6, $0x4;
	s18 =	sshra.s32 s29, $0x12;
	v26 =	vsel vm8, s11, v26;
	s11 =	sshra.s32 s31, $0x12;
	s26 =	smulhi.u32 $0x431BE2E9, s28  }
0x14e: {  	v0 =	vld [tilespmem:$0x1FFF0];
	v7 =	vmul.u32 $0xF423F, v7;
	v16 =	vsel vm1, s1, v40;
	(v2sf) =	vpush v6, $0x5;
	s9 =	sshra.s32 s28, $0x1F;
	s1 =	sadd.s32 s25, s24;
	s25 =	smulhi.u32 $0x431BE2E9, s30  }
0x14f: {  	v43 =	vsel vm5, s23, v42;
	(v2sf) =	vpush v6, $0x6;
	s0 =	sadd.s32 s0, s16;
	s24 =	sshra.s32 s30, $0x1F;
	s23 =	smul.u32 $0x431BE2E9, s9  }
0x150: {  	v3 =	vsub.s32 v3, v7;
	(v2sf) =	vpush v6, $0x7;
	s16 =	sshra.s32 s29, $0x1F;
	s30 =	spop (v2sf);
	s24 =	smul.u32 $0x431BE2E9, s24  }
0x151: {  	v14 =	vperm.xlane v14, v1;
	v51 =	vperm.xlane v53, v1;
	v9 =	vsel vm11, s15, v43;
	s29 =	sshrl.u32 s31, $0x1F;
	s28 =	smulhi.u32 $0x431BE2E9, s30;
	s31 =	sshra.s32 s30, $0x1F  }
0x152: {  	v45 =	vsel vm2, s3, v16;
	v46 =	vsel vm1, s22, v9;
	v44 =	vsel vm4, s29, v26;
	s9 =	sshrl.u32 s0, $0x1F;
	s29 =	spop (v2sf);
	s22 =	smul.u32 $0x431BE2E9, s31  }
0x153: {  	vm10 =	vnez.u8 v0;
	v15 =	vsel vm3, s2, v45;
	v7 =	vsel vm12, s21, v46;
	s15 =	sshrl.u32 s1, $0x1F;
	s21 =	smulhi.u32 $0x431BE2E9, s29;
	s3 =	sshra.s32 s29, $0x1F  }
0x154: {  	v47 =	vsel vm10, $0xF423F, v3;
	v3 =	vcombine.low v12, v48;
	v48 =	vcombine.low v19, v17;
	s30 =	spop (v2sf);
	s2 =	sadd.s32 s24, s25;
	s24 =	smul.u32 $0x431BE2E9, s3  }
0x155: {  	v55 =	vcombine.low v63, v55;
	v49 =	vmov s6;
	v7 =	vsel vm2, s8, v7;
	s3 =	sadd.s32 s23, s26;
	s23 =	smulhi.u32 $0x431BE2E9, s30;
	s6 =	sshra.s32 s30, $0x1F  }
0x156: {  	v3 =	vperm.xlane v3, v56;
	v8 =	vperm.xlane v48, v56;
	v7 =	vsel vm13, s13, v7;
	s1 =	sshra.s32 s1, $0x12;
	s31 =	spop (v2sf);
	s25 =	smul.u32 $0x431BE2E9, s6  }
0x157: {  	v57 =	vcombine.low v25, v36;
	v61 =	vperm.xlane v32, v1;
	v7 =	vsel vm3, s20, v7;
	s8 =	sshrl.u32 s2, $0x1F;
	s20 =	smulhi.u32 $0x431BE2E9, s31;
	s29 =	sshra.s32 s31, $0x1F  }
0x158: {  	v3 =	vsel vm9, v14, v3;
	v8 =	vsel vm9, v51, v8;
	v7 =	vsel vm14, s14, v7;
	s6 =	sadd.s32 s22, s28;
	s30 =	spop (v2sf);
	s22 =	smul.u32 $0x431BE2E9, s29  }
0x159: {  	vm10 =	vmmov vm0;
	v8 =	vadd.s32 v3, v8;
	v3 =	vsel vm6, s17, v7;
	s17 =	smulhi.u32 $0x431BE2E9, s30;
	s31 =	sshra.s32 s30, $0x1F;
	s29 =	spop (v2sf)  }
0x15a: {  	v50 =	vshrl.u32 v47, $0x2;
	v12 =	vsel vm1, s7, v49;
	v7 =	vsel vm15, s19, v3;
	s7 =	sadd.s32 s24, s21;
	s19 =	smul.u32 $0x431BE2E9, s31;
	s30 =	spop (v2sf)  }
0x15b: {  	v52 =	vand.u32 $0x1FFF, v47;
	v62 =	vperm.xlane v22, v1;
	v53 =	vsel vm7, s18, v7;
	s18 =	smulhi.u32 $0x431BE2E9, s29;
	s31 =	sshra.s32 s29, $0x1F;
	s26 =	spop (v2sf)  }
0x15c: {  	v16 =	vand.u32 $0x3FFFE000, v50;
	v12 =	vsel vm2, s5, v12;
	v9 =	vshrl.u32 v47, $0xD;
	s5 =	sadd.s32 s25, s23;
	s28 =	smul.u32 $0x431BE2E9, s31;
	s24 =	spop (v2sf)  }
0x15d: {  	v58 =	vsel vm3, s4, v12;
	v54 =	vand.u32 $0x3, v9;
	v9 =	vperm.xlane v57, v56;
	s25 =	smulhi.u32 $0x431BE2E9, s30;
	s29 =	sshra.s32 s30, $0x1F;
	s21 =	spop (v2sf)  }
0x15e: {  	v10 =	vcombine.low v39, v23;
	v8 =	vmul.u32 $0xF423F, v8;
	v59 =	vsel vm0, s16, v53;
	s4 =	sadd.s32 s22, s20;
	s30 =	smul.u32 $0x431BE2E9, s29;
	s16 =	spop (v2sf)  }
0x15f: {  	v11 =	vcombine.low v58, v15;
	v9 =	vsel vm9, v62, v9;
	v12 =	vsel vm8, s12, v59;
	s12 =	sadd.s32 s19, s17;
	s31 =	smulhi.u32 $0x431BE2E9, s26;
	s22 =	spop (v2sf)  }
0x160: {  	v18 =	vperm.xlane v10, v56;
	v2 =	vsub.s32 v2, v8;
	v8 =	vperm.xlane v55, v56;
	s18 =	sadd.s32 s28, s18;
	s28 =	smulhi.u32 $0x431BE2E9, s22;
	s19 =	sshra.s32 s22, $0x1F  }
0x161: {  	v11 =	vperm.xlane v11, v56;
	v60 =	vshrl.u32 v2, $0x2;
	v63 =	vand.u32 $0x1FFF, v2;
	s13 =	sshrl.u32 s3, $0x1F;
	s29 =	sshra.s32 s26, $0x1F;
	s19 =	smul.u32 $0x431BE2E9, s19  }
0x162: {  	v2 =	vshrl.u32 v2, $0xD;
	v8 =	vsel vm9, v61, v8;
	vm0 =	vcmask $0x3734;
	s14 =	sshrl.u32 s6, $0x1F;
	s23 =	sshrl.u32 s7, $0x1F;
	s26 =	smul.u32 $0x431BE2E9, s29  }
0x163: {  	v3 =	vor.u32 v52, v16;
	v8 =	vadd.s32 v8, v9;
	v12 =	vsel vm0, s10, v12;
	s20 =	sadd.s32 s30, s25;
	s25 =	sshrl.u32 s5, $0x1F;
	s10 =	sadd.s32 s19, s28  }
0x164: {  	v20 =	vperm.xlane v44, v1;
	v21 =	vmov s15;
	v8 =	vmul.u32 $0xF423F, v8;
	s30 =	sshrl.u32 s12, $0x1F;
	s17 =	sadd.s32 s26, s31;
	s22 =	sshra.s32 s10, $0x1F  }
0x165: {  	v27 =	vmov s1;
	v22 =	vsel vm1, s9, v21;
	s9 =	smulhi.u32 $0x431BE2E9, s24;
	s24 =	sshra.s32 s24, $0x1F;
	s31 =	sshra.s32 s12, $0x12;
	v23 =	vmov s22  }
0x166: {  	v9 =	vsel vm9, v20, v18;
	v5 =	vsub.s32 v5, v8;
	s15 =	sshrl.u32 s18, $0x1F;
	s12 =	sshra.s32 s12, $0x1F;
	s24 =	smul.u32 $0x431BE2E9, s24;
	v24 =	vsel vm5, s31, v23  }
0x167: {  	v19 =	vsel vm4, s11, v12;
	v25 =	vmov s30;
	s26 =	smulhi.u32 $0x431BE2E9, s21;
	s21 =	sshra.s32 s21, $0x1F;
	s28 =	sshra.s32 s18, $0x12;
	v12 =	vsel vm11, s12, v24  }
0x168: {  	v8 =	vsel vm2, s8, v22;
	s30 =	sshra.s32 s18, $0x1F;
	v13 =	vnsel vm5, $0x0, v25;
	s29 =	sshrl.u32 s17, $0x1F;
	s21 =	smul.u32 $0x431BE2E9, s21;
	v12 =	vsel vm1, s28, v12  }
0x169: {  	v8 =	vsel vm3, s13, v8;
	v13 =	vsel vm1, s15, v13;
	s9 =	sadd.s32 s24, s9;
	s18 =	sshra.s32 s20, $0x12;
	s22 =	sshrl.u32 s20, $0x1F;
	v12 =	vsel vm12, s30, v12  }
0x16a: {  	v26 =	vmov s23;
	s31 =	smulhi.u32 $0x431BE2E9, s16;
	s16 =	sshra.s32 s16, $0x1F;
	v13 =	vsel vm2, s22, v13;
	s22 =	sshra.s32 s20, $0x1F;
	v12 =	vsel vm2, s18, v12  }
0x16b: {  	v10 =	vperm.xlane v19, v1;
	v15 =	vsel vm1, s14, v26;
	s24 =	sadd.s32 s21, s26;
	s26 =	sshra.s32 s17, $0x12;
	s15 =	smul.u32 $0x431BE2E9, s16;
	v12 =	vsel vm13, s22, v12  }
0x16c: {  	s7 =	sshra.s32 s7, $0x12;
	s11 =	sshrl.u32 s4, $0x1F;
	v15 =	vsel vm2, s25, v15;
	v13 =	vsel vm3, s29, v13;
	s29 =	sshra.s32 s17, $0x1F;
	v12 =	vsel vm3, s26, v12  }
0x16d: {  	s0 =	sshra.s32 s0, $0x12;
	v28 =	vmov s7;
	v15 =	vsel vm3, s11, v15;
	s13 =	sadd.s32 s15, s31;
	s31 =	sshra.s32 s9, $0x12;
	v12 =	vsel vm14, s29, v12  }
0x16e: {  	v8 =	vcombine.low v15, v8;
	v15 =	vsel vm1, s0, v27;
	s23 =	sshrl.u32 s9, $0x1F;
	s12 =	sshra.s32 s9, $0x1F;
	s17 =	sshra.s32 s2, $0x12;
	v12 =	vsel vm6, s31, v12  }
0x16f: {  	s16 =	sshra.s32 s24, $0x12;
	v13 =	vsel vm6, s23, v13;
	s28 =	sshrl.u32 s24, $0x1F;
	v15 =	vsel vm2, s17, v15;
	s15 =	sshra.s32 s6, $0x12;
	v12 =	vsel vm15, s12, v12  }
0x170: {  	s19 =	sshra.s32 s24, $0x1F;
	s20 =	sshra.s32 s3, $0x12;
	v13 =	vsel vm7, s28, v13;
	v16 =	vsel vm1, s15, v28;
	s18 =	sshra.s32 s5, $0x12;
	v12 =	vsel vm7, s16, v12  }
0x171: {  	s21 =	sshra.s32 s4, $0x12;
	v15 =	vsel vm3, s20, v15;
	s30 =	sshrl.u32 s13, $0x1F;
	v16 =	vsel vm2, s18, v16;
	s22 =	sshra.s32 s13, $0x12;
	v12 =	vsel vm10, s19, v12  }
0x172: {  	s23 =	sshrl.u32 s10, $0x1F;
	s24 =	sshra.s32 s13, $0x1F;
	v13 =	vsel vm8, s30, v13;
	v16 =	vsel vm3, s21, v16;
	v12 =	vsel vm8, s22, v12  }
0x173: {  	s25 =	sshra.s32 s10, $0x12;
	v13 =	vsel vm4, s23, v13;
	v15 =	vcombine.low v16, v15;
	v12 =	vsel vm0, s24, v12  }
0x174: {  	v8 =	vperm.xlane v8, v56;
	v13 =	vperm.xlane v13, v1;
	v12 =	vsel vm4, s25, v12  }
0x175: {  	v10 =	vsel vm9, v10, v11;
	v29 =	vperm.xlane v15, v56;
	v12 =	vperm.xlane v12, v1  }
0x176: {  	v2 =	vand.u32 $0x3, v2;
	v9 =	vadd.s32 v9, v10  }
0x177: {  	[tilespmem:$0x280] =	vst v3;
	v3 =	vmul.u32 $0xF423F, v9;
	v8 =	vsel vm9, v13, v8;
	v31 =	vsel vm9, v12, v29  }
0x178: {  	v30 =	vshrl.u32 v5, $0x2;
	v33 =	vand.u32 $0x1FFF, v5;
	v8 =	vadd.s32 v8, v31  }
0x179: {  	v32 =	vand.u32 $0x3FFFE000, v30;
	v3 =	vsub.s32 v4, v3;
	v34 =	vmul.u32 $0xF423F, v8  }
0x17a: {  	[tilespmem:$0x490] =	vst v2;
	v2 =	vor.u32 v33, v32;
	v35 =	vshrl.u32 v3, $0x2  }
0x17b: {  	[tilespmem:$0x2A0] =	vst v2;
	v36 =	vand.u32 $0x1FFF, v3;
	v2 =	vand.u32 $0x3FFFE000, v35;
	v4 =	vsub.s32 v6, v34  }
0x17c: {  	v3 =	vshrl.u32 v3, $0xD;
	v2 =	vor.u32 v36, v2;
	v37 =	vshrl.u32 v4, $0x2  }
0x17d: {  	[tilespmem:$0x2B0] =	vst v2;
	v2 =	vand.u32 $0x3, v3;
	v38 =	vand.u32 $0x1FFF, v4;
	v3 =	vand.u32 $0x3FFFE000, v37  }
0x17e: {  	[tilespmem:$0x4B0] =	vst v2;
	v2 =	vor.u32 v38, v3;
	v3 =	vshrl.u32 v4, $0xD  }
0x17f: {  	[tilespmem:$0x2C0] =	vst v2;
	v2 =	vand.u32 $0x3, v3;
	v3 =	vld [tilespmem:$0x5F]  }
0x180: {  	[tilespmem:$0x4C0] =	vst v2;
	v2 =	vld [tilespmem:$0x60];
	_ =	sdelay $0x4  }
0x181: {  	v3 =	vmul.u32 $0x6A37, v3;
	v2 =	vmul.u32 $0x8DD9, v2;
	_ =	sdelay $0x1  }
0x182: {  	v4 =	vxor.u32 v2, v3  }
0x183: {  	(v2sf) =	vpush v4, $0xD;
	_ =	sdelay $0x1  }
0x184: {  	(v2sf) =	vpush v4, $0xC;
	_ =	sdelay $0x1  }
0x185: {  	(v2sf) =	vpush v4, $0xE;
	_ =	sdelay $0x1  }
0x186: {  	(v2sf) =	vpush v4, $0xF;
	_ =	sdelay $0x1  }
0x187: {  	(v2sf) =	vpush v4, $0x9;
	_ =	sdelay $0x1  }
0x188: {  	(v2sf) =	vpush v4, $0x8;
	_ =	sdelay $0x1  }
0x189: {  	(v2sf) =	vpush v4, $0xA;
	_ =	sdelay $0x1  }
0x18a: {  	(v2sf) =	vpush v4, $0xB  }
0x18b: {  	s26 =	spop (v2sf)  }
0x18c: {  	(v2sf) =	vpush v4, $0x0;
	s28 =	smulhi.u32 $0x431BE2E9, s26;
	s0 =	sshra.s32 s26, $0x1F  }
0x18d: {  	s29 =	spop (v2sf);
	s15 =	smul.u32 $0x431BE2E9, s0  }
0x18e: {  	(v2sf) =	vpush v4, $0x1;
	s14 =	smulhi.u32 $0x431BE2E9, s29;
	s0 =	sshra.s32 s29, $0x1F  }
0x18f: {  	s30 =	spop (v2sf);
	s17 =	smul.u32 $0x431BE2E9, s0  }
0x190: {  	(v2sf) =	vpush v4, $0x2;
	s16 =	smulhi.u32 $0x431BE2E9, s30;
	s0 =	sshra.s32 s30, $0x1F  }
0x191: {  	s31 =	spop (v2sf);
	s19 =	smul.u32 $0x431BE2E9, s0  }
0x192: {  	(v2sf) =	vpush v4, $0x3;
	s18 =	smulhi.u32 $0x431BE2E9, s31;
	s0 =	sshra.s32 s31, $0x1F  }
0x193: {  	s1 =	spop (v2sf);
	s21 =	smul.u32 $0x431BE2E9, s0  }
0x194: {  	v2 =	vld [tilespmem:$0x70];
	(v2sf) =	vpush v4, $0x4;
	s20 =	smulhi.u32 $0x431BE2E9, s1;
	s0 =	sshra.s32 s1, $0x1F  }
0x195: {  	v3 =	vld [tilespmem:$0x6F];
	s2 =	spop (v2sf);
	s23 =	smul.u32 $0x431BE2E9, s0  }
0x196: {  	(v2sf) =	vpush v4, $0x5;
	s22 =	smulhi.u32 $0x431BE2E9, s2;
	s0 =	sshra.s32 s2, $0x1F  }
0x197: {  	s3 =	spop (v2sf);
	s25 =	smul.u32 $0x431BE2E9, s0  }
0x198: {  	(v2sf) =	vpush v4, $0x6;
	s24 =	smulhi.u32 $0x431BE2E9, s3;
	s0 =	sshra.s32 s3, $0x1F  }
0x199: {  	s4 =	spop (v2sf);
	s26 =	smul.u32 $0x431BE2E9, s0  }
0x19a: {  	v2 =	vmul.u32 $0x8DD9, v2;
	v3 =	vmul.u32 $0x6A37, v3;
	[smem:$0x536] =	sst s28;
	(v2sf) =	vpush v4, $0x7;
	s28 =	smulhi.u32 $0x431BE2E9, s4;
	s0 =	sshra.s32 s4, $0x1F  }
0x19b: {  	s5 =	spop (v2sf);
	s30 =	smul.u32 $0x431BE2E9, s0  }
0x19c: {  	v3 =	vxor.u32 v2, v3;
	s29 =	smulhi.u32 $0x431BE2E9, s5;
	s0 =	sshra.s32 s5, $0x1F  }
0x19d: {  	(v2sf) =	vpush v3, $0xD;
	s9 =	smul.u32 $0x431BE2E9, s0;
	s6 =	spop (v2sf)  }
0x19e: {  	s31 =	smulhi.u32 $0x431BE2E9, s6;
	s0 =	sshra.s32 s6, $0x1F  }
0x19f: {  	s7 =	spop (v2sf);
	s2 =	smul.u32 $0x431BE2E9, s0  }
0x1a0: {  	(v2sf) =	vpush v3, $0xC;
	s8 =	smulhi.u32 $0x431BE2E9, s7;
	s0 =	sshra.s32 s7, $0x1F  }
0x1a1: {  	s10 =	spop (v2sf);
	s4 =	smul.u32 $0x431BE2E9, s0  }
0x1a2: {  	(v2sf) =	vpush v3, $0xE;
	s11 =	smulhi.u32 $0x431BE2E9, s10;
	s0 =	sshra.s32 s10, $0x1F  }
0x1a3: {  	s12 =	spop (v2sf);
	s1 =	smul.u32 $0x431BE2E9, s0  }
0x1a4: {  	(v2sf) =	vpush v3, $0xF;
	s13 =	smulhi.u32 $0x431BE2E9, s12;
	s0 =	sshra.s32 s12, $0x1F  }
0x1a5: {  	s3 =	spop (v2sf);
	s10 =	smul.u32 $0x431BE2E9, s0  }
0x1a6: {  	[smem:$0x537] =	sst s8;
	s5 =	smulhi.u32 $0x431BE2E9, s3;
	s0 =	sshra.s32 s3, $0x1F  }
0x1a7: {  	(v2sf) =	vpush v3, $0x9;
	s6 =	spop (v2sf);
	s7 =	smul.u32 $0x431BE2E9, s0  }
0x1a8: {  	[smem:$0x538] =	sst s11;
	s8 =	smulhi.u32 $0x431BE2E9, s6;
	s0 =	sshra.s32 s6, $0x1F  }
0x1a9: {  	s11 =	spop (v2sf);
	s3 =	smul.u32 $0x431BE2E9, s0  }
0x1aa: {  	s12 =	smulhi.u32 $0x431BE2E9, s11;
	s0 =	sshra.s32 s11, $0x1F  }
0x1ab: {  	[smem:$0x539] =	sst s13;
	s0 =	smul.u32 $0x431BE2E9, s0  }
0x1ac: {  	(v2sf) =	vpush v3, $0x8;
	s13 =	spop (v2sf);
	[smem:$0x53A] =	sst s8  }
0x1ad: {  	(v2sf) =	vpush v3, $0xA;
	s8 =	smulhi.u32 $0x431BE2E9, s13;
	[smem:$0x53C] =	sst s0;
	s0 =	sshra.s32 s13, $0x1F  }
0x1ae: {  	s0 =	smul.u32 $0x431BE2E9, s0  }
0x1af: {  	[smem:$0x53B] =	sst s12;
	s11 =	spop (v2sf)  }
0x1b0: {  	[smem:$0x53E] =	sst s0;
	s12 =	smulhi.u32 $0x431BE2E9, s11;
	s0 =	sshra.s32 s11, $0x1F  }
0x1b1: {  	s13 =	spop (v2sf);
	s0 =	smul.u32 $0x431BE2E9, s0  }
0x1b2: {  	(v2sf) =	vpush v3, $0xB;
	[smem:$0x53D] =	sst s8;
	s8 =	smulhi.u32 $0x431BE2E9, s13  }
0x1b3: {  	(v2sf) =	vpush v3, $0x0;
	s11 =	spop (v2sf);
	[smem:$0x53F] =	sst s12  }
0x1b4: {  	s12 =	smulhi.u32 $0x431BE2E9, s11;
	[smem:$0x540] =	sst s0;
	s0 =	sshra.s32 s13, $0x1F  }
0x1b5: {  	s0 =	smul.u32 $0x431BE2E9, s0  }
0x1b6: {  	(v2sf) =	vpush v3, $0x1;
	[smem:$0x541] =	sst s8;
	s13 =	spop (v2sf)  }
0x1b7: {  	s8 =	smulhi.u32 $0x431BE2E9, s13;
	[smem:$0x542] =	sst s0;
	s0 =	sshra.s32 s11, $0x1F  }
0x1b8: {  	(v2sf) =	vpush v3, $0x2;
	[smem:$0x543] =	sst s12;
	s0 =	smul.u32 $0x431BE2E9, s0  }
0x1b9: {  	[smem:$0x545] =	sst s8  }
0x1ba: {  	[smem:$0x544] =	sst s0;
	s0 =	sshra.s32 s13, $0x1F  }
0x1bb: {  	s11 =	spop (v2sf);
	s0 =	smul.u32 $0x431BE2E9, s0  }
0x1bc: {  	(v2sf) =	vpush v3, $0x3;
	s12 =	smulhi.u32 $0x431BE2E9, s11;
	s13 =	spop (v2sf)  }
0x1bd: {  	s8 =	smulhi.u32 $0x431BE2E9, s13;
	[smem:$0x546] =	sst s0;
	s0 =	sshra.s32 s11, $0x1F  }
0x1be: {  	(v2sf) =	vpush v3, $0x4;
	[smem:$0x547] =	sst s12;
	s0 =	smul.u32 $0x431BE2E9, s0  }
0x1bf: {  	[smem:$0x549] =	sst s8  }
0x1c0: {  	(v2sf) =	vpush v3, $0x5;
	[smem:$0x548] =	sst s0;
	s0 =	sshra.s32 s13, $0x1F  }
0x1c1: {  	s11 =	spop (v2sf);
	s0 =	smul.u32 $0x431BE2E9, s0  }
0x1c2: {  	s12 =	smulhi.u32 $0x431BE2E9, s11;
	s13 =	spop (v2sf)  }
0x1c3: {  	v39 =	vld [tilespmem:$0x7F];
	s8 =	smulhi.u32 $0x431BE2E9, s13;
	[smem:$0x54A] =	sst s0;
	s0 =	sshra.s32 s11, $0x1F  }
0x1c4: {  	v2 =	vld [tilespmem:$0x80];
	(v2sf) =	vpush v3, $0x6;
	[smem:$0x54B] =	sst s12;
	s0 =	smul.u32 $0x431BE2E9, s0  }
0x1c5: {  	[smem:$0x54D] =	sst s8;
	s11 =	spop (v2sf)  }
0x1c6: {  	s12 =	smulhi.u32 $0x431BE2E9, s11;
	[smem:$0x54C] =	sst s0;
	s0 =	sshra.s32 s13, $0x1F  }
0x1c7: {  	v5 =	vshrl.u32 v5, $0xD;
	s13 =	spop (v2sf);
	s8 =	smul.u32 $0x431BE2E9, s0  }
0x1c8: {  	v5 =	vand.u32 $0x3, v5;
	(v2sf) =	vpush v3, $0x7;
	[smem:$0x54E] =	sst s12;
	s0 =	sshra.s32 s11, $0x1F;
	s12 =	smulhi.u32 $0x431BE2E9, s13  }
0x1c9: {  	[tilespmem:$0x4A0] =	vst v5;
	v5 =	vmul.u32 $0x6A37, v39;
	v2 =	vmul.u32 $0x8DD9, v2;
	s11 =	smul.u32 $0x431BE2E9, s0;
	s0 =	sshra.s32 s13, $0x1F  }
0x1ca: {  	s0 =	smul.u32 $0x431BE2E9, s0  }
0x1cb: {  	v2 =	vxor.u32 v2, v5;
	s13 =	spop (v2sf);
	[smem:$0x54F] =	sst s12  }
0x1cc: {  	(v2sf) =	vpush v2, $0xD;
	s12 =	smulhi.u32 $0x431BE2E9, s13;
	[smem:$0x550] =	sst s0;
	s0 =	sshra.s32 s13, $0x1F  }
0x1cd: {  	s6 =	smul.u32 $0x431BE2E9, s0;
	s0 =	spop (v2sf)  }
0x1ce: {  	s13 =	smulhi.u32 $0x431BE2E9, s0  }
0x1cf: {  	[smem:$0x551] =	sst s12;
	s12 =	spop (v2sf)  }
0x1d0: {  	(v2sf) =	vpush v2, $0xC;
	[smem:$0x552] =	sst s13;
	s13 =	smulhi.u32 $0x431BE2E9, s12;
	s12 =	sshra.s32 s12, $0x1F  }
0x1d1: {  	s12 =	smul.u32 $0x431BE2E9, s12;
	_ =	sdelay $0x1  }
0x1d2: {  	[smem:$0x554] =	sst s12;
	s12 =	spop (v2sf)  }
0x1d3: {  	(v2sf) =	vpush v2, $0xE;
	[smem:$0x553] =	sst s13;
	s13 =	smulhi.u32 $0x431BE2E9, s12;
	s12 =	sshra.s32 s12, $0x1F  }
0x1d4: {  	s12 =	smul.u32 $0x431BE2E9, s12;
	_ =	sdelay $0x1  }
0x1d5: {  	[smem:$0x556] =	sst s12;
	s12 =	spop (v2sf)  }
0x1d6: {  	(v2sf) =	vpush v2, $0xF;
	[smem:$0x555] =	sst s13;
	s13 =	smulhi.u32 $0x431BE2E9, s12;
	s12 =	sshra.s32 s12, $0x1F  }
0x1d7: {  	s12 =	smul.u32 $0x431BE2E9, s12;
	_ =	sdelay $0x1  }
0x1d8: {  	[smem:$0x558] =	sst s12;
	s12 =	spop (v2sf)  }
0x1d9: {  	(v2sf) =	vpush v2, $0x9;
	[smem:$0x557] =	sst s13;
	s13 =	smulhi.u32 $0x431BE2E9, s12;
	s12 =	sshra.s32 s12, $0x1F  }
0x1da: {  	s12 =	smul.u32 $0x431BE2E9, s12;
	_ =	sdelay $0x1  }
0x1db: {  	[smem:$0x55A] =	sst s12;
	s12 =	spop (v2sf)  }
0x1dc: {  	(v2sf) =	vpush v2, $0x8;
	[smem:$0x559] =	sst s13;
	s13 =	smulhi.u32 $0x431BE2E9, s12;
	s12 =	sshra.s32 s12, $0x1F  }
0x1dd: {  	s12 =	smul.u32 $0x431BE2E9, s12;
	_ =	sdelay $0x1  }
0x1de: {  	[smem:$0x55C] =	sst s12;
	s12 =	spop (v2sf)  }
0x1df: {  	(v2sf) =	vpush v2, $0xA;
	[smem:$0x55B] =	sst s13;
	s13 =	smulhi.u32 $0x431BE2E9, s12;
	s12 =	sshra.s32 s12, $0x1F  }
0x1e0: {  	s12 =	smul.u32 $0x431BE2E9, s12;
	_ =	sdelay $0x1  }
0x1e1: {  	[smem:$0x55E] =	sst s12;
	s12 =	spop (v2sf)  }
0x1e2: {  	(v2sf) =	vpush v2, $0xB;
	[smem:$0x55D] =	sst s13;
	s13 =	smulhi.u32 $0x431BE2E9, s12;
	s12 =	sshra.s32 s12, $0x1F  }
0x1e3: {  	s12 =	smul.u32 $0x431BE2E9, s12;
	_ =	sdelay $0x1  }
0x1e4: {  	[smem:$0x560] =	sst s12;
	s12 =	spop (v2sf)  }
0x1e5: {  	(v2sf) =	vpush v2, $0x0;
	[smem:$0x55F] =	sst s13;
	s13 =	smulhi.u32 $0x431BE2E9, s12;
	s12 =	sshra.s32 s12, $0x1F  }
0x1e6: {  	s12 =	smul.u32 $0x431BE2E9, s12;
	_ =	sdelay $0x1  }
0x1e7: {  	[smem:$0x562] =	sst s12;
	s12 =	spop (v2sf)  }
0x1e8: {  	(v2sf) =	vpush v2, $0x1;
	[smem:$0x561] =	sst s13;
	s13 =	smulhi.u32 $0x431BE2E9, s12;
	s12 =	sshra.s32 s12, $0x1F  }
0x1e9: {  	s12 =	smul.u32 $0x431BE2E9, s12;
	_ =	sdelay $0x1  }
0x1ea: {  	[smem:$0x564] =	sst s12;
	s12 =	spop (v2sf)  }
0x1eb: {  	(v2sf) =	vpush v2, $0x2;
	[smem:$0x563] =	sst s13;
	s13 =	smulhi.u32 $0x431BE2E9, s12;
	s12 =	sshra.s32 s12, $0x1F  }
0x1ec: {  	s12 =	smul.u32 $0x431BE2E9, s12;
	_ =	sdelay $0x1  }
0x1ed: {  	[smem:$0x566] =	sst s12;
	s12 =	spop (v2sf)  }
0x1ee: {  	(v2sf) =	vpush v2, $0x3;
	[smem:$0x565] =	sst s13;
	s13 =	smulhi.u32 $0x431BE2E9, s12;
	s12 =	sshra.s32 s12, $0x1F  }
0x1ef: {  	s12 =	smul.u32 $0x431BE2E9, s12;
	_ =	sdelay $0x1  }
0x1f0: {  	[smem:$0x568] =	sst s12;
	s12 =	spop (v2sf)  }
0x1f1: {  	(v2sf) =	vpush v2, $0x4;
	[smem:$0x567] =	sst s13;
	s13 =	smulhi.u32 $0x431BE2E9, s12;
	s12 =	sshra.s32 s12, $0x1F  }
0x1f2: {  	s12 =	smul.u32 $0x431BE2E9, s12;
	_ =	sdelay $0x1  }
0x1f3: {  	[smem:$0x56A] =	sst s12;
	s12 =	spop (v2sf)  }
0x1f4: {  	(v2sf) =	vpush v2, $0x5;
	[smem:$0x569] =	sst s13;
	s13 =	smulhi.u32 $0x431BE2E9, s12;
	s12 =	sshra.s32 s12, $0x1F  }
0x1f5: {  	s12 =	smul.u32 $0x431BE2E9, s12;
	_ =	sdelay $0x1  }
0x1f6: {  	v40 =	vld [tilespmem:$0x90];
	[smem:$0x56C] =	sst s12;
	s12 =	spop (v2sf)  }
0x1f7: {  	v41 =	vld [tilespmem:$0x8F];
	(v2sf) =	vpush v2, $0x6;
	[smem:$0x56B] =	sst s13;
	s13 =	smulhi.u32 $0x431BE2E9, s12;
	s12 =	sshra.s32 s12, $0x1F  }
0x1f8: {  	s12 =	smul.u32 $0x431BE2E9, s12;
	_ =	sdelay $0x1  }
0x1f9: {  	[smem:$0x56E] =	sst s12;
	s12 =	spop (v2sf)  }
0x1fa: {  	(v2sf) =	vpush v2, $0x7;
	[smem:$0x56D] =	sst s13;
	s13 =	smulhi.u32 $0x431BE2E9, s12;
	s12 =	sshra.s32 s12, $0x1F  }
0x1fb: {  	v6 =	vmul.u32 $0x6A37, v41;
	v5 =	vmul.u32 $0x8DD9, v40;
	s12 =	smul.u32 $0x431BE2E9, s12;
	_ =	sdelay $0x1  }
0x1fc: {  	v5 =	vxor.u32 v5, v6;
	[smem:$0x570] =	sst s12;
	s12 =	spop (v2sf)  }
0x1fd: {  	(v2sf) =	vpush v5, $0xD;
	[smem:$0x56F] =	sst s13;
	s13 =	smulhi.u32 $0x431BE2E9, s12;
	s12 =	sshra.s32 s12, $0x1F  }
0x1fe: {  	s12 =	smul.u32 $0x431BE2E9, s12;
	_ =	sdelay $0x1  }
0x1ff: {  	[smem:$0x572] =	sst s12;
	s12 =	spop (v2sf)  }
0x200: {  	(v2sf) =	vpush v5, $0xC;
	[smem:$0x571] =	sst s13;
	s13 =	smulhi.u32 $0x431BE2E9, s12;
	s12 =	sshra.s32 s12, $0x1F  }
0x201: {  	s12 =	smul.u32 $0x431BE2E9, s12;
	_ =	sdelay $0x1  }
0x202: {  	[smem:$0x574] =	sst s12;
	s12 =	spop (v2sf)  }
0x203: {  	(v2sf) =	vpush v5, $0xE;
	[smem:$0x573] =	sst s13;
	s13 =	smulhi.u32 $0x431BE2E9, s12;
	s12 =	sshra.s32 s12, $0x1F  }
0x204: {  	s12 =	smul.u32 $0x431BE2E9, s12;
	_ =	sdelay $0x1  }
0x205: {  	[smem:$0x576] =	sst s12;
	s12 =	spop (v2sf)  }
0x206: {  	(v2sf) =	vpush v5, $0xF;
	[smem:$0x575] =	sst s13;
	s13 =	smulhi.u32 $0x431BE2E9, s12;
	s12 =	sshra.s32 s12, $0x1F  }
0x207: {  	s12 =	smul.u32 $0x431BE2E9, s12;
	_ =	sdelay $0x1  }
0x208: {  	[smem:$0x578] =	sst s12;
	s12 =	spop (v2sf)  }
0x209: {  	(v2sf) =	vpush v5, $0x9;
	[smem:$0x577] =	sst s13;
	s13 =	smulhi.u32 $0x431BE2E9, s12;
	s12 =	sshra.s32 s12, $0x1F  }
0x20a: {  	s12 =	smul.u32 $0x431BE2E9, s12;
	_ =	sdelay $0x1  }
0x20b: {  	[smem:$0x57A] =	sst s12;
	s12 =	spop (v2sf)  }
0x20c: {  	(v2sf) =	vpush v5, $0x8;
	[smem:$0x579] =	sst s13;
	s13 =	smulhi.u32 $0x431BE2E9, s12;
	s12 =	sshra.s32 s12, $0x1F  }
0x20d: {  	s12 =	smul.u32 $0x431BE2E9, s12;
	_ =	sdelay $0x1  }
0x20e: {  	[smem:$0x57C] =	sst s12;
	s12 =	spop (v2sf)  }
0x20f: {  	(v2sf) =	vpush v5, $0xA;
	[smem:$0x57B] =	sst s13;
	s13 =	smulhi.u32 $0x431BE2E9, s12;
	s12 =	sshra.s32 s12, $0x1F  }
0x210: {  	s12 =	smul.u32 $0x431BE2E9, s12;
	_ =	sdelay $0x1  }
0x211: {  	[smem:$0x57E] =	sst s12;
	s12 =	spop (v2sf)  }
0x212: {  	(v2sf) =	vpush v5, $0xB;
	[smem:$0x57D] =	sst s13;
	s13 =	smulhi.u32 $0x431BE2E9, s12;
	s12 =	sshra.s32 s12, $0x1F  }
0x213: {  	s12 =	smul.u32 $0x431BE2E9, s12;
	_ =	sdelay $0x1  }
0x214: {  	[smem:$0x580] =	sst s12;
	s12 =	spop (v2sf)  }
0x215: {  	(v2sf) =	vpush v5, $0x0;
	[smem:$0x57F] =	sst s13;
	s13 =	smulhi.u32 $0x431BE2E9, s12;
	s12 =	sshra.s32 s12, $0x1F  }
0x216: {  	s12 =	smul.u32 $0x431BE2E9, s12;
	_ =	sdelay $0x1  }
0x217: {  	[smem:$0x582] =	sst s12;
	s12 =	spop (v2sf)  }
0x218: {  	(v2sf) =	vpush v5, $0x1;
	[smem:$0x581] =	sst s13;
	s13 =	smulhi.u32 $0x431BE2E9, s12;
	s12 =	sshra.s32 s12, $0x1F  }
0x219: {  	s12 =	smul.u32 $0x431BE2E9, s12;
	_ =	sdelay $0x1  }
0x21a: {  	[smem:$0x584] =	sst s12;
	s12 =	spop (v2sf)  }
0x21b: {  	(v2sf) =	vpush v5, $0x2;
	[smem:$0x583] =	sst s13;
	s13 =	smulhi.u32 $0x431BE2E9, s12;
	s12 =	sshra.s32 s12, $0x1F  }
0x21c: {  	s12 =	smul.u32 $0x431BE2E9, s12;
	_ =	sdelay $0x1  }
0x21d: {  	[smem:$0x586] =	sst s12;
	s12 =	spop (v2sf)  }
0x21e: {  	(v2sf) =	vpush v5, $0x3;
	[smem:$0x585] =	sst s13;
	s13 =	smulhi.u32 $0x431BE2E9, s12;
	s12 =	sshra.s32 s12, $0x1F  }
0x21f: {  	s12 =	smul.u32 $0x431BE2E9, s12;
	_ =	sdelay $0x1  }
0x220: {  	[smem:$0x588] =	sst s12;
	s12 =	spop (v2sf)  }
0x221: {  	(v2sf) =	vpush v5, $0x4;
	[smem:$0x587] =	sst s13;
	s13 =	smulhi.u32 $0x431BE2E9, s12;
	s12 =	sshra.s32 s12, $0x1F  }
0x222: {  	s12 =	smul.u32 $0x431BE2E9, s12;
	_ =	sdelay $0x1  }
0x223: {  	[smem:$0x58A] =	sst s12;
	s12 =	spop (v2sf)  }
0x224: {  	(v2sf) =	vpush v5, $0x5;
	[smem:$0x589] =	sst s13;
	s13 =	smulhi.u32 $0x431BE2E9, s12;
	s12 =	sshra.s32 s12, $0x1F  }
0x225: {  	s12 =	smul.u32 $0x431BE2E9, s12;
	_ =	sdelay $0x1  }
0x226: {  	v42 =	vld [tilespmem:$0xA0];
	[smem:$0x58C] =	sst s12;
	s12 =	spop (v2sf)  }
0x227: {  	v43 =	vld [tilespmem:$0x9F];
	(v2sf) =	vpush v5, $0x6;
	[smem:$0x58B] =	sst s13;
	s13 =	smulhi.u32 $0x431BE2E9, s12;
	s12 =	sshra.s32 s12, $0x1F  }
0x228: {  	s12 =	smul.u32 $0x431BE2E9, s12;
	_ =	sdelay $0x1  }
0x229: {  	[smem:$0x58E] =	sst s12;
	s12 =	spop (v2sf)  }
0x22a: {  	(v2sf) =	vpush v5, $0x7;
	[smem:$0x58D] =	sst s13;
	s13 =	smulhi.u32 $0x431BE2E9, s12;
	s12 =	sshra.s32 s12, $0x1F  }
0x22b: {  	v7 =	vmul.u32 $0x6A37, v43;
	v6 =	vmul.u32 $0x8DD9, v42;
	s12 =	smul.u32 $0x431BE2E9, s12;
	_ =	sdelay $0x1  }
0x22c: {  	v7 =	vxor.u32 v6, v7;
	[smem:$0x590] =	sst s12;
	s12 =	spop (v2sf)  }
0x22d: {  	(v2sf) =	vpush v7, $0xD;
	[smem:$0x58F] =	sst s13;
	s13 =	smulhi.u32 $0x431BE2E9, s12;
	s12 =	sshra.s32 s12, $0x1F  }
0x22e: {  	s12 =	smul.u32 $0x431BE2E9, s12;
	_ =	sdelay $0x1  }
0x22f: {  	[smem:$0x592] =	sst s12;
	s12 =	spop (v2sf)  }
0x230: {  	(v2sf) =	vpush v7, $0xC;
	[smem:$0x591] =	sst s13;
	s13 =	smulhi.u32 $0x431BE2E9, s12;
	s12 =	sshra.s32 s12, $0x1F  }
0x231: {  	s12 =	smul.u32 $0x431BE2E9, s12;
	_ =	sdelay $0x1  }
0x232: {  	[smem:$0x594] =	sst s12;
	s12 =	spop (v2sf)  }
0x233: {  	(v2sf) =	vpush v7, $0xE;
	[smem:$0x593] =	sst s13;
	s13 =	smulhi.u32 $0x431BE2E9, s12;
	s12 =	sshra.s32 s12, $0x1F  }
0x234: {  	s12 =	smul.u32 $0x431BE2E9, s12;
	_ =	sdelay $0x1  }
0x235: {  	[smem:$0x596] =	sst s12;
	s12 =	spop (v2sf)  }
0x236: {  	(v2sf) =	vpush v7, $0xF;
	[smem:$0x595] =	sst s13;
	s13 =	smulhi.u32 $0x431BE2E9, s12;
	s12 =	sshra.s32 s12, $0x1F  }
0x237: {  	s12 =	smul.u32 $0x431BE2E9, s12;
	_ =	sdelay $0x1  }
0x238: {  	[smem:$0x598] =	sst s12;
	s12 =	spop (v2sf)  }
0x239: {  	(v2sf) =	vpush v7, $0x9;
	[smem:$0x597] =	sst s13;
	s13 =	smulhi.u32 $0x431BE2E9, s12;
	s12 =	sshra.s32 s12, $0x1F  }
0x23a: {  	s12 =	smul.u32 $0x431BE2E9, s12;
	_ =	sdelay $0x1  }
0x23b: {  	[smem:$0x59A] =	sst s12;
	s12 =	spop (v2sf)  }
0x23c: {  	(v2sf) =	vpush v7, $0x8;
	[smem:$0x599] =	sst s13;
	s13 =	smulhi.u32 $0x431BE2E9, s12;
	s12 =	sshra.s32 s12, $0x1F  }
0x23d: {  	s12 =	smul.u32 $0x431BE2E9, s12;
	_ =	sdelay $0x1  }
0x23e: {  	[smem:$0x59C] =	sst s12;
	s12 =	spop (v2sf)  }
0x23f: {  	(v2sf) =	vpush v7, $0xA;
	[smem:$0x59B] =	sst s13;
	s13 =	smulhi.u32 $0x431BE2E9, s12;
	s12 =	sshra.s32 s12, $0x1F  }
0x240: {  	s12 =	smul.u32 $0x431BE2E9, s12;
	_ =	sdelay $0x1  }
0x241: {  	[smem:$0x59E] =	sst s12;
	s12 =	spop (v2sf)  }
0x242: {  	(v2sf) =	vpush v7, $0xB;
	[smem:$0x59D] =	sst s13;
	s13 =	smulhi.u32 $0x431BE2E9, s12;
	s12 =	sshra.s32 s12, $0x1F  }
0x243: {  	s12 =	smul.u32 $0x431BE2E9, s12;
	_ =	sdelay $0x1  }
0x244: {  	[smem:$0x5A0] =	sst s12;
	s12 =	spop (v2sf)  }
0x245: {  	(v2sf) =	vpush v7, $0x0;
	[smem:$0x59F] =	sst s13;
	s13 =	smulhi.u32 $0x431BE2E9, s12;
	s12 =	sshra.s32 s12, $0x1F  }
0x246: {  	s12 =	smul.u32 $0x431BE2E9, s12;
	_ =	sdelay $0x1  }
0x247: {  	[smem:$0x5A2] =	sst s12;
	s12 =	spop (v2sf)  }
0x248: {  	(v2sf) =	vpush v7, $0x1;
	[smem:$0x5A1] =	sst s13;
	s13 =	smulhi.u32 $0x431BE2E9, s12;
	s12 =	sshra.s32 s12, $0x1F  }
0x249: {  	s12 =	smul.u32 $0x431BE2E9, s12;
	_ =	sdelay $0x1  }
0x24a: {  	[smem:$0x5A4] =	sst s12;
	s12 =	spop (v2sf)  }
0x24b: {  	(v2sf) =	vpush v7, $0x2;
	[smem:$0x5A3] =	sst s13;
	s13 =	smulhi.u32 $0x431BE2E9, s12;
	s12 =	sshra.s32 s12, $0x1F  }
0x24c: {  	s12 =	smul.u32 $0x431BE2E9, s12;
	_ =	sdelay $0x1  }
0x24d: {  	[smem:$0x5A6] =	sst s12;
	s12 =	spop (v2sf)  }
0x24e: {  	(v2sf) =	vpush v7, $0x3;
	[smem:$0x5A5] =	sst s13;
	s13 =	smulhi.u32 $0x431BE2E9, s12;
	s12 =	sshra.s32 s12, $0x1F  }
0x24f: {  	s12 =	smul.u32 $0x431BE2E9, s12;
	_ =	sdelay $0x1  }
0x250: {  	[smem:$0x5A8] =	sst s12;
	s12 =	spop (v2sf)  }
0x251: {  	(v2sf) =	vpush v7, $0x4;
	[smem:$0x5A7] =	sst s13;
	s13 =	smulhi.u32 $0x431BE2E9, s12;
	s12 =	sshra.s32 s12, $0x1F  }
0x252: {  	s12 =	smul.u32 $0x431BE2E9, s12;
	_ =	sdelay $0x1  }
0x253: {  	s14 =	sadd.s32 s17, s14;
	[smem:$0x5AA] =	sst s12;
	s12 =	spop (v2sf)  }
0x254: {  	(v2sf) =	vpush v7, $0x5;
	[smem:$0x5A9] =	sst s13;
	s13 =	smulhi.u32 $0x431BE2E9, s12;
	s12 =	sshra.s32 s12, $0x1F  }
0x255: {  	[smem:$0x5FF] =	sst s14;
	s17 =	sadd.s32 s19, s16;
	s12 =	smul.u32 $0x431BE2E9, s12  }
0x256: {  	[smem:$0x601] =	sst s17  }
0x257: {  	s19 =	sadd.s32 s21, s18;
	[smem:$0x5AC] =	sst s12;
	s12 =	spop (v2sf)  }
0x258: {  	(v2sf) =	vpush v7, $0x6;
	[smem:$0x5AB] =	sst s13;
	s13 =	smulhi.u32 $0x431BE2E9, s12;
	s12 =	sshra.s32 s12, $0x1F  }
0x259: {  	[smem:$0x602] =	sst s19;
	s20 =	sadd.s32 s23, s20;
	s12 =	smul.u32 $0x431BE2E9, s12  }
0x25a: {  	v44 =	vld [tilespmem:$0xB0];
	[smem:$0x606] =	sst s20  }
0x25b: {  	v45 =	vld [tilespmem:$0xAF];
	s23 =	sadd.s32 s25, s22;
	[smem:$0x5AE] =	sst s12;
	s12 =	spop (v2sf)  }
0x25c: {  	(v2sf) =	vpush v7, $0x7;
	[smem:$0x5AD] =	sst s13;
	s13 =	smulhi.u32 $0x431BE2E9, s12;
	s12 =	sshra.s32 s12, $0x1F  }
0x25d: {  	[smem:$0x604] =	sst s23;
	s25 =	sadd.s32 s26, s24;
	s12 =	smul.u32 $0x431BE2E9, s12  }
0x25e: {  	[smem:$0x608] =	sst s25  }
0x25f: {  	s28 =	sadd.s32 s30, s28;
	[smem:$0x5B0] =	sst s12;
	s12 =	spop (v2sf)  }
0x260: {  	v8 =	vmul.u32 $0x6A37, v45;
	v6 =	vmul.u32 $0x8DD9, v44;
	[smem:$0x5AF] =	sst s13;
	s13 =	smulhi.u32 $0x431BE2E9, s12;
	s12 =	sshra.s32 s12, $0x1F  }
0x261: {  	[smem:$0x60A] =	sst s28;
	s9 =	sadd.s32 s9, s29;
	s12 =	smul.u32 $0x431BE2E9, s12  }
0x262: {  	v6 =	vxor.u32 v6, v8;
	[smem:$0x600] =	sst s9  }
0x263: {  	s2 =	sadd.s32 s2, s31;
	(v2sf) =	vpush v6, $0xD;
	[smem:$0x5B2] =	sst s12;
	s12 =	spop (v2sf)  }
0x264: {  	[smem:$0x5B1] =	sst s13;
	s13 =	smulhi.u32 $0x431BE2E9, s12;
	s12 =	sshra.s32 s12, $0x1F  }
0x265: {  	[smem:$0x603] =	sst s2;
	(v2sf) =	vpush v6, $0xC;
	s12 =	smul.u32 $0x431BE2E9, s12  }
0x266: {  	s22 =	sld [smem:$0x537]  }
0x267: {  	(v2sf) =	vpush v6, $0xE;
	[smem:$0x5B4] =	sst s12;
	s12 =	spop (v2sf)  }
0x268: {  	[smem:$0x5B3] =	sst s13;
	s13 =	smulhi.u32 $0x431BE2E9, s12;
	s12 =	sshra.s32 s12, $0x1F  }
0x269: {  	s24 =	sld [smem:$0x538];
	s4 =	sadd.s32 s4, s22;
	(v2sf) =	vpush v6, $0xF;
	s12 =	smul.u32 $0x431BE2E9, s12  }
0x26a: {  	[smem:$0x605] =	sst s4;
	(v2sf) =	vpush v6, $0x9  }
0x26b: {  	[smem:$0x5B6] =	sst s12;
	s12 =	spop (v2sf)  }
0x26c: {  	s29 =	sadd.s32 s7, s5;
	(v2sf) =	vpush v6, $0x8;
	[smem:$0x5B5] =	sst s13;
	s13 =	smulhi.u32 $0x431BE2E9, s12  }
0x26d: {  	[smem:$0x60B] =	sst s29  }
0x26e: {  	(v2sf) =	vpush v6, $0xA;
	[smem:$0x5B7] =	sst s13  }
0x26f: {  	s1 =	sadd.s32 s1, s24;
	s13 =	sld [smem:$0x536]  }
0x270: {  	[smem:$0x607] =	sst s1  }
0x271: {  	s22 =	sld [smem:$0x53C];
	s12 =	sshra.s32 s12, $0x1F  }
0x272: {  	s13 =	sadd.s32 s15, s13;
	s15 =	smul.u32 $0x431BE2E9, s12;
	s12 =	spop (v2sf)  }
0x273: {  	s24 =	sld [smem:$0x53E];
	s14 =	smulhi.u32 $0x431BE2E9, s12;
	s12 =	sshra.s32 s12, $0x1F  }
0x274: {  	s17 =	smul.u32 $0x431BE2E9, s12;
	s12 =	spop (v2sf)  }
0x275: {  	s29 =	sld [smem:$0x541];
	s16 =	smulhi.u32 $0x431BE2E9, s12;
	s12 =	sshra.s32 s12, $0x1F  }
0x276: {  	s21 =	spop (v2sf);
	s19 =	smul.u32 $0x431BE2E9, s12  }
0x277: {  	(v2sf) =	vpush v6, $0xB;
	[smem:$0x5FD] =	sst s13;
	s18 =	smulhi.u32 $0x431BE2E9, s21;
	s12 =	sshra.s32 s21, $0x1F  }
0x278: {  	s26 =	spop (v2sf);
	s20 =	smul.u32 $0x431BE2E9, s12  }
0x279: {  	s13 =	smulhi.u32 $0x431BE2E9, s26;
	s30 =	spop (v2sf)  }
0x27a: {  	(v2sf) =	vpush v6, $0x0;
	s12 =	sshra.s32 s26, $0x1F;
	s26 =	sld [smem:$0x539];
	s21 =	smulhi.u32 $0x431BE2E9, s30  }
0x27b: {  	s31 =	sshra.s32 s30, $0x1F;
	s23 =	spop (v2sf);
	s30 =	sld [smem:$0x53A]  }
0x27c: {  	s4 =	smulhi.u32 $0x431BE2E9, s23;
	s25 =	sshra.s32 s23, $0x1F;
	s23 =	sld [smem:$0x53D]  }
0x27d: {  	(v2sf) =	vpush v6, $0x1;
	s28 =	spop (v2sf);
	s2 =	sadd.s32 s10, s26;
	s26 =	sld [smem:$0x53F]  }
0x27e: {  	s5 =	smulhi.u32 $0x431BE2E9, s28;
	s1 =	sshra.s32 s28, $0x1F;
	s28 =	sld [smem:$0x540]  }
0x27f: {  	(v2sf) =	vpush v6, $0x2;
	[smem:$0x609] =	sst s2  }
0x280: {  	s2 =	sadd.s32 s3, s30;
	s3 =	sld [smem:$0x53B]  }
0x281: {  	s30 =	sld [smem:$0x542]  }
0x282: {  	[smem:$0x60C] =	sst s2  }
0x283: {  	s9 =	smul.u32 $0x431BE2E9, s31;
	s2 =	sadd.s32 s22, s3;
	s3 =	sld [smem:$0x547]  }
0x284: {  	s10 =	smul.u32 $0x431BE2E9, s25;
	[smem:$0x5FE] =	sst s2;
	s2 =	sadd.s32 s24, s23  }
0x285: {  	s7 =	smul.u32 $0x431BE2E9, s1;
	[smem:$0x60D] =	sst s2  }
0x286: {  	s31 =	spop (v2sf);
	s2 =	sadd.s32 s28, s26;
	s26 =	sld [smem:$0x543]  }
0x287: {  	(v2sf) =	vpush v6, $0x3;
	s1 =	sshra.s32 s31, $0x1F;
	s22 =	smulhi.u32 $0x431BE2E9, s31;
	s28 =	sld [smem:$0x544]  }
0x288: {  	s23 =	smul.u32 $0x431BE2E9, s1;
	[smem:$0x60F] =	sst s2  }
0x289: {  	s25 =	spop (v2sf);
	s2 =	sadd.s32 s30, s29;
	s29 =	sld [smem:$0x545]  }
0x28a: {  	s30 =	sld [smem:$0x546];
	s24 =	smulhi.u32 $0x431BE2E9, s25;
	s1 =	sshra.s32 s25, $0x1F  }
0x28b: {  	(v2sf) =	vpush v6, $0x4;
	[smem:$0x611] =	sst s2;
	s25 =	smul.u32 $0x431BE2E9, s1  }
0x28c: {  	s31 =	spop (v2sf);
	s2 =	sadd.s32 s28, s26;
	s28 =	sld [smem:$0x548]  }
0x28d: {  	[smem:$0x613] =	sst s2;
	s26 =	smulhi.u32 $0x431BE2E9, s31;
	s1 =	sshra.s32 s31, $0x1F  }
0x28e: {  	s2 =	sadd.s32 s30, s29;
	s31 =	spop (v2sf);
	s30 =	sld [smem:$0x549]  }
0x28f: {  	[smem:$0x615] =	sst s2;
	s29 =	smul.u32 $0x431BE2E9, s1;
	s1 =	sshra.s32 s31, $0x1F  }
0x290: {  	s2 =	sadd.s32 s28, s3;
	s28 =	smulhi.u32 $0x431BE2E9, s31;
	s31 =	sld [smem:$0x54A]  }
0x291: {  	s3 =	sld [smem:$0x54B]  }
0x292: {  	[smem:$0x616] =	sst s2  }
0x293: {  	s2 =	sadd.s32 s31, s30;
	s31 =	sld [smem:$0x54C];
	_ =	sdelay $0x1  }
0x294: {  	(v2sf) =	vpush v6, $0x5;
	s30 =	smul.u32 $0x431BE2E9, s1;
	[smem:$0x618] =	sst s2  }
0x295: {  	s1 =	spop (v2sf);
	s2 =	sadd.s32 s31, s3;
	s3 =	sld [smem:$0x54D]  }
0x296: {  	s31 =	smulhi.u32 $0x431BE2E9, s1;
	s1 =	sshra.s32 s1, $0x1F  }
0x297: {  	[smem:$0x61A] =	sst s2;
	s1 =	smul.u32 $0x431BE2E9, s1  }
0x298: {  	s2 =	sadd.s32 s8, s3;
	s8 =	sld [smem:$0x54E]  }
0x299: {  	[smem:$0x5B8] =	sst s1;
	s3 =	spop (v2sf)  }
0x29a: {  	[smem:$0x610] =	sst s2;
	s1 =	sshra.s32 s3, $0x1F  }
0x29b: {  	s2 =	sadd.s32 s11, s8;
	s8 =	smulhi.u32 $0x431BE2E9, s3;
	s3 =	sld [smem:$0x54F]  }
0x29c: {  	s11 =	sld [smem:$0x550];
	_ =	sdelay $0x1  }
0x29d: {  	[smem:$0x612] =	sst s2  }
0x29e: {  	(v2sf) =	vpush v6, $0x6;
	s2 =	sadd.s32 s11, s3;
	s11 =	sld [smem:$0x551]  }
0x29f: {  	s0 =	sshra.s32 s0, $0x1F  }
0x2a0: {  	s0 =	smul.u32 $0x431BE2E9, s0;
	[smem:$0x614] =	sst s2  }
0x2a1: {  	s3 =	smul.u32 $0x431BE2E9, s1;
	s2 =	sadd.s32 s6, s11;
	s11 =	sld [smem:$0x552]  }
0x2a2: {  	(v2sf) =	vpush v6, $0x7;
	s1 =	spop (v2sf);
	[smem:$0x617] =	sst s2  }
0x2a3: {  	s6 =	smulhi.u32 $0x431BE2E9, s1;
	s1 =	sshra.s32 s1, $0x1F;
	s2 =	sld [smem:$0x553]  }
0x2a4: {  	s1 =	smul.u32 $0x431BE2E9, s1;
	s0 =	sadd.s32 s0, s11;
	s11 =	sld [smem:$0x554]  }
0x2a5: {  	v46 =	vld [tilespmem:$0xC0]  }
0x2a6: {  	v47 =	vld [tilespmem:$0xBF];
	[smem:$0x5B9] =	sst s1  }
0x2a7: {  	s1 =	sadd.s32 s11, s2;
	s2 =	sld [smem:$0x556]  }
0x2a8: {  	[smem:$0x61B] =	sst s1  }
0x2a9: {  	s1 =	sld [smem:$0x555];
	_ =	sdelay $0x1  }
0x2aa: {  	v9 =	vmul.u32 $0x6A37, v47;
	v8 =	vmul.u32 $0x8DD9, v46;
	[smem:$0x619] =	sst s0  }
0x2ab: {  	s1 =	sadd.s32 s2, s1;
	s2 =	sld [smem:$0x558]  }
0x2ac: {  	v8 =	vxor.u32 v8, v9;
	s0 =	spop (v2sf);
	[smem:$0x61C] =	sst s1  }
0x2ad: {  	(v2sf) =	vpush v8, $0xD;
	s11 =	smulhi.u32 $0x431BE2E9, s0;
	s0 =	sshra.s32 s0, $0x1F;
	s1 =	sld [smem:$0x557]  }
0x2ae: {  	s0 =	smul.u32 $0x431BE2E9, s0;
	_ =	sdelay $0x1  }
0x2af: {  	[smem:$0x5BA] =	sst s0;
	s0 =	spop (v2sf);
	s1 =	sadd.s32 s2, s1  }
0x2b0: {  	s2 =	smulhi.u32 $0x431BE2E9, s0;
	[smem:$0x60E] =	sst s1  }
0x2b1: {  	s1 =	sld [smem:$0x559]  }
0x2b2: {  	[smem:$0x5BB] =	sst s2  }
0x2b3: {  	s2 =	sld [smem:$0x55A];
	_ =	sdelay $0x2  }
0x2b4: {  	s1 =	sadd.s32 s2, s1;
	s2 =	sld [smem:$0x55C]  }
0x2b5: {  	[smem:$0x61D] =	sst s1  }
0x2b6: {  	(v2sf) =	vpush v8, $0xC;
	s0 =	sshra.s32 s0, $0x1F;
	s1 =	sld [smem:$0x55B]  }
0x2b7: {  	s0 =	smul.u32 $0x431BE2E9, s0;
	_ =	sdelay $0x1  }
0x2b8: {  	[smem:$0x5BC] =	sst s0;
	s0 =	spop (v2sf);
	s1 =	sadd.s32 s2, s1  }
0x2b9: {  	s2 =	smulhi.u32 $0x431BE2E9, s0;
	[smem:$0x61E] =	sst s1  }
0x2ba: {  	s1 =	sld [smem:$0x55D]  }
0x2bb: {  	[smem:$0x5BD] =	sst s2  }
0x2bc: {  	s2 =	sld [smem:$0x55E];
	_ =	sdelay $0x2  }
0x2bd: {  	s1 =	sadd.s32 s2, s1;
	s2 =	sld [smem:$0x560]  }
0x2be: {  	[smem:$0x620] =	sst s1  }
0x2bf: {  	(v2sf) =	vpush v8, $0xE;
	s0 =	sshra.s32 s0, $0x1F;
	s1 =	sld [smem:$0x55F]  }
0x2c0: {  	s0 =	smul.u32 $0x431BE2E9, s0;
	_ =	sdelay $0x1  }
0x2c1: {  	[smem:$0x5BE] =	sst s0;
	s0 =	spop (v2sf);
	s1 =	sadd.s32 s2, s1  }
0x2c2: {  	s2 =	smulhi.u32 $0x431BE2E9, s0;
	[smem:$0x622] =	sst s1  }
0x2c3: {  	s1 =	sld [smem:$0x561]  }
0x2c4: {  	[smem:$0x5BF] =	sst s2  }
0x2c5: {  	s2 =	sld [smem:$0x562];
	_ =	sdelay $0x2  }
0x2c6: {  	s1 =	sadd.s32 s2, s1;
	s2 =	sld [smem:$0x564]  }
0x2c7: {  	[smem:$0x624] =	sst s1  }
0x2c8: {  	(v2sf) =	vpush v8, $0xF;
	s0 =	sshra.s32 s0, $0x1F;
	s1 =	sld [smem:$0x563]  }
0x2c9: {  	s0 =	smul.u32 $0x431BE2E9, s0;
	_ =	sdelay $0x1  }
0x2ca: {  	[smem:$0x5C0] =	sst s0;
	s0 =	spop (v2sf);
	s1 =	sadd.s32 s2, s1  }
0x2cb: {  	s2 =	smulhi.u32 $0x431BE2E9, s0;
	[smem:$0x626] =	sst s1  }
0x2cc: {  	s1 =	sld [smem:$0x565]  }
0x2cd: {  	[smem:$0x5C1] =	sst s2  }
0x2ce: {  	s2 =	sld [smem:$0x566];
	_ =	sdelay $0x2  }
0x2cf: {  	s1 =	sadd.s32 s2, s1;
	s2 =	sld [smem:$0x568]  }
0x2d0: {  	[smem:$0x629] =	sst s1  }
0x2d1: {  	(v2sf) =	vpush v8, $0x9;
	s0 =	sshra.s32 s0, $0x1F;
	s1 =	sld [smem:$0x567]  }
0x2d2: {  	s0 =	smul.u32 $0x431BE2E9, s0;
	_ =	sdelay $0x1  }
0x2d3: {  	[smem:$0x5C2] =	sst s0;
	s0 =	spop (v2sf);
	s1 =	sadd.s32 s2, s1  }
0x2d4: {  	s2 =	smulhi.u32 $0x431BE2E9, s0;
	[smem:$0x62B] =	sst s1  }
0x2d5: {  	s1 =	sld [smem:$0x569]  }
0x2d6: {  	[smem:$0x5C3] =	sst s2  }
0x2d7: {  	s2 =	sld [smem:$0x56A];
	_ =	sdelay $0x2  }
0x2d8: {  	s1 =	sadd.s32 s2, s1;
	s2 =	sld [smem:$0x56C]  }
0x2d9: {  	[smem:$0x621] =	sst s1  }
0x2da: {  	(v2sf) =	vpush v8, $0x8;
	s0 =	sshra.s32 s0, $0x1F;
	s1 =	sld [smem:$0x56B]  }
0x2db: {  	s0 =	smul.u32 $0x431BE2E9, s0;
	_ =	sdelay $0x1  }
0x2dc: {  	[smem:$0x5C4] =	sst s0;
	s0 =	spop (v2sf);
	s1 =	sadd.s32 s2, s1  }
0x2dd: {  	s2 =	smulhi.u32 $0x431BE2E9, s0;
	[smem:$0x623] =	sst s1  }
0x2de: {  	s1 =	sld [smem:$0x56D]  }
0x2df: {  	[smem:$0x5C5] =	sst s2  }
0x2e0: {  	s2 =	sld [smem:$0x56E];
	_ =	sdelay $0x2  }
0x2e1: {  	s1 =	sadd.s32 s2, s1;
	s2 =	sld [smem:$0x570]  }
0x2e2: {  	(v2sf) =	vpush v8, $0xA;
	[smem:$0x625] =	sst s1  }
0x2e3: {  	s0 =	sshra.s32 s0, $0x1F;
	s1 =	sld [smem:$0x56F]  }
0x2e4: {  	s0 =	smul.u32 $0x431BE2E9, s0;
	_ =	sdelay $0x1  }
0x2e5: {  	[smem:$0x5C6] =	sst s0;
	s0 =	spop (v2sf);
	s1 =	sadd.s32 s2, s1  }
0x2e6: {  	s2 =	smulhi.u32 $0x431BE2E9, s0;
	[smem:$0x627] =	sst s1  }
0x2e7: {  	s1 =	sld [smem:$0x571]  }
0x2e8: {  	[smem:$0x5C7] =	sst s2  }
0x2e9: {  	s2 =	sld [smem:$0x572];
	_ =	sdelay $0x2  }
0x2ea: {  	(v2sf) =	vpush v8, $0xB;
	s1 =	sadd.s32 s2, s1;
	s2 =	sld [smem:$0x574]  }
0x2eb: {  	(v2sf) =	vpush v8, $0x0;
	s0 =	sshra.s32 s0, $0x1F;
	[smem:$0x628] =	sst s1  }
0x2ec: {  	(v2sf) =	vpush v8, $0x1;
	s0 =	smul.u32 $0x431BE2E9, s0;
	s1 =	sld [smem:$0x573]  }
0x2ed: {  	(v2sf) =	vpush v8, $0x2  }
0x2ee: {  	v14 =	vand.u32 $0x3FFFE000, v60;
	(v2sf) =	vpush v8, $0x3;
	[smem:$0x5C8] =	sst s0;
	s0 =	spop (v2sf)  }
0x2ef: {  	v14 =	vor.u32 v63, v14;
	[tilespmem:$0x480] =	vst v54;
	v48 =	vld [tilespmem:$0xD0];
	(v2sf) =	vpush v8, $0x4;
	s1 =	sadd.s32 s2, s1;
	s2 =	smulhi.u32 $0x431BE2E9, s0  }
0x2f0: {  	[tilespmem:$0x290] =	vst v14;
	v49 =	vld [tilespmem:$0xCF];
	(v2sf) =	vpush v8, $0x5;
	[smem:$0x62A] =	sst s1  }
0x2f1: {  	[smem:$0x5C9] =	sst s2  }
0x2f2: {  	s1 =	sld [smem:$0x575]  }
0x2f3: {  	s2 =	sld [smem:$0x576];
	_ =	sdelay $0x2  }
0x2f4: {  	s1 =	sadd.s32 s2, s1;
	s2 =	sld [smem:$0x578]  }
0x2f5: {  	[smem:$0x62C] =	sst s1  }
0x2f6: {  	s0 =	sshra.s32 s0, $0x1F;
	s1 =	sld [smem:$0x577]  }
0x2f7: {  	s0 =	smul.u32 $0x431BE2E9, s0;
	_ =	sdelay $0x1  }
0x2f8: {  	[smem:$0x5CA] =	sst s0;
	s0 =	spop (v2sf);
	s1 =	sadd.s32 s2, s1  }
0x2f9: {  	s2 =	smulhi.u32 $0x431BE2E9, s0;
	[smem:$0x61F] =	sst s1  }
0x2fa: {  	s1 =	sld [smem:$0x579]  }
0x2fb: {  	[smem:$0x5CB] =	sst s2  }
0x2fc: {  	s2 =	sld [smem:$0x57A];
	_ =	sdelay $0x2  }
0x2fd: {  	s1 =	sadd.s32 s2, s1;
	s2 =	sld [smem:$0x57C]  }
0x2fe: {  	[smem:$0x62D] =	sst s1  }
0x2ff: {  	s0 =	sshra.s32 s0, $0x1F;
	s1 =	sld [smem:$0x57B]  }
0x300: {  	s0 =	smul.u32 $0x431BE2E9, s0;
	_ =	sdelay $0x1  }
0x301: {  	[smem:$0x5CC] =	sst s0;
	s0 =	spop (v2sf);
	s1 =	sadd.s32 s2, s1  }
0x302: {  	s2 =	smulhi.u32 $0x431BE2E9, s0;
	[smem:$0x62E] =	sst s1  }
0x303: {  	s1 =	sld [smem:$0x57D]  }
0x304: {  	[smem:$0x5CD] =	sst s2  }
0x305: {  	s2 =	sld [smem:$0x57E];
	_ =	sdelay $0x2  }
0x306: {  	s1 =	sadd.s32 s2, s1;
	s2 =	sld [smem:$0x580]  }
0x307: {  	[smem:$0x62F] =	sst s1  }
0x308: {  	s0 =	sshra.s32 s0, $0x1F;
	s1 =	sld [smem:$0x57F]  }
0x309: {  	s0 =	smul.u32 $0x431BE2E9, s0;
	_ =	sdelay $0x1  }
0x30a: {  	[smem:$0x5CE] =	sst s0;
	s0 =	spop (v2sf);
	s1 =	sadd.s32 s2, s1  }
0x30b: {  	s2 =	smulhi.u32 $0x431BE2E9, s0;
	[smem:$0x631] =	sst s1  }
0x30c: {  	s1 =	sld [smem:$0x581]  }
0x30d: {  	[smem:$0x5CF] =	sst s2  }
0x30e: {  	s2 =	sld [smem:$0x582];
	_ =	sdelay $0x2  }
0x30f: {  	s1 =	sadd.s32 s2, s1;
	s2 =	sld [smem:$0x584]  }
0x310: {  	[smem:$0x633] =	sst s1  }
0x311: {  	s0 =	sshra.s32 s0, $0x1F;
	s1 =	sld [smem:$0x583]  }
0x312: {  	s0 =	smul.u32 $0x431BE2E9, s0;
	_ =	sdelay $0x1  }
0x313: {  	[smem:$0x5D0] =	sst s0;
	s0 =	spop (v2sf);
	s1 =	sadd.s32 s2, s1  }
0x314: {  	s2 =	smulhi.u32 $0x431BE2E9, s0;
	[smem:$0x635] =	sst s1  }
0x315: {  	s1 =	sld [smem:$0x585]  }
0x316: {  	[smem:$0x5D1] =	sst s2  }
0x317: {  	s2 =	sld [smem:$0x586];
	_ =	sdelay $0x2  }
0x318: {  	s1 =	sadd.s32 s2, s1;
	s2 =	sld [smem:$0x588]  }
0x319: {  	[smem:$0x637] =	sst s1  }
0x31a: {  	s0 =	sshra.s32 s0, $0x1F;
	s1 =	sld [smem:$0x587]  }
0x31b: {  	s0 =	smul.u32 $0x431BE2E9, s0;
	_ =	sdelay $0x1  }
0x31c: {  	[smem:$0x5D2] =	sst s0;
	s0 =	spop (v2sf);
	s1 =	sadd.s32 s2, s1  }
0x31d: {  	s2 =	smulhi.u32 $0x431BE2E9, s0;
	[smem:$0x63A] =	sst s1  }
0x31e: {  	s1 =	sld [smem:$0x589]  }
0x31f: {  	[smem:$0x5D3] =	sst s2  }
0x320: {  	s2 =	sld [smem:$0x58A];
	_ =	sdelay $0x2  }
0x321: {  	s1 =	sadd.s32 s2, s1;
	s2 =	sld [smem:$0x58C]  }
0x322: {  	[smem:$0x632] =	sst s1  }
0x323: {  	s0 =	sshra.s32 s0, $0x1F;
	s1 =	sld [smem:$0x58B]  }
0x324: {  	s0 =	smul.u32 $0x431BE2E9, s0;
	_ =	sdelay $0x1  }
0x325: {  	[smem:$0x5D4] =	sst s0;
	s0 =	spop (v2sf);
	s1 =	sadd.s32 s2, s1  }
0x326: {  	s2 =	smulhi.u32 $0x431BE2E9, s0;
	[smem:$0x634] =	sst s1  }
0x327: {  	s1 =	sld [smem:$0x58D]  }
0x328: {  	[smem:$0x5D5] =	sst s2  }
0x329: {  	s2 =	sld [smem:$0x58E];
	_ =	sdelay $0x2  }
0x32a: {  	s1 =	sadd.s32 s2, s1;
	s2 =	sld [smem:$0x590]  }
0x32b: {  	[smem:$0x636] =	sst s1  }
0x32c: {  	(v2sf) =	vpush v8, $0x6;
	s0 =	sshra.s32 s0, $0x1F;
	s1 =	sld [smem:$0x58F]  }
0x32d: {  	s0 =	smul.u32 $0x431BE2E9, s0;
	_ =	sdelay $0x1  }
0x32e: {  	[smem:$0x5D6] =	sst s0;
	s0 =	spop (v2sf);
	s1 =	sadd.s32 s2, s1  }
0x32f: {  	s2 =	smulhi.u32 $0x431BE2E9, s0;
	[smem:$0x638] =	sst s1  }
0x330: {  	s1 =	sld [smem:$0x591]  }
0x331: {  	[smem:$0x5D7] =	sst s2  }
0x332: {  	s2 =	sld [smem:$0x592];
	_ =	sdelay $0x2  }
0x333: {  	s1 =	sadd.s32 s2, s1;
	s2 =	sld [smem:$0x594]  }
0x334: {  	[smem:$0x639] =	sst s1  }
0x335: {  	(v2sf) =	vpush v8, $0x7;
	s0 =	sshra.s32 s0, $0x1F;
	s1 =	sld [smem:$0x593]  }
0x336: {  	s0 =	smul.u32 $0x431BE2E9, s0;
	_ =	sdelay $0x1  }
0x337: {  	[smem:$0x5D8] =	sst s0;
	s0 =	spop (v2sf);
	s1 =	sadd.s32 s2, s1  }
0x338: {  	s2 =	smulhi.u32 $0x431BE2E9, s0;
	[smem:$0x63B] =	sst s1  }
0x339: {  	s1 =	sld [smem:$0x595]  }
0x33a: {  	[smem:$0x5D9] =	sst s2  }
0x33b: {  	s2 =	sld [smem:$0x596];
	_ =	sdelay $0x1  }
0x33c: {  	v10 =	vmul.u32 $0x6A37, v49;
	v9 =	vmul.u32 $0x8DD9, v48  }
0x33d: {  	s1 =	sadd.s32 s2, s1;
	s2 =	sld [smem:$0x598]  }
0x33e: {  	v9 =	vxor.u32 v9, v10;
	[smem:$0x63C] =	sst s1  }
0x33f: {  	(v2sf) =	vpush v9, $0xD;
	s0 =	sshra.s32 s0, $0x1F;
	s1 =	sld [smem:$0x597]  }
0x340: {  	s0 =	smul.u32 $0x431BE2E9, s0;
	_ =	sdelay $0x1  }
0x341: {  	[smem:$0x5DA] =	sst s0;
	s0 =	spop (v2sf);
	s1 =	sadd.s32 s2, s1  }
0x342: {  	s2 =	smulhi.u32 $0x431BE2E9, s0;
	[smem:$0x630] =	sst s1  }
0x343: {  	s1 =	sld [smem:$0x599]  }
0x344: {  	[smem:$0x5DB] =	sst s2  }
0x345: {  	s2 =	sld [smem:$0x59A];
	_ =	sdelay $0x2  }
0x346: {  	s1 =	sadd.s32 s2, s1;
	s2 =	sld [smem:$0x59C]  }
0x347: {  	[smem:$0x63D] =	sst s1  }
0x348: {  	(v2sf) =	vpush v9, $0xC;
	s0 =	sshra.s32 s0, $0x1F;
	s1 =	sld [smem:$0x59B]  }
0x349: {  	s0 =	smul.u32 $0x431BE2E9, s0;
	_ =	sdelay $0x1  }
0x34a: {  	[smem:$0x5DC] =	sst s0;
	s0 =	spop (v2sf);
	s1 =	sadd.s32 s2, s1  }
0x34b: {  	s2 =	smulhi.u32 $0x431BE2E9, s0;
	[smem:$0x63E] =	sst s1  }
0x34c: {  	s1 =	sld [smem:$0x59D]  }
0x34d: {  	[smem:$0x5DD] =	sst s2  }
0x34e: {  	s2 =	sld [smem:$0x59E];
	_ =	sdelay $0x2  }
0x34f: {  	s1 =	sadd.s32 s2, s1;
	s2 =	sld [smem:$0x5A0]  }
0x350: {  	[smem:$0x640] =	sst s1  }
0x351: {  	(v2sf) =	vpush v9, $0xE;
	s0 =	sshra.s32 s0, $0x1F;
	s1 =	sld [smem:$0x59F]  }
0x352: {  	s0 =	smul.u32 $0x431BE2E9, s0;
	_ =	sdelay $0x1  }
0x353: {  	[smem:$0x5DE] =	sst s0;
	s0 =	spop (v2sf);
	s1 =	sadd.s32 s2, s1  }
0x354: {  	s2 =	smulhi.u32 $0x431BE2E9, s0;
	[smem:$0x642] =	sst s1  }
0x355: {  	s1 =	sld [smem:$0x5A1]  }
0x356: {  	[smem:$0x5DF] =	sst s2  }
0x357: {  	s2 =	sld [smem:$0x5A2];
	_ =	sdelay $0x2  }
0x358: {  	s1 =	sadd.s32 s2, s1;
	s2 =	sld [smem:$0x5A4]  }
0x359: {  	[smem:$0x643] =	sst s1  }
0x35a: {  	(v2sf) =	vpush v9, $0xF;
	s0 =	sshra.s32 s0, $0x1F;
	s1 =	sld [smem:$0x5A3]  }
0x35b: {  	s0 =	smul.u32 $0x431BE2E9, s0;
	_ =	sdelay $0x1  }
0x35c: {  	[smem:$0x5E0] =	sst s0;
	s0 =	spop (v2sf);
	s1 =	sadd.s32 s2, s1  }
0x35d: {  	s2 =	smulhi.u32 $0x431BE2E9, s0;
	[smem:$0x645] =	sst s1  }
0x35e: {  	s1 =	sld [smem:$0x5A5]  }
0x35f: {  	[smem:$0x5E1] =	sst s2  }
0x360: {  	s2 =	sld [smem:$0x5A6];
	_ =	sdelay $0x2  }
0x361: {  	s1 =	sadd.s32 s2, s1;
	s2 =	sld [smem:$0x5A8]  }
0x362: {  	[smem:$0x647] =	sst s1  }
0x363: {  	(v2sf) =	vpush v9, $0x9;
	s0 =	sshra.s32 s0, $0x1F;
	s1 =	sld [smem:$0x5A7]  }
0x364: {  	s0 =	smul.u32 $0x431BE2E9, s0;
	_ =	sdelay $0x1  }
0x365: {  	[smem:$0x5E2] =	sst s0;
	s0 =	spop (v2sf);
	s1 =	sadd.s32 s2, s1  }
0x366: {  	s2 =	smulhi.u32 $0x431BE2E9, s0;
	[smem:$0x649] =	sst s1  }
0x367: {  	s1 =	sld [smem:$0x5A9]  }
0x368: {  	[smem:$0x5E3] =	sst s2  }
0x369: {  	s2 =	sld [smem:$0x5AA];
	_ =	sdelay $0x2  }
0x36a: {  	s1 =	sadd.s32 s2, s1;
	s2 =	sld [smem:$0x5AC]  }
0x36b: {  	[smem:$0x641] =	sst s1  }
0x36c: {  	(v2sf) =	vpush v9, $0x8;
	s0 =	sshra.s32 s0, $0x1F;
	s1 =	sld [smem:$0x5AB]  }
0x36d: {  	s0 =	smul.u32 $0x431BE2E9, s0;
	_ =	sdelay $0x1  }
0x36e: {  	[smem:$0x5E4] =	sst s0;
	s0 =	spop (v2sf);
	s1 =	sadd.s32 s2, s1  }
0x36f: {  	s2 =	smulhi.u32 $0x431BE2E9, s0;
	[smem:$0x644] =	sst s1  }
0x370: {  	s1 =	sld [smem:$0x5AD]  }
0x371: {  	[smem:$0x5E5] =	sst s2  }
0x372: {  	s2 =	sld [smem:$0x5AE];
	_ =	sdelay $0x2  }
0x373: {  	s1 =	sadd.s32 s2, s1;
	s2 =	sld [smem:$0x5B0]  }
0x374: {  	[smem:$0x646] =	sst s1  }
0x375: {  	(v2sf) =	vpush v9, $0xA;
	s0 =	sshra.s32 s0, $0x1F;
	s1 =	sld [smem:$0x5AF]  }
0x376: {  	s0 =	smul.u32 $0x431BE2E9, s0;
	_ =	sdelay $0x1  }
0x377: {  	[smem:$0x5E6] =	sst s0;
	s0 =	spop (v2sf);
	s1 =	sadd.s32 s2, s1  }
0x378: {  	s2 =	smulhi.u32 $0x431BE2E9, s0;
	[smem:$0x648] =	sst s1  }
0x379: {  	s1 =	sld [smem:$0x5B1]  }
0x37a: {  	[smem:$0x5E7] =	sst s2  }
0x37b: {  	s2 =	sld [smem:$0x5B2];
	_ =	sdelay $0x2  }
0x37c: {  	(v2sf) =	vpush v9, $0xB;
	s1 =	sadd.s32 s2, s1;
	s2 =	sld [smem:$0x5B4]  }
0x37d: {  	[smem:$0x64A] =	sst s1  }
0x37e: {  	s0 =	sshra.s32 s0, $0x1F;
	s1 =	sld [smem:$0x5B3]  }
0x37f: {  	s21 =	sadd.s32 s9, s21;
	s0 =	smul.u32 $0x431BE2E9, s0  }
0x380: {  	[smem:$0x653] =	sst s21  }
0x381: {  	[smem:$0x5E8] =	sst s0;
	s0 =	spop (v2sf);
	s1 =	sadd.s32 s2, s1  }
0x382: {  	s2 =	smulhi.u32 $0x431BE2E9, s0;
	[smem:$0x64B] =	sst s1  }
0x383: {  	s1 =	sld [smem:$0x5B5]  }
0x384: {  	[smem:$0x5E9] =	sst s2  }
0x385: {  	s4 =	sadd.s32 s10, s4;
	(v2sf) =	vpush v9, $0x0;
	s2 =	sld [smem:$0x5B6]  }
0x386: {  	s9 =	sadd.s32 s7, s5;
	[smem:$0x654] =	sst s4;
	(v2sf) =	vpush v9, $0x1  }
0x387: {  	[smem:$0x656] =	sst s9;
	s0 =	sshra.s32 s0, $0x1F  }
0x388: {  	s0 =	smul.u32 $0x431BE2E9, s0;
	s1 =	sadd.s32 s2, s1;
	s2 =	sld [smem:$0x5B7]  }
0x389: {  	s7 =	sld [smem:$0x5BF]  }
0x38a: {  	s12 =	smul.u32 $0x431BE2E9, s12;
	[smem:$0x5EA] =	sst s0  }
0x38b: {  	s0 =	spop (v2sf);
	[smem:$0x64C] =	sst s1;
	s1 =	sadd.s32 s15, s2  }
0x38c: {  	s15 =	smulhi.u32 $0x431BE2E9, s0;
	s2 =	sadd.s32 s17, s14;
	[smem:$0x63F] =	sst s1  }
0x38d: {  	s0 =	sshra.s32 s0, $0x1F;
	s17 =	sadd.s32 s20, s18;
	[smem:$0x64D] =	sst s2  }
0x38e: {  	s0 =	smul.u32 $0x431BE2E9, s0;
	[smem:$0x64F] =	sst s17  }
0x38f: {  	(v2sf) =	vpush v9, $0x2;
	[smem:$0x5EB] =	sst s15;
	s15 =	sadd.s32 s19, s16;
	s19 =	sadd.s32 s12, s13  }
0x390: {  	(v2sf) =	vpush v9, $0x3;
	s12 =	sadd.s32 s23, s22;
	s22 =	sadd.s32 s3, s8;
	s3 =	sld [smem:$0x5BE]  }
0x391: {  	s8 =	sld [smem:$0x5C0]  }
0x392: {  	[smem:$0x5EC] =	sst s0  }
0x393: {  	(v2sf) =	vpush v9, $0x4;
	[smem:$0x64E] =	sst s15  }
0x394: {  	s14 =	spop (v2sf);
	[smem:$0x651] =	sst s19  }
0x395: {  	s18 =	spop (v2sf);
	[smem:$0x659] =	sst s12  }
0x396: {  	s16 =	smulhi.u32 $0x431BE2E9, s14;
	[smem:$0x65A] =	sst s22  }
0x397: {  	s0 =	sshra.s32 s14, $0x1F;
	s14 =	sadd.s32 s25, s24;
	s24 =	sld [smem:$0x5B9]  }
0x398: {  	s20 =	smulhi.u32 $0x431BE2E9, s18;
	s22 =	sld [smem:$0x5CA]  }
0x399: {  	(v2sf) =	vpush v9, $0x5;
	[smem:$0x5ED] =	sst s16  }
0x39a: {  	[smem:$0x5EF] =	sst s20  }
0x39b: {  	[smem:$0x652] =	sst s14  }
0x39c: {  	s20 =	sld [smem:$0x5B8]  }
0x39d: {  	(v2sf) =	vpush v9, $0x6;
	s16 =	sadd.s32 s29, s26;
	s26 =	sld [smem:$0x5BA]  }
0x39e: {  	s2 =	spop (v2sf);
	s29 =	sld [smem:$0x5BB]  }
0x39f: {  	s10 =	spop (v2sf);
	s14 =	sld [smem:$0x5C4]  }
0x3a0: {  	s0 =	smul.u32 $0x431BE2E9, s0;
	[smem:$0x655] =	sst s16  }
0x3a1: {  	s13 =	smulhi.u32 $0x431BE2E9, s10;
	s16 =	sld [smem:$0x5C5]  }
0x3a2: {  	s15 =	spop (v2sf);
	[smem:$0x5EE] =	sst s0  }
0x3a3: {  	s17 =	smulhi.u32 $0x431BE2E9, s15;
	[smem:$0x5F1] =	sst s13  }
0x3a4: {  	s0 =	sshra.s32 s18, $0x1F;
	s18 =	sadd.s32 s30, s28;
	s30 =	sld [smem:$0x5BC]  }
0x3a5: {  	s13 =	sld [smem:$0x5C3]  }
0x3a6: {  	(v2sf) =	vpush v9, $0x7;
	[smem:$0x5F3] =	sst s17  }
0x3a7: {  	[smem:$0x657] =	sst s18  }
0x3a8: {  	s19 =	spop (v2sf);
	s17 =	sld [smem:$0x5C6]  }
0x3a9: {  	s21 =	smulhi.u32 $0x431BE2E9, s19;
	s1 =	sadd.s32 s20, s31;
	s20 =	sld [smem:$0x5C8]  }
0x3aa: {  	[smem:$0x658] =	sst s1  }
0x3ab: {  	s0 =	smul.u32 $0x431BE2E9, s0;
	[smem:$0x5F5] =	sst s21  }
0x3ac: {  	s23 =	spop (v2sf);
	s21 =	sld [smem:$0x5C9]  }
0x3ad: {  	v50 =	vld [tilespmem:$0xE0];
	s25 =	smulhi.u32 $0x431BE2E9, s23;
	s1 =	sadd.s32 s24, s6;
	[smem:$0x5F0] =	sst s0  }
0x3ae: {  	v51 =	vld [tilespmem:$0xDF];
	[smem:$0x65B] =	sst s1  }
0x3af: {  	[smem:$0x5F7] =	sst s25  }
0x3b0: {  	s4 =	smulhi.u32 $0x431BE2E9, s2;
	s0 =	sshra.s32 s2, $0x1F;
	s2 =	sld [smem:$0x5BD]  }
0x3b1: {  	s1 =	sadd.s32 s26, s11;
	s11 =	sld [smem:$0x5C2]  }
0x3b2: {  	[smem:$0x65C] =	sst s1  }
0x3b3: {  	v10 =	vmul.u32 $0x8DD9, v50;
	v11 =	vmul.u32 $0x6A37, v51;
	s5 =	smul.u32 $0x431BE2E9, s0;
	s0 =	sshra.s32 s10, $0x1F;
	s10 =	sld [smem:$0x5C1]  }
0x3b4: {  	s1 =	sadd.s32 s30, s29;
	s30 =	sld [smem:$0x5CB]  }
0x3b5: {  	v10 =	vxor.u32 v10, v11;
	s28 =	spop (v2sf);
	[smem:$0x650] =	sst s1  }
0x3b6: {  	(v2sf) =	vpush v10, $0xD;
	s0 =	smul.u32 $0x431BE2E9, s0;
	s1 =	sadd.s32 s3, s2;
	s2 =	sld [smem:$0x5CD]  }
0x3b7: {  	s31 =	smulhi.u32 $0x431BE2E9, s28;
	s3 =	sld [smem:$0x5CE]  }
0x3b8: {  	(v2sf) =	vpush v10, $0xC;
	[smem:$0x5F2] =	sst s0  }
0x3b9: {  	[smem:$0x5F9] =	sst s31  }
0x3ba: {  	[smem:$0x65D] =	sst s1  }
0x3bb: {  	s31 =	sld [smem:$0x5CC]  }
0x3bc: {  	s1 =	sadd.s32 s8, s7;
	s7 =	sld [smem:$0x5CF]  }
0x3bd: {  	s8 =	sld [smem:$0x5D0]  }
0x3be: {  	[smem:$0x65E] =	sst s1  }
0x3bf: {  	s1 =	sadd.s32 s11, s10;
	s10 =	sld [smem:$0x5D2]  }
0x3c0: {  	s0 =	sshra.s32 s15, $0x1F;
	[smem:$0x65F] =	sst s1  }
0x3c1: {  	s0 =	smul.u32 $0x431BE2E9, s0;
	s1 =	sadd.s32 s14, s13;
	s13 =	sld [smem:$0x5D4]  }
0x3c2: {  	(v2sf) =	vpush v10, $0xE;
	s14 =	sld [smem:$0x5D5]  }
0x3c3: {  	(v2sf) =	vpush v10, $0xF;
	[smem:$0x5F4] =	sst s0  }
0x3c4: {  	[smem:$0x660] =	sst s1  }
0x3c5: {  	s6 =	spop (v2sf);
	s0 =	sshra.s32 s19, $0x1F;
	s19 =	sld [smem:$0x5C7]  }
0x3c6: {  	s9 =	smulhi.u32 $0x431BE2E9, s6;
	s1 =	sadd.s32 s17, s16;
	s17 =	sld [smem:$0x5D7]  }
0x3c7: {  	(v2sf) =	vpush v10, $0x9;
	s12 =	spop (v2sf);
	[smem:$0x662] =	sst s1  }
0x3c8: {  	s0 =	smul.u32 $0x431BE2E9, s0;
	[smem:$0x5FA] =	sst s9  }
0x3c9: {  	s15 =	smulhi.u32 $0x431BE2E9, s12;
	s9 =	sld [smem:$0x5D1]  }
0x3ca: {  	(v2sf) =	vpush v10, $0x8;
	[smem:$0x5F6] =	sst s0  }
0x3cb: {  	[smem:$0x5FC] =	sst s15  }
0x3cc: {  	s15 =	sld [smem:$0x5D6]  }
0x3cd: {  	s1 =	sadd.s32 s20, s19;
	s19 =	sld [smem:$0x5D8]  }
0x3ce: {  	[smem:$0x664] =	sst s1;
	s1 =	sadd.s32 s22, s21  }
0x3cf: {  	(v2sf) =	vpush v10, $0xA;
	s0 =	sshra.s32 s23, $0x1F;
	[smem:$0x665] =	sst s1  }
0x3d0: {  	(v2sf) =	vpush v10, $0xB;
	s0 =	smul.u32 $0x431BE2E9, s0;
	s1 =	sadd.s32 s31, s30;
	s30 =	sld [smem:$0x5D9]  }
0x3d1: {  	s18 =	spop (v2sf);
	s31 =	sld [smem:$0x5DA]  }
0x3d2: {  	s23 =	spop (v2sf);
	[smem:$0x5F8] =	sst s0  }
0x3d3: {  	s25 =	smulhi.u32 $0x431BE2E9, s23;
	s0 =	sshra.s32 s28, $0x1F;
	[smem:$0x667] =	sst s1  }
0x3d4: {  	s28 =	smulhi.u32 $0x431BE2E9, s18;
	s1 =	sadd.s32 s3, s2;
	s2 =	sld [smem:$0x5E9]  }
0x3d5: {  	s29 =	smul.u32 $0x431BE2E9, s0;
	s0 =	sshra.s32 s6, $0x1F;
	[smem:$0x663] =	sst s1  }
0x3d6: {  	s6 =	spop (v2sf);
	s1 =	sadd.s32 s8, s7;
	s7 =	sld [smem:$0x5DC]  }
0x3d7: {  	s8 =	sld [smem:$0x5DD];
	s0 =	smul.u32 $0x431BE2E9, s0  }
0x3d8: {  	[smem:$0x666] =	sst s1;
	s22 =	smulhi.u32 $0x431BE2E9, s6  }
0x3d9: {  	s1 =	sadd.s32 s10, s9;
	s11 =	spop (v2sf);
	s9 =	sld [smem:$0x5DE]  }
0x3da: {  	s21 =	smulhi.u32 $0x431BE2E9, s11;
	[smem:$0x5FB] =	sst s0;
	s0 =	sshra.s32 s12, $0x1F  }
0x3db: {  	(v2sf) =	vpush v10, $0x0;
	s12 =	sld [smem:$0x5D3];
	s26 =	smul.u32 $0x431BE2E9, s0;
	s0 =	sshra.s32 s18, $0x1F  }
0x3dc: {  	[smem:$0x668] =	sst s1;
	s24 =	smul.u32 $0x431BE2E9, s0;
	s0 =	sshra.s32 s23, $0x1F  }
0x3dd: {  	(v2sf) =	vpush v10, $0x1;
	s23 =	smul.u32 $0x431BE2E9, s0;
	s0 =	sshra.s32 s6, $0x1F;
	s6 =	sld [smem:$0x5DB]  }
0x3de: {  	s16 =	spop (v2sf);
	s1 =	sadd.s32 s13, s12;
	s12 =	sld [smem:$0x5E0]  }
0x3df: {  	s3 =	spop (v2sf);
	s13 =	sld [smem:$0x5E1]  }
0x3e0: {  	(v2sf) =	vpush v10, $0x2;
	s20 =	smul.u32 $0x431BE2E9, s0;
	[smem:$0x669] =	sst s1  }
0x3e1: {  	s0 =	sshra.s32 s11, $0x1F;
	s1 =	sadd.s32 s15, s14;
	s11 =	sld [smem:$0x5DF]  }
0x3e2: {  	s24 =	sadd.s32 s24, s28;
	[smem:$0x66A] =	sst s1;
	s18 =	smul.u32 $0x431BE2E9, s0  }
0x3e3: {  	s1 =	sadd.s32 s19, s17;
	s19 =	smulhi.u32 $0x431BE2E9, s16;
	[smem:$0x67F] =	sst s24  }
0x3e4: {  	s0 =	sshra.s32 s16, $0x1F;
	s16 =	smulhi.u32 $0x431BE2E9, s3;
	[smem:$0x66B] =	sst s1  }
0x3e5: {  	s23 =	sadd.s32 s23, s25;
	s1 =	sadd.s32 s31, s30;
	s30 =	sld [smem:$0x5E2]  }
0x3e6: {  	s17 =	smul.u32 $0x431BE2E9, s0;
	s0 =	sshra.s32 s3, $0x1F;
	s3 =	sld [smem:$0x5E3]  }
0x3e7: {  	[smem:$0x680] =	sst s23  }
0x3e8: {  	[smem:$0x66C] =	sst s1  }
0x3e9: {  	s1 =	sadd.s32 s7, s6;
	s6 =	sld [smem:$0x5E4]  }
0x3ea: {  	s10 =	spop (v2sf);
	s20 =	sadd.s32 s20, s22;
	s7 =	sld [smem:$0x5E5]  }
0x3eb: {  	s14 =	smulhi.u32 $0x431BE2E9, s10;
	[smem:$0x681] =	sst s20  }
0x3ec: {  	s31 =	spop (v2sf);
	[smem:$0x661] =	sst s1  }
0x3ed: {  	s18 =	sadd.s32 s18, s21;
	s1 =	sadd.s32 s9, s8;
	s8 =	sld [smem:$0x5E6]  }
0x3ee: {  	(v2sf) =	vpush v10, $0x3;
	s15 =	smul.u32 $0x431BE2E9, s0;
	s0 =	sshra.s32 s10, $0x1F;
	[smem:$0x682] =	sst s18  }
0x3ef: {  	s9 =	spop (v2sf);
	[smem:$0x66D] =	sst s1;
	s1 =	sadd.s32 s12, s11  }
0x3f0: {  	(v2sf) =	vpush v10, $0x4;
	s12 =	smul.u32 $0x431BE2E9, s0;
	[smem:$0x66E] =	sst s1  }
0x3f1: {  	s11 =	smulhi.u32 $0x431BE2E9, s9;
	s1 =	sadd.s32 s30, s13;
	s30 =	sld [smem:$0x5E7]  }
0x3f2: {  	s0 =	sshra.s32 s31, $0x1F;
	s13 =	smulhi.u32 $0x431BE2E9, s31;
	s31 =	sld [smem:$0x5E8]  }
0x3f3: {  	s10 =	smul.u32 $0x431BE2E9, s0;
	s0 =	sshra.s32 s9, $0x1F;
	s9 =	sld [smem:$0x5EC]  }
0x3f4: {  	(v2sf) =	vpush v10, $0x5;
	[smem:$0x66F] =	sst s1  }
0x3f5: {  	s1 =	sadd.s32 s6, s3;
	s3 =	sld [smem:$0x5EA]  }
0x3f6: {  	[smem:$0x670] =	sst s1  }
0x3f7: {  	s1 =	sadd.s32 s8, s7;
	s7 =	sld [smem:$0x5EB]  }
0x3f8: {  	[smem:$0x671] =	sst s1  }
0x3f9: {  	s1 =	sadd.s32 s31, s30;
	s30 =	sld [smem:$0x5ED]  }
0x3fa: {  	s31 =	sld [smem:$0x5EE]  }
0x3fb: {  	[smem:$0x672] =	sst s1;
	s1 =	sadd.s32 s3, s2  }
0x3fc: {  	s2 =	sadd.s32 s5, s4;
	[smem:$0x673] =	sst s1  }
0x3fd: {  	s6 =	spop (v2sf);
	s1 =	sadd.s32 s9, s7;
	[smem:$0x678] =	sst s2  }
0x3fe: {  	s8 =	smul.u32 $0x431BE2E9, s0;
	[smem:$0x676] =	sst s1  }
0x3ff: {  	s3 =	spop (v2sf);
	s1 =	sadd.s32 s31, s30;
	s30 =	sld [smem:$0x5EF]  }
0x400: {  	s0 =	sshra.s32 s6, $0x1F;
	s9 =	smulhi.u32 $0x431BE2E9, s6;
	s31 =	sld [smem:$0x5F0]  }
0x401: {  	v52 =	vld [tilespmem:$0xF0];
	s7 =	smul.u32 $0x431BE2E9, s0;
	s2 =	sld [smem:$0x5F3]  }
0x402: {  	v53 =	vld [tilespmem:$0xEF];
	s6 =	smulhi.u32 $0x431BE2E9, s3;
	s0 =	sshra.s32 s3, $0x1F;
	[smem:$0x675] =	sst s1  }
0x403: {  	s3 =	spop (v2sf);
	s1 =	sadd.s32 s31, s30;
	s30 =	sld [smem:$0x5F1]  }
0x404: {  	s5 =	smul.u32 $0x431BE2E9, s0;
	s31 =	sld [smem:$0x5F2]  }
0x405: {  	(v2sf) =	vpush v10, $0x6;
	s4 =	smulhi.u32 $0x431BE2E9, s3;
	s0 =	sshra.s32 s3, $0x1F;
	s3 =	sld [smem:$0x5F4]  }
0x406: {  	[smem:$0x677] =	sst s1  }
0x407: {  	v12 =	vmul.u32 $0x6A37, v53;
	v11 =	vmul.u32 $0x8DD9, v52;
	s1 =	sadd.s32 s31, s30;
	s30 =	sld [smem:$0x5F5]  }
0x408: {  	(v2sf) =	vpush v10, $0x7;
	s31 =	sld [smem:$0x5F6]  }
0x409: {  	v11 =	vxor.u32 v11, v12;
	[smem:$0x679] =	sst s1;
	s1 =	sadd.s32 s3, s2  }
0x40a: {  	(v2sf) =	vpush v11, $0xD;
	[smem:$0x67A] =	sst s1  }
0x40b: {  	(v2sf) =	vpush v11, $0xC;
	s1 =	sadd.s32 s31, s30;
	s30 =	sld [smem:$0x5F8]  }
0x40c: {  	[smem:$0x67B] =	sst s1  }
0x40d: {  	s12 =	sadd.s32 s12, s14;
	s1 =	sld [smem:$0x5F7]  }
0x40e: {  	[smem:$0x683] =	sst s12;
	s10 =	sadd.s32 s10, s13  }
0x40f: {  	(v2sf) =	vpush v11, $0xE;
	[smem:$0x684] =	sst s10  }
0x410: {  	s8 =	sadd.s32 s8, s11;
	s1 =	sadd.s32 s30, s1;
	s30 =	sld [smem:$0x5F9]  }
0x411: {  	(v2sf) =	vpush v11, $0xF;
	[smem:$0x685] =	sst s8;
	s7 =	sadd.s32 s7, s9  }
0x412: {  	[smem:$0x686] =	sst s7  }
0x413: {  	(v2sf) =	vpush v11, $0x9;
	s3 =	smul.u32 $0x431BE2E9, s0;
	s31 =	sadd.s32 s29, s30;
	s29 =	sld [smem:$0x5FA]  }
0x414: {  	s5 =	sadd.s32 s5, s6;
	s0 =	spop (v2sf);
	s30 =	sld [smem:$0x5FB]  }
0x415: {  	(v2sf) =	vpush v11, $0x8;
	s6 =	sld [smem:$0x5FD];
	s2 =	smulhi.u32 $0x431BE2E9, s0;
	s0 =	sshra.s32 s0, $0x1F  }
0x416: {  	[smem:$0x67C] =	sst s1;
	s1 =	smul.u32 $0x431BE2E9, s0  }
0x417: {  	(v2sf) =	vpush v11, $0xA;
	s0 =	spop (v2sf);
	s29 =	sadd.s32 s30, s29;
	s30 =	sld [smem:$0x5FC]  }
0x418: {  	s22 =	sadd.s32 s17, s19;
	[smem:$0x674] =	sst s31;
	s31 =	smulhi.u32 $0x431BE2E9, s0  }
0x419: {  	(v2sf) =	vpush v11, $0xB;
	s0 =	sshra.s32 s0, $0x1F;
	[smem:$0x67D] =	sst s29;
	s29 =	spop (v2sf)  }
0x41a: {  	s0 =	smul.u32 $0x431BE2E9, s0;
	s26 =	sadd.s32 s26, s30;
	s30 =	spop (v2sf)  }
0x41b: {  	s21 =	sadd.s32 s15, s16;
	[smem:$0x67E] =	sst s26;
	s26 =	smulhi.u32 $0x431BE2E9, s29  }
0x41c: {  	[smem:$0x687] =	sst s5;
	s29 =	sshra.s32 s29, $0x1F;
	s23 =	smulhi.u32 $0x431BE2E9, s30  }
0x41d: {  	s7 =	sshrl.u32 s6, $0x1F;
	s28 =	sshra.s32 s30, $0x1F;
	s24 =	smul.u32 $0x431BE2E9, s29  }
0x41e: {  	s3 =	sadd.s32 s3, s4;
	s20 =	smul.u32 $0x431BE2E9, s28;
	s29 =	spop (v2sf)  }
0x41f: {  	[smem:$0x689] =	sst s3;
	s18 =	smulhi.u32 $0x431BE2E9, s29;
	s30 =	sshra.s32 s29, $0x1F  }
0x420: {  	s1 =	sadd.s32 s1, s2;
	s25 =	spop (v2sf);
	s17 =	smul.u32 $0x431BE2E9, s30  }
0x421: {  	[smem:$0x68A] =	sst s1;
	s15 =	smulhi.u32 $0x431BE2E9, s25;
	s28 =	sshra.s32 s25, $0x1F  }
0x422: {  	s0 =	sadd.s32 s0, s31;
	s16 =	spop (v2sf);
	s29 =	smul.u32 $0x431BE2E9, s28  }
0x423: {  	[smem:$0x688] =	sst s0;
	s10 =	smulhi.u32 $0x431BE2E9, s16;
	s19 =	sshra.s32 s16, $0x1F  }
0x424: {  	s1 =	sshra.s32 s6, $0x12;
	s25 =	spop (v2sf);
	s8 =	smul.u32 $0x431BE2E9, s19  }
0x425: {  	s24 =	sadd.s32 s24, s26;
	s28 =	smulhi.u32 $0x431BE2E9, s25;
	s30 =	sshra.s32 s25, $0x1F  }
0x426: {  	s11 =	spop (v2sf);
	s31 =	sadd.s32 s17, s18;
	s9 =	smul.u32 $0x431BE2E9, s30  }
0x427: {  	s18 =	sld [smem:$0x602];
	s13 =	smulhi.u32 $0x431BE2E9, s11;
	s14 =	sshra.s32 s11, $0x1F  }
0x428: {  	s19 =	spop (v2sf);
	s30 =	sadd.s32 s20, s23;
	s11 =	sld [smem:$0x600]  }
0x429: {  	s29 =	sadd.s32 s29, s15;
	s20 =	sld [smem:$0x603];
	s16 =	smul.u32 $0x431BE2E9, s14  }
0x42a: {  	s25 =	smulhi.u32 $0x431BE2E9, s19;
	s28 =	sadd.s32 s9, s28;
	s9 =	sld [smem:$0x5FF]  }
0x42b: {  	s2 =	sshra.s32 s19, $0x1F;
	[smem:$0x68B] =	sst s29;
	s26 =	sadd.s32 s8, s10  }
0x42c: {  	s2 =	smul.u32 $0x431BE2E9, s2;
	s29 =	sadd.s32 s16, s13;
	s13 =	sld [smem:$0x5FE]  }
0x42d: {  	s19 =	sshrl.u32 s18, $0x1F;
	s16 =	sld [smem:$0x601];
	s10 =	sshrl.u32 s9, $0x1F  }
0x42e: {  	s12 =	sshra.s32 s11, $0x12;
	s14 =	sshrl.u32 s11, $0x1F;
	v55 =	vmov s10;
	s10 =	sld [smem:$0x605]  }
0x42f: {  	s15 =	sshra.s32 s11, $0x1F;
	s23 =	sshra.s32 s20, $0x12;
	s8 =	sshra.s32 s13, $0x1F  }
0x430: {  	v57 =	vmov s14;
	s17 =	sshrl.u32 s16, $0x1F;
	s0 =	sshra.s32 s16, $0x12;
	s16 =	sld [smem:$0x607]  }
0x431: {  	s6 =	sshrl.u32 s20, $0x1F;
	v14 =	vnsel vm5, $0x0, v57;
	v54 =	vmov s8;
	v13 =	vsel vm1, s7, v55;
	s7 =	sld [smem:$0x608];
	s11 =	sshrl.u32 s10, $0x1F  }
0x432: {  	v59 =	vsel vm1, s6, v14;
	v12 =	vsel vm5, s12, v54;
	v13 =	vsel vm2, s17, v13;
	s12 =	sshra.s32 s10, $0x12;
	s14 =	sshra.s32 s10, $0x1F;
	s10 =	sld [smem:$0x606]  }
0x433: {  	s8 =	sshra.s32 s20, $0x1F;
	v12 =	vsel vm11, s15, v12;
	v0 =	vsel vm3, s19, v13;
	s17 =	sshrl.u32 s16, $0x1F;
	v13 =	vsel vm2, s11, v59;
	s11 =	sld [smem:$0x60B]  }
0x434: {  	s20 =	sshra.s32 s16, $0x12;
	v58 =	vsel vm1, s23, v12;
	s23 =	sshra.s32 s16, $0x1F;
	s16 =	sld [smem:$0x60C]  }
0x435: {  	s4 =	sshra.s32 s18, $0x12;
	v60 =	vsel vm12, s8, v58;
	s8 =	sld [smem:$0x604]  }
0x436: {  	s25 =	sadd.s32 s2, s25;
	s3 =	sshra.s32 s9, $0x12;
	v14 =	vsel vm2, s12, v60;
	s12 =	sld [smem:$0x609]  }
0x437: {  	s18 =	sshrl.u32 s7, $0x1F;
	s7 =	sshra.s32 s7, $0x12;
	s15 =	sshrl.u32 s10, $0x1F  }
0x438: {  	v13 =	vsel vm3, s17, v13;
	v14 =	vsel vm13, s14, v14;
	s14 =	sshrl.u32 s11, $0x1F;
	s17 =	sshrl.u32 s16, $0x1F;
	s9 =	sshrl.u32 s8, $0x1F  }
0x439: {  	v14 =	vsel vm3, s20, v14;
	v61 =	vmov s9;
	s19 =	sshrl.u32 s12, $0x1F;
	s9 =	sld [smem:$0x60A];
	s20 =	sshra.s32 s12, $0x1F  }
0x43a: {  	v14 =	vsel vm14, s23, v14;
	s23 =	sshrl.u32 s13, $0x1F;
	v15 =	vsel vm1, s15, v61;
	v13 =	vsel vm6, s19, v13;
	s15 =	sshra.s32 s10, $0x12;
	s19 =	sshra.s32 s8, $0x12  }
0x43b: {  	vm0 =	vmmov vm10;
	s8 =	sshra.s32 s11, $0x12;
	s10 =	sld [smem:$0x611];
	v15 =	vsel vm2, s18, v15;
	s18 =	sshra.s32 s12, $0x12  }
0x43c: {  	v13 =	vsel vm7, s14, v13;
	v21 =	vmov s19;
	s12 =	sshra.s32 s16, $0x1F;
	s14 =	sshra.s32 s13, $0x12;
	s13 =	sld [smem:$0x60E];
	v63 =	vsel vm6, s18, v14  }
0x43d: {  	v62 =	vmov s3;
	s6 =	sshrl.u32 s9, $0x1F;
	s5 =	sshra.s32 s9, $0x12;
	v22 =	vsel vm1, s15, v21;
	s15 =	sld [smem:$0x60D];
	v20 =	vsel vm15, s20, v63  }
0x43e: {  	v13 =	vsel vm8, s17, v13;
	s9 =	sshra.s32 s11, $0x1F;
	s11 =	sshra.s32 s16, $0x12;
	s18 =	sld [smem:$0x60F];
	v17 =	vsel vm3, s6, v15;
	v15 =	vsel vm7, s8, v20  }
0x43f: {  	v19 =	vsel vm1, s1, v62;
	v12 =	vsel vm4, s23, v13;
	s20 =	sld [smem:$0x610];
	s2 =	sshra.s32 s10, $0x12;
	s17 =	sshra.s32 s13, $0x1F;
	v15 =	vsel vm10, s9, v15  }
0x440: {  	v13 =	vsel vm2, s0, v19;
	s8 =	sld [smem:$0x61A];
	s16 =	sshrl.u32 s15, $0x1F;
	s0 =	sshra.s32 s15, $0x12;
	vm10 =	vcmask $0x3734;
	v15 =	vsel vm8, s11, v15  }
0x441: {  	s19 =	sshrl.u32 s18, $0x1F;
	s3 =	sshra.s32 s18, $0x12;
	v27 =	vsel vm10, s12, v15;
	s12 =	sld [smem:$0x612]  }
0x442: {  	v19 =	vsel vm3, s4, v13;
	v13 =	vsel vm2, s7, v22;
	v23 =	vmov s17;
	s17 =	sld [smem:$0x613];
	s23 =	sshra.s32 s20, $0x12;
	s7 =	sshrl.u32 s20, $0x1F  }
0x443: {  	s9 =	sshra.s32 s20, $0x1F;
	v29 =	vmov s19;
	s11 =	sshrl.u32 s10, $0x1F;
	s19 =	sld [smem:$0x614]  }
0x444: {  	v26 =	vsel vm3, s5, v13;
	s10 =	sld [smem:$0x615];
	v30 =	vmov s7;
	s7 =	sshrl.u32 s8, $0x1F;
	v20 =	vsel vm4, s14, v27;
	s14 =	sshra.s32 s12, $0x12  }
0x445: {  	v28 =	vsel vm5, s23, v23;
	v13 =	vsel vm1, s16, v29;
	v16 =	vnsel vm5, $0x0, v30;
	s15 =	sshrl.u32 s12, $0x1F;
	s16 =	sshra.s32 s12, $0x1F;
	s12 =	sld [smem:$0x616]  }
0x446: {  	s6 =	sshra.s32 s8, $0x12;
	v15 =	vsel vm11, s9, v28;
	s18 =	sshrl.u32 s17, $0x1F;
	v32 =	vsel vm1, s15, v16;
	s15 =	sld [smem:$0x617]  }
0x447: {  	v13 =	vsel vm2, s11, v13;
	s1 =	sshra.s32 s17, $0x12;
	s20 =	sshrl.u32 s19, $0x1F;
	s23 =	sshra.s32 s19, $0x12;
	v15 =	vsel vm1, s14, v15  }
0x448: {  	[tilespmem:$0x1FEF0] =	vst v0;
	v0 =	vsel vm3, s18, v13;
	s9 =	sshra.s32 s19, $0x1F;
	s11 =	sshrl.u32 s10, $0x1F;
	v31 =	vsel vm12, s16, v15;
	v13 =	vsel vm2, s20, v32;
	s20 =	sld [smem:$0x619]  }
0x449: {  	s4 =	sshra.s32 s10, $0x12;
	v33 =	vsel vm2, s23, v31;
	s14 =	sshrl.u32 s12, $0x1F;
	s16 =	sshrl.u32 s15, $0x1F  }
0x44a: {  	v34 =	vmov s14;
	v16 =	vsel vm13, s9, v33;
	s17 =	sshra.s32 s15, $0x12;
	s18 =	sshra.s32 s15, $0x1F;
	s9 =	sld [smem:$0x618]  }
0x44b: {  	v18 =	vsel vm1, s11, v34;
	v16 =	vsel vm3, s17, v16;
	s23 =	sshrl.u32 s20, $0x1F;
	s11 =	sld [smem:$0x61B];
	s15 =	sshra.s32 s20, $0x12  }
0x44c: {  	v13 =	vsel vm3, s16, v13;
	s16 =	sshra.s32 s12, $0x12;
	s17 =	sshra.s32 s20, $0x1F;
	v16 =	vsel vm14, s18, v16;
	s18 =	sld [smem:$0x61C]  }
0x44d: {  	s20 =	sshrl.u32 s13, $0x1F;
	v37 =	vmov s16;
	s16 =	sld [smem:$0x61D];
	s19 =	sshrl.u32 s9, $0x1F  }
0x44e: {  	v35 =	vmov s3;
	v16 =	vsel vm6, s15, v16;
	s3 =	sshra.s32 s9, $0x12;
	s15 =	sshra.s32 s13, $0x12;
	s13 =	sld [smem:$0x622]  }
0x44f: {  	v13 =	vsel vm6, s23, v13;
	s14 =	sshrl.u32 s11, $0x1F;
	v16 =	vsel vm15, s17, v16;
	s23 =	sshra.s32 s11, $0x12;
	s17 =	sld [smem:$0x61E]  }
0x450: {  	v18 =	vsel vm2, s19, v18;
	s9 =	sshra.s32 s11, $0x1F;
	v13 =	vsel vm7, s14, v13;
	s19 =	sshrl.u32 s18, $0x1F;
	s14 =	sld [smem:$0x61F]  }
0x451: {  	v16 =	vsel vm7, s23, v16;
	s11 =	sshra.s32 s18, $0x12;
	s12 =	sshra.s32 s18, $0x1F;
	s23 =	sld [smem:$0x621]  }
0x452: {  	v36 =	vsel vm1, s0, v35;
	s8 =	sshrl.u32 s16, $0x1F;
	s0 =	sshra.s32 s16, $0x12;
	s16 =	sld [smem:$0x623];
	v13 =	vsel vm8, s19, v13  }
0x453: {  	v16 =	vsel vm0, s9, v16;
	v21 =	vsel vm4, s20, v13;
	v13 =	vsel vm2, s2, v36;
	s18 =	sshrl.u32 s17, $0x1F;
	s2 =	sshra.s32 s17, $0x12;
	s20 =	sld [smem:$0x620]  }
0x454: {  	v16 =	vsel vm8, s11, v16;
	s19 =	sshra.s32 s14, $0x1F;
	s10 =	sshra.s32 s23, $0x12;
	s11 =	sshrl.u32 s23, $0x1F  }
0x455: {  	v38 =	vsel vm1, s4, v37;
	v23 =	vsel vm3, s7, v18;
	v16 =	vsel vm10, s12, v16;
	s12 =	sshra.s32 s23, $0x1F;
	s17 =	sshra.s32 s16, $0x12;
	s23 =	sld [smem:$0x625]  }
0x456: {  	v28 =	vsel vm3, s1, v13;
	v41 =	vmov s18;
	s18 =	sshrl.u32 s16, $0x1F;
	s7 =	sshra.s32 s16, $0x1F;
	s16 =	sld [smem:$0x627];
	v39 =	vmov s19  }
0x457: {  	s5 =	sshra.s32 s13, $0x12;
	v13 =	vsel vm2, s3, v38;
	v29 =	vsel vm4, s15, v16;
	s15 =	sshrl.u32 s13, $0x1F;
	s13 =	sld [smem:$0x626];
	v40 =	vsel vm5, s10, v39  }
0x458: {  	v31 =	vsel vm3, s6, v13;
	v16 =	vsel vm1, s8, v41;
	s19 =	sld [smem:$0x624];
	s3 =	sshrl.u32 s20, $0x1F;
	v13 =	vsel vm11, s12, v40;
	s10 =	sshrl.u32 s23, $0x1F  }
0x459: {  	v42 =	vmov s11;
	v16 =	vsel vm2, s3, v16;
	s11 =	sshra.s32 s23, $0x12;
	s12 =	sshra.s32 s23, $0x1F;
	s23 =	sld [smem:$0x629];
	v13 =	vsel vm1, s17, v13  }
0x45a: {  	[tilespmem:$0x1FF00] =	vst v0;
	v18 =	vnsel vm5, $0x0, v42;
	v0 =	vsel vm3, s15, v16;
	s15 =	sshrl.u32 s13, $0x1F;
	s4 =	sshra.s32 s13, $0x12;
	s13 =	sld [smem:$0x628];
	v43 =	vsel vm12, s7, v13  }
0x45b: {  	s1 =	sshra.s32 s20, $0x12;
	v18 =	vsel vm1, s18, v18;
	s20 =	sshrl.u32 s19, $0x1F;
	v46 =	vmov s15;
	s15 =	sld [smem:$0x62B];
	v45 =	vsel vm2, s11, v43  }
0x45c: {  	s3 =	sshra.s32 s19, $0x12;
	v44 =	vsel vm2, s10, v18;
	s17 =	sshrl.u32 s16, $0x1F;
	v18 =	vsel vm13, s12, v45;
	s12 =	sld [smem:$0x62A]  }
0x45d: {  	s19 =	sshra.s32 s16, $0x12;
	v16 =	vsel vm3, s17, v44;
	s17 =	sld [smem:$0x62C];
	v22 =	vsel vm1, s20, v46;
	s20 =	sshra.s32 s16, $0x1F  }
0x45e: {  	s9 =	sshrl.u32 s23, $0x1F;
	s18 =	sshrl.u32 s13, $0x1F;
	v18 =	vsel vm3, s19, v18;
	s16 =	sshrl.u32 s15, $0x1F  }
0x45f: {  	s19 =	sshra.s32 s13, $0x12;
	v47 =	vsel vm14, s20, v18;
	s20 =	sshra.s32 s13, $0x1F;
	s11 =	sshrl.u32 s12, $0x1F  }
0x460: {  	v22 =	vsel vm2, s9, v22;
	v16 =	vsel vm6, s18, v16;
	v48 =	vsel vm6, s19, v47;
	s10 =	sshra.s32 s12, $0x12;
	s13 =	sshra.s32 s12, $0x1F;
	s12 =	sld [smem:$0x631]  }
0x461: {  	s6 =	sshra.s32 s23, $0x12;
	s18 =	sshrl.u32 s17, $0x1F;
	v18 =	vsel vm3, s16, v22;
	v16 =	vsel vm7, s11, v16;
	v22 =	vsel vm15, s20, v48;
	s20 =	sld [smem:$0x62E]  }
0x462: {  	s23 =	sshrl.u32 s14, $0x1F;
	s9 =	sshra.s32 s15, $0x12;
	v16 =	vsel vm8, s18, v16;
	s18 =	sld [smem:$0x62D]  }
0x463: {  	s15 =	sshra.s32 s17, $0x12;
	s16 =	sshra.s32 s17, $0x1F;
	v22 =	vsel vm7, s10, v22;
	s10 =	sld [smem:$0x62F]  }
0x464: {  	v49 =	vmov s2;
	s17 =	sshra.s32 s14, $0x12;
	v22 =	vsel vm0, s13, v22;
	s13 =	sld [smem:$0x630];
	s14 =	sshrl.u32 s12, $0x1F  }
0x465: {  	v24 =	vsel vm1, s0, v49;
	[tilespmem:$0x1FF10] =	vst v0;
	v0 =	vsel vm4, s23, v16;
	s2 =	sshra.s32 s12, $0x12;
	s23 =	sshrl.u32 s20, $0x1F;
	v22 =	vsel vm8, s15, v22;
	s15 =	sld [smem:$0x632]  }
0x466: {  	v24 =	vsel vm2, s1, v24;
	v50 =	vmov s4;
	s4 =	sshra.s32 s20, $0x12;
	s20 =	sld [smem:$0x634];
	s19 =	sshrl.u32 s18, $0x1F  }
0x467: {  	v24 =	vsel vm3, s5, v24;
	s0 =	sshra.s32 s18, $0x12;
	s5 =	sshrl.u32 s10, $0x1F;
	s1 =	sshra.s32 s10, $0x12;
	v30 =	vmov s23  }
0x468: {  	v25 =	vsel vm1, s3, v50;
	v22 =	vsel vm10, s16, v22;
	s11 =	sshra.s32 s13, $0x1F;
	v30 =	vsel vm1, s19, v30;
	s19 =	sld [smem:$0x633];
	s16 =	sshra.s32 s15, $0x12  }
0x469: {  	v25 =	vsel vm2, s6, v25;
	v51 =	vmov s11;
	s18 =	sshra.s32 s15, $0x1F;
	s23 =	sshra.s32 s20, $0x12;
	s11 =	sld [smem:$0x635]  }
0x46a: {  	v27 =	vsel vm3, s9, v25;
	v34 =	vmov s4;
	s8 =	sshrl.u32 s20, $0x1F;
	s10 =	sshra.s32 s20, $0x1F;
	s20 =	sld [smem:$0x638];
	v25 =	vsel vm5, s16, v51  }
0x46b: {  	v22 =	vsel vm4, s17, v22;
	s17 =	sshrl.u32 s15, $0x1F;
	v30 =	vsel vm2, s5, v30;
	v25 =	vsel vm11, s18, v25;
	s3 =	sshrl.u32 s19, $0x1F;
	s18 =	sld [smem:$0x637]  }
0x46c: {  	v32 =	vmov s17;
	s7 =	sshra.s32 s19, $0x12;
	v33 =	vsel vm1, s23, v25;
	s12 =	sshrl.u32 s11, $0x1F;
	v25 =	vsel vm3, s14, v30;
	s14 =	sld [smem:$0x636]  }
0x46d: {  	v34 =	vsel vm1, s0, v34;
	v32 =	vnsel vm5, $0x0, v32;
	s5 =	sshra.s32 s11, $0x12;
	s23 =	sshrl.u32 s20, $0x1F;
	s11 =	sld [smem:$0x640]  }
0x46e: {  	v53 =	vsel vm12, s10, v33;
	v54 =	vmov s12;
	s12 =	sld [smem:$0x639];
	s10 =	sshra.s32 s20, $0x12;
	v35 =	vmov s5;
	s5 =	sshra.s32 s13, $0x12  }
0x46f: {  	v34 =	vsel vm2, s1, v34;
	v52 =	vsel vm1, s8, v32;
	s19 =	sshrl.u32 s18, $0x1F;
	v33 =	vsel vm1, s3, v54;
	s3 =	sshra.s32 s18, $0x12;
	s16 =	sshra.s32 s14, $0x12  }
0x470: {  	v55 =	vsel vm1, s7, v35;
	s15 =	sshrl.u32 s14, $0x1F;
	s17 =	sshra.s32 s14, $0x1F;
	v33 =	vsel vm2, s19, v33;
	s19 =	sld [smem:$0x63C];
	v32 =	vsel vm2, s16, v53  }
0x471: {  	v38 =	vsel vm3, s2, v34;
	s14 =	sshra.s32 s20, $0x1F;
	v34 =	vsel vm2, s3, v55;
	s3 =	sshrl.u32 s11, $0x1F;
	v32 =	vsel vm13, s17, v32;
	s17 =	sld [smem:$0x63B]  }
0x472: {  	s1 =	sshra.s32 s11, $0x12;
	v30 =	vsel vm2, s15, v52;
	s9 =	sshrl.u32 s12, $0x1F;
	s15 =	sld [smem:$0x63A]  }
0x473: {  	v30 =	vsel vm3, s23, v30;
	s23 =	sshra.s32 s12, $0x12;
	v32 =	vsel vm3, s10, v32;
	s20 =	sshrl.u32 s19, $0x1F;
	s10 =	sshra.s32 s19, $0x1F  }
0x474: {  	v30 =	vsel vm6, s9, v30;
	v32 =	vsel vm14, s14, v32;
	s14 =	sshra.s32 s12, $0x1F;
	s12 =	sld [smem:$0x641];
	s18 =	sshrl.u32 s17, $0x1F  }
0x475: {  	s16 =	sshrl.u32 s15, $0x1F;
	v32 =	vsel vm6, s23, v32;
	v30 =	vsel vm7, s18, v30;
	s18 =	sshra.s32 s19, $0x12;
	s19 =	sld [smem:$0x63D]  }
0x476: {  	s6 =	sshra.s32 s15, $0x12;
	v33 =	vsel vm3, s16, v33;
	s16 =	sshra.s32 s17, $0x12;
	v32 =	vsel vm15, s14, v32;
	s14 =	sld [smem:$0x63F]  }
0x477: {  	s15 =	sshrl.u32 s13, $0x1F;
	s17 =	sshra.s32 s17, $0x1F;
	v30 =	vsel vm8, s20, v30;
	v32 =	vsel vm7, s16, v32;
	s20 =	sld [smem:$0x63E]  }
0x478: {  	s13 =	sshra.s32 s12, $0x12;
	v32 =	vsel vm0, s17, v32;
	s17 =	sld [smem:$0x642];
	s9 =	sshrl.u32 s19, $0x1F  }
0x479: {  	s0 =	sshra.s32 s19, $0x12;
	s7 =	sshra.s32 s14, $0x1F;
	s19 =	sld [smem:$0x643]  }
0x47a: {  	s23 =	sshrl.u32 s20, $0x1F;
	s2 =	sshra.s32 s20, $0x12;
	v57 =	vmov s7;
	s20 =	sld [smem:$0x644]  }
0x47b: {  	s16 =	sshra.s32 s12, $0x1F;
	v30 =	vsel vm4, s15, v30;
	s15 =	sshrl.u32 s12, $0x1F;
	v32 =	vsel vm8, s18, v32;
	v58 =	vsel vm5, s13, v57;
	s13 =	sld [smem:$0x645]  }
0x47c: {  	v15 =	vsel vm3, s6, v34;
	v32 =	vsel vm10, s10, v32;
	s18 =	sshrl.u32 s17, $0x1F;
	s4 =	sshra.s32 s17, $0x12;
	v34 =	vsel vm11, s16, v58;
	s16 =	sld [smem:$0x646]  }
0x47d: {  	v39 =	vsel vm4, s5, v32;
	v59 =	vmov s23;
	s5 =	sshrl.u32 s19, $0x1F;
	s6 =	sshra.s32 s19, $0x12;
	s23 =	sshra.s32 s20, $0x12  }
0x47e: {  	v60 =	vmov s15;
	v32 =	vsel vm1, s9, v59;
	s10 =	sshrl.u32 s20, $0x1F;
	s12 =	sshra.s32 s20, $0x1F;
	s20 =	sld [smem:$0x647];
	v34 =	vsel vm1, s23, v34  }
0x47f: {  	v35 =	vnsel vm5, $0x0, v60;
	v32 =	vsel vm2, s3, v32;
	s15 =	sshrl.u32 s13, $0x1F;
	v36 =	vsel vm12, s12, v34;
	s17 =	sshra.s32 s16, $0x12;
	s12 =	sld [smem:$0x648]  }
0x480: {  	s9 =	sshra.s32 s13, $0x12;
	v61 =	vsel vm1, s10, v35;
	s19 =	sshra.s32 s16, $0x1F;
	v63 =	vmov s15;
	v62 =	vsel vm2, s17, v36;
	s17 =	sld [smem:$0x649]  }
0x481: {  	v34 =	vsel vm3, s18, v32;
	s18 =	sshrl.u32 s16, $0x1F;
	s23 =	sshrl.u32 s20, $0x1F;
	v36 =	vsel vm1, s5, v63;
	v35 =	vsel vm13, s19, v62;
	s19 =	sld [smem:$0x64A]  }
0x482: {  	s7 =	sshra.s32 s20, $0x12;
	v36 =	vsel vm2, s23, v36;
	s23 =	sld [smem:$0x64B];
	s15 =	sshra.s32 s12, $0x12  }
0x483: {  	v32 =	vsel vm2, s18, v61;
	s13 =	sshrl.u32 s12, $0x1F;
	s16 =	sshra.s32 s12, $0x1F;
	v35 =	vsel vm3, s15, v35;
	s18 =	sshrl.u32 s17, $0x1F  }
0x484: {  	v32 =	vsel vm3, s13, v32;
	s8 =	sshra.s32 s17, $0x12;
	s13 =	sshra.s32 s14, $0x12;
	v35 =	vsel vm14, s16, v35;
	s16 =	sld [smem:$0x64C]  }
0x485: {  	s20 =	sshrl.u32 s19, $0x1F;
	s10 =	sshrl.u32 s23, $0x1F;
	s11 =	sshra.s32 s19, $0x12  }
0x486: {  	s15 =	sshra.s32 s19, $0x1F;
	v32 =	vsel vm6, s20, v32;
	v35 =	vsel vm6, s11, v35;
	s20 =	sshrl.u32 s14, $0x1F;
	s14 =	sld [smem:$0x64D]  }
0x487: {  	v14 =	vsel vm3, s18, v36;
	s18 =	sshra.s32 s23, $0x12;
	v32 =	vsel vm7, s10, v32;
	v35 =	vsel vm15, s15, v35;
	s15 =	sld [smem:$0x64E];
	s17 =	sshrl.u32 s16, $0x1F  }
0x488: {  	s19 =	sshra.s32 s23, $0x1F;
	v35 =	vsel vm7, s18, v35;
	v32 =	vsel vm8, s17, v32;
	s17 =	sld [smem:$0x64F]  }
0x489: {  	v13 =	vmov s2;
	s23 =	sshra.s32 s16, $0x12;
	s11 =	sshra.s32 s16, $0x1F;
	v35 =	vsel vm0, s19, v35;
	s19 =	sld [smem:$0x651]  }
0x48a: {  	v37 =	vsel vm1, s0, v13;
	s12 =	sshrl.u32 s14, $0x1F;
	s0 =	sshra.s32 s14, $0x12;
	s14 =	sld [smem:$0x655]  }
0x48b: {  	s16 =	sshrl.u32 s15, $0x1F;
	s3 =	sshra.s32 s15, $0x12;
	s15 =	sld [smem:$0x650]  }
0x48c: {  	v16 =	vsel vm4, s20, v32;
	v32 =	vsel vm2, s1, v37;
	v35 =	vsel vm8, s23, v35;
	s20 =	sld [smem:$0x652]  }
0x48d: {  	v13 =	vsel vm3, s4, v32;
	v35 =	vsel vm10, s11, v35;
	s11 =	sld [smem:$0x653];
	s4 =	sshrl.u32 s17, $0x1F;
	s1 =	sshra.s32 s17, $0x12  }
0x48e: {  	v40 =	vmov s9;
	s5 =	sshrl.u32 s19, $0x1F;
	s2 =	sshra.s32 s19, $0x12;
	v48 =	vsel vm4, s13, v35;
	s13 =	sld [smem:$0x654]  }
0x48f: {  	v41 =	vsel vm1, s6, v40;
	v44 =	vmov s16;
	s16 =	sshra.s32 s14, $0x12;
	s17 =	sshrl.u32 s14, $0x1F;
	s19 =	sld [smem:$0x657]  }
0x490: {  	v32 =	vsel vm2, s7, v41;
	s18 =	sshra.s32 s15, $0x1F;
	s23 =	sshra.s32 s20, $0x12;
	s10 =	sshrl.u32 s20, $0x1F  }
0x491: {  	v51 =	vsel vm3, s8, v32;
	s7 =	sshra.s32 s20, $0x1F;
	v42 =	vmov s18;
	s8 =	sshrl.u32 s11, $0x1F;
	s6 =	sshra.s32 s11, $0x12  }
0x492: {  	s11 =	sshra.s32 s14, $0x1F;
	s18 =	sld [smem:$0x656];
	v43 =	vsel vm5, s23, v42;
	s20 =	sshrl.u32 s19, $0x1F  }
0x493: {  	s23 =	sshra.s32 s19, $0x12;
	s14 =	sshra.s32 s19, $0x1F;
	s19 =	sld [smem:$0x65A];
	v32 =	vsel vm11, s7, v43  }
0x494: {  	v35 =	vsel vm1, s12, v44;
	v45 =	vmov s10;
	v32 =	vsel vm1, s16, v32;
	s16 =	sld [smem:$0x658]  }
0x495: {  	v35 =	vsel vm2, s4, v35;
	v36 =	vnsel vm5, $0x0, v45;
	s9 =	sshra.s32 s13, $0x12;
	s7 =	sshrl.u32 s13, $0x1F  }
0x496: {  	v36 =	vsel vm1, s17, v36;
	s4 =	sshrl.u32 s18, $0x1F;
	s10 =	sshra.s32 s18, $0x12;
	v49 =	vmov s7;
	s18 =	sld [smem:$0x659];
	v37 =	vsel vm12, s11, v32  }
0x497: {  	v46 =	vsel vm2, s20, v36;
	s20 =	sshrl.u32 s19, $0x1F;
	v47 =	vsel vm2, s23, v37;
	v37 =	vsel vm1, s8, v49;
	s8 =	sld [smem:$0x660];
	s17 =	sshrl.u32 s16, $0x1F  }
0x498: {  	v50 =	vmov s3;
	v32 =	vsel vm3, s5, v35;
	v36 =	vsel vm13, s14, v47;
	s23 =	sshra.s32 s16, $0x12;
	s13 =	sshra.s32 s16, $0x1F;
	s16 =	sld [smem:$0x65B]  }
0x499: {  	s5 =	sshrl.u32 s18, $0x1F;
	s7 =	sshra.s32 s18, $0x12;
	v37 =	vsel vm2, s4, v37;
	s18 =	sshra.s32 s19, $0x12;
	v35 =	vsel vm3, s17, v46;
	v36 =	vsel vm3, s23, v36  }
0x49a: {  	s19 =	sshra.s32 s19, $0x1F;
	s14 =	sshrl.u32 s15, $0x1F;
	v43 =	vsel vm3, s5, v37;
	v37 =	vsel vm1, s0, v50;
	v35 =	vsel vm6, s20, v35;
	s20 =	sld [smem:$0x65C]  }
0x49b: {  	s4 =	sld [smem:$0x65F];
	v36 =	vsel vm14, s13, v36;
	v37 =	vsel vm2, s1, v37;
	s1 =	sshra.s32 s8, $0x12;
	s17 =	sshrl.u32 s16, $0x1F  }
0x49c: {  	v36 =	vsel vm6, s18, v36;
	s5 =	sshra.s32 s16, $0x12;
	s18 =	sshra.s32 s15, $0x12;
	s15 =	sld [smem:$0x662]  }
0x49d: {  	s13 =	sshra.s32 s16, $0x1F;
	v35 =	vsel vm7, s17, v35;
	v36 =	vsel vm15, s19, v36;
	s19 =	sld [smem:$0x65D];
	s23 =	sshrl.u32 s20, $0x1F  }
0x49e: {  	v40 =	vmov s9;
	s16 =	sshra.s32 s20, $0x12;
	s17 =	sshra.s32 s20, $0x1F;
	v36 =	vsel vm7, s5, v36;
	s20 =	sld [smem:$0x65E];
	v35 =	vsel vm8, s23, v35  }
0x49f: {  	v40 =	vsel vm1, s6, v40;
	s6 =	sshrl.u32 s4, $0x1F;
	s3 =	sshra.s32 s4, $0x12;
	v41 =	vsel vm0, s13, v36;
	v35 =	vsel vm4, s14, v35;
	s14 =	sld [smem:$0x661]  }
0x4a0: {  	v36 =	vsel vm3, s2, v37;
	s2 =	sshrl.u32 s8, $0x1F;
	s4 =	sshra.s32 s15, $0x12;
	v53 =	vsel vm8, s16, v41;
	s16 =	sld [smem:$0x663]  }
0x4a1: {  	s9 =	sshrl.u32 s19, $0x1F;
	s0 =	sshra.s32 s19, $0x12;
	s19 =	sld [smem:$0x664]  }
0x4a2: {  	v52 =	vsel vm2, s10, v40;
	s23 =	sshrl.u32 s20, $0x1F;
	s5 =	sshra.s32 s20, $0x12;
	s20 =	sld [smem:$0x665]  }
0x4a3: {  	v41 =	vsel vm3, s7, v52;
	s7 =	sshrl.u32 s15, $0x1F;
	v54 =	vsel vm10, s17, v53;
	v42 =	vmov s23;
	s23 =	sld [smem:$0x666];
	s10 =	sshra.s32 s14, $0x1F  }
0x4a4: {  	v37 =	vsel vm4, s18, v54;
	s17 =	sshra.s32 s16, $0x12;
	s18 =	sshrl.u32 s16, $0x1F;
	s11 =	sshrl.u32 s19, $0x1F  }
0x4a5: {  	v42 =	vsel vm1, s9, v42;
	s8 =	sshra.s32 s19, $0x12;
	s19 =	sld [smem:$0x668];
	s13 =	sshrl.u32 s14, $0x1F;
	v55 =	vmov s10  }
0x4a6: {  	s10 =	sshra.s32 s16, $0x1F;
	v46 =	vmov s18;
	s9 =	sshrl.u32 s20, $0x1F;
	v42 =	vsel vm2, s6, v42;
	s6 =	sshra.s32 s20, $0x12;
	v40 =	vsel vm5, s17, v55  }
0x4a7: {  	s18 =	sld [smem:$0x667];
	v50 =	vmov s11;
	s15 =	sshra.s32 s23, $0x12;
	v46 =	vnsel vm5, $0x0, v46;
	s16 =	sshrl.u32 s23, $0x1F;
	v40 =	vsel vm11, s10, v40  }
0x4a8: {  	s17 =	sshra.s32 s23, $0x1F;
	v50 =	vsel vm1, s7, v50;
	v46 =	vsel vm1, s16, v46;
	s20 =	sshrl.u32 s19, $0x1F;
	s16 =	sld [smem:$0x669];
	v40 =	vsel vm1, s15, v40  }
0x4a9: {  	s23 =	sshra.s32 s19, $0x12;
	v50 =	vsel vm2, s9, v50;
	s9 =	sshra.s32 s14, $0x12;
	v46 =	vsel vm2, s20, v46;
	s20 =	sld [smem:$0x66A];
	v40 =	vsel vm12, s17, v40  }
0x4aa: {  	v42 =	vsel vm3, s2, v42;
	s14 =	sld [smem:$0x66D];
	s2 =	sshrl.u32 s18, $0x1F;
	s15 =	sshra.s32 s19, $0x1F;
	v40 =	vsel vm2, s23, v40  }
0x4ab: {  	s10 =	sshra.s32 s18, $0x12;
	s17 =	sshrl.u32 s16, $0x1F;
	s18 =	sshra.s32 s16, $0x12;
	v40 =	vsel vm13, s15, v40  }
0x4ac: {  	s19 =	sshra.s32 s16, $0x1F;
	v46 =	vsel vm3, s17, v46;
	s23 =	sshrl.u32 s20, $0x1F;
	s17 =	sld [smem:$0x66B];
	v40 =	vsel vm3, s18, v40  }
0x4ad: {  	s15 =	sshra.s32 s20, $0x12;
	s16 =	sshra.s32 s20, $0x1F;
	s20 =	sld [smem:$0x66C];
	v40 =	vsel vm14, s19, v40  }
0x4ae: {  	v40 =	vsel vm6, s15, v40  }
0x4af: {  	v46 =	vsel vm6, s23, v46;
	s18 =	sshrl.u32 s17, $0x1F;
	v40 =	vsel vm15, s16, v40;
	s16 =	sld [smem:$0x66E]  }
0x4b0: {  	[tilespmem:$0x1FF20] =	vst v0;
	v52 =	vmov s8;
	v49 =	vsel vm3, s2, v50;
	s2 =	sshra.s32 s14, $0x12;
	s23 =	sshrl.u32 s20, $0x1F;
	v46 =	vsel vm7, s18, v46;
	s18 =	sld [smem:$0x66F]  }
0x4b1: {  	v57 =	vmov s5;
	v52 =	vsel vm1, s4, v52;
	s5 =	sshra.s32 s20, $0x12;
	s7 =	sshra.s32 s20, $0x1F;
	s20 =	sld [smem:$0x670]  }
0x4b2: {  	v52 =	vsel vm2, s6, v52;
	v50 =	vsel vm1, s0, v57;
	s19 =	sshra.s32 s17, $0x12;
	s12 =	sshra.s32 s17, $0x1F;
	s6 =	sld [smem:$0x671]  }
0x4b3: {  	v50 =	vsel vm2, s3, v50;
	s17 =	sshrl.u32 s16, $0x1F;
	s3 =	sshra.s32 s16, $0x12;
	s16 =	sld [smem:$0x674]  }
0x4b4: {  	v55 =	vsel vm3, s10, v52;
	v40 =	vsel vm7, s19, v40;
	s19 =	sshrl.u32 s18, $0x1F;
	s4 =	sshra.s32 s18, $0x12;
	s18 =	sld [smem:$0x675]  }
0x4b5: {  	s15 =	sshrl.u32 s14, $0x1F;
	v46 =	vsel vm8, s23, v46;
	v40 =	vsel vm0, s12, v40;
	s8 =	sld [smem:$0x672];
	s23 =	sshrl.u32 s20, $0x1F;
	v53 =	vmov s17  }
0x4b6: {  	v50 =	vsel vm3, s1, v50;
	v40 =	vsel vm8, s5, v40;
	s0 =	sshra.s32 s20, $0x12;
	s5 =	sshrl.u32 s6, $0x1F;
	v58 =	vsel vm1, s15, v53;
	s17 =	sshra.s32 s16, $0x1F  }
0x4b7: {  	v40 =	vsel vm10, s7, v40;
	s1 =	sshra.s32 s6, $0x12;
	s15 =	sld [smem:$0x673];
	v59 =	vsel vm2, s19, v58;
	s20 =	sshra.s32 s18, $0x12;
	v60 =	vmov s17  }
0x4b8: {  	s14 =	sshrl.u32 s8, $0x1F;
	v53 =	vsel vm4, s9, v40;
	s11 =	sshra.s32 s18, $0x1F;
	v40 =	vsel vm3, s23, v59;
	s23 =	sld [smem:$0x676];
	v52 =	vsel vm5, s20, v60  }
0x4b9: {  	s6 =	sshra.s32 s8, $0x12;
	s19 =	sshrl.u32 s18, $0x1F;
	v52 =	vsel vm11, s11, v52;
	s11 =	sld [smem:$0x677]  }
0x4ba: {  	s7 =	sshrl.u32 s15, $0x1F;
	s8 =	sshra.s32 s15, $0x12;
	s15 =	sld [smem:$0x678]  }
0x4bb: {  	v54 =	vmov s19  }
0x4bc: {  	v57 =	vmov s14;
	s19 =	sld [smem:$0x679];
	v54 =	vnsel vm5, $0x0, v54;
	s12 =	sshrl.u32 s11, $0x1F  }
0x4bd: {  	v57 =	vsel vm1, s5, v57;
	s5 =	sld [smem:$0x67A];
	s10 =	sshrl.u32 s23, $0x1F;
	s17 =	sshrl.u32 s15, $0x1F;
	v54 =	vsel vm1, s12, v54  }
0x4be: {  	s9 =	sshra.s32 s23, $0x12;
	s14 =	sshra.s32 s11, $0x12;
	v54 =	vsel vm2, s17, v54;
	s17 =	sld [smem:$0x67B]  }
0x4bf: {  	v46 =	vsel vm4, s13, v46;
	s20 =	sshrl.u32 s19, $0x1F;
	s23 =	sshra.s32 s19, $0x12;
	s13 =	sshra.s32 s11, $0x1F;
	v52 =	vsel vm1, s14, v52  }
0x4c0: {  	s18 =	sshra.s32 s15, $0x12;
	v52 =	vsel vm12, s13, v52;
	s13 =	sshra.s32 s19, $0x1F;
	s19 =	sld [smem:$0x67C]  }
0x4c1: {  	v57 =	vsel vm2, s7, v57;
	s14 =	sshra.s32 s15, $0x1F;
	s15 =	sshrl.u32 s5, $0x1F;
	v58 =	vsel vm3, s20, v54;
	v52 =	vsel vm2, s18, v52;
	s18 =	sshrl.u32 s17, $0x1F  }
0x4c2: {  	v54 =	vsel vm3, s10, v57;
	v61 =	vsel vm6, s15, v58;
	v52 =	vsel vm13, s14, v52;
	s10 =	sshra.s32 s17, $0x12;
	s14 =	sshra.s32 s17, $0x1F;
	s17 =	sld [smem:$0x67D]  }
0x4c3: {  	s7 =	sshra.s32 s5, $0x12;
	s20 =	sshrl.u32 s19, $0x1F;
	v57 =	vsel vm7, s18, v61;
	s18 =	sld [smem:$0x67E]  }
0x4c4: {  	v52 =	vsel vm3, s23, v52;
	s11 =	sshra.s32 s19, $0x12;
	s15 =	sshra.s32 s19, $0x1F;
	s19 =	sld [smem:$0x67F]  }
0x4c5: {  	s23 =	sshrl.u32 s16, $0x1F;
	v52 =	vsel vm14, s13, v52;
	s13 =	sshra.s32 s16, $0x12;
	v57 =	vsel vm8, s20, v57;
	s20 =	sld [smem:$0x680]  }
0x4c6: {  	v62 =	vmov s3;
	s16 =	sshrl.u32 s17, $0x1F;
	s3 =	sshra.s32 s17, $0x12;
	s17 =	sshrl.u32 s18, $0x1F  }
0x4c7: {  	v59 =	vmov s6;
	s12 =	sshra.s32 s5, $0x1F;
	v52 =	vsel vm6, s7, v52;
	v63 =	vmov s17;
	s17 =	sld [smem:$0x683]  }
0x4c8: {  	(v2sf) =	vpush v11, $0x0;
	v59 =	vsel vm1, s1, v59;
	s1 =	sshra.s32 s22, $0x12;
	v52 =	vsel vm15, s12, v52;
	s12 =	sshrl.u32 s19, $0x1F;
	s5 =	sshra.s32 s19, $0x12  }
0x4c9: {  	v58 =	vsel vm1, s2, v62;
	s19 =	sshrl.u32 s22, $0x1F;
	s22 =	sld [smem:$0x684];
	s7 =	sshra.s32 s18, $0x12  }
0x4ca: {  	v59 =	vsel vm2, s8, v59;
	v58 =	vsel vm2, s4, v58;
	s18 =	sshrl.u32 s20, $0x1F;
	s4 =	sshra.s32 s20, $0x12;
	s20 =	sshrl.u32 s17, $0x1F  }
0x4cb: {  	v61 =	vsel vm3, s9, v59;
	v60 =	vmov s20  }
0x4cc: {  	s6 =	sld [smem:$0x682];
	v52 =	vsel vm7, s10, v52;
	v59 =	vsel vm1, s16, v63;
	s2 =	sshrl.u32 s22, $0x1F;
	v45 =	vnsel vm5, $0x0, v60  }
0x4cd: {  	v52 =	vsel vm0, s14, v52;
	v44 =	vsel vm2, s12, v59;
	v59 =	vsel vm1, s2, v45;
	s2 =	sld [smem:$0x686]  }
0x4ce: {  	v57 =	vsel vm4, s23, v57;
	s23 =	sld [smem:$0x681];
	v52 =	vsel vm8, s11, v52;
	s16 =	sshra.s32 s22, $0x12;
	s11 =	sshra.s32 s17, $0x12  }
0x4cf: {  	v52 =	vsel vm10, s15, v52;
	s15 =	sshra.s32 s17, $0x1F;
	s17 =	sshra.s32 s22, $0x1F;
	s22 =	sld [smem:$0x687]  }
0x4d0: {  	(v2sf) =	vpush v11, $0x1;
	s14 =	sshrl.u32 s6, $0x1F;
	s20 =	sld [smem:$0x685];
	s9 =	sshrl.u32 s2, $0x1F  }
0x4d1: {  	v47 =	vmov s14;
	v62 =	vsel vm4, s13, v52;
	v52 =	vsel vm3, s18, v44;
	s14 =	sshra.s32 s2, $0x12;
	s18 =	sshra.s32 s2, $0x1F;
	s2 =	sld [smem:$0x688]  }
0x4d2: {  	(v2sf) =	vpush v11, $0x2;
	s8 =	sshrl.u32 s21, $0x1F  }
0x4d3: {  	v58 =	vsel vm3, s0, v58;
	s0 =	sshra.s32 s21, $0x12;
	s10 =	sshrl.u32 s23, $0x1F;
	s21 =	sshrl.u32 s20, $0x1F  }
0x4d4: {  	v60 =	vsel vm1, s10, v47;
	s10 =	sshrl.u32 s22, $0x1F;
	v59 =	vsel vm2, s21, v59;
	s12 =	sshra.s32 s2, $0x1F  }
0x4d5: {  	(v2sf) =	vpush v11, $0x3;
	v59 =	vsel vm3, s9, v59;
	s9 =	sshra.s32 s22, $0x12;
	v63 =	vmov s12;
	s12 =	sshra.s32 s22, $0x1F;
	s22 =	sld [smem:$0x689]  }
0x4d6: {  	_ = 	snop  }
0x4d7: {  	(v2sf) =	vpush v11, $0x4;
	s21 =	spop (v2sf)  }
0x4d8: {  	v60 =	vsel vm2, s19, v60;
	s19 =	smulhi.u32 $0x431BE2E9, s21;
	v0 =	vsel vm6, s10, v59;
	s10 =	sshra.s32 s21, $0x1F;
	v63 =	vsel vm5, s11, v63;
	s11 =	sshrl.u32 s22, $0x1F  }
0x4d9: {  	(v2sf) =	vpush v11, $0x5;
	v59 =	vsel vm3, s8, v60;
	s21 =	sshra.s32 s22, $0x12;
	s8 =	sshra.s32 s22, $0x1F;
	s22 =	sld [smem:$0x68A]  }
0x4da: {  	_ = 	snop  }
0x4db: {  	(v2sf) =	vpush v11, $0x6  }
0x4dc: {  	(v2sf) =	vpush v11, $0x7;
	v60 =	vsel vm11, s15, v63;
	v0 =	vsel vm7, s11, v0;
	s15 =	sshrl.u32 s22, $0x1F  }
0x4dd: {  	v44 =	vmov s7;
	v45 =	vsel vm1, s16, v60;
	s11 =	sshrl.u32 s2, $0x1F;
	v0 =	vsel vm8, s15, v0  }
0x4de: {  	s6 =	sshra.s32 s6, $0x12;
	s13 =	sshra.s32 s20, $0x12;
	s20 =	sshra.s32 s20, $0x1F;
	v60 =	vsel vm4, s11, v0;
	v0 =	vsel vm1, s3, v44;
	v44 =	vsel vm12, s17, v45;
	v45 =	vld [tilespmem:$0x1FEF0]  }
0x4df: {  	v47 =	vld [tilespmem:$0xFF];
	s10 =	smul.u32 $0x431BE2E9, s10;
	s16 =	spop (v2sf);
	s15 =	sshra.s32 s22, $0x12  }
0x4e0: {  	v19 =	vcombine.low v26, v19;
	v63 =	vld [tilespmem:$0x100];
	s3 =	sshra.s32 s22, $0x1F;
	s22 =	smulhi.u32 $0x431BE2E9, s16;
	s11 =	sshra.s32 s16, $0x1F  }
0x4e1: {  	v0 =	vsel vm2, s5, v0;
	s5 =	sshra.s32 s2, $0x12;
	s11 =	smul.u32 $0x431BE2E9, s11;
	s2 =	spop (v2sf)  }
0x4e2: {  	v19 =	vperm.xlane v19, v56;
	v20 =	vperm.xlane v20, v1;
	v44 =	vsel vm2, s13, v44;
	s16 =	smulhi.u32 $0x431BE2E9, s2;
	s13 =	sshra.s32 s2, $0x1F;
	s2 =	smov.u32 s24  }
0x4e3: {  	s23 =	sshra.s32 s23, $0x12;
	s17 =	smul.u32 $0x431BE2E9, s13;
	s2 =	sshra.s32 s2, $0x12;
	v45 =	vcombine.low v17, v45;
	v17 =	vsel vm3, s4, v0;
	v0 =	vsel vm13, s20, v44  }
0x4e4: {  	v19 =	vsel vm9, v20, v19;
	v47 =	vmul.u32 $0x6A37, v47;
	s20 =	sshrl.u32 s24, $0x1F;
	s4 =	sadd.s32 s10, s19;
	s19 =	spop (v2sf);
	v0 =	vsel vm3, s14, v0  }
0x4e5: {  	s14 =	smulhi.u32 $0x431BE2E9, s19;
	s13 =	sshra.s32 s19, $0x1F;
	s19 =	sshrl.u32 s31, $0x1F;
	v26 =	vperm.xlane v45, v56;
	v0 =	vsel vm14, s18, v0;
	v45 =	vmul.u32 $0x8DD9, v63  }
0x4e6: {  	v44 =	vmov s6;
	v63 =	vperm.xlane v12, v1;
	s7 =	smul.u32 $0x431BE2E9, s13;
	v0 =	vsel vm6, s9, v0;
	s9 =	sadd.s32 s11, s22;
	s22 =	spop (v2sf)  }
0x4e7: {  	v21 =	vperm.xlane v21, v1;
	v44 =	vsel vm1, s23, v44;
	s18 =	sshrl.u32 s30, $0x1F;
	s13 =	smulhi.u32 $0x431BE2E9, s22;
	s11 =	sshra.s32 s22, $0x1F;
	v12 =	vxor.u32 v45, v47  }
0x4e8: {  	v0 =	vsel vm15, s12, v0;
	s22 =	sld [smem:$0x68B];
	s24 =	spop (v2sf);
	v26 =	vsel vm9, v63, v26;
	s12 =	sadd.s32 s7, s14;
	(v2sf) =	vpush v12, $0xD  }
0x4e9: {  	v20 =	vld [tilespmem:$0x1FF00];
	v63 =	vsel vm2, s1, v44;
	v44 =	vmov s18;
	v0 =	vsel vm7, s21, v0;
	s21 =	smul.u32 $0x431BE2E9, s11;
	s11 =	sadd.s32 s17, s16;
	s17 =	sshrl.u32 s26, $0x1F  }
0x4ea: {  	v47 =	vcombine.low v31, v28;
	v28 =	vperm.xlane v29, v1;
	s6 =	smulhi.u32 $0x431BE2E9, s24;
	s16 =	sshra.s32 s24, $0x1F;
	s24 =	sshrl.u32 s28, $0x1F;
	(v2sf) =	vpush v12, $0xC  }
0x4eb: {  	v19 =	vadd.s32 v26, v19;
	s10 =	spop (v2sf);
	v63 =	vsel vm3, s0, v63;
	v0 =	vsel vm0, s8, v0;
	s1 =	smul.u32 $0x431BE2E9, s16;
	s16 =	sshrl.u32 s25, $0x1F  }
0x4ec: {  	v19 =	vmul.u32 $0xF423F, v19;
	s0 =	smulhi.u32 $0x431BE2E9, s10;
	s8 =	spop (v2sf);
	s23 =	sshrl.u32 s22, $0x1F;
	v0 =	vsel vm8, s15, v0;
	(v2sf) =	vpush v12, $0xE  }
0x4ed: {  	v29 =	vmov s24;
	s15 =	sshrl.u32 s29, $0x1F;
	s14 =	sadd.s32 s21, s13;
	s7 =	sshra.s32 s8, $0x1F;
	v0 =	vsel vm10, s3, v0;
	(v2sf) =	vpush v12, $0xF  }
0x4ee: {  	s3 =	sshra.s32 s10, $0x1F;
	s10 =	smulhi.u32 $0x431BE2E9, s8;
	s13 =	sadd.s32 s1, s6;
	v26 =	vsel vm4, s5, v0;
	v0 =	vsub.s32 v4, v19;
	v4 =	vcombine.low v23, v20  }
0x4ef: {  	s1 =	sshrl.u32 s9, $0x1F;
	s18 =	smul.u32 $0x431BE2E9, s7;
	s21 =	sshrl.u32 s14, $0x1F;
	v19 =	vsel vm1, s20, v44;
	(v2sf) =	vpush v12, $0x9;
	v23 =	vperm.xlane v47, v56  }
0x4f0: {  	s8 =	sshra.s32 s31, $0x12;
	s6 =	sshra.s32 s22, $0x12;
	s5 =	sshrl.u32 s4, $0x1F;
	v47 =	vsel vm1, s17, v29;
	v45 =	vshrl.u32 v0, $0x2;
	v19 =	vsel vm2, s19, v19  }
0x4f1: {  	s7 =	sshra.s32 s28, $0x12;
	s31 =	sshra.s32 s9, $0x12;
	s28 =	sshra.s32 s9, $0x1F;
	v31 =	vmov s5;
	(v2sf) =	vpush v12, $0x8;
	v4 =	vperm.xlane v4, v56  }
0x4f2: {  	s3 =	smul.u32 $0x431BE2E9, s3;
	s20 =	sshrl.u32 s12, $0x1F;
	s17 =	sshra.s32 s4, $0x12;
	v44 =	vand.u32 $0x1FFF, v0;
	v20 =	vand.u32 $0x3FFFE000, v45;
	v19 =	vsel vm3, s23, v19  }
0x4f3: {  	s19 =	sshrl.u32 s11, $0x1F;
	s10 =	sadd.s32 s18, s10;
	s18 =	sshra.s32 s30, $0x12;
	v28 =	vsel vm9, v28, v23;
	(v2sf) =	vpush v12, $0xA;
	v4 =	vsel vm9, v21, v4  }
0x4f4: {  	s5 =	sshra.s32 s26, $0x12;
	s30 =	sshra.s32 s29, $0x12;
	s26 =	sshra.s32 s4, $0x1F;
	(v2sf) =	vpush v12, $0xB;
	v21 =	vnsel vm5, $0x0, v31;
	v4 =	vadd.s32 v4, v28  }
0x4f5: {  	s4 =	sshra.s32 s12, $0x1F;
	s0 =	sadd.s32 s3, s0;
	s23 =	sshrl.u32 s13, $0x1F;
	(v2sf) =	vpush v12, $0x0;
	v21 =	vsel vm1, s1, v21;
	v45 =	vmul.u32 $0xF423F, v4  }
0x4f6: {  	s24 =	sshrl.u32 s10, $0x1F;
	s22 =	sshra.s32 s10, $0x1F;
	s10 =	sshra.s32 s10, $0x12;
	(v2sf) =	vpush v12, $0x1;
	v4 =	vor.u32 v44, v20;
	v44 =	vsel vm2, s19, v21  }
0x4f7: {  	s3 =	sshrl.u32 s0, $0x1F;
	v20 =	vsel vm3, s20, v44;
	s20 =	sshra.s32 s11, $0x1F;
	v29 =	vsub.s32 v3, v45;
	v3 =	vsel vm2, s15, v47;
	s9 =	spop (v2sf)  }
0x4f8: {  	v24 =	vcombine.low v27, v24;
	s15 =	sshra.s32 s11, $0x12;
	v21 =	vsel vm3, s16, v3;
	v3 =	vsel vm6, s21, v20;
	s29 =	smulhi.u32 $0x431BE2E9, s9;
	s11 =	sshra.s32 s9, $0x1F  }
0x4f9: {  	v0 =	vshrl.u32 v0, $0xD;
	(v2sf) =	vpush v12, $0x2;
	s21 =	sshra.s32 s12, $0x12;
	v3 =	vsel vm7, s23, v3;
	s12 =	spop (v2sf);
	s23 =	smul.u32 $0x431BE2E9, s11  }
0x4fa: {  	s1 =	sshra.s32 s25, $0x12;
	v44 =	vmov s22;
	v45 =	vshrl.u32 v29, $0x2;
	v47 =	vsel vm8, s3, v3;
	s22 =	smulhi.u32 $0x431BE2E9, s12;
	s16 =	sshra.s32 s12, $0x1F  }
0x4fb: {  	v3 =	vand.u32 $0x3, v0;
	v0 =	vand.u32 $0x3FFFE000, v45;
	v45 =	vsel vm5, s17, v44;
	s9 =	sshra.s32 s14, $0x12;
	s25 =	spop (v2sf);
	s17 =	smul.u32 $0x431BE2E9, s16  }
0x4fc: {  	v20 =	vsel vm11, s26, v45;
	s11 =	sshra.s32 s14, $0x1F;
	s19 =	smulhi.u32 $0x431BE2E9, s25;
	s14 =	sshra.s32 s25, $0x1F  }
0x4fd: {  	v24 =	vperm.xlane v24, v56;
	v23 =	vsel vm4, s24, v47;
	s12 =	sshra.s32 s13, $0x12;
	v20 =	vsel vm1, s31, v20;
	s31 =	spop (v2sf);
	s24 =	smul.u32 $0x431BE2E9, s14  }
0x4fe: {  	(v2sf) =	vpush v12, $0x3;
	v44 =	vmov s18;
	v47 =	vld [tilespmem:$0x1FF10];
	s16 =	sshra.s32 s13, $0x1F;
	v20 =	vsel vm12, s28, v20;
	s18 =	smulhi.u32 $0x431BE2E9, s31;
	s3 =	sshra.s32 s31, $0x1F  }
0x4ff: {  	v22 =	vperm.xlane v22, v1;
	v14 =	vcombine.low v14, v34;
	s13 =	sshra.s32 s0, $0x1F;
	v20 =	vsel vm2, s15, v20;
	s26 =	spop (v2sf);
	s25 =	smul.u32 $0x431BE2E9, s3  }
0x500: {  	(v2sf) =	vpush v12, $0x4;
	v45 =	vld [tilespmem:$0x1FF20];
	s14 =	sshra.s32 s0, $0x12;
	v20 =	vsel vm13, s20, v20;
	s20 =	smulhi.u32 $0x431BE2E9, s26;
	s28 =	sshra.s32 s26, $0x1F  }
0x501: {  	v22 =	vsel vm9, v22, v24;
	v15 =	vcombine.low v15, v38;
	v14 =	vperm.xlane v14, v56;
	s0 =	sadd.s32 s23, s29;
	s31 =	spop (v2sf);
	s23 =	smul.u32 $0x431BE2E9, s28  }
0x502: {  	v16 =	vperm.xlane v16, v1;
	(v2sf) =	vpush v12, $0x5;
	s15 =	sshrl.u32 s0, $0x1F;
	v20 =	vsel vm3, s21, v20;
	s21 =	smulhi.u32 $0x431BE2E9, s31;
	s26 =	sshra.s32 s31, $0x1F  }
0x503: {  	v15 =	vperm.xlane v15, v56;
	v18 =	vcombine.low v18, v47;
	v47 =	vsel vm1, s2, v44;
	s2 =	sadd.s32 s17, s22;
	s3 =	spop (v2sf);
	s22 =	smul.u32 $0x431BE2E9, s26  }
0x504: {  	v14 =	vsel vm9, v16, v14;
	v62 =	vperm.xlane v62, v1;
	(v2sf) =	vpush v12, $0x6;
	s28 =	smulhi.u32 $0x431BE2E9, s3;
	s26 =	sshra.s32 s3, $0x1F;
	s29 =	spop (v2sf)  }
0x505: {  	v27 =	vperm.xlane v45, v1;
	v20 =	vsel vm14, s4, v20;
	s4 =	sadd.s32 s24, s19;
	v18 =	vperm.xlane v18, v56;
	s19 =	smul.u32 $0x431BE2E9, s26;
	s31 =	spop (v2sf)  }
0x506: {  	v17 =	vcombine.low v63, v17;
	v31 =	vcombine.low v33, v25;
	(v2sf) =	vpush v12, $0x7;
	s17 =	sshrl.u32 s2, $0x1F;
	s24 =	smulhi.u32 $0x431BE2E9, s29;
	s3 =	spop (v2sf)  }
0x507: {  	v33 =	vsel vm2, s8, v47;
	v20 =	vsel vm6, s9, v20;
	s9 =	sshrl.u32 s4, $0x1F;
	s8 =	sshra.s32 s29, $0x1F;
	v18 =	vsel vm9, v27, v18;
	v27 =	vld [tilespmem:$0x110];
	s26 =	smulhi.u32 $0x431BE2E9, s3  }
0x508: {  	v47 =	vmov s7;
	s7 =	sadd.s32 s23, s20;
	v18 =	vadd.s32 v18, v22;
	v22 =	vsel vm3, s6, v33;
	s6 =	sadd.s32 s25, s18;
	s18 =	smul.u32 $0x431BE2E9, s8;
	v33 =	vld [tilespmem:$0x10F]  }
0x509: {  	v24 =	vperm.xlane v31, v56;
	v45 =	vperm.xlane v39, v1;
	s4 =	sshra.s32 s4, $0x12;
	v20 =	vsel vm15, s11, v20;
	s23 =	sshra.s32 s3, $0x1F;
	s25 =	smulhi.u32 $0x431BE2E9, s31  }
0x50a: {  	v44 =	vperm.xlane v30, v1;
	v20 =	vsel vm7, s12, v20;
	s12 =	sadd.s32 s22, s21;
	s29 =	spop (v2sf);
	s21 =	smul.u32 $0x431BE2E9, s23;
	v18 =	vmul.u32 $0xF423F, v18  }
0x50b: {  	v17 =	vperm.xlane v17, v56;
	v38 =	vsel vm9, v45, v15;
	s3 =	sadd.s32 s19, s28;
	s8 =	sshra.s32 s31, $0x1F;
	v20 =	vsel vm0, s16, v20;
	s16 =	smulhi.u32 $0x431BE2E9, s29  }
0x50c: {  	v39 =	vsel vm1, s5, v47;
	s5 =	sshrl.u32 s12, $0x1F;
	s22 =	sshra.s32 s29, $0x1F;
	s20 =	smul.u32 $0x431BE2E9, s8;
	v18 =	vsub.s32 v2, v18;
	v2 =	vsel vm9, v44, v24  }
0x50d: {  	s31 =	spop (v2sf);
	s11 =	sshrl.u32 s6, $0x1F;
	s23 =	smul.u32 $0x431BE2E9, s22;
	v2 =	vadd.s32 v2, v38;
	v27 =	vmul.u32 $0x8DD9, v27;
	v47 =	vmul.u32 $0x6A37, v33  }
0x50e: {  	v28 =	vand.u32 $0x1FFF, v29;
	s8 =	sshrl.u32 s7, $0x1F;
	s28 =	smulhi.u32 $0x431BE2E9, s31;
	s19 =	sshra.s32 s31, $0x1F;
	v44 =	vsel vm2, s30, v39;
	v45 =	vmul.u32 $0xF423F, v2  }
0x50f: {  	s22 =	spop (v2sf);
	v2 =	vsel vm3, s1, v44;
	v33 =	vcombine.low v51, v13;
	s1 =	sadd.s32 s18, s24;
	s18 =	smul.u32 $0x431BE2E9, s19;
	v13 =	vxor.u32 v27, v47  }
0x510: {  	v34 =	vmov s17;
	v20 =	vsel vm8, s14, v20;
	s14 =	sshrl.u32 s3, $0x1F;
	s3 =	sshra.s32 s3, $0x12;
	s17 =	smulhi.u32 $0x431BE2E9, s22;
	(v2sf) =	vpush v13, $0xD  }
0x511: {  	v26 =	vperm.xlane v26, v1;
	v29 =	vshrl.u32 v29, $0xD;
	v0 =	vor.u32 v28, v0;
	s24 =	sshra.s32 s22, $0x1F;
	s19 =	sadd.s32 s20, s25;
	s30 =	spop (v2sf)  }
0x512: {  	v15 =	vand.u32 $0x3, v29;
	v20 =	vsel vm10, s13, v20;
	s22 =	sadd.s32 s21, s26;
	s21 =	sadd.s32 s23, s16;
	s29 =	smul.u32 $0x431BE2E9, s24;
	(v2sf) =	vpush v13, $0xC  }
0x513: {  	v39 =	vperm.xlane v48, v1;
	v25 =	vsel vm4, s10, v20;
	v28 =	vshrl.u32 v18, $0x2;
	s13 =	sshrl.u32 s1, $0x1F;
	s10 =	smulhi.u32 $0x431BE2E9, s30;
	s20 =	sshra.s32 s30, $0x1F  }
0x514: {  	v44 =	vsel vm1, s15, v34;
	v51 =	vshrl.u32 v18, $0xD;
	s15 =	sshrl.u32 s19, $0x1F;
	s31 =	spop (v2sf);
	s25 =	smul.u32 $0x431BE2E9, s20;
	(v2sf) =	vpush v13, $0xE  }
0x515: {  	v16 =	vand.u32 $0x3, v51;
	s1 =	sshra.s32 s1, $0x12;
	v29 =	vsub.s32 v5, v45;
	v38 =	vperm.xlane v33, v56;
	s23 =	smulhi.u32 $0x431BE2E9, s31;
	s26 =	sshra.s32 s31, $0x1F  }
0x516: {  	v45 =	vand.u32 $0x3FFFE000, v28;
	v47 =	vand.u32 $0x1FFF, v18;
	s20 =	sadd.s32 s18, s28;
	s28 =	spop (v2sf);
	s26 =	smul.u32 $0x431BE2E9, s26;
	(v2sf) =	vpush v13, $0xF  }
0x517: {  	s31 =	sshrl.u32 s21, $0x1F;
	v48 =	vshrl.u32 v29, $0x2;
	v34 =	vand.u32 $0x1FFF, v29;
	s18 =	sadd.s32 s29, s17;
	s29 =	smulhi.u32 $0x431BE2E9, s28;
	v18 =	vor.u32 v47, v45  }
0x518: {  	s30 =	sshra.s32 s28, $0x1F;
	v47 =	vmov s5;
	s5 =	sshra.s32 s7, $0x12;
	v5 =	vsel vm9, v39, v38;
	s16 =	sadd.s32 s25, s10;
	(v2sf) =	vpush v13, $0x9  }
0x519: {  	v33 =	vand.u32 $0x3FFFE000, v48;
	s25 =	sshrl.u32 s22, $0x1F;
	s24 =	smul.u32 $0x431BE2E9, s30;
	v39 =	vsel vm2, s9, v44;
	s9 =	sshrl.u32 s20, $0x1F;
	v44 =	vshrl.u32 v29, $0xD  }
0x51a: {  	v48 =	vmov s15;
	s15 =	sshra.s32 s0, $0x12;
	s0 =	sshra.s32 s2, $0x12;
	s30 =	sshra.s32 s6, $0x12;
	v5 =	vadd.s32 v14, v5;
	(v2sf) =	vpush v13, $0x8  }
0x51b: {  	s6 =	sshra.s32 s12, $0x12;
	s2 =	sshra.s32 s19, $0x12;
	s7 =	sshra.s32 s18, $0x12;
	v24 =	vsel vm3, s11, v39;
	v29 =	vnsel vm5, $0x0, v48;
	v48 =	vcombine.low v41, v36  }
0x51c: {  	s10 =	sadd.s32 s26, s23;
	s11 =	sshrl.u32 s18, $0x1F;
	s23 =	sshra.s32 s20, $0x12;
	v38 =	vmul.u32 $0xF423F, v5;
	v39 =	vsel vm1, s25, v29;
	(v2sf) =	vpush v13, $0xA  }
0x51d: {  	v36 =	vperm.xlane v37, v1;
	v5 =	vor.u32 v34, v33;
	s17 =	sadd.s32 s24, s29;
	s24 =	sshrl.u32 s16, $0x1F;
	s26 =	sshrl.u32 s10, $0x1F;
	v28 =	vsel vm2, s31, v39  }
0x51e: {  	s25 =	sshra.s32 s19, $0x1F;
	s19 =	sshra.s32 s20, $0x1F;
	s29 =	sshrl.u32 s17, $0x1F;
	v14 =	vsub.s32 v7, v38;
	v38 =	vsel vm1, s8, v47;
	(v2sf) =	vpush v13, $0xB  }
0x51f: {  	s12 =	sshra.s32 s17, $0x1F;
	s31 =	sshra.s32 s22, $0x12;
	v28 =	vsel vm3, s9, v28;
	v45 =	vshrl.u32 v14, $0x2;
	v33 =	vand.u32 $0x1FFF, v14;
	s9 =	spop (v2sf)  }
0x520: {  	s22 =	sshra.s32 s22, $0x1F;
	v27 =	vsel vm2, s14, v38;
	v51 =	vand.u32 $0x3FFFE000, v45;
	(v2sf) =	vpush v13, $0x0;
	s28 =	smulhi.u32 $0x431BE2E9, s9;
	s8 =	sshra.s32 s9, $0x1F  }
0x521: {  	s14 =	sshra.s32 s21, $0x12;
	v30 =	vsel vm3, s13, v27;
	v45 =	vsel vm6, s11, v28;
	v20 =	vor.u32 v33, v51;
	s11 =	spop (v2sf);
	s20 =	smul.u32 $0x431BE2E9, s8  }
0x522: {  	s21 =	sshra.s32 s21, $0x1F;
	v27 =	vsel vm7, s24, v45;
	v51 =	vmov s12;
	(v2sf) =	vpush v13, $0x1;
	s24 =	smulhi.u32 $0x431BE2E9, s11;
	s13 =	sshra.s32 s11, $0x1F  }
0x523: {  	v41 =	vmov s0;
	v34 =	vcombine.low v43, v32;
	v37 =	vsel vm5, s2, v51;
	s8 =	sshra.s32 s18, $0x1F;
	s18 =	spop (v2sf);
	s2 =	smul.u32 $0x431BE2E9, s13  }
0x524: {  	s12 =	sshra.s32 s10, $0x12;
	v27 =	vsel vm8, s26, v27;
	v38 =	vsel vm11, s25, v37;
	(v2sf) =	vpush v13, $0x2;
	s26 =	smulhi.u32 $0x431BE2E9, s18;
	s11 =	sshra.s32 s18, $0x1F  }
0x525: {  	v29 =	vperm.xlane v48, v56;
	v31 =	vsel vm4, s29, v27;
	v27 =	vsel vm1, s31, v38;
	s13 =	sshra.s32 s16, $0x12;
	s31 =	spop (v2sf);
	s25 =	smul.u32 $0x431BE2E9, s11  }
0x526: {  	v39 =	vcombine.low v49, v42;
	v48 =	vmov s6;
	v27 =	vsel vm12, s22, v27;
	s16 =	sshra.s32 s16, $0x1F;
	s22 =	smulhi.u32 $0x431BE2E9, s31;
	s9 =	sshra.s32 s31, $0x1F  }
0x527: {  	v7 =	vand.u32 $0x3, v44;
	v43 =	vperm.xlane v34, v56;
	v44 =	vperm.xlane v35, v1;
	s11 =	sshra.s32 s10, $0x1F;
	s18 =	spop (v2sf);
	s29 =	smul.u32 $0x431BE2E9, s9  }
0x528: {  	v49 =	vcombine.low v54, v40;
	v42 =	vperm.xlane v39, v56;
	(v2sf) =	vpush v13, $0x3;
	s10 =	sshra.s32 s17, $0x12;
	s17 =	smulhi.u32 $0x431BE2E9, s18;
	s31 =	sshra.s32 s18, $0x1F  }
0x529: {  	v47 =	vsel vm9, v44, v43;
	v43 =	vperm.xlane v46, v1;
	v27 =	vsel vm2, s14, v27;
	s9 =	sadd.s32 s20, s28;
	s0 =	spop (v2sf);
	s20 =	smul.u32 $0x431BE2E9, s31  }
0x52a: {  	v44 =	vcombine.low v55, v50;
	v27 =	vsel vm13, s21, v27;
	(v2sf) =	vpush v13, $0x4;
	s2 =	sadd.s32 s2, s24;
	s21 =	smulhi.u32 $0x431BE2E9, s0;
	s18 =	sshra.s32 s0, $0x1F  }
0x52b: {  	v46 =	vperm.xlane v53, v1;
	v33 =	vsel vm1, s15, v41;
	v27 =	vsel vm3, s23, v27;
	s14 =	sshrl.u32 s9, $0x1F;
	s24 =	spop (v2sf);
	s31 =	smul.u32 $0x431BE2E9, s18  }
0x52c: {  	v33 =	vsel vm2, s4, v33;
	v27 =	vsel vm14, s19, v27;
	(v2sf) =	vpush v13, $0x5;
	s4 =	sadd.s32 s25, s26;
	s19 =	smulhi.u32 $0x431BE2E9, s24;
	s23 =	sshra.s32 s24, $0x1F  }
0x52d: {  	v29 =	vsel vm9, v36, v29;
	v50 =	vld [tilespmem:$0x120];
	v55 =	vcombine.low v61, v58;
	v58 =	vperm.xlane v57, v1;
	s18 =	sshrl.u32 s2, $0x1F;
	s28 =	spop (v2sf);
	s23 =	smul.u32 $0x431BE2E9, s23  }
0x52e: {  	v28 =	vadd.s32 v47, v29;
	v45 =	vperm.xlane v44, v56;
	(v2sf) =	vpush v13, $0x6;
	s0 =	sshrl.u32 s4, $0x1F;
	s25 =	smulhi.u32 $0x431BE2E9, s28;
	s24 =	sshra.s32 s28, $0x1F  }
0x52f: {  	v29 =	vsel vm9, v43, v42;
	v32 =	vsel vm3, s30, v33;
	v27 =	vsel vm6, s7, v27;
	s7 =	sadd.s32 s29, s22;
	s29 =	spop (v2sf);
	s22 =	smul.u32 $0x431BE2E9, s24  }
0x530: {  	v53 =	vld [tilespmem:$0x11F];
	v34 =	vsel vm9, v46, v45;
	v38 =	vperm.xlane v55, v56;
	(v2sf) =	vpush v13, $0x7;
	s6 =	sshrl.u32 s7, $0x1F;
	s26 =	smulhi.u32 $0x431BE2E9, s29;
	s24 =	sshra.s32 s29, $0x1F  }
0x531: {  	v29 =	vadd.s32 v29, v34;
	v34 =	vperm.xlane v49, v56;
	v27 =	vsel vm15, s8, v27;
	s8 =	sadd.s32 s20, s17;
	s30 =	spop (v2sf);
	s20 =	smul.u32 $0x431BE2E9, s24  }
0x532: {  	v51 =	vsel vm1, s5, v48;
	v36 =	vmul.u32 $0x8DD9, v50;
	v29 =	vmul.u32 $0xF423F, v29;
	s5 =	sshrl.u32 s8, $0x1F;
	s24 =	smulhi.u32 $0x431BE2E9, s30;
	s17 =	sshra.s32 s30, $0x1F  }
0x533: {  	v43 =	vsel vm9, v62, v38;
	v34 =	vsel vm9, v58, v34;
	v27 =	vsel vm7, s13, v27;
	s13 =	sadd.s32 s31, s21;
	s31 =	spop (v2sf);
	s21 =	smul.u32 $0x431BE2E9, s17  }
0x534: {  	v37 =	vsub.s32 v8, v29;
	v8 =	vsel vm2, s3, v51;
	v27 =	vsel vm0, s16, v27;
	s3 =	sadd.s32 s23, s19;
	s28 =	smulhi.u32 $0x431BE2E9, s31;
	s15 =	sshra.s32 s31, $0x1F  }
0x535: {  	v29 =	vmul.u32 $0x6A37, v53;
	v33 =	vsel vm3, s1, v8;
	v42 =	vsel vm8, s12, v27;
	s17 =	sshrl.u32 s13, $0x1F;
	s23 =	smul.u32 $0x431BE2E9, s15;
	s15 =	sadd.s32 s22, s25  }
0x536: {  	v27 =	vadd.s32 v34, v43;
	v44 =	vsel vm10, s11, v42;
	s1 =	sshrl.u32 s3, $0x1F;
	s16 =	sadd.s32 s20, s26;
	v55 =	vmov s17;
	s11 =	sshrl.u32 s15, $0x1F  }
0x537: {  	v45 =	vmov s18;
	v34 =	vsel vm4, s10, v44;
	s10 =	sshrl.u32 s16, $0x1F;
	v57 =	vsel vm1, s5, v55;
	s5 =	sshra.s32 s4, $0x12;
	s29 =	spop (v2sf)  }
0x538: {  	v19 =	vcombine.low v21, v19;
	v8 =	vxor.u32 v36, v29;
	v48 =	vsel vm1, s14, v45;
	s14 =	sadd.s32 s23, s28;
	s12 =	smulhi.u32 $0x431BE2E9, s29;
	s30 =	sshra.s32 s29, $0x1F  }
0x539: {  	v28 =	vmul.u32 $0xF423F, v28;
	(v2sf) =	vpush v8, $0xD;
	v58 =	vmov s10;
	s10 =	sshra.s32 s8, $0x12;
	s19 =	spop (v2sf);
	s31 =	smul.u32 $0x431BE2E9, s30  }
0x53a: {  	v2 =	vcombine.low v2, v22;
	v14 =	vshrl.u32 v14, $0xD;
	(v2sf) =	vpush v8, $0xC;
	s8 =	sshra.s32 s13, $0x12;
	s18 =	smulhi.u32 $0x431BE2E9, s19;
	s25 =	sshra.s32 s19, $0x1F  }
0x53b: {  	v28 =	vsub.s32 v6, v28;
	v53 =	vperm.xlane v60, v1;
	v60 =	vsel vm2, s1, v57;
	s1 =	sshra.s32 s14, $0x1F;
	s26 =	spop (v2sf);
	s20 =	smul.u32 $0x431BE2E9, s25  }
0x53c: {  	v6 =	vand.u32 $0x3, v14;
	v47 =	vshrl.u32 v28, $0x2;
	v50 =	vcombine.low v59, v52;
	s19 =	sadd.s32 s21, s24;
	s25 =	smulhi.u32 $0x431BE2E9, s26;
	s29 =	sshra.s32 s26, $0x1F  }
0x53d: {  	v14 =	vand.u32 $0x3FFFE000, v47;
	v47 =	vmul.u32 $0xF423F, v27;
	(v2sf) =	vpush v8, $0xE;
	s30 =	spop (v2sf);
	s13 =	sshra.s32 s19, $0x1F;
	s21 =	smul.u32 $0x431BE2E9, s29  }
0x53e: {  	v26 =	vsel vm9, v26, v17;
	v19 =	vperm.xlane v19, v56;
	v2 =	vperm.xlane v2, v56;
	s23 =	smulhi.u32 $0x431BE2E9, s30;
	s24 =	sshra.s32 s30, $0x1F;
	s22 =	sadd.s32 s31, s12  }
0x53f: {  	v54 =	vshrl.u32 v37, $0x2;
	v49 =	vsub.s32 v9, v47;
	v9 =	vperm.xlane v50, v56;
	s29 =	spop (v2sf);
	s12 =	sshra.s32 s7, $0x12;
	s7 =	sshra.s32 s15, $0x12  }
0x540: {  	v46 =	vand.u32 $0x1FFF, v37;
	v61 =	vand.u32 $0x3FFFE000, v54;
	(v2sf) =	vpush v8, $0xF;
	s15 =	sshra.s32 s16, $0x1F;
	s31 =	smul.u32 $0x431BE2E9, s24;
	s26 =	sadd.s32 s20, s18  }
0x541: {  	v35 =	vand.u32 $0x1FFF, v28;
	v27 =	vor.u32 v46, v61;
	v38 =	vsel vm9, v53, v9;
	s18 =	smulhi.u32 $0x431BE2E9, s29;
	s30 =	sshra.s32 s29, $0x1F;
	s29 =	sshrl.u32 s19, $0x1F  }
0x542: {  	v26 =	vadd.s32 v38, v26;
	(v2sf) =	vpush v8, $0x9;
	v61 =	vnsel vm5, $0x0, v58;
	s4 =	sshra.s32 s22, $0x12;
	s28 =	sadd.s32 s21, s25;
	s20 =	smul.u32 $0x431BE2E9, s30  }
0x543: {  	v36 =	vsel vm2, s0, v48;
	v59 =	vmul.u32 $0xF423F, v26;
	s30 =	sshrl.u32 s14, $0x1F;
	s17 =	sshrl.u32 s26, $0x1F;
	v63 =	vsel vm1, s29, v61;
	s29 =	sshra.s32 s19, $0x12  }
0x544: {  	v51 =	vshrl.u32 v37, $0xD;
	v26 =	vsel vm3, s6, v36;
	(v2sf) =	vpush v8, $0x8;
	s6 =	sshra.s32 s26, $0x12;
	s19 =	sshra.s32 s26, $0x1F;
	s24 =	sadd.s32 s31, s23  }
0x545: {  	v29 =	vor.u32 v35, v14;
	v62 =	vsub.s32 v10, v59;
	s31 =	sshrl.u32 s22, $0x1F;
	s0 =	sshrl.u32 s28, $0x1F;
	v10 =	vsel vm2, s30, v63;
	s30 =	sshra.s32 s14, $0x12  }
0x546: {  	v17 =	vand.u32 $0x3, v51;
	v44 =	vperm.xlane v23, v1;
	(v2sf) =	vpush v8, $0xA;
	s25 =	sadd.s32 s20, s18;
	s20 =	sshra.s32 s9, $0x12;
	s18 =	sshra.s32 s2, $0x12  }
0x547: {  	v45 =	vperm.xlane v25, v1;
	v52 =	vshrl.u32 v49, $0x2;
	s9 =	sshra.s32 s3, $0x12;
	s2 =	sshra.s32 s16, $0x12;
	v10 =	vsel vm3, s31, v10;
	s16 =	sshra.s32 s28, $0x1F  }
0x548: {  	v54 =	vand.u32 $0x1FFF, v49;
	(v2sf) =	vpush v8, $0xB;
	s31 =	spop (v2sf);
	s3 =	sshra.s32 s25, $0x1F;
	v10 =	vsel vm6, s17, v10;
	s17 =	sshra.s32 s28, $0x12  }
0x549: {  	v14 =	vshrl.u32 v49, $0xD;
	v41 =	vsel vm3, s11, v60;
	s11 =	smulhi.u32 $0x431BE2E9, s31;
	s14 =	sshra.s32 s31, $0x1F;
	s28 =	spop (v2sf);
	v43 =	vmov s3  }
0x54a: {  	v19 =	vsel vm9, v44, v19;
	(v2sf) =	vpush v8, $0x0;
	s22 =	sshra.s32 s22, $0x1F;
	s3 =	sshra.s32 s28, $0x1F;
	v21 =	vsel vm5, s2, v43;
	s2 =	smul.u32 $0x431BE2E9, s14  }
0x54b: {  	v37 =	vand.u32 $0x3FFFE000, v52;
	(v2sf) =	vpush v8, $0x1;
	s23 =	sshrl.u32 s24, $0x1F;
	s21 =	sshrl.u32 s25, $0x1F;
	s31 =	smul.u32 $0x431BE2E9, s3;
	v21 =	vsel vm11, s15, v21  }
0x54c: {  	v2 =	vsel vm9, v45, v2;
	(v2sf) =	vpush v8, $0x2;
	s14 =	sshra.s32 s25, $0x12;
	s25 =	spop (v2sf);
	v21 =	vsel vm1, s29, v21;
	s29 =	smulhi.u32 $0x431BE2E9, s28  }
0x54d: {  	v52 =	vcombine.low v30, v24;
	v9 =	vor.u32 v54, v37;
	s26 =	sshra.s32 s24, $0x12;
	(v2sf) =	vpush v8, $0x3;
	s3 =	sshra.s32 s25, $0x1F;
	s28 =	smulhi.u32 $0x431BE2E9, s25  }
0x54e: {  	v2 =	vadd.s32 v19, v2;
	v10 =	vsel vm7, s0, v10;
	(v2sf) =	vpush v8, $0x4;
	s15 =	sshra.s32 s24, $0x1F;
	s0 =	sadd.s32 s2, s11;
	s3 =	smul.u32 $0x431BE2E9, s3  }
0x54f: {  	v2 =	vmul.u32 $0xF423F, v2;
	(v2sf) =	vpush v8, $0x5;
	v21 =	vsel vm12, s13, v21;
	s11 =	sshrl.u32 s0, $0x1F;
	s2 =	sadd.s32 s31, s29;
	s29 =	spop (v2sf)  }
0x550: {  	v10 =	vsel vm8, s23, v10;
	(v2sf) =	vpush v8, $0x6;
	s0 =	sshra.s32 s0, $0x12;
	v47 =	vsel vm2, s30, v21;
	s30 =	smulhi.u32 $0x431BE2E9, s29;
	s23 =	sshra.s32 s29, $0x1F  }
0x551: {  	v19 =	vand.u32 $0x3, v14;
	v55 =	vperm.xlane v52, v56;
	(v2sf) =	vpush v8, $0x7;
	s3 =	sadd.s32 s3, s28;
	s25 =	spop (v2sf);
	s31 =	smul.u32 $0x431BE2E9, s23  }
0x552: {  	v57 =	vcombine.low v33, v32;
	v2 =	vsub.s32 v11, v2;
	v46 =	vsel vm4, s21, v10;
	s21 =	sshrl.u32 s2, $0x1F;
	s28 =	smulhi.u32 $0x431BE2E9, s25;
	s23 =	sshra.s32 s25, $0x1F  }
0x553: {  	v58 =	vperm.xlane v31, v1;
	v40 =	vshrl.u32 v62, $0x2;
	v50 =	vsel vm13, s1, v47;
	s29 =	smul.u32 $0x431BE2E9, s23;
	s1 =	sadd.s32 s31, s30;
	s30 =	spop (v2sf)  }
0x554: {  	v48 =	vand.u32 $0x1FFF, v62;
	v51 =	vshrl.u32 v62, $0xD;
	v49 =	vmov s18;
	s18 =	sshrl.u32 s3, $0x1F;
	s31 =	smulhi.u32 $0x431BE2E9, s30;
	s23 =	sshra.s32 s30, $0x1F  }
0x555: {  	v53 =	vshrl.u32 v2, $0x2;
	v32 =	vperm.xlane v57, v56;
	v25 =	vsel vm3, s4, v50;
	s4 =	sadd.s32 s29, s28;
	s29 =	spop (v2sf);
	s28 =	smul.u32 $0x431BE2E9, s23  }
0x556: {  	v62 =	vperm.xlane v34, v1;
	v34 =	vmov s8;
	v22 =	vsel vm1, s20, v49;
	s2 =	sshra.s32 s2, $0x12;
	s30 =	smulhi.u32 $0x431BE2E9, s29;
	s23 =	sshra.s32 s29, $0x1F  }
0x557: {  	v37 =	vshrl.u32 v2, $0xD;
	v26 =	vcombine.low v41, v26;
	v22 =	vsel vm2, s5, v22;
	s24 =	spop (v2sf);
	s5 =	sadd.s32 s28, s31;
	s31 =	smul.u32 $0x431BE2E9, s23  }
0x558: {  	v42 =	vand.u32 $0x3FFFE000, v40;
	v14 =	vand.u32 $0x3FFFE000, v53;
	v54 =	vsel vm14, s22, v25;
	s20 =	sshrl.u32 s1, $0x1F;
	s28 =	smulhi.u32 $0x431BE2E9, s24;
	s23 =	sshra.s32 s24, $0x1F  }
0x559: {  	v38 =	vsel vm9, v62, v32;
	v61 =	vand.u32 $0x1FFF, v2;
	v60 =	vsel vm6, s6, v54;
	s29 =	smul.u32 $0x431BE2E9, s23;
	s6 =	sadd.s32 s31, s30;
	s30 =	spop (v2sf)  }
0x55a: {  	v40 =	vld [tilespmem:$0x12F];
	v26 =	vperm.xlane v26, v56;
	v2 =	vsel vm9, v58, v55;
	v63 =	vor.u32 v61, v14;
	s25 =	smulhi.u32 $0x431BE2E9, s30;
	s23 =	sshra.s32 s30, $0x1F;
	s31 =	spop (v2sf)  }
0x55b: {  	v39 =	vld [tilespmem:$0x130];
	v2 =	vadd.s32 v2, v38;
	v14 =	vsel vm1, s10, v34;
	v36 =	vsel vm15, s19, v60;
	s8 =	sadd.s32 s29, s28;
	s13 =	smul.u32 $0x431BE2E9, s23;
	s28 =	spop (v2sf)  }
0x55c: {  	v2 =	vmul.u32 $0xF423F, v2;
	v14 =	vsel vm2, s9, v14;
	v24 =	vsel vm7, s17, v36;
	s10 =	smulhi.u32 $0x431BE2E9, s31;
	s24 =	sshra.s32 s31, $0x1F;
	s29 =	spop (v2sf)  }
0x55d: {  	v14 =	vsel vm3, s7, v14;
	v59 =	vsel vm3, s12, v22;
	v24 =	vsel vm0, s16, v24;
	s16 =	smul.u32 $0x431BE2E9, s24;
	s23 =	sshra.s32 s28, $0x1F;
	s24 =	spop (v2sf)  }
0x55e: {  	v12 =	vsub.s32 v12, v2;
	v2 =	vcombine.low v14, v59;
	s22 =	sshrl.u32 s4, $0x1F;
	v24 =	vsel vm8, s26, v24;
	s31 =	smul.u32 $0x431BE2E9, s23;
	s23 =	spop (v2sf)  }
0x55f: {  	v45 =	vmul.u32 $0x6A37, v40;
	v23 =	vperm.xlane v46, v1;
	v24 =	vsel vm10, s15, v24;
	s30 =	smulhi.u32 $0x431BE2E9, s28;
	s13 =	sadd.s32 s13, s25;
	s25 =	spop (v2sf)  }
0x560: {  	v44 =	vperm.xlane v2, v56;
	v2 =	vmul.u32 $0x8DD9, v39;
	s12 =	sshrl.u32 s5, $0x1F;
	v41 =	vsel vm4, s14, v24;
	s14 =	smulhi.u32 $0x431BE2E9, s29;
	s28 =	spop (v2sf)  }
0x561: {  	v10 =	vor.u32 v48, v42;
	v21 =	vand.u32 $0x3, v51;
	v42 =	vmov s21;
	s17 =	sshra.s32 s29, $0x1F;
	s29 =	smulhi.u32 $0x431BE2E9, s28;
	s21 =	sshra.s32 s28, $0x1F  }
0x562: {  	v23 =	vsel vm9, v23, v26;
	v2 =	vxor.u32 v2, v45;
	v43 =	vmov s12;
	s19 =	sshrl.u32 s6, $0x1F;
	s15 =	sadd.s32 s31, s30;
	s30 =	smul.u32 $0x431BE2E9, s21  }
0x563: {  	v26 =	vsel vm1, s11, v42;
	v54 =	vmov s2;
	v46 =	vsel vm1, s22, v43;
	s9 =	sshrl.u32 s8, $0x1F;
	s26 =	sshrl.u32 s13, $0x1F;
	s17 =	smul.u32 $0x431BE2E9, s17  }
0x564: {  	[tilespmem:$0x2D0] =	vst v4;
	v26 =	vsel vm2, s18, v26;
	v4 =	vsel vm1, s0, v54;
	v30 =	vsel vm2, s19, v46;
	s10 =	sadd.s32 s16, s10;
	s19 =	smulhi.u32 $0x431BE2E9, s24;
	s7 =	sadd.s32 s30, s29  }
0x565: {  	v47 =	vsel vm3, s20, v26;
	v14 =	vperm.xlane v41, v1;
	s31 =	sshra.s32 s24, $0x1F;
	v49 =	vmov s26;
	s22 =	smulhi.u32 $0x431BE2E9, s23;
	s26 =	sshra.s32 s7, $0x1F  }
0x566: {  	v48 =	vsel vm3, s9, v30;
	s11 =	sshrl.u32 s10, $0x1F;
	s20 =	smul.u32 $0x431BE2E9, s31;
	v26 =	vnsel vm5, $0x0, v49;
	s29 =	sshra.s32 s13, $0x12;
	v50 =	vmov s26  }
0x567: {  	(v2sf) =	vpush v2, $0xD;
	s18 =	sshrl.u32 s15, $0x1F;
	s9 =	sadd.s32 s17, s14;
	v26 =	vsel vm1, s11, v26;
	s13 =	sshra.s32 s13, $0x1F;
	v30 =	vsel vm5, s29, v50  }
0x568: {  	v58 =	vsel vm9, v14, v44;
	s28 =	sshrl.u32 s9, $0x1F;
	v51 =	vsel vm2, s18, v26;
	s14 =	sadd.s32 s20, s19;
	s19 =	sshra.s32 s10, $0x12;
	v52 =	vsel vm11, s13, v30  }
0x569: {  	[tilespmem:$0x4D0] =	vst v3;
	v25 =	vcombine.low v48, v47;
	s24 =	sshra.s32 s23, $0x1F;
	s10 =	sshra.s32 s10, $0x1F;
	v3 =	vsel vm3, s28, v51;
	s21 =	sshrl.u32 s14, $0x1F;
	v53 =	vsel vm1, s19, v52  }
0x56a: {  	[tilespmem:$0x2E0] =	vst v0;
	(v2sf) =	vpush v2, $0xC;
	s16 =	smul.u32 $0x431BE2E9, s24;
	s23 =	sshra.s32 s15, $0x12;
	v0 =	vsel vm6, s21, v3;
	v3 =	vsel vm12, s10, v53  }
0x56b: {  	[tilespmem:$0x510] =	vst v6;
	v6 =	vadd.s32 v23, v58;
	(v2sf) =	vpush v2, $0xE;
	s31 =	sshra.s32 s25, $0x1F;
	s30 =	smulhi.u32 $0x431BE2E9, s25;
	s25 =	sshra.s32 s15, $0x1F;
	v3 =	vsel vm2, s23, v3  }
0x56c: {  	v6 =	vmul.u32 $0xF423F, v6;
	(v2sf) =	vpush v2, $0xF;
	s17 =	smul.u32 $0x431BE2E9, s31;
	s26 =	sshra.s32 s9, $0x12;
	v3 =	vsel vm13, s25, v3  }
0x56d: {  	v57 =	vperm.xlane v25, v56;
	(v2sf) =	vpush v2, $0x9;
	s31 =	sshra.s32 s5, $0x12;
	s28 =	sshra.s32 s9, $0x1F;
	v3 =	vsel vm3, s26, v3  }
0x56e: {  	v6 =	vsub.s32 v13, v6;
	(v2sf) =	vpush v2, $0x8;
	s12 =	sadd.s32 s16, s22;
	s11 =	sadd.s32 s17, s30;
	s30 =	sshra.s32 s14, $0x12;
	v3 =	vsel vm14, s28, v3  }
0x56f: {  	(v2sf) =	vpush v2, $0xA;
	v55 =	vmov s31;
	s22 =	sshrl.u32 s12, $0x1F;
	s29 =	sshra.s32 s3, $0x12;
	s3 =	sshra.s32 s14, $0x1F;
	v3 =	vsel vm6, s30, v3  }
0x570: {  	s5 =	sshra.s32 s4, $0x12;
	(v2sf) =	vpush v2, $0xB;
	v0 =	vsel vm7, s22, v0;
	s9 =	sshra.s32 s12, $0x12;
	s24 =	sshrl.u32 s11, $0x1F;
	v3 =	vsel vm15, s3, v3  }
0x571: {  	[tilespmem:$0x300] =	vst v5;
	v5 =	vsel vm1, s5, v55;
	s12 =	sshra.s32 s12, $0x1F;
	v0 =	vsel vm8, s24, v0;
	s10 =	sshra.s32 s6, $0x12;
	v3 =	vsel vm7, s9, v3  }
0x572: {  	s1 =	sshra.s32 s1, $0x12;
	s14 =	sshra.s32 s11, $0x12;
	v4 =	vsel vm2, s29, v4;
	s13 =	sshra.s32 s8, $0x12;
	v5 =	vsel vm2, s10, v5;
	v3 =	vsel vm0, s12, v3  }
0x573: {  	s16 =	sshrl.u32 s7, $0x1F;
	s17 =	sshra.s32 s11, $0x1F;
	v4 =	vsel vm3, s1, v4;
	v5 =	vsel vm3, s13, v5;
	v3 =	vsel vm8, s14, v3  }
0x574: {  	v0 =	vsel vm4, s16, v0;
	s19 =	sshra.s32 s7, $0x12;
	v4 =	vcombine.low v5, v4;
	v3 =	vsel vm10, s17, v3  }
0x575: {  	(v2sf) =	vpush v2, $0x0;
	v0 =	vperm.xlane v0, v1;
	v3 =	vsel vm4, s19, v3  }
0x576: {  	(v2sf) =	vpush v2, $0x1;
	v4 =	vperm.xlane v4, v56;
	v3 =	vperm.xlane v3, v1  }
0x577: {  	[tilespmem:$0x360] =	vst v63;
	v62 =	vand.u32 $0x1FFF, v12;
	v63 =	vshrl.u32 v6, $0x2  }
0x578: {  	(v2sf) =	vpush v2, $0x2;
	v0 =	vsel vm9, v0, v57;
	v3 =	vsel vm9, v3, v4  }
0x579: {  	[tilespmem:$0x350] =	vst v10;
	v10 =	vand.u32 $0x1FFF, v6;
	v0 =	vadd.s32 v0, v3;
	v3 =	vshrl.u32 v12, $0xD  }
0x57a: {  	[tilespmem:$0x340] =	vst v9;
	v9 =	vand.u32 $0x3FFFE000, v63;
	v0 =	vmul.u32 $0xF423F, v0;
	v3 =	vand.u32 $0x3, v3  }
0x57b: {  	v11 =	vshrl.u32 v6, $0xD;
	(v2sf) =	vpush v2, $0x3;
	[tilespmem:$0x570] =	vst v3;
	v3 =	vor.u32 v10, v9  }
0x57c: {  	v60 =	vshrl.u32 v12, $0x2;
	s15 =	spop (v2sf);
	v0 =	vsub.s32 v8, v0;
	[tilespmem:$0x380] =	vst v3;
	v3 =	vand.u32 $0x3, v11  }
0x57d: {  	s18 =	spop (v2sf);
	v12 =	vshrl.u32 v0, $0x2;
	v14 =	vand.u32 $0x1FFF, v0;
	v0 =	vshrl.u32 v0, $0xD  }
0x57e: {  	s20 =	spop (v2sf);
	[tilespmem:$0x580] =	vst v3;
	v13 =	vand.u32 $0x3FFFE000, v12;
	v0 =	vand.u32 $0x3, v0  }
0x57f: {  	s21 =	spop (v2sf);
	s2 =	sshra.s32 s20, $0x1F;
	v3 =	vor.u32 v14, v13;
	[tilespmem:$0x590] =	vst v0;
	v0 =	vld [tilespmem:$0x140]  }
0x580: {  	(v2sf) =	vpush v2, $0x4;
	s23 =	spop (v2sf);
	s22 =	smul.u32 $0x431BE2E9, s2;
	s0 =	sshra.s32 s21, $0x1F;
	[tilespmem:$0x390] =	vst v3;
	v3 =	vld [tilespmem:$0x13F]  }
0x581: {  	(v2sf) =	vpush v2, $0x5;
	s4 =	sshra.s32 s15, $0x1F;
	s25 =	spop (v2sf);
	s24 =	smul.u32 $0x431BE2E9, s0  }
0x582: {  	(v2sf) =	vpush v2, $0x6;
	s5 =	sshra.s32 s18, $0x1F;
	s26 =	spop (v2sf);
	s14 =	smul.u32 $0x431BE2E9, s4  }
0x583: {  	s28 =	spop (v2sf);
	s17 =	smul.u32 $0x431BE2E9, s5  }
0x584: {  	s29 =	spop (v2sf);
	s19 =	smulhi.u32 $0x431BE2E9, s23;
	s23 =	sshra.s32 s23, $0x1F  }
0x585: {  	s9 =	spop (v2sf);
	s30 =	smul.u32 $0x431BE2E9, s23;
	v0 =	vmul.u32 $0x8DD9, v0;
	v3 =	vmul.u32 $0x6A37, v3  }
0x586: {  	(v2sf) =	vpush v2, $0x7;
	s1 =	sshra.s32 s9, $0x1F;
	s23 =	smulhi.u32 $0x431BE2E9, s28  }
0x587: {  	s4 =	spop (v2sf);
	s3 =	smul.u32 $0x431BE2E9, s1;
	v3 =	vxor.u32 v0, v3  }
0x588: {  	s28 =	sshra.s32 s28, $0x1F;
	s2 =	smulhi.u32 $0x431BE2E9, s4;
	(v2sf) =	vpush v3, $0xD  }
0x589: {  	s31 =	smul.u32 $0x431BE2E9, s28  }
0x58a: {  	s10 =	spop (v2sf);
	s28 =	smulhi.u32 $0x431BE2E9, s29  }
0x58b: {  	s29 =	sshra.s32 s29, $0x1F;
	s6 =	smulhi.u32 $0x431BE2E9, s10;
	(v2sf) =	vpush v3, $0xC  }
0x58c: {  	s7 =	smul.u32 $0x431BE2E9, s29  }
0x58d: {  	s4 =	sshra.s32 s4, $0x1F;
	s29 =	smulhi.u32 $0x431BE2E9, s9  }
0x58e: {  	s8 =	sshra.s32 s10, $0x1F;
	[smem:$0x68C] =	sst s2;
	s2 =	smul.u32 $0x431BE2E9, s4;
	(v2sf) =	vpush v3, $0xE  }
0x58f: {  	s5 =	spop (v2sf);
	s4 =	smul.u32 $0x431BE2E9, s8  }
0x590: {  	s11 =	spop (v2sf);
	s9 =	smulhi.u32 $0x431BE2E9, s5;
	s10 =	sshra.s32 s5, $0x1F  }
0x591: {  	s12 =	spop (v2sf);
	s8 =	smul.u32 $0x431BE2E9, s10;
	(v2sf) =	vpush v3, $0xF  }
0x592: {  	[smem:$0x68D] =	sst s6;
	s1 =	smulhi.u32 $0x431BE2E9, s11  }
0x593: {  	s5 =	sshra.s32 s11, $0x1F;
	[smem:$0x68E] =	sst s9;
	s6 =	smulhi.u32 $0x431BE2E9, s12  }
0x594: {  	s9 =	sshra.s32 s12, $0x1F;
	[smem:$0x68F] =	sst s1;
	s1 =	smul.u32 $0x431BE2E9, s5;
	(v2sf) =	vpush v3, $0x9  }
0x595: {  	s10 =	spop (v2sf);
	s5 =	smul.u32 $0x431BE2E9, s9  }
0x596: {  	s12 =	smulhi.u32 $0x431BE2E9, s10;
	s0 =	sshra.s32 s10, $0x1F;
	[smem:$0x690] =	sst s6  }
0x597: {  	s6 =	smul.u32 $0x431BE2E9, s0;
	(v2sf) =	vpush v3, $0x8;
	s11 =	spop (v2sf)  }
0x598: {  	s10 =	smulhi.u32 $0x431BE2E9, s11;
	s0 =	sshra.s32 s11, $0x1F  }
0x599: {  	s0 =	smul.u32 $0x431BE2E9, s0  }
0x59a: {  	(v2sf) =	vpush v3, $0xA;
	s11 =	spop (v2sf);
	[smem:$0x691] =	sst s10  }
0x59b: {  	s10 =	smulhi.u32 $0x431BE2E9, s11;
	[smem:$0x692] =	sst s0;
	s0 =	sshra.s32 s11, $0x1F  }
0x59c: {  	s0 =	smul.u32 $0x431BE2E9, s0  }
0x59d: {  	(v2sf) =	vpush v3, $0xB;
	s11 =	spop (v2sf);
	[smem:$0x693] =	sst s10  }
0x59e: {  	s10 =	smulhi.u32 $0x431BE2E9, s11;
	[smem:$0x694] =	sst s0;
	s0 =	sshra.s32 s11, $0x1F  }
0x59f: {  	s0 =	smul.u32 $0x431BE2E9, s0  }
0x5a0: {  	(v2sf) =	vpush v3, $0x0;
	[smem:$0x695] =	sst s10;
	s11 =	spop (v2sf)  }
0x5a1: {  	s10 =	smulhi.u32 $0x431BE2E9, s11;
	[smem:$0x696] =	sst s0;
	s0 =	sshra.s32 s11, $0x1F  }
0x5a2: {  	s0 =	smul.u32 $0x431BE2E9, s0  }
0x5a3: {  	(v2sf) =	vpush v3, $0x1;
	[smem:$0x697] =	sst s10;
	s11 =	spop (v2sf)  }
0x5a4: {  	s10 =	smulhi.u32 $0x431BE2E9, s11;
	[smem:$0x698] =	sst s0;
	s0 =	sshra.s32 s11, $0x1F  }
0x5a5: {  	(v2sf) =	vpush v3, $0x2;
	s0 =	smul.u32 $0x431BE2E9, s0  }
0x5a6: {  	[smem:$0x699] =	sst s10;
	s11 =	spop (v2sf)  }
0x5a7: {  	(v2sf) =	vpush v3, $0x3;
	s10 =	smulhi.u32 $0x431BE2E9, s11;
	[smem:$0x69A] =	sst s0;
	s0 =	sshra.s32 s11, $0x1F  }
0x5a8: {  	s0 =	smul.u32 $0x431BE2E9, s0  }
0x5a9: {  	[smem:$0x69B] =	sst s10;
	s11 =	spop (v2sf)  }
0x5aa: {  	s10 =	smulhi.u32 $0x431BE2E9, s11;
	[smem:$0x69C] =	sst s0;
	s0 =	sshra.s32 s11, $0x1F  }
0x5ab: {  	(v2sf) =	vpush v3, $0x4;
	s0 =	smul.u32 $0x431BE2E9, s0  }
0x5ac: {  	[smem:$0x69D] =	sst s10;
	s11 =	spop (v2sf)  }
0x5ad: {  	s10 =	smulhi.u32 $0x431BE2E9, s11;
	[smem:$0x69E] =	sst s0;
	s0 =	sshra.s32 s11, $0x1F  }
0x5ae: {  	s0 =	smul.u32 $0x431BE2E9, s0  }
0x5af: {  	(v2sf) =	vpush v3, $0x5;
	[smem:$0x69F] =	sst s10;
	s11 =	spop (v2sf)  }
0x5b0: {  	s10 =	smulhi.u32 $0x431BE2E9, s11;
	[smem:$0x6A0] =	sst s0;
	s0 =	sshra.s32 s11, $0x1F  }
0x5b1: {  	s0 =	smul.u32 $0x431BE2E9, s0  }
0x5b2: {  	[tilespmem:$0x4E0] =	vst v15;
	v15 =	vld [tilespmem:$0x14F];
	[smem:$0x6A1] =	sst s10;
	s11 =	spop (v2sf)  }
0x5b3: {  	v0 =	vld [tilespmem:$0x150];
	(v2sf) =	vpush v3, $0x6;
	s10 =	smulhi.u32 $0x431BE2E9, s11;
	[smem:$0x6A2] =	sst s0;
	s0 =	sshra.s32 s11, $0x1F  }
0x5b4: {  	s9 =	smul.u32 $0x431BE2E9, s0;
	s0 =	spop (v2sf)  }
0x5b5: {  	s11 =	smulhi.u32 $0x431BE2E9, s0  }
0x5b6: {  	v61 =	vand.u32 $0x3FFFE000, v60;
	[smem:$0x6A3] =	sst s10;
	s10 =	spop (v2sf)  }
0x5b7: {  	v4 =	vor.u32 v62, v61;
	(v2sf) =	vpush v3, $0x7;
	[smem:$0x6A4] =	sst s11;
	s11 =	smulhi.u32 $0x431BE2E9, s10;
	s10 =	sshra.s32 s10, $0x1F  }
0x5b8: {  	[tilespmem:$0x370] =	vst v4;
	v4 =	vmul.u32 $0x6A37, v15;
	v0 =	vmul.u32 $0x8DD9, v0;
	s10 =	smul.u32 $0x431BE2E9, s10;
	_ =	sdelay $0x1  }
0x5b9: {  	v5 =	vxor.u32 v0, v4;
	[smem:$0x6A6] =	sst s10;
	s10 =	spop (v2sf)  }
0x5ba: {  	(v2sf) =	vpush v5, $0xD;
	[smem:$0x6A5] =	sst s11;
	s11 =	smulhi.u32 $0x431BE2E9, s10;
	s10 =	sshra.s32 s10, $0x1F  }
0x5bb: {  	s10 =	smul.u32 $0x431BE2E9, s10;
	_ =	sdelay $0x1  }
0x5bc: {  	[smem:$0x6A8] =	sst s10;
	s10 =	spop (v2sf)  }
0x5bd: {  	(v2sf) =	vpush v5, $0xC;
	[smem:$0x6A7] =	sst s11;
	s11 =	smulhi.u32 $0x431BE2E9, s10;
	s10 =	sshra.s32 s10, $0x1F  }
0x5be: {  	s10 =	smul.u32 $0x431BE2E9, s10;
	_ =	sdelay $0x1  }
0x5bf: {  	[smem:$0x6AA] =	sst s10;
	s10 =	spop (v2sf)  }
0x5c0: {  	(v2sf) =	vpush v5, $0xE;
	[smem:$0x6A9] =	sst s11;
	s11 =	smulhi.u32 $0x431BE2E9, s10;
	s10 =	sshra.s32 s10, $0x1F  }
0x5c1: {  	s10 =	smul.u32 $0x431BE2E9, s10;
	_ =	sdelay $0x1  }
0x5c2: {  	[smem:$0x6AC] =	sst s10;
	s10 =	spop (v2sf)  }
0x5c3: {  	(v2sf) =	vpush v5, $0xF;
	[smem:$0x6AB] =	sst s11;
	s11 =	smulhi.u32 $0x431BE2E9, s10;
	s10 =	sshra.s32 s10, $0x1F  }
0x5c4: {  	s10 =	smul.u32 $0x431BE2E9, s10;
	_ =	sdelay $0x1  }
0x5c5: {  	[smem:$0x6AE] =	sst s10;
	s10 =	spop (v2sf)  }
0x5c6: {  	(v2sf) =	vpush v5, $0x9;
	[smem:$0x6AD] =	sst s11;
	s11 =	smulhi.u32 $0x431BE2E9, s10;
	s10 =	sshra.s32 s10, $0x1F  }
0x5c7: {  	s10 =	smul.u32 $0x431BE2E9, s10;
	_ =	sdelay $0x1  }
0x5c8: {  	[smem:$0x6B0] =	sst s10;
	s10 =	spop (v2sf)  }
0x5c9: {  	(v2sf) =	vpush v5, $0x8;
	[smem:$0x6AF] =	sst s11;
	s11 =	smulhi.u32 $0x431BE2E9, s10;
	s10 =	sshra.s32 s10, $0x1F  }
0x5ca: {  	s10 =	smul.u32 $0x431BE2E9, s10;
	_ =	sdelay $0x1  }
0x5cb: {  	[smem:$0x6B2] =	sst s10;
	s10 =	spop (v2sf)  }
0x5cc: {  	(v2sf) =	vpush v5, $0xA;
	[smem:$0x6B1] =	sst s11;
	s11 =	smulhi.u32 $0x431BE2E9, s10;
	s10 =	sshra.s32 s10, $0x1F  }
0x5cd: {  	s10 =	smul.u32 $0x431BE2E9, s10;
	_ =	sdelay $0x1  }
0x5ce: {  	[smem:$0x6B4] =	sst s10;
	s10 =	spop (v2sf)  }
0x5cf: {  	(v2sf) =	vpush v5, $0xB;
	[smem:$0x6B3] =	sst s11;
	s11 =	smulhi.u32 $0x431BE2E9, s10;
	s10 =	sshra.s32 s10, $0x1F  }
0x5d0: {  	s10 =	smul.u32 $0x431BE2E9, s10;
	_ =	sdelay $0x1  }
0x5d1: {  	[smem:$0x6B6] =	sst s10;
	s10 =	spop (v2sf)  }
0x5d2: {  	(v2sf) =	vpush v5, $0x0;
	[smem:$0x6B5] =	sst s11;
	s11 =	smulhi.u32 $0x431BE2E9, s10;
	s10 =	sshra.s32 s10, $0x1F  }
0x5d3: {  	s10 =	smul.u32 $0x431BE2E9, s10;
	_ =	sdelay $0x1  }
0x5d4: {  	[smem:$0x6B8] =	sst s10;
	s10 =	spop (v2sf)  }
0x5d5: {  	(v2sf) =	vpush v5, $0x1;
	[smem:$0x6B7] =	sst s11;
	s11 =	smulhi.u32 $0x431BE2E9, s10;
	s10 =	sshra.s32 s10, $0x1F  }
0x5d6: {  	s10 =	smul.u32 $0x431BE2E9, s10;
	_ =	sdelay $0x1  }
0x5d7: {  	[smem:$0x6BA] =	sst s10;
	s10 =	spop (v2sf)  }
0x5d8: {  	(v2sf) =	vpush v5, $0x2;
	[smem:$0x6B9] =	sst s11;
	s11 =	smulhi.u32 $0x431BE2E9, s10;
	s10 =	sshra.s32 s10, $0x1F  }
0x5d9: {  	s10 =	smul.u32 $0x431BE2E9, s10;
	_ =	sdelay $0x1  }
0x5da: {  	[smem:$0x6BC] =	sst s10;
	s10 =	spop (v2sf)  }
0x5db: {  	(v2sf) =	vpush v5, $0x3;
	[smem:$0x6BB] =	sst s11;
	s11 =	smulhi.u32 $0x431BE2E9, s10;
	s10 =	sshra.s32 s10, $0x1F  }
0x5dc: {  	s10 =	smul.u32 $0x431BE2E9, s10;
	_ =	sdelay $0x1  }
0x5dd: {  	[smem:$0x6BE] =	sst s10;
	s10 =	spop (v2sf)  }
0x5de: {  	(v2sf) =	vpush v5, $0x4;
	[smem:$0x6BD] =	sst s11;
	s11 =	smulhi.u32 $0x431BE2E9, s10;
	s10 =	sshra.s32 s10, $0x1F  }
0x5df: {  	s10 =	smul.u32 $0x431BE2E9, s10;
	_ =	sdelay $0x1  }
0x5e0: {  	[smem:$0x6C0] =	sst s10;
	s10 =	spop (v2sf)  }
0x5e1: {  	(v2sf) =	vpush v5, $0x5;
	[smem:$0x6BF] =	sst s11;
	s11 =	smulhi.u32 $0x431BE2E9, s10;
	s10 =	sshra.s32 s10, $0x1F  }
0x5e2: {  	s10 =	smul.u32 $0x431BE2E9, s10;
	_ =	sdelay $0x1  }
0x5e3: {  	[tilespmem:$0x4F0] =	vst v16;
	v16 =	vld [tilespmem:$0x15F];
	[smem:$0x6C2] =	sst s10;
	s10 =	spop (v2sf)  }
0x5e4: {  	v0 =	vld [tilespmem:$0x160];
	(v2sf) =	vpush v5, $0x6;
	[smem:$0x6C1] =	sst s11;
	s11 =	smulhi.u32 $0x431BE2E9, s10;
	s10 =	sshra.s32 s10, $0x1F  }
0x5e5: {  	s10 =	smul.u32 $0x431BE2E9, s10;
	_ =	sdelay $0x1  }
0x5e6: {  	[smem:$0x6C4] =	sst s10;
	s10 =	spop (v2sf)  }
0x5e7: {  	(v2sf) =	vpush v5, $0x7;
	[smem:$0x6C3] =	sst s11;
	s11 =	smulhi.u32 $0x431BE2E9, s10;
	s10 =	sshra.s32 s10, $0x1F  }
0x5e8: {  	v4 =	vmul.u32 $0x6A37, v16;
	v0 =	vmul.u32 $0x8DD9, v0;
	s10 =	smul.u32 $0x431BE2E9, s10;
	_ =	sdelay $0x1  }
0x5e9: {  	v4 =	vxor.u32 v0, v4;
	[smem:$0x6C6] =	sst s10;
	s10 =	spop (v2sf)  }
0x5ea: {  	(v2sf) =	vpush v4, $0xD;
	[smem:$0x6C5] =	sst s11;
	s11 =	smulhi.u32 $0x431BE2E9, s10;
	s10 =	sshra.s32 s10, $0x1F  }
0x5eb: {  	s10 =	smul.u32 $0x431BE2E9, s10;
	_ =	sdelay $0x1  }
0x5ec: {  	[smem:$0x6C8] =	sst s10;
	s10 =	spop (v2sf)  }
0x5ed: {  	(v2sf) =	vpush v4, $0xC;
	[smem:$0x6C7] =	sst s11;
	s11 =	smulhi.u32 $0x431BE2E9, s10;
	s10 =	sshra.s32 s10, $0x1F  }
0x5ee: {  	s10 =	smul.u32 $0x431BE2E9, s10;
	_ =	sdelay $0x1  }
0x5ef: {  	[smem:$0x6CA] =	sst s10;
	s10 =	spop (v2sf)  }
0x5f0: {  	(v2sf) =	vpush v4, $0xE;
	[smem:$0x6C9] =	sst s11;
	s11 =	smulhi.u32 $0x431BE2E9, s10;
	s10 =	sshra.s32 s10, $0x1F  }
0x5f1: {  	s10 =	smul.u32 $0x431BE2E9, s10;
	_ =	sdelay $0x1  }
0x5f2: {  	[smem:$0x6CC] =	sst s10;
	s10 =	spop (v2sf)  }
0x5f3: {  	(v2sf) =	vpush v4, $0xF;
	[smem:$0x6CB] =	sst s11;
	s11 =	smulhi.u32 $0x431BE2E9, s10;
	s10 =	sshra.s32 s10, $0x1F  }
0x5f4: {  	s10 =	smul.u32 $0x431BE2E9, s10;
	_ =	sdelay $0x1  }
0x5f5: {  	[smem:$0x6CE] =	sst s10;
	s10 =	spop (v2sf)  }
0x5f6: {  	(v2sf) =	vpush v4, $0x9;
	[smem:$0x6CD] =	sst s11;
	s11 =	smulhi.u32 $0x431BE2E9, s10;
	s10 =	sshra.s32 s10, $0x1F  }
0x5f7: {  	s10 =	smul.u32 $0x431BE2E9, s10;
	_ =	sdelay $0x1  }
0x5f8: {  	[smem:$0x6D0] =	sst s10;
	s10 =	spop (v2sf)  }
0x5f9: {  	(v2sf) =	vpush v4, $0x8;
	[smem:$0x6CF] =	sst s11;
	s11 =	smulhi.u32 $0x431BE2E9, s10;
	s10 =	sshra.s32 s10, $0x1F  }
0x5fa: {  	s10 =	smul.u32 $0x431BE2E9, s10;
	_ =	sdelay $0x1  }
0x5fb: {  	[smem:$0x6D2] =	sst s10;
	s10 =	spop (v2sf)  }
0x5fc: {  	(v2sf) =	vpush v4, $0xA;
	[smem:$0x6D1] =	sst s11;
	s11 =	smulhi.u32 $0x431BE2E9, s10;
	s10 =	sshra.s32 s10, $0x1F  }
0x5fd: {  	s10 =	smul.u32 $0x431BE2E9, s10;
	_ =	sdelay $0x1  }
0x5fe: {  	[smem:$0x6D4] =	sst s10;
	s10 =	spop (v2sf)  }
0x5ff: {  	(v2sf) =	vpush v4, $0xB;
	[smem:$0x6D3] =	sst s11;
	s11 =	smulhi.u32 $0x431BE2E9, s10;
	s10 =	sshra.s32 s10, $0x1F  }
0x600: {  	s10 =	smul.u32 $0x431BE2E9, s10;
	_ =	sdelay $0x1  }
0x601: {  	[smem:$0x6D6] =	sst s10;
	s10 =	spop (v2sf)  }
0x602: {  	(v2sf) =	vpush v4, $0x0;
	[smem:$0x6D5] =	sst s11;
	s11 =	smulhi.u32 $0x431BE2E9, s10;
	s10 =	sshra.s32 s10, $0x1F  }
0x603: {  	s10 =	smul.u32 $0x431BE2E9, s10;
	_ =	sdelay $0x1  }
0x604: {  	[smem:$0x6D8] =	sst s10;
	s10 =	spop (v2sf)  }
0x605: {  	(v2sf) =	vpush v4, $0x1;
	[smem:$0x6D7] =	sst s11;
	s11 =	smulhi.u32 $0x431BE2E9, s10;
	s10 =	sshra.s32 s10, $0x1F  }
0x606: {  	s10 =	smul.u32 $0x431BE2E9, s10;
	_ =	sdelay $0x1  }
0x607: {  	[smem:$0x6DA] =	sst s10;
	s10 =	spop (v2sf)  }
0x608: {  	(v2sf) =	vpush v4, $0x2;
	[smem:$0x6D9] =	sst s11;
	s11 =	smulhi.u32 $0x431BE2E9, s10;
	s10 =	sshra.s32 s10, $0x1F  }
0x609: {  	s10 =	smul.u32 $0x431BE2E9, s10;
	_ =	sdelay $0x1  }
0x60a: {  	[smem:$0x6DC] =	sst s10;
	s10 =	spop (v2sf)  }
0x60b: {  	(v2sf) =	vpush v4, $0x3;
	[smem:$0x6DB] =	sst s11;
	s11 =	smulhi.u32 $0x431BE2E9, s10;
	s10 =	sshra.s32 s10, $0x1F  }
0x60c: {  	s10 =	smul.u32 $0x431BE2E9, s10;
	_ =	sdelay $0x1  }
0x60d: {  	[smem:$0x6DE] =	sst s10;
	s10 =	spop (v2sf)  }
0x60e: {  	(v2sf) =	vpush v4, $0x4;
	[smem:$0x6DD] =	sst s11;
	s11 =	smulhi.u32 $0x431BE2E9, s10;
	s10 =	sshra.s32 s10, $0x1F  }
0x60f: {  	s10 =	smul.u32 $0x431BE2E9, s10;
	_ =	sdelay $0x1  }
0x610: {  	[smem:$0x6E0] =	sst s10;
	s10 =	spop (v2sf)  }
0x611: {  	(v2sf) =	vpush v4, $0x5;
	[smem:$0x6DF] =	sst s11;
	s11 =	smulhi.u32 $0x431BE2E9, s10;
	s10 =	sshra.s32 s10, $0x1F  }
0x612: {  	s10 =	smul.u32 $0x431BE2E9, s10;
	_ =	sdelay $0x1  }
0x613: {  	[tilespmem:$0x530] =	vst v17;
	v17 =	vld [tilespmem:$0x16F];
	[smem:$0x6E2] =	sst s10;
	s10 =	spop (v2sf)  }
0x614: {  	v0 =	vld [tilespmem:$0x170];
	(v2sf) =	vpush v4, $0x6;
	[smem:$0x6E1] =	sst s11;
	s11 =	smulhi.u32 $0x431BE2E9, s10;
	s10 =	sshra.s32 s10, $0x1F  }
0x615: {  	s10 =	smul.u32 $0x431BE2E9, s10;
	_ =	sdelay $0x1  }
0x616: {  	[smem:$0x6E4] =	sst s10;
	s10 =	spop (v2sf)  }
0x617: {  	(v2sf) =	vpush v4, $0x7;
	[smem:$0x6E3] =	sst s11;
	s11 =	smulhi.u32 $0x431BE2E9, s10;
	s10 =	sshra.s32 s10, $0x1F  }
0x618: {  	v6 =	vmul.u32 $0x6A37, v17;
	v0 =	vmul.u32 $0x8DD9, v0;
	s10 =	smul.u32 $0x431BE2E9, s10;
	_ =	sdelay $0x1  }
0x619: {  	[tilespmem:$0x500] =	vst v7;
	v7 =	vxor.u32 v0, v6;
	[smem:$0x6E6] =	sst s10;
	s10 =	spop (v2sf)  }
0x61a: {  	(v2sf) =	vpush v7, $0xD;
	[smem:$0x6E5] =	sst s11;
	s11 =	smulhi.u32 $0x431BE2E9, s10;
	s10 =	sshra.s32 s10, $0x1F  }
0x61b: {  	s10 =	smul.u32 $0x431BE2E9, s10;
	_ =	sdelay $0x1  }
0x61c: {  	[smem:$0x6E8] =	sst s10;
	s10 =	spop (v2sf)  }
0x61d: {  	(v2sf) =	vpush v7, $0xC;
	[smem:$0x6E7] =	sst s11;
	s11 =	smulhi.u32 $0x431BE2E9, s10;
	s10 =	sshra.s32 s10, $0x1F  }
0x61e: {  	s10 =	smul.u32 $0x431BE2E9, s10;
	_ =	sdelay $0x1  }
0x61f: {  	[smem:$0x6EA] =	sst s10;
	s10 =	spop (v2sf)  }
0x620: {  	(v2sf) =	vpush v7, $0xE;
	[smem:$0x6E9] =	sst s11;
	s11 =	smulhi.u32 $0x431BE2E9, s10;
	s10 =	sshra.s32 s10, $0x1F  }
0x621: {  	s10 =	smul.u32 $0x431BE2E9, s10;
	_ =	sdelay $0x1  }
0x622: {  	[smem:$0x6EC] =	sst s10;
	s10 =	spop (v2sf)  }
0x623: {  	(v2sf) =	vpush v7, $0xF;
	[smem:$0x6EB] =	sst s11;
	s11 =	smulhi.u32 $0x431BE2E9, s10;
	s10 =	sshra.s32 s10, $0x1F  }
0x624: {  	s10 =	smul.u32 $0x431BE2E9, s10;
	_ =	sdelay $0x1  }
0x625: {  	[smem:$0x6EE] =	sst s10;
	s10 =	spop (v2sf)  }
0x626: {  	(v2sf) =	vpush v7, $0x9;
	[smem:$0x6ED] =	sst s11;
	s11 =	smulhi.u32 $0x431BE2E9, s10;
	s10 =	sshra.s32 s10, $0x1F  }
0x627: {  	s10 =	smul.u32 $0x431BE2E9, s10;
	_ =	sdelay $0x1  }
0x628: {  	[smem:$0x6F0] =	sst s10;
	s10 =	spop (v2sf)  }
0x629: {  	(v2sf) =	vpush v7, $0x8;
	[smem:$0x6EF] =	sst s11;
	s11 =	smulhi.u32 $0x431BE2E9, s10;
	s10 =	sshra.s32 s10, $0x1F  }
0x62a: {  	s10 =	smul.u32 $0x431BE2E9, s10;
	_ =	sdelay $0x1  }
0x62b: {  	[smem:$0x6F2] =	sst s10;
	s10 =	spop (v2sf)  }
0x62c: {  	(v2sf) =	vpush v7, $0xA;
	[smem:$0x6F1] =	sst s11;
	s11 =	smulhi.u32 $0x431BE2E9, s10;
	s10 =	sshra.s32 s10, $0x1F  }
0x62d: {  	s10 =	smul.u32 $0x431BE2E9, s10;
	_ =	sdelay $0x1  }
0x62e: {  	[smem:$0x6F4] =	sst s10;
	s10 =	spop (v2sf)  }
0x62f: {  	(v2sf) =	vpush v7, $0xB;
	[smem:$0x6F3] =	sst s11;
	s11 =	smulhi.u32 $0x431BE2E9, s10;
	s10 =	sshra.s32 s10, $0x1F  }
0x630: {  	s10 =	smul.u32 $0x431BE2E9, s10;
	_ =	sdelay $0x1  }
0x631: {  	[smem:$0x6F6] =	sst s10;
	s10 =	spop (v2sf)  }
0x632: {  	(v2sf) =	vpush v7, $0x0;
	[smem:$0x6F5] =	sst s11;
	s11 =	smulhi.u32 $0x431BE2E9, s10;
	s10 =	sshra.s32 s10, $0x1F  }
0x633: {  	s10 =	smul.u32 $0x431BE2E9, s10;
	_ =	sdelay $0x1  }
0x634: {  	[smem:$0x6F8] =	sst s10;
	s10 =	spop (v2sf)  }
0x635: {  	(v2sf) =	vpush v7, $0x1;
	[smem:$0x6F7] =	sst s11;
	s11 =	smulhi.u32 $0x431BE2E9, s10;
	s10 =	sshra.s32 s10, $0x1F  }
0x636: {  	s10 =	smul.u32 $0x431BE2E9, s10;
	_ =	sdelay $0x1  }
0x637: {  	[smem:$0x6FA] =	sst s10;
	s10 =	spop (v2sf)  }
0x638: {  	(v2sf) =	vpush v7, $0x2;
	[smem:$0x6F9] =	sst s11;
	s11 =	smulhi.u32 $0x431BE2E9, s10;
	s10 =	sshra.s32 s10, $0x1F  }
0x639: {  	s10 =	smul.u32 $0x431BE2E9, s10;
	_ =	sdelay $0x1  }
0x63a: {  	[smem:$0x6FC] =	sst s10;
	s10 =	spop (v2sf)  }
0x63b: {  	(v2sf) =	vpush v7, $0x3;
	[smem:$0x6FB] =	sst s11;
	s11 =	smulhi.u32 $0x431BE2E9, s10;
	s10 =	sshra.s32 s10, $0x1F  }
0x63c: {  	s10 =	smul.u32 $0x431BE2E9, s10;
	_ =	sdelay $0x1  }
0x63d: {  	[smem:$0x6FE] =	sst s10;
	s10 =	spop (v2sf)  }
0x63e: {  	(v2sf) =	vpush v7, $0x4;
	[smem:$0x6FD] =	sst s11;
	s11 =	smulhi.u32 $0x431BE2E9, s10;
	s10 =	sshra.s32 s10, $0x1F  }
0x63f: {  	s10 =	smul.u32 $0x431BE2E9, s10;
	_ =	sdelay $0x1  }
0x640: {  	[smem:$0x700] =	sst s10;
	s10 =	spop (v2sf)  }
0x641: {  	(v2sf) =	vpush v7, $0x5;
	[smem:$0x6FF] =	sst s11;
	s11 =	smulhi.u32 $0x431BE2E9, s10;
	s10 =	sshra.s32 s10, $0x1F  }
0x642: {  	s10 =	smul.u32 $0x431BE2E9, s10;
	_ =	sdelay $0x1  }
0x643: {  	[tilespmem:$0x2F0] =	vst v18;
	v18 =	vld [tilespmem:$0x17F];
	[smem:$0x702] =	sst s10;
	s10 =	spop (v2sf)  }
0x644: {  	v0 =	vld [tilespmem:$0x180];
	(v2sf) =	vpush v7, $0x6;
	[smem:$0x701] =	sst s11;
	s11 =	smulhi.u32 $0x431BE2E9, s10;
	s10 =	sshra.s32 s10, $0x1F  }
0x645: {  	s10 =	smul.u32 $0x431BE2E9, s10;
	_ =	sdelay $0x1  }
0x646: {  	[smem:$0x704] =	sst s10;
	s10 =	spop (v2sf)  }
0x647: {  	(v2sf) =	vpush v7, $0x7;
	[smem:$0x703] =	sst s11;
	s11 =	smulhi.u32 $0x431BE2E9, s10;
	s10 =	sshra.s32 s10, $0x1F  }
0x648: {  	v6 =	vmul.u32 $0x6A37, v18;
	v0 =	vmul.u32 $0x8DD9, v0;
	s10 =	smul.u32 $0x431BE2E9, s10;
	_ =	sdelay $0x1  }
0x649: {  	v6 =	vxor.u32 v0, v6;
	[smem:$0x706] =	sst s10;
	s10 =	spop (v2sf)  }
0x64a: {  	(v2sf) =	vpush v6, $0xD;
	[smem:$0x705] =	sst s11;
	s11 =	smulhi.u32 $0x431BE2E9, s10;
	s10 =	sshra.s32 s10, $0x1F  }
0x64b: {  	s10 =	smul.u32 $0x431BE2E9, s10;
	_ =	sdelay $0x1  }
0x64c: {  	[smem:$0x708] =	sst s10;
	s10 =	spop (v2sf)  }
0x64d: {  	(v2sf) =	vpush v6, $0xC;
	[smem:$0x707] =	sst s11;
	s11 =	smulhi.u32 $0x431BE2E9, s10;
	s10 =	sshra.s32 s10, $0x1F  }
0x64e: {  	s10 =	smul.u32 $0x431BE2E9, s10;
	_ =	sdelay $0x1  }
0x64f: {  	[smem:$0x70A] =	sst s10;
	s10 =	spop (v2sf)  }
0x650: {  	(v2sf) =	vpush v6, $0xE;
	[smem:$0x709] =	sst s11;
	s11 =	smulhi.u32 $0x431BE2E9, s10;
	s10 =	sshra.s32 s10, $0x1F  }
0x651: {  	s10 =	smul.u32 $0x431BE2E9, s10;
	_ =	sdelay $0x1  }
0x652: {  	[smem:$0x70C] =	sst s10;
	s10 =	spop (v2sf)  }
0x653: {  	(v2sf) =	vpush v6, $0xF;
	[smem:$0x70B] =	sst s11;
	s11 =	smulhi.u32 $0x431BE2E9, s10;
	s10 =	sshra.s32 s10, $0x1F  }
0x654: {  	s10 =	smul.u32 $0x431BE2E9, s10;
	_ =	sdelay $0x1  }
0x655: {  	[smem:$0x70E] =	sst s10;
	s10 =	spop (v2sf)  }
0x656: {  	[smem:$0x70D] =	sst s11;
	s11 =	smulhi.u32 $0x431BE2E9, s10;
	s10 =	sshra.s32 s10, $0x1F  }
0x657: {  	s10 =	smul.u32 $0x431BE2E9, s10;
	_ =	sdelay $0x1  }
0x658: {  	[smem:$0x710] =	sst s10;
	s10 =	spop (v2sf)  }
0x659: {  	[smem:$0x70F] =	sst s11;
	s11 =	smulhi.u32 $0x431BE2E9, s10;
	s10 =	sshra.s32 s10, $0x1F  }
0x65a: {  	s10 =	smul.u32 $0x431BE2E9, s10  }
0x65b: {  	s13 =	smulhi.u32 $0x431BE2E9, s15  }
0x65c: {  	v28 =	vshrl.u32 v28, $0xD;
	[smem:$0x712] =	sst s10;
	s10 =	spop (v2sf)  }
0x65d: {  	[tilespmem:$0x310] =	vst v20;
	v28 =	vand.u32 $0x3, v28;
	(v2sf) =	vpush v6, $0x9;
	[smem:$0x711] =	sst s11;
	s11 =	smulhi.u32 $0x431BE2E9, s10;
	s10 =	sshra.s32 s10, $0x1F  }
0x65e: {  	[tilespmem:$0x520] =	vst v28;
	(v2sf) =	vpush v6, $0x8;
	s10 =	smul.u32 $0x431BE2E9, s10  }
0x65f: {  	[tilespmem:$0x320] =	vst v29;
	s15 =	smulhi.u32 $0x431BE2E9, s18;
	(v2sf) =	vpush v6, $0xA  }
0x660: {  	[tilespmem:$0x330] =	vst v27;
	(v2sf) =	vpush v6, $0xB;
	[smem:$0x714] =	sst s10;
	s10 =	spop (v2sf)  }
0x661: {  	[tilespmem:$0x540] =	vst v19;
	v59 =	vand.u32 $0x3, v37;
	(v2sf) =	vpush v6, $0x0;
	[smem:$0x713] =	sst s11;
	s11 =	smulhi.u32 $0x431BE2E9, s10  }
0x662: {  	[tilespmem:$0x560] =	vst v59;
	s16 =	smulhi.u32 $0x431BE2E9, s20;
	(v2sf) =	vpush v6, $0x1  }
0x663: {  	[tilespmem:$0x550] =	vst v21;
	s20 =	smulhi.u32 $0x431BE2E9, s25;
	s14 =	sadd.s32 s14, s13;
	(v2sf) =	vpush v6, $0x2;
	[smem:$0x715] =	sst s11  }
0x664: {  	s25 =	sshra.s32 s25, $0x1F;
	s15 =	sadd.s32 s17, s15;
	[smem:$0x76A] =	sst s14  }
0x665: {  	s16 =	sadd.s32 s22, s16;
	s25 =	smul.u32 $0x431BE2E9, s25;
	[smem:$0x76B] =	sst s15  }
0x666: {  	s19 =	sadd.s32 s30, s19;
	[smem:$0x76D] =	sst s16  }
0x667: {  	s20 =	sadd.s32 s25, s20;
	[smem:$0x770] =	sst s19  }
0x668: {  	s25 =	sadd.s32 s31, s23;
	[smem:$0x772] =	sst s20  }
0x669: {  	s7 =	sadd.s32 s7, s28;
	s10 =	sshra.s32 s10, $0x1F;
	[smem:$0x778] =	sst s25  }
0x66a: {  	s3 =	sadd.s32 s3, s29;
	s10 =	smul.u32 $0x431BE2E9, s10;
	[smem:$0x76E] =	sst s7  }
0x66b: {  	[smem:$0x771] =	sst s3  }
0x66c: {  	[smem:$0x716] =	sst s10  }
0x66d: {  	s10 =	spop (v2sf);
	s23 =	sld [smem:$0x68D]  }
0x66e: {  	s25 =	sld [smem:$0x68E];
	s11 =	smulhi.u32 $0x431BE2E9, s10  }
0x66f: {  	s29 =	sld [smem:$0x690];
	s10 =	sshra.s32 s10, $0x1F  }
0x670: {  	s10 =	smul.u32 $0x431BE2E9, s10;
	[smem:$0x717] =	sst s11  }
0x671: {  	s18 =	smulhi.u32 $0x431BE2E9, s21;
	s3 =	sadd.s32 s4, s23;
	s23 =	sld [smem:$0x693]  }
0x672: {  	s21 =	smulhi.u32 $0x431BE2E9, s26;
	[smem:$0x718] =	sst s10  }
0x673: {  	s10 =	spop (v2sf);
	[smem:$0x774] =	sst s3  }
0x674: {  	(v2sf) =	vpush v6, $0x3;
	s3 =	sadd.s32 s8, s25;
	s11 =	smulhi.u32 $0x431BE2E9, s10;
	s10 =	sshra.s32 s10, $0x1F  }
0x675: {  	s26 =	sshra.s32 s26, $0x1F;
	[smem:$0x776] =	sst s3;
	s10 =	smul.u32 $0x431BE2E9, s10  }
0x676: {  	s26 =	smul.u32 $0x431BE2E9, s26;
	(v2sf) =	vpush v6, $0x4;
	s3 =	sld [smem:$0x699]  }
0x677: {  	[smem:$0x71A] =	sst s10;
	s10 =	spop (v2sf)  }
0x678: {  	[smem:$0x719] =	sst s11;
	s13 =	smulhi.u32 $0x431BE2E9, s10;
	s10 =	sshra.s32 s10, $0x1F  }
0x679: {  	s17 =	spop (v2sf);
	s14 =	smul.u32 $0x431BE2E9, s10  }
0x67a: {  	(v2sf) =	vpush v6, $0x5;
	s15 =	smulhi.u32 $0x431BE2E9, s17;
	s10 =	sshra.s32 s17, $0x1F;
	s17 =	sadd.s32 s24, s18  }
0x67b: {  	v0 =	vld [tilespmem:$0x190];
	s18 =	spop (v2sf);
	s24 =	sadd.s32 s26, s21;
	s21 =	sld [smem:$0x68C]  }
0x67c: {  	v19 =	vld [tilespmem:$0x18F];
	[smem:$0x76F] =	sst s17;
	s16 =	smul.u32 $0x431BE2E9, s10  }
0x67d: {  	s17 =	smulhi.u32 $0x431BE2E9, s18;
	s10 =	sshra.s32 s18, $0x1F;
	s22 =	spop (v2sf)  }
0x67e: {  	s19 =	smul.u32 $0x431BE2E9, s10;
	s26 =	spop (v2sf)  }
0x67f: {  	[smem:$0x775] =	sst s24;
	s10 =	sshra.s32 s22, $0x1F;
	s20 =	smulhi.u32 $0x431BE2E9, s26  }
0x680: {  	(v2sf) =	vpush v6, $0x6;
	s30 =	sshra.s32 s26, $0x1F;
	s2 =	sadd.s32 s2, s21;
	s26 =	sld [smem:$0x68F]  }
0x681: {  	v0 =	vmul.u32 $0x8DD9, v0;
	v8 =	vmul.u32 $0x6A37, v19;
	(v2sf) =	vpush v6, $0x7;
	s11 =	smul.u32 $0x431BE2E9, s10;
	[smem:$0x773] =	sst s2  }
0x682: {  	s10 =	smul.u32 $0x431BE2E9, s30;
	s30 =	sadd.s32 s6, s12;
	s12 =	sld [smem:$0x691]  }
0x683: {  	v8 =	vxor.u32 v0, v8;
	s31 =	spop (v2sf);
	[smem:$0x76C] =	sst s30  }
0x684: {  	(v2sf) =	vpush v8, $0xD;
	s18 =	smulhi.u32 $0x431BE2E9, s22;
	s30 =	sld [smem:$0x698];
	s22 =	sshra.s32 s31, $0x1F  }
0x685: {  	s24 =	spop (v2sf);
	s1 =	sadd.s32 s1, s26;
	s26 =	sld [smem:$0x695]  }
0x686: {  	s21 =	smul.u32 $0x431BE2E9, s22;
	[smem:$0x777] =	sst s1  }
0x687: {  	(v2sf) =	vpush v8, $0xC;
	s4 =	smulhi.u32 $0x431BE2E9, s24;
	s2 =	sshra.s32 s24, $0x1F;
	s22 =	sld [smem:$0x692]  }
0x688: {  	s24 =	sld [smem:$0x694];
	s8 =	smul.u32 $0x431BE2E9, s2  }
0x689: {  	s2 =	sadd.s32 s5, s29;
	s29 =	sld [smem:$0x697];
	s28 =	spop (v2sf)  }
0x68a: {  	[smem:$0x779] =	sst s2;
	s5 =	smulhi.u32 $0x431BE2E9, s28  }
0x68b: {  	s1 =	sshra.s32 s28, $0x1F;
	s2 =	sadd.s32 s22, s12;
	s28 =	sld [smem:$0x696]  }
0x68c: {  	[smem:$0x77A] =	sst s2;
	s2 =	sadd.s32 s24, s23  }
0x68d: {  	s7 =	smulhi.u32 $0x431BE2E9, s31;
	[smem:$0x77B] =	sst s2  }
0x68e: {  	s6 =	smul.u32 $0x431BE2E9, s1;
	s2 =	sadd.s32 s28, s26;
	s26 =	sld [smem:$0x69B]  }
0x68f: {  	s31 =	spop (v2sf);
	s28 =	sld [smem:$0x69C]  }
0x690: {  	s12 =	smulhi.u32 $0x431BE2E9, s31;
	s1 =	sshra.s32 s31, $0x1F;
	s25 =	spop (v2sf)  }
0x691: {  	[smem:$0x77C] =	sst s2;
	s23 =	smul.u32 $0x431BE2E9, s1  }
0x692: {  	s22 =	smulhi.u32 $0x431BE2E9, s25;
	s1 =	sshra.s32 s25, $0x1F;
	s25 =	sld [smem:$0x69A]  }
0x693: {  	s2 =	sadd.s32 s30, s29;
	s30 =	sld [smem:$0x69D];
	s31 =	spop (v2sf)  }
0x694: {  	(v2sf) =	vpush v8, $0xE;
	[smem:$0x77E] =	sst s2;
	s24 =	smul.u32 $0x431BE2E9, s1;
	s1 =	sshra.s32 s31, $0x1F  }
0x695: {  	s2 =	sadd.s32 s25, s3;
	s25 =	smulhi.u32 $0x431BE2E9, s31;
	s31 =	sld [smem:$0x69E]  }
0x696: {  	(v2sf) =	vpush v8, $0xF;
	s29 =	spop (v2sf);
	s3 =	sld [smem:$0x69F]  }
0x697: {  	[smem:$0x780] =	sst s2;
	s2 =	sadd.s32 s28, s26;
	s28 =	smul.u32 $0x431BE2E9, s1  }
0x698: {  	s26 =	smulhi.u32 $0x431BE2E9, s29;
	s1 =	sshra.s32 s29, $0x1F;
	s29 =	sld [smem:$0x6A0]  }
0x699: {  	[smem:$0x781] =	sst s2  }
0x69a: {  	s2 =	sadd.s32 s31, s30;
	s30 =	sld [smem:$0x6A1]  }
0x69b: {  	s31 =	sld [smem:$0x6A2]  }
0x69c: {  	[smem:$0x783] =	sst s2;
	s2 =	sadd.s32 s29, s3  }
0x69d: {  	(v2sf) =	vpush v8, $0x9;
	[smem:$0x786] =	sst s2  }
0x69e: {  	s2 =	sadd.s32 s31, s30;
	s30 =	sld [smem:$0x6A3]  }
0x69f: {  	s0 =	sshra.s32 s0, $0x1F;
	s31 =	sld [smem:$0x6A4]  }
0x6a0: {  	s0 =	smul.u32 $0x431BE2E9, s0  }
0x6a1: {  	s29 =	smul.u32 $0x431BE2E9, s1;
	[smem:$0x77F] =	sst s2  }
0x6a2: {  	s2 =	sadd.s32 s9, s30;
	s0 =	sadd.s32 s0, s31;
	s31 =	sld [smem:$0x6A6]  }
0x6a3: {  	s1 =	spop (v2sf);
	[smem:$0x782] =	sst s2  }
0x6a4: {  	s3 =	smulhi.u32 $0x431BE2E9, s1;
	s1 =	sshra.s32 s1, $0x1F;
	s2 =	sld [smem:$0x6A5]  }
0x6a5: {  	s30 =	smul.u32 $0x431BE2E9, s1;
	s1 =	spop (v2sf)  }
0x6a6: {  	[smem:$0x784] =	sst s0;
	s9 =	smulhi.u32 $0x431BE2E9, s1  }
0x6a7: {  	s0 =	sshra.s32 s1, $0x1F;
	s1 =	sadd.s32 s31, s2;
	s2 =	sld [smem:$0x6A8]  }
0x6a8: {  	[smem:$0x785] =	sst s1  }
0x6a9: {  	(v2sf) =	vpush v8, $0x8;
	s1 =	sld [smem:$0x6A7];
	_ =	sdelay $0x2  }
0x6aa: {  	s31 =	smul.u32 $0x431BE2E9, s0;
	s0 =	spop (v2sf);
	s1 =	sadd.s32 s2, s1  }
0x6ab: {  	s2 =	smulhi.u32 $0x431BE2E9, s0;
	[smem:$0x787] =	sst s1  }
0x6ac: {  	s1 =	sld [smem:$0x6A9]  }
0x6ad: {  	[smem:$0x71B] =	sst s2  }
0x6ae: {  	s2 =	sld [smem:$0x6AA];
	_ =	sdelay $0x2  }
0x6af: {  	s1 =	sadd.s32 s2, s1;
	s2 =	sld [smem:$0x6AC]  }
0x6b0: {  	[smem:$0x788] =	sst s1  }
0x6b1: {  	(v2sf) =	vpush v8, $0xA;
	s0 =	sshra.s32 s0, $0x1F;
	s1 =	sld [smem:$0x6AB]  }
0x6b2: {  	s0 =	smul.u32 $0x431BE2E9, s0;
	_ =	sdelay $0x1  }
0x6b3: {  	[smem:$0x71C] =	sst s0;
	s0 =	spop (v2sf);
	s1 =	sadd.s32 s2, s1  }
0x6b4: {  	s2 =	smulhi.u32 $0x431BE2E9, s0;
	[smem:$0x789] =	sst s1  }
0x6b5: {  	s1 =	sld [smem:$0x6AD]  }
0x6b6: {  	[smem:$0x71D] =	sst s2  }
0x6b7: {  	s2 =	sld [smem:$0x6AE];
	_ =	sdelay $0x2  }
0x6b8: {  	s1 =	sadd.s32 s2, s1;
	s2 =	sld [smem:$0x6B0]  }
0x6b9: {  	[smem:$0x77D] =	sst s1  }
0x6ba: {  	(v2sf) =	vpush v8, $0xB;
	s0 =	sshra.s32 s0, $0x1F;
	s1 =	sld [smem:$0x6AF]  }
0x6bb: {  	s0 =	smul.u32 $0x431BE2E9, s0;
	_ =	sdelay $0x1  }
0x6bc: {  	[smem:$0x71E] =	sst s0;
	s0 =	spop (v2sf);
	s1 =	sadd.s32 s2, s1  }
0x6bd: {  	s2 =	smulhi.u32 $0x431BE2E9, s0;
	[smem:$0x78A] =	sst s1  }
0x6be: {  	s1 =	sld [smem:$0x6B1]  }
0x6bf: {  	[smem:$0x71F] =	sst s2  }
0x6c0: {  	s2 =	sld [smem:$0x6B2];
	_ =	sdelay $0x2  }
0x6c1: {  	s1 =	sadd.s32 s2, s1;
	s2 =	sld [smem:$0x6B4]  }
0x6c2: {  	[smem:$0x78B] =	sst s1  }
0x6c3: {  	(v2sf) =	vpush v8, $0x0;
	s0 =	sshra.s32 s0, $0x1F;
	s1 =	sld [smem:$0x6B3]  }
0x6c4: {  	s0 =	smul.u32 $0x431BE2E9, s0;
	_ =	sdelay $0x1  }
0x6c5: {  	[smem:$0x720] =	sst s0;
	s0 =	spop (v2sf);
	s1 =	sadd.s32 s2, s1  }
0x6c6: {  	s2 =	smulhi.u32 $0x431BE2E9, s0;
	[smem:$0x78C] =	sst s1  }
0x6c7: {  	s1 =	sld [smem:$0x6B5]  }
0x6c8: {  	[smem:$0x721] =	sst s2  }
0x6c9: {  	s2 =	sld [smem:$0x6B6];
	_ =	sdelay $0x2  }
0x6ca: {  	s1 =	sadd.s32 s2, s1;
	s2 =	sld [smem:$0x6B8]  }
0x6cb: {  	[smem:$0x78E] =	sst s1  }
0x6cc: {  	(v2sf) =	vpush v8, $0x1;
	s0 =	sshra.s32 s0, $0x1F;
	s1 =	sld [smem:$0x6B7]  }
0x6cd: {  	s0 =	smul.u32 $0x431BE2E9, s0;
	_ =	sdelay $0x1  }
0x6ce: {  	[smem:$0x722] =	sst s0;
	s0 =	spop (v2sf);
	s1 =	sadd.s32 s2, s1  }
0x6cf: {  	s2 =	smulhi.u32 $0x431BE2E9, s0;
	[smem:$0x790] =	sst s1  }
0x6d0: {  	s1 =	sld [smem:$0x6B9]  }
0x6d1: {  	[smem:$0x723] =	sst s2  }
0x6d2: {  	s2 =	sld [smem:$0x6BA];
	_ =	sdelay $0x2  }
0x6d3: {  	s1 =	sadd.s32 s2, s1;
	s2 =	sld [smem:$0x6BC]  }
0x6d4: {  	[smem:$0x792] =	sst s1  }
0x6d5: {  	(v2sf) =	vpush v8, $0x2;
	s0 =	sshra.s32 s0, $0x1F;
	s1 =	sld [smem:$0x6BB]  }
0x6d6: {  	s0 =	smul.u32 $0x431BE2E9, s0;
	_ =	sdelay $0x1  }
0x6d7: {  	[smem:$0x724] =	sst s0;
	s0 =	spop (v2sf);
	s1 =	sadd.s32 s2, s1  }
0x6d8: {  	s2 =	smulhi.u32 $0x431BE2E9, s0;
	[smem:$0x793] =	sst s1  }
0x6d9: {  	s1 =	sld [smem:$0x6BD]  }
0x6da: {  	[smem:$0x725] =	sst s2  }
0x6db: {  	s2 =	sld [smem:$0x6BE];
	_ =	sdelay $0x2  }
0x6dc: {  	s1 =	sadd.s32 s2, s1;
	s2 =	sld [smem:$0x6C0]  }
0x6dd: {  	[smem:$0x795] =	sst s1  }
0x6de: {  	(v2sf) =	vpush v8, $0x3;
	s0 =	sshra.s32 s0, $0x1F;
	s1 =	sld [smem:$0x6BF]  }
0x6df: {  	s0 =	smul.u32 $0x431BE2E9, s0;
	_ =	sdelay $0x1  }
0x6e0: {  	[smem:$0x726] =	sst s0;
	s0 =	spop (v2sf);
	s1 =	sadd.s32 s2, s1  }
0x6e1: {  	s2 =	smulhi.u32 $0x431BE2E9, s0;
	[smem:$0x78F] =	sst s1  }
0x6e2: {  	s1 =	sld [smem:$0x6C1]  }
0x6e3: {  	[smem:$0x727] =	sst s2  }
0x6e4: {  	s2 =	sld [smem:$0x6C2];
	_ =	sdelay $0x2  }
0x6e5: {  	s1 =	sadd.s32 s2, s1;
	s2 =	sld [smem:$0x6C4]  }
0x6e6: {  	[smem:$0x791] =	sst s1  }
0x6e7: {  	(v2sf) =	vpush v8, $0x4;
	s0 =	sshra.s32 s0, $0x1F;
	s1 =	sld [smem:$0x6C3]  }
0x6e8: {  	s0 =	smul.u32 $0x431BE2E9, s0;
	_ =	sdelay $0x1  }
0x6e9: {  	[smem:$0x728] =	sst s0;
	s0 =	spop (v2sf);
	s1 =	sadd.s32 s2, s1  }
0x6ea: {  	s2 =	smulhi.u32 $0x431BE2E9, s0;
	[smem:$0x794] =	sst s1  }
0x6eb: {  	s1 =	sld [smem:$0x6C5]  }
0x6ec: {  	[smem:$0x729] =	sst s2  }
0x6ed: {  	s2 =	sld [smem:$0x6C6];
	_ =	sdelay $0x2  }
0x6ee: {  	s1 =	sadd.s32 s2, s1;
	s2 =	sld [smem:$0x6C8]  }
0x6ef: {  	[smem:$0x796] =	sst s1  }
0x6f0: {  	(v2sf) =	vpush v8, $0x5;
	s0 =	sshra.s32 s0, $0x1F;
	s1 =	sld [smem:$0x6C7]  }
0x6f1: {  	s0 =	smul.u32 $0x431BE2E9, s0;
	_ =	sdelay $0x1  }
0x6f2: {  	[smem:$0x72A] =	sst s0;
	s0 =	spop (v2sf);
	s1 =	sadd.s32 s2, s1  }
0x6f3: {  	s2 =	smulhi.u32 $0x431BE2E9, s0;
	[smem:$0x797] =	sst s1  }
0x6f4: {  	s1 =	sld [smem:$0x6C9]  }
0x6f5: {  	[smem:$0x72B] =	sst s2  }
0x6f6: {  	s2 =	sld [smem:$0x6CA];
	_ =	sdelay $0x2  }
0x6f7: {  	s1 =	sadd.s32 s2, s1;
	s2 =	sld [smem:$0x6CC]  }
0x6f8: {  	[smem:$0x798] =	sst s1  }
0x6f9: {  	(v2sf) =	vpush v8, $0x6;
	s0 =	sshra.s32 s0, $0x1F;
	s1 =	sld [smem:$0x6CB]  }
0x6fa: {  	s0 =	smul.u32 $0x431BE2E9, s0;
	_ =	sdelay $0x1  }
0x6fb: {  	[smem:$0x72C] =	sst s0;
	s0 =	spop (v2sf);
	s1 =	sadd.s32 s2, s1  }
0x6fc: {  	s2 =	smulhi.u32 $0x431BE2E9, s0;
	[smem:$0x799] =	sst s1  }
0x6fd: {  	s1 =	sld [smem:$0x6CD]  }
0x6fe: {  	[smem:$0x72D] =	sst s2  }
0x6ff: {  	s2 =	sld [smem:$0x6CE];
	_ =	sdelay $0x2  }
0x700: {  	s1 =	sadd.s32 s2, s1;
	s2 =	sld [smem:$0x6D0]  }
0x701: {  	[smem:$0x78D] =	sst s1  }
0x702: {  	(v2sf) =	vpush v8, $0x7;
	s0 =	sshra.s32 s0, $0x1F;
	s1 =	sld [smem:$0x6CF]  }
0x703: {  	s0 =	smul.u32 $0x431BE2E9, s0;
	_ =	sdelay $0x1  }
0x704: {  	v20 =	vld [tilespmem:$0x19F];
	[smem:$0x72E] =	sst s0;
	s0 =	spop (v2sf);
	s1 =	sadd.s32 s2, s1  }
0x705: {  	v0 =	vld [tilespmem:$0x1A0];
	s2 =	smulhi.u32 $0x431BE2E9, s0;
	[smem:$0x79A] =	sst s1  }
0x706: {  	s1 =	sld [smem:$0x6D1]  }
0x707: {  	[smem:$0x72F] =	sst s2  }
0x708: {  	s2 =	sld [smem:$0x6D2];
	_ =	sdelay $0x1  }
0x709: {  	v9 =	vmul.u32 $0x6A37, v20;
	v0 =	vmul.u32 $0x8DD9, v0  }
0x70a: {  	s1 =	sadd.s32 s2, s1;
	s2 =	sld [smem:$0x6D4]  }
0x70b: {  	v9 =	vxor.u32 v0, v9;
	[smem:$0x79B] =	sst s1  }
0x70c: {  	(v2sf) =	vpush v9, $0xD;
	s0 =	sshra.s32 s0, $0x1F;
	s1 =	sld [smem:$0x6D3]  }
0x70d: {  	s0 =	smul.u32 $0x431BE2E9, s0;
	_ =	sdelay $0x1  }
0x70e: {  	[smem:$0x730] =	sst s0;
	s0 =	spop (v2sf);
	s1 =	sadd.s32 s2, s1  }
0x70f: {  	s2 =	smulhi.u32 $0x431BE2E9, s0;
	[smem:$0x79C] =	sst s1  }
0x710: {  	s1 =	sld [smem:$0x6D5]  }
0x711: {  	[smem:$0x731] =	sst s2  }
0x712: {  	s2 =	sld [smem:$0x6D6];
	_ =	sdelay $0x2  }
0x713: {  	s1 =	sadd.s32 s2, s1;
	s2 =	sld [smem:$0x6D8]  }
0x714: {  	[smem:$0x79D] =	sst s1  }
0x715: {  	(v2sf) =	vpush v9, $0xC;
	s0 =	sshra.s32 s0, $0x1F;
	s1 =	sld [smem:$0x6D7]  }
0x716: {  	s0 =	smul.u32 $0x431BE2E9, s0;
	_ =	sdelay $0x1  }
0x717: {  	[smem:$0x732] =	sst s0;
	s0 =	spop (v2sf);
	s1 =	sadd.s32 s2, s1  }
0x718: {  	s2 =	smulhi.u32 $0x431BE2E9, s0;
	[smem:$0x79F] =	sst s1  }
0x719: {  	s1 =	sld [smem:$0x6D9]  }
0x71a: {  	[smem:$0x733] =	sst s2  }
0x71b: {  	s2 =	sld [smem:$0x6DA];
	_ =	sdelay $0x2  }
0x71c: {  	s1 =	sadd.s32 s2, s1;
	s2 =	sld [smem:$0x6DC]  }
0x71d: {  	[smem:$0x7A1] =	sst s1  }
0x71e: {  	(v2sf) =	vpush v9, $0xE;
	s0 =	sshra.s32 s0, $0x1F;
	s1 =	sld [smem:$0x6DB]  }
0x71f: {  	s0 =	smul.u32 $0x431BE2E9, s0;
	_ =	sdelay $0x1  }
0x720: {  	[smem:$0x734] =	sst s0;
	s0 =	spop (v2sf);
	s1 =	sadd.s32 s2, s1  }
0x721: {  	s2 =	smulhi.u32 $0x431BE2E9, s0;
	[smem:$0x7A3] =	sst s1  }
0x722: {  	s1 =	sld [smem:$0x6DD]  }
0x723: {  	[smem:$0x735] =	sst s2  }
0x724: {  	s2 =	sld [smem:$0x6DE];
	_ =	sdelay $0x2  }
0x725: {  	s1 =	sadd.s32 s2, s1;
	s2 =	sld [smem:$0x6E0]  }
0x726: {  	[smem:$0x7A5] =	sst s1  }
0x727: {  	(v2sf) =	vpush v9, $0xF;
	s0 =	sshra.s32 s0, $0x1F;
	s1 =	sld [smem:$0x6DF]  }
0x728: {  	s0 =	smul.u32 $0x431BE2E9, s0;
	_ =	sdelay $0x1  }
0x729: {  	[smem:$0x736] =	sst s0;
	s0 =	spop (v2sf);
	s1 =	sadd.s32 s2, s1  }
0x72a: {  	s2 =	smulhi.u32 $0x431BE2E9, s0;
	[smem:$0x7A0] =	sst s1  }
0x72b: {  	s1 =	sld [smem:$0x6E1]  }
0x72c: {  	[smem:$0x737] =	sst s2  }
0x72d: {  	s2 =	sld [smem:$0x6E2];
	_ =	sdelay $0x2  }
0x72e: {  	s1 =	sadd.s32 s2, s1;
	s2 =	sld [smem:$0x6E4]  }
0x72f: {  	[smem:$0x7A2] =	sst s1  }
0x730: {  	(v2sf) =	vpush v9, $0x9;
	s0 =	sshra.s32 s0, $0x1F;
	s1 =	sld [smem:$0x6E3]  }
0x731: {  	s0 =	smul.u32 $0x431BE2E9, s0;
	_ =	sdelay $0x1  }
0x732: {  	[smem:$0x738] =	sst s0;
	s0 =	spop (v2sf);
	s1 =	sadd.s32 s2, s1  }
0x733: {  	s2 =	smulhi.u32 $0x431BE2E9, s0;
	[smem:$0x7A4] =	sst s1  }
0x734: {  	s1 =	sld [smem:$0x6E5]  }
0x735: {  	[smem:$0x739] =	sst s2  }
0x736: {  	s2 =	sld [smem:$0x6E6];
	_ =	sdelay $0x2  }
0x737: {  	s1 =	sadd.s32 s2, s1;
	s2 =	sld [smem:$0x6E8]  }
0x738: {  	[smem:$0x7A6] =	sst s1  }
0x739: {  	(v2sf) =	vpush v9, $0x8;
	s0 =	sshra.s32 s0, $0x1F;
	s1 =	sld [smem:$0x6E7]  }
0x73a: {  	s0 =	smul.u32 $0x431BE2E9, s0;
	_ =	sdelay $0x1  }
0x73b: {  	[smem:$0x73A] =	sst s0;
	s0 =	spop (v2sf);
	s1 =	sadd.s32 s2, s1  }
0x73c: {  	s2 =	smulhi.u32 $0x431BE2E9, s0;
	[smem:$0x7A7] =	sst s1  }
0x73d: {  	s1 =	sld [smem:$0x6E9]  }
0x73e: {  	[smem:$0x73B] =	sst s2  }
0x73f: {  	s2 =	sld [smem:$0x6EA];
	_ =	sdelay $0x2  }
0x740: {  	s1 =	sadd.s32 s2, s1;
	s2 =	sld [smem:$0x6EC]  }
0x741: {  	[smem:$0x7A8] =	sst s1  }
0x742: {  	(v2sf) =	vpush v9, $0xA;
	s0 =	sshra.s32 s0, $0x1F;
	s1 =	sld [smem:$0x6EB]  }
0x743: {  	s0 =	smul.u32 $0x431BE2E9, s0;
	_ =	sdelay $0x1  }
0x744: {  	[smem:$0x73C] =	sst s0;
	s0 =	spop (v2sf);
	s1 =	sadd.s32 s2, s1  }
0x745: {  	s2 =	smulhi.u32 $0x431BE2E9, s0;
	[smem:$0x7A9] =	sst s1  }
0x746: {  	s1 =	sld [smem:$0x6ED]  }
0x747: {  	[smem:$0x73D] =	sst s2  }
0x748: {  	s2 =	sld [smem:$0x6EE];
	_ =	sdelay $0x2  }
0x749: {  	s1 =	sadd.s32 s2, s1;
	s2 =	sld [smem:$0x6F0]  }
0x74a: {  	[smem:$0x79E] =	sst s1  }
0x74b: {  	(v2sf) =	vpush v9, $0xB;
	s0 =	sshra.s32 s0, $0x1F;
	s1 =	sld [smem:$0x6EF]  }
0x74c: {  	s0 =	smul.u32 $0x431BE2E9, s0;
	_ =	sdelay $0x1  }
0x74d: {  	[smem:$0x73E] =	sst s0;
	s0 =	spop (v2sf);
	s1 =	sadd.s32 s2, s1  }
0x74e: {  	s2 =	smulhi.u32 $0x431BE2E9, s0;
	[smem:$0x7AA] =	sst s1  }
0x74f: {  	s1 =	sld [smem:$0x6F1]  }
0x750: {  	[smem:$0x73F] =	sst s2  }
0x751: {  	s2 =	sld [smem:$0x6F2];
	_ =	sdelay $0x2  }
0x752: {  	s1 =	sadd.s32 s2, s1;
	s2 =	sld [smem:$0x6F4]  }
0x753: {  	[smem:$0x7AB] =	sst s1  }
0x754: {  	(v2sf) =	vpush v9, $0x0;
	s0 =	sshra.s32 s0, $0x1F;
	s1 =	sld [smem:$0x6F3]  }
0x755: {  	s0 =	smul.u32 $0x431BE2E9, s0;
	_ =	sdelay $0x1  }
0x756: {  	[smem:$0x740] =	sst s0;
	s0 =	spop (v2sf);
	s1 =	sadd.s32 s2, s1  }
0x757: {  	s2 =	smulhi.u32 $0x431BE2E9, s0;
	[smem:$0x7AC] =	sst s1  }
0x758: {  	s1 =	sld [smem:$0x6F5]  }
0x759: {  	[smem:$0x741] =	sst s2  }
0x75a: {  	s2 =	sld [smem:$0x6F6];
	_ =	sdelay $0x2  }
0x75b: {  	s1 =	sadd.s32 s2, s1;
	s2 =	sld [smem:$0x6F8]  }
0x75c: {  	[smem:$0x7AD] =	sst s1  }
0x75d: {  	(v2sf) =	vpush v9, $0x1;
	s0 =	sshra.s32 s0, $0x1F;
	s1 =	sld [smem:$0x6F7]  }
0x75e: {  	s0 =	smul.u32 $0x431BE2E9, s0;
	_ =	sdelay $0x1  }
0x75f: {  	[smem:$0x742] =	sst s0;
	s0 =	spop (v2sf);
	s1 =	sadd.s32 s2, s1  }
0x760: {  	s2 =	smulhi.u32 $0x431BE2E9, s0;
	[smem:$0x7AE] =	sst s1  }
0x761: {  	s1 =	sld [smem:$0x6F9]  }
0x762: {  	[smem:$0x743] =	sst s2  }
0x763: {  	s2 =	sld [smem:$0x6FA];
	_ =	sdelay $0x2  }
0x764: {  	s1 =	sadd.s32 s2, s1;
	s2 =	sld [smem:$0x6FC]  }
0x765: {  	[smem:$0x7B0] =	sst s1  }
0x766: {  	(v2sf) =	vpush v9, $0x2;
	s0 =	sshra.s32 s0, $0x1F;
	s1 =	sld [smem:$0x6FB]  }
0x767: {  	s0 =	smul.u32 $0x431BE2E9, s0;
	_ =	sdelay $0x1  }
0x768: {  	[smem:$0x744] =	sst s0;
	s0 =	spop (v2sf);
	s1 =	sadd.s32 s2, s1  }
0x769: {  	s2 =	smulhi.u32 $0x431BE2E9, s0;
	[smem:$0x7B2] =	sst s1  }
0x76a: {  	s1 =	sld [smem:$0x6FD]  }
0x76b: {  	[smem:$0x745] =	sst s2  }
0x76c: {  	s2 =	sld [smem:$0x6FE];
	_ =	sdelay $0x2  }
0x76d: {  	s1 =	sadd.s32 s2, s1;
	s2 =	sld [smem:$0x700]  }
0x76e: {  	[smem:$0x7B4] =	sst s1  }
0x76f: {  	(v2sf) =	vpush v9, $0x3;
	s0 =	sshra.s32 s0, $0x1F;
	s1 =	sld [smem:$0x6FF]  }
0x770: {  	s0 =	smul.u32 $0x431BE2E9, s0;
	_ =	sdelay $0x1  }
0x771: {  	[smem:$0x746] =	sst s0;
	s0 =	spop (v2sf);
	s1 =	sadd.s32 s2, s1  }
0x772: {  	s2 =	smulhi.u32 $0x431BE2E9, s0;
	[smem:$0x7B1] =	sst s1  }
0x773: {  	s1 =	sld [smem:$0x701]  }
0x774: {  	[smem:$0x747] =	sst s2  }
0x775: {  	s2 =	sld [smem:$0x702];
	_ =	sdelay $0x2  }
0x776: {  	s1 =	sadd.s32 s2, s1;
	s2 =	sld [smem:$0x704]  }
0x777: {  	[smem:$0x7B3] =	sst s1  }
0x778: {  	s14 =	sadd.s32 s14, s13;
	(v2sf) =	vpush v9, $0x4;
	s0 =	sshra.s32 s0, $0x1F;
	s1 =	sld [smem:$0x703]  }
0x779: {  	[smem:$0x7C2] =	sst s14;
	s13 =	sadd.s32 s16, s15;
	s0 =	smul.u32 $0x431BE2E9, s0  }
0x77a: {  	[smem:$0x7C4] =	sst s13  }
0x77b: {  	[smem:$0x748] =	sst s0;
	s0 =	spop (v2sf);
	s1 =	sadd.s32 s2, s1  }
0x77c: {  	s2 =	smulhi.u32 $0x431BE2E9, s0;
	[smem:$0x7B5] =	sst s1  }
0x77d: {  	s1 =	sld [smem:$0x705]  }
0x77e: {  	[smem:$0x749] =	sst s2  }
0x77f: {  	s15 =	sadd.s32 s19, s17;
	s2 =	sld [smem:$0x706]  }
0x780: {  	[smem:$0x7C0] =	sst s15;
	s17 =	sadd.s32 s11, s18  }
0x781: {  	[smem:$0x7C3] =	sst s17  }
0x782: {  	s1 =	sadd.s32 s2, s1;
	s2 =	sld [smem:$0x708]  }
0x783: {  	[smem:$0x7B6] =	sst s1  }
0x784: {  	s19 =	sadd.s32 s10, s20;
	(v2sf) =	vpush v9, $0x5;
	s0 =	sshra.s32 s0, $0x1F;
	s1 =	sld [smem:$0x707]  }
0x785: {  	[smem:$0x7C5] =	sst s19;
	s21 =	sadd.s32 s21, s7;
	s0 =	smul.u32 $0x431BE2E9, s0  }
0x786: {  	[smem:$0x7C6] =	sst s21  }
0x787: {  	[smem:$0x74A] =	sst s0;
	s0 =	spop (v2sf);
	s1 =	sadd.s32 s2, s1  }
0x788: {  	s2 =	smulhi.u32 $0x431BE2E9, s0;
	[smem:$0x7B7] =	sst s1  }
0x789: {  	s1 =	sld [smem:$0x709]  }
0x78a: {  	[smem:$0x74B] =	sst s2  }
0x78b: {  	s8 =	sadd.s32 s8, s4;
	s2 =	sld [smem:$0x70A]  }
0x78c: {  	[smem:$0x7C7] =	sst s8;
	s10 =	sadd.s32 s6, s5  }
0x78d: {  	[smem:$0x7C8] =	sst s10  }
0x78e: {  	s1 =	sadd.s32 s2, s1;
	s2 =	sld [smem:$0x70C]  }
0x78f: {  	[smem:$0x7B8] =	sst s1  }
0x790: {  	s12 =	sadd.s32 s23, s12;
	(v2sf) =	vpush v9, $0x6;
	s0 =	sshra.s32 s0, $0x1F;
	s1 =	sld [smem:$0x70B]  }
0x791: {  	[smem:$0x7C9] =	sst s12;
	s13 =	sadd.s32 s24, s22;
	s0 =	smul.u32 $0x431BE2E9, s0  }
0x792: {  	[smem:$0x7BE] =	sst s13  }
0x793: {  	[smem:$0x74C] =	sst s0;
	s0 =	spop (v2sf);
	s1 =	sadd.s32 s2, s1  }
0x794: {  	s2 =	smulhi.u32 $0x431BE2E9, s0;
	[smem:$0x7B9] =	sst s1  }
0x795: {  	s1 =	sld [smem:$0x70D]  }
0x796: {  	[smem:$0x74D] =	sst s2  }
0x797: {  	s15 =	sadd.s32 s28, s25;
	s2 =	sld [smem:$0x70E]  }
0x798: {  	[smem:$0x7CA] =	sst s15;
	s17 =	sadd.s32 s29, s26  }
0x799: {  	[smem:$0x7CB] =	sst s17  }
0x79a: {  	s1 =	sadd.s32 s2, s1;
	s2 =	sld [smem:$0x710]  }
0x79b: {  	[smem:$0x7AF] =	sst s1  }
0x79c: {  	s19 =	sadd.s32 s30, s3;
	(v2sf) =	vpush v9, $0x7;
	s0 =	sshra.s32 s0, $0x1F;
	s1 =	sld [smem:$0x70F]  }
0x79d: {  	[smem:$0x7CC] =	sst s19;
	s0 =	smul.u32 $0x431BE2E9, s0  }
0x79e: {  	s22 =	sld [smem:$0x71B]  }
0x79f: {  	v21 =	vld [tilespmem:$0x1AF];
	[smem:$0x74E] =	sst s0;
	s0 =	spop (v2sf);
	s1 =	sadd.s32 s2, s1  }
0x7a0: {  	v0 =	vld [tilespmem:$0x1B0];
	s2 =	smulhi.u32 $0x431BE2E9, s0;
	[smem:$0x7BA] =	sst s1  }
0x7a1: {  	s1 =	sld [smem:$0x711]  }
0x7a2: {  	[smem:$0x74F] =	sst s2  }
0x7a3: {  	s2 =	sld [smem:$0x712]  }
0x7a4: {  	s23 =	sld [smem:$0x71C]  }
0x7a5: {  	v10 =	vmul.u32 $0x6A37, v21;
	v0 =	vmul.u32 $0x8DD9, v0;
	s25 =	sld [smem:$0x71D]  }
0x7a6: {  	s1 =	sadd.s32 s2, s1;
	s2 =	sld [smem:$0x714]  }
0x7a7: {  	v10 =	vxor.u32 v0, v10;
	[smem:$0x7BB] =	sst s1  }
0x7a8: {  	(v2sf) =	vpush v10, $0xD;
	s0 =	sshra.s32 s0, $0x1F;
	s1 =	sld [smem:$0x713]  }
0x7a9: {  	s26 =	sld [smem:$0x71E];
	s0 =	smul.u32 $0x431BE2E9, s0  }
0x7aa: {  	s29 =	sld [smem:$0x71F]  }
0x7ab: {  	[smem:$0x750] =	sst s0;
	s0 =	spop (v2sf);
	s1 =	sadd.s32 s2, s1  }
0x7ac: {  	s2 =	smulhi.u32 $0x431BE2E9, s0;
	[smem:$0x7BC] =	sst s1  }
0x7ad: {  	s1 =	sld [smem:$0x715]  }
0x7ae: {  	[smem:$0x751] =	sst s2  }
0x7af: {  	(v2sf) =	vpush v10, $0xC;
	s2 =	sld [smem:$0x716]  }
0x7b0: {  	s30 =	sld [smem:$0x720];
	(v2sf) =	vpush v10, $0xE  }
0x7b1: {  	s8 =	sld [smem:$0x722]  }
0x7b2: {  	s1 =	sadd.s32 s2, s1;
	s2 =	sld [smem:$0x718]  }
0x7b3: {  	[smem:$0x7BD] =	sst s1  }
0x7b4: {  	s0 =	sshra.s32 s0, $0x1F;
	s1 =	sld [smem:$0x717]  }
0x7b5: {  	s10 =	sld [smem:$0x723];
	(v2sf) =	vpush v10, $0xF;
	s0 =	smul.u32 $0x431BE2E9, s0  }
0x7b6: {  	s13 =	sld [smem:$0x725]  }
0x7b7: {  	[smem:$0x752] =	sst s0;
	s0 =	spop (v2sf);
	s1 =	sadd.s32 s2, s1  }
0x7b8: {  	(v2sf) =	vpush v10, $0x9;
	s2 =	smulhi.u32 $0x431BE2E9, s0;
	[smem:$0x7BF] =	sst s1  }
0x7b9: {  	s1 =	sld [smem:$0x719]  }
0x7ba: {  	(v2sf) =	vpush v10, $0x8;
	[smem:$0x753] =	sst s2  }
0x7bb: {  	s0 =	sshra.s32 s0, $0x1F;
	s2 =	sld [smem:$0x71A]  }
0x7bc: {  	s17 =	sld [smem:$0x728];
	s0 =	smul.u32 $0x431BE2E9, s0  }
0x7bd: {  	s19 =	sld [smem:$0x729];
	(v2sf) =	vpush v10, $0xA  }
0x7be: {  	[smem:$0x754] =	sst s0;
	s0 =	spop (v2sf);
	s1 =	sadd.s32 s2, s1  }
0x7bf: {  	(v2sf) =	vpush v10, $0xB;
	s14 =	spop (v2sf);
	[smem:$0x7C1] =	sst s1  }
0x7c0: {  	s2 =	smulhi.u32 $0x431BE2E9, s0;
	s1 =	sadd.s32 s23, s22;
	s22 =	sld [smem:$0x72B]  }
0x7c1: {  	(v2sf) =	vpush v10, $0x0;
	s16 =	smulhi.u32 $0x431BE2E9, s14;
	s23 =	sld [smem:$0x72C]  }
0x7c2: {  	[smem:$0x755] =	sst s2  }
0x7c3: {  	[smem:$0x757] =	sst s16  }
0x7c4: {  	s0 =	sshra.s32 s0, $0x1F;
	s18 =	spop (v2sf);
	[smem:$0x7CE] =	sst s1  }
0x7c5: {  	s0 =	smul.u32 $0x431BE2E9, s0;
	s1 =	sadd.s32 s26, s25;
	s25 =	sld [smem:$0x72D]  }
0x7c6: {  	s20 =	smulhi.u32 $0x431BE2E9, s18;
	s26 =	sld [smem:$0x72E]  }
0x7c7: {  	s2 =	spop (v2sf);
	[smem:$0x756] =	sst s0  }
0x7c8: {  	s0 =	sshra.s32 s14, $0x1F;
	[smem:$0x759] =	sst s20;
	s4 =	smulhi.u32 $0x431BE2E9, s2  }
0x7c9: {  	s11 =	spop (v2sf);
	s20 =	sadd.s32 s31, s9;
	[smem:$0x7D0] =	sst s1  }
0x7ca: {  	s1 =	sadd.s32 s30, s29;
	s30 =	sld [smem:$0x72F];
	s0 =	smul.u32 $0x431BE2E9, s0  }
0x7cb: {  	s5 =	smulhi.u32 $0x431BE2E9, s11;
	[smem:$0x7CD] =	sst s20  }
0x7cc: {  	(v2sf) =	vpush v10, $0x1;
	s14 =	spop (v2sf);
	[smem:$0x7D2] =	sst s1  }
0x7cd: {  	s20 =	sld [smem:$0x72A];
	s16 =	smulhi.u32 $0x431BE2E9, s14  }
0x7ce: {  	[smem:$0x758] =	sst s0;
	s0 =	sshra.s32 s18, $0x1F;
	s18 =	spop (v2sf)  }
0x7cf: {  	(v2sf) =	vpush v10, $0x2;
	s7 =	smul.u32 $0x431BE2E9, s0;
	[smem:$0x75B] =	sst s16  }
0x7d0: {  	s0 =	sshra.s32 s2, $0x1F;
	s21 =	spop (v2sf);
	s2 =	sld [smem:$0x721]  }
0x7d1: {  	s16 =	sld [smem:$0x727];
	s24 =	smulhi.u32 $0x431BE2E9, s21  }
0x7d2: {  	s6 =	smul.u32 $0x431BE2E9, s0;
	s0 =	sshra.s32 s11, $0x1F;
	s11 =	sld [smem:$0x724]  }
0x7d3: {  	(v2sf) =	vpush v10, $0x3;
	s0 =	smul.u32 $0x431BE2E9, s0;
	[smem:$0x75E] =	sst s24  }
0x7d4: {  	s1 =	sadd.s32 s8, s2;
	s8 =	sld [smem:$0x731]  }
0x7d5: {  	[smem:$0x75A] =	sst s0  }
0x7d6: {  	[smem:$0x7D3] =	sst s1  }
0x7d7: {  	(v2sf) =	vpush v10, $0x4;
	s0 =	sshra.s32 s14, $0x1F;
	s14 =	sld [smem:$0x726]  }
0x7d8: {  	s1 =	sadd.s32 s11, s10;
	s11 =	sld [smem:$0x733];
	s0 =	smul.u32 $0x431BE2E9, s0  }
0x7d9: {  	[smem:$0x7D1] =	sst s1  }
0x7da: {  	[smem:$0x75C] =	sst s0  }
0x7db: {  	s28 =	spop (v2sf);
	s1 =	sadd.s32 s14, s13;
	s14 =	sld [smem:$0x735]  }
0x7dc: {  	(v2sf) =	vpush v10, $0x5;
	s31 =	smulhi.u32 $0x431BE2E9, s28;
	[smem:$0x7D4] =	sst s1  }
0x7dd: {  	s1 =	sadd.s32 s17, s16;
	s17 =	sld [smem:$0x737]  }
0x7de: {  	(v2sf) =	vpush v10, $0x6;
	s0 =	sshra.s32 s18, $0x1F;
	s9 =	spop (v2sf);
	[smem:$0x760] =	sst s31  }
0x7df: {  	s0 =	smul.u32 $0x431BE2E9, s0;
	[smem:$0x7D5] =	sst s1  }
0x7e0: {  	s12 =	smulhi.u32 $0x431BE2E9, s9;
	s31 =	sld [smem:$0x730]  }
0x7e1: {  	s3 =	smulhi.u32 $0x431BE2E9, s18;
	[smem:$0x75D] =	sst s0  }
0x7e2: {  	s15 =	spop (v2sf);
	s1 =	sadd.s32 s20, s19;
	[smem:$0x762] =	sst s12  }
0x7e3: {  	s18 =	smulhi.u32 $0x431BE2E9, s15;
	[smem:$0x7D6] =	sst s1  }
0x7e4: {  	s12 =	sld [smem:$0x734]  }
0x7e5: {  	s1 =	sadd.s32 s23, s22;
	[smem:$0x764] =	sst s18  }
0x7e6: {  	s0 =	sshra.s32 s21, $0x1F;
	s21 =	spop (v2sf);
	[smem:$0x7D7] =	sst s1  }
0x7e7: {  	s0 =	smul.u32 $0x431BE2E9, s0;
	s1 =	sadd.s32 s26, s25;
	s18 =	sld [smem:$0x738]  }
0x7e8: {  	s24 =	smulhi.u32 $0x431BE2E9, s21;
	[smem:$0x7D8] =	sst s1  }
0x7e9: {  	[smem:$0x75F] =	sst s0  }
0x7ea: {  	v22 =	vld [tilespmem:$0x1BF];
	(v2sf) =	vpush v10, $0x7;
	s0 =	sshra.s32 s28, $0x1F;
	[smem:$0x766] =	sst s24  }
0x7eb: {  	v0 =	vld [tilespmem:$0x1C0];
	s1 =	sadd.s32 s31, s30;
	s28 =	spop (v2sf);
	s0 =	smul.u32 $0x431BE2E9, s0  }
0x7ec: {  	[smem:$0x7D9] =	sst s1;
	s2 =	smulhi.u32 $0x431BE2E9, s28  }
0x7ed: {  	s10 =	spop (v2sf);
	[smem:$0x761] =	sst s0  }
0x7ee: {  	s13 =	smulhi.u32 $0x431BE2E9, s10;
	s0 =	sshra.s32 s9, $0x1F;
	[smem:$0x767] =	sst s2  }
0x7ef: {  	s9 =	sld [smem:$0x732];
	s0 =	smul.u32 $0x431BE2E9, s0  }
0x7f0: {  	v11 =	vmul.u32 $0x6A37, v22;
	v0 =	vmul.u32 $0x8DD9, v0;
	[smem:$0x769] =	sst s13  }
0x7f1: {  	[smem:$0x763] =	sst s0;
	s0 =	sshra.s32 s15, $0x1F  }
0x7f2: {  	v11 =	vxor.u32 v0, v11;
	s1 =	sadd.s32 s9, s8;
	s15 =	sld [smem:$0x736];
	s0 =	smul.u32 $0x431BE2E9, s0  }
0x7f3: {  	(v2sf) =	vpush v11, $0xD;
	[smem:$0x7CF] =	sst s1  }
0x7f4: {  	(v2sf) =	vpush v11, $0xC;
	[smem:$0x765] =	sst s0;
	s0 =	sshra.s32 s21, $0x1F  }
0x7f5: {  	(v2sf) =	vpush v11, $0xE;
	s1 =	sadd.s32 s12, s11;
	s29 =	smul.u32 $0x431BE2E9, s0;
	s0 =	sshra.s32 s28, $0x1F  }
0x7f6: {  	(v2sf) =	vpush v11, $0xF;
	[smem:$0x7DA] =	sst s1;
	s1 =	sadd.s32 s15, s14;
	s0 =	smul.u32 $0x431BE2E9, s0  }
0x7f7: {  	(v2sf) =	vpush v11, $0x9;
	[smem:$0x7DB] =	sst s1  }
0x7f8: {  	(v2sf) =	vpush v11, $0x8;
	s1 =	sadd.s32 s18, s17;
	[smem:$0x768] =	sst s0  }
0x7f9: {  	(v2sf) =	vpush v11, $0xA;
	s16 =	spop (v2sf);
	[smem:$0x7DC] =	sst s1  }
0x7fa: {  	s1 =	sld [smem:$0x739]  }
0x7fb: {  	s19 =	sld [smem:$0x73A]  }
0x7fc: {  	s21 =	sld [smem:$0x73B]  }
0x7fd: {  	s22 =	sld [smem:$0x73C]  }
0x7fe: {  	s23 =	sld [smem:$0x73D]  }
0x7ff: {  	s30 =	sld [smem:$0x73E]  }
0x800: {  	s2 =	sld [smem:$0x73F]  }
0x801: {  	s8 =	sld [smem:$0x740]  }
0x802: {  	s9 =	sld [smem:$0x741]  }
0x803: {  	s0 =	sshra.s32 s10, $0x1F;
	s10 =	sld [smem:$0x742]  }
0x804: {  	s12 =	sld [smem:$0x743]  }
0x805: {  	s26 =	smul.u32 $0x431BE2E9, s0;
	s13 =	sld [smem:$0x744]  }
0x806: {  	s0 =	sshra.s32 s16, $0x1F;
	s20 =	spop (v2sf);
	s14 =	sld [smem:$0x745]  }
0x807: {  	s15 =	sld [smem:$0x746];
	s24 =	smul.u32 $0x431BE2E9, s0  }
0x808: {  	s17 =	sld [smem:$0x747];
	s25 =	smulhi.u32 $0x431BE2E9, s20;
	s0 =	sshra.s32 s20, $0x1F  }
0x809: {  	s31 =	spop (v2sf);
	s1 =	sadd.s32 s19, s1;
	s19 =	sld [smem:$0x748]  }
0x80a: {  	s11 =	spop (v2sf);
	[smem:$0x7DD] =	sst s1;
	s1 =	sadd.s32 s22, s21  }
0x80b: {  	s22 =	smul.u32 $0x431BE2E9, s0;
	[smem:$0x7DE] =	sst s1  }
0x80c: {  	s21 =	smulhi.u32 $0x431BE2E9, s11;
	s1 =	sadd.s32 s30, s23;
	s30 =	sld [smem:$0x749]  }
0x80d: {  	s0 =	sshra.s32 s31, $0x1F;
	s23 =	smulhi.u32 $0x431BE2E9, s31;
	s31 =	sld [smem:$0x74A]  }
0x80e: {  	s20 =	smul.u32 $0x431BE2E9, s0;
	s0 =	sshra.s32 s11, $0x1F;
	s11 =	sld [smem:$0x74D]  }
0x80f: {  	[smem:$0x7DF] =	sst s1  }
0x810: {  	s1 =	sadd.s32 s8, s2;
	s2 =	sadd.s32 s6, s4;
	s4 =	sld [smem:$0x75A]  }
0x811: {  	[smem:$0x7E1] =	sst s1  }
0x812: {  	s1 =	sadd.s32 s10, s9;
	s9 =	sld [smem:$0x74B]  }
0x813: {  	s10 =	sld [smem:$0x74C]  }
0x814: {  	s28 =	smulhi.u32 $0x431BE2E9, s16;
	[smem:$0x7EE] =	sst s2  }
0x815: {  	s16 =	spop (v2sf);
	s22 =	sadd.s32 s22, s25;
	s2 =	sld [smem:$0x75D]  }
0x816: {  	s18 =	smul.u32 $0x431BE2E9, s0;
	[smem:$0x7F9] =	sst s22  }
0x817: {  	s0 =	sshra.s32 s16, $0x1F;
	[smem:$0x7E3] =	sst s1;
	s1 =	sadd.s32 s13, s12  }
0x818: {  	s8 =	spop (v2sf);
	[smem:$0x7E2] =	sst s1;
	s1 =	sadd.s32 s15, s14  }
0x819: {  	[smem:$0x7E4] =	sst s1;
	s1 =	sadd.s32 s19, s17;
	s19 =	smulhi.u32 $0x431BE2E9, s16  }
0x81a: {  	(v2sf) =	vpush v11, $0xB;
	s12 =	sld [smem:$0x74E];
	s17 =	smul.u32 $0x431BE2E9, s0  }
0x81b: {  	s16 =	smulhi.u32 $0x431BE2E9, s8;
	s0 =	sshra.s32 s8, $0x1F;
	s8 =	sld [smem:$0x751]  }
0x81c: {  	[smem:$0x7E5] =	sst s1  }
0x81d: {  	s13 =	spop (v2sf);
	s1 =	sadd.s32 s31, s30;
	s30 =	sld [smem:$0x74F]  }
0x81e: {  	s15 =	smulhi.u32 $0x431BE2E9, s13;
	s31 =	sld [smem:$0x750]  }
0x81f: {  	(v2sf) =	vpush v11, $0x0;
	s14 =	smul.u32 $0x431BE2E9, s0;
	s0 =	sshra.s32 s13, $0x1F;
	s13 =	sld [smem:$0x754]  }
0x820: {  	[smem:$0x7E6] =	sst s1  }
0x821: {  	s1 =	sadd.s32 s10, s9;
	s9 =	sld [smem:$0x752]  }
0x822: {  	[smem:$0x7E7] =	sst s1  }
0x823: {  	s1 =	sadd.s32 s12, s11;
	s11 =	sld [smem:$0x753]  }
0x824: {  	[smem:$0x7E8] =	sst s1  }
0x825: {  	s1 =	sadd.s32 s31, s30;
	s30 =	sld [smem:$0x755]  }
0x826: {  	(v2sf) =	vpush v11, $0x1;
	s31 =	sld [smem:$0x756]  }
0x827: {  	s10 =	spop (v2sf);
	[smem:$0x7E9] =	sst s1  }
0x828: {  	s12 =	smul.u32 $0x431BE2E9, s0;
	s1 =	sadd.s32 s9, s8;
	s9 =	sld [smem:$0x757]  }
0x829: {  	(v2sf) =	vpush v11, $0x2;
	s0 =	sshra.s32 s10, $0x1F;
	s8 =	spop (v2sf);
	[smem:$0x7E0] =	sst s1  }
0x82a: {  	s1 =	sadd.s32 s13, s11;
	s13 =	smulhi.u32 $0x431BE2E9, s10;
	s10 =	sld [smem:$0x758]  }
0x82b: {  	s11 =	smul.u32 $0x431BE2E9, s0;
	[smem:$0x7EA] =	sst s1  }
0x82c: {  	s0 =	sshra.s32 s8, $0x1F;
	s1 =	sadd.s32 s31, s30;
	s30 =	sld [smem:$0x759]  }
0x82d: {  	[smem:$0x7EB] =	sst s1;
	s1 =	sadd.s32 s10, s9;
	s10 =	smulhi.u32 $0x431BE2E9, s8  }
0x82e: {  	s31 =	spop (v2sf);
	s9 =	smul.u32 $0x431BE2E9, s0  }
0x82f: {  	s8 =	smulhi.u32 $0x431BE2E9, s31;
	s0 =	sshra.s32 s31, $0x1F;
	s31 =	sld [smem:$0x75C]  }
0x830: {  	[smem:$0x7EC] =	sst s1  }
0x831: {  	s1 =	sadd.s32 s7, s30;
	s30 =	sld [smem:$0x75B]  }
0x832: {  	[smem:$0x7ED] =	sst s1;
	s1 =	sadd.s32 s4, s5  }
0x833: {  	[smem:$0x7EF] =	sst s1  }
0x834: {  	s7 =	smul.u32 $0x431BE2E9, s0;
	s1 =	sadd.s32 s31, s30;
	s30 =	sld [smem:$0x75E]  }
0x835: {  	s5 =	spop (v2sf);
	s31 =	sld [smem:$0x75F]  }
0x836: {  	s6 =	smulhi.u32 $0x431BE2E9, s5;
	s0 =	sshra.s32 s5, $0x1F;
	[smem:$0x7F0] =	sst s1  }
0x837: {  	s5 =	smul.u32 $0x431BE2E9, s0;
	s1 =	sadd.s32 s2, s3;
	s2 =	sld [smem:$0x760]  }
0x838: {  	(v2sf) =	vpush v11, $0x3;
	s3 =	spop (v2sf);
	[smem:$0x7F1] =	sst s1  }
0x839: {  	s4 =	smulhi.u32 $0x431BE2E9, s3;
	s0 =	sshra.s32 s3, $0x1F;
	s3 =	sld [smem:$0x761]  }
0x83a: {  	s1 =	sadd.s32 s31, s30;
	s30 =	sld [smem:$0x762]  }
0x83b: {  	v0 =	vld [tilespmem:$0x1D0];
	(v2sf) =	vpush v11, $0x4;
	s31 =	sld [smem:$0x763]  }
0x83c: {  	v23 =	vld [tilespmem:$0x1CF];
	[smem:$0x7F2] =	sst s1;
	s1 =	sadd.s32 s3, s2  }
0x83d: {  	[smem:$0x7F3] =	sst s1  }
0x83e: {  	(v2sf) =	vpush v11, $0x5;
	s1 =	sadd.s32 s31, s30;
	s30 =	sld [smem:$0x765]  }
0x83f: {  	[smem:$0x7F4] =	sst s1  }
0x840: {  	s20 =	sadd.s32 s20, s23;
	(v2sf) =	vpush v11, $0x6;
	s1 =	sld [smem:$0x764]  }
0x841: {  	v0 =	vmul.u32 $0x8DD9, v0;
	v12 =	vmul.u32 $0x6A37, v23;
	[smem:$0x7FA] =	sst s20;
	s14 =	sadd.s32 s14, s16  }
0x842: {  	[smem:$0x7FB] =	sst s14;
	(v2sf) =	vpush v11, $0x7  }
0x843: {  	v12 =	vxor.u32 v0, v12;
	s12 =	sadd.s32 s12, s15;
	s1 =	sadd.s32 s30, s1;
	s30 =	sld [smem:$0x766]  }
0x844: {  	[smem:$0x7FC] =	sst s12;
	(v2sf) =	vpush v12, $0xD;
	s11 =	sadd.s32 s11, s13  }
0x845: {  	s25 =	sadd.s32 s18, s21;
	s23 =	sadd.s32 s17, s19;
	[dreg:$0x1f] =	wrdreg s11  }
0x846: {  	(v2sf) =	vpush v12, $0xC;
	s3 =	smul.u32 $0x431BE2E9, s0;
	s31 =	sadd.s32 s29, s30;
	s29 =	sld [smem:$0x767]  }
0x847: {  	s9 =	sadd.s32 s9, s10;
	s0 =	spop (v2sf);
	s30 =	sld [smem:$0x768]  }
0x848: {  	[dreg:$0x1e] =	wrdreg s9;
	(v2sf) =	vpush v12, $0xE;
	s2 =	smulhi.u32 $0x431BE2E9, s0;
	s0 =	sshra.s32 s0, $0x1F  }
0x849: {  	s7 =	sadd.s32 s7, s8;
	[smem:$0x7F5] =	sst s1;
	s1 =	smul.u32 $0x431BE2E9, s0  }
0x84a: {  	(v2sf) =	vpush v12, $0xF;
	s0 =	spop (v2sf);
	s29 =	sadd.s32 s30, s29;
	s30 =	sld [smem:$0x769]  }
0x84b: {  	[smem:$0x7F6] =	sst s31;
	s31 =	smulhi.u32 $0x431BE2E9, s0;
	s0 =	sshra.s32 s0, $0x1F  }
0x84c: {  	[dreg:$0x1d] =	wrdreg s7;
	s5 =	sadd.s32 s5, s6;
	s0 =	smul.u32 $0x431BE2E9, s0  }
0x84d: {  	[smem:$0x7F7] =	sst s29;
	s29 =	spop (v2sf);
	s26 =	sadd.s32 s26, s30  }
0x84e: {  	(v2sf) =	vpush v12, $0x9;
	[smem:$0x7F8] =	sst s26;
	s26 =	smulhi.u32 $0x431BE2E9, s29;
	s29 =	sshra.s32 s29, $0x1F  }
0x84f: {  	s30 =	sadd.s32 s24, s28;
	s24 =	smul.u32 $0x431BE2E9, s29;
	s29 =	spop (v2sf)  }
0x850: {  	[dreg:$0x1c] =	wrdreg s5;
	s22 =	smulhi.u32 $0x431BE2E9, s29;
	s29 =	sshra.s32 s29, $0x1F  }
0x851: {  	s3 =	sadd.s32 s3, s4;
	s28 =	spop (v2sf);
	s20 =	smul.u32 $0x431BE2E9, s29  }
0x852: {  	[dreg:$0x1b] =	wrdreg s3;
	s18 =	smulhi.u32 $0x431BE2E9, s28;
	s29 =	sshra.s32 s28, $0x1F  }
0x853: {  	s1 =	sadd.s32 s1, s2;
	s28 =	spop (v2sf);
	s17 =	smul.u32 $0x431BE2E9, s29  }
0x854: {  	[dreg:$0x1a] =	wrdreg s1;
	(v2sf) =	vpush v12, $0x8;
	s14 =	smulhi.u32 $0x431BE2E9, s28;
	s29 =	sshra.s32 s28, $0x1F  }
0x855: {  	s0 =	sadd.s32 s0, s31;
	s16 =	spop (v2sf);
	s12 =	smul.u32 $0x431BE2E9, s29  }
0x856: {  	[dreg:$0x19] =	wrdreg s0;
	s11 =	smulhi.u32 $0x431BE2E9, s16;
	s19 =	sshra.s32 s16, $0x1F  }
0x857: {  	s21 =	spop (v2sf);
	s9 =	smul.u32 $0x431BE2E9, s19  }
0x858: {  	s16 =	sadd.s32 s24, s26;
	s20 =	sadd.s32 s20, s22;
	s7 =	smulhi.u32 $0x431BE2E9, s21  }
0x859: {  	(v2sf) =	vpush v12, $0xA;
	s28 =	sshra.s32 s21, $0x1F;
	s29 =	spop (v2sf);
	[dreg:$0x18] =	wrdreg s16  }
0x85a: {  	[dreg:$0x17] =	wrdreg s20;
	s5 =	smul.u32 $0x431BE2E9, s28  }
0x85b: {  	s20 =	sld [smem:$0x76F];
	s3 =	smulhi.u32 $0x431BE2E9, s29  }
0x85c: {  	s8 =	sshra.s32 s29, $0x1F;
	s29 =	sadd.s32 s12, s14;
	s14 =	sld [smem:$0x76C]  }
0x85d: {  	s13 =	spop (v2sf);
	s28 =	sadd.s32 s17, s18;
	s17 =	sld [smem:$0x76E]  }
0x85e: {  	s10 =	smul.u32 $0x431BE2E9, s8;
	s9 =	sadd.s32 s9, s11;
	s11 =	sld [smem:$0x76B]  }
0x85f: {  	s15 =	smulhi.u32 $0x431BE2E9, s13;
	[dreg:$0x15] =	wrdreg s9  }
0x860: {  	s2 =	sshra.s32 s13, $0x1F;
	s5 =	sadd.s32 s5, s7;
	s9 =	sld [smem:$0x76A]  }
0x861: {  	s2 =	smul.u32 $0x431BE2E9, s2;
	[dreg:$0x16] =	wrdreg s5;
	s1 =	sadd.s32 s10, s3  }
0x862: {  	s13 =	sshra.s32 s14, $0x1F;
	s18 =	sshra.s32 s17, $0x12;
	[smem:$0x7FD] =	sst s1  }
0x863: {  	s31 =	sadd.s32 s2, s15;
	s15 =	sld [smem:$0x76D];
	s19 =	spop (v2sf)  }
0x864: {  	s12 =	sshrl.u32 s11, $0x1F;
	s21 =	smulhi.u32 $0x431BE2E9, s19;
	s4 =	sshra.s32 s19, $0x1F  }
0x865: {  	v24 =	vmov s12;
	s12 =	sld [smem:$0x772];
	s19 =	sshrl.u32 s17, $0x1F;
	s4 =	smul.u32 $0x431BE2E9, s4  }
0x866: {  	s16 =	sshrl.u32 s15, $0x1F;
	s1 =	sshra.s32 s15, $0x12;
	s15 =	sld [smem:$0x773]  }
0x867: {  	s2 =	sshra.s32 s20, $0x12;
	s10 =	sshrl.u32 s9, $0x1F;
	v25 =	vmov s19;
	s19 =	sld [smem:$0x774]  }
0x868: {  	v0 =	vmov s13;
	s13 =	sshrl.u32 s12, $0x1F;
	s22 =	spop (v2sf);
	s7 =	sadd.s32 s4, s21  }
0x869: {  	v27 =	vmov s13;
	s13 =	sld [smem:$0x776];
	s24 =	smulhi.u32 $0x431BE2E9, s22;
	s8 =	sshra.s32 s22, $0x1F  }
0x86a: {  	s0 =	sshra.s32 s9, $0x12;
	[dreg:$0x13] =	wrdreg s7;
	s26 =	smul.u32 $0x431BE2E9, s8  }
0x86b: {  	v13 =	vsel vm1, s10, v24;
	s4 =	sshra.s32 s11, $0x12;
	s21 =	sshrl.u32 s20, $0x1F;
	s22 =	sld [smem:$0x770]  }
0x86c: {  	v13 =	vsel vm2, s16, v13;
	s7 =	sshra.s32 s17, $0x1F;
	s8 =	sadd.s32 s26, s24;
	s24 =	sld [smem:$0x771]  }
0x86d: {  	s16 =	sshrl.u32 s15, $0x1F;
	s17 =	sshra.s32 s15, $0x12;
	v55 =	vsel vm3, s21, v13;
	s21 =	sld [smem:$0x775]  }
0x86e: {  	v0 =	vsel vm5, s18, v0;
	s18 =	sshra.s32 s15, $0x1F;
	s20 =	sshrl.u32 s19, $0x1F;
	s15 =	sld [smem:$0x777]  }
0x86f: {  	v0 =	vsel vm11, s7, v0;
	s7 =	sshra.s32 s12, $0x12;
	s12 =	sshra.s32 s19, $0x1F;
	s26 =	sshra.s32 s24, $0x12  }
0x870: {  	v14 =	vnsel vm5, $0x0, v25;
	s6 =	sshrl.u32 s22, $0x1F;
	s9 =	sshrl.u32 s24, $0x1F;
	s11 =	sshra.s32 s24, $0x1F;
	v0 =	vsel vm1, s26, v0  }
0x871: {  	s3 =	sshra.s32 s22, $0x12;
	s22 =	sshrl.u32 s21, $0x1F;
	[dreg:$0x14] =	wrdreg s8;
	v14 =	vsel vm1, s9, v14;
	v0 =	vsel vm12, s11, v0  }
0x872: {  	s8 =	sshra.s32 s15, $0x12;
	s26 =	sshra.s32 s19, $0x12;
	s19 =	sld [smem:$0x779];
	v26 =	vsel vm2, s16, v14;
	v0 =	vsel vm2, s17, v0  }
0x873: {  	s24 =	sshrl.u32 s13, $0x1F;
	s9 =	sshra.s32 s15, $0x1F;
	v14 =	vsel vm1, s6, v27;
	s6 =	sshra.s32 s21, $0x12;
	v13 =	vsel vm3, s20, v26;
	v0 =	vsel vm13, s18, v0  }
0x874: {  	s16 =	sshrl.u32 s15, $0x1F;
	s21 =	sshra.s32 s13, $0x12;
	s17 =	sld [smem:$0x778];
	v13 =	vsel vm6, s24, v13;
	v0 =	vsel vm3, s26, v0  }
0x875: {  	v28 =	vmov s4;
	s15 =	sld [smem:$0x77A];
	s20 =	sshrl.u32 s19, $0x1F;
	s24 =	sshra.s32 s13, $0x1F;
	v13 =	vsel vm7, s16, v13;
	v0 =	vsel vm14, s12, v0  }
0x876: {  	v29 =	vmov s7;
	s13 =	sshra.s32 s14, $0x12;
	s26 =	sshrl.u32 s14, $0x1F;
	s14 =	sld [smem:$0x77D];
	v13 =	vsel vm8, s20, v13;
	v0 =	vsel vm6, s21, v0  }
0x877: {  	v14 =	vsel vm2, s22, v14;
	s18 =	sshrl.u32 s17, $0x1F;
	s22 =	sshra.s32 s17, $0x12;
	s17 =	sld [smem:$0x77B];
	v13 =	vsel vm4, s26, v13;
	v0 =	vsel vm15, s24, v0  }
0x878: {  	s10 =	sshra.s32 s19, $0x12;
	v14 =	vsel vm3, s18, v14;
	s26 =	sld [smem:$0x77F];
	[tilespmem:$0x1FF50] =	vst v13;
	v13 =	vsel vm1, s0, v28;
	v0 =	vsel vm7, s8, v0  }
0x879: {  	s16 =	sshrl.u32 s15, $0x1F;
	s12 =	sshra.s32 s19, $0x1F;
	s19 =	sld [smem:$0x77C];
	[tilespmem:$0x1FF30] =	vst v14;
	v14 =	vsel vm1, s3, v29;
	v13 =	vsel vm2, s1, v13;
	v0 =	vsel vm0, s9, v0  }
0x87a: {  	s0 =	sshra.s32 s15, $0x12;
	s21 =	sshra.s32 s14, $0x1F;
	s15 =	sld [smem:$0x780];
	v30 =	vsel vm2, s6, v14;
	v13 =	vsel vm3, s2, v13;
	v0 =	vsel vm8, s10, v0  }
0x87b: {  	s18 =	sshrl.u32 s17, $0x1F;
	s11 =	sshra.s32 s26, $0x12;
	[tilespmem:$0x1FF40] =	vst v13;
	v13 =	vsel vm3, s22, v30;
	s22 =	sld [smem:$0x77E];
	v0 =	vsel vm10, s12, v0  }
0x87c: {  	s12 =	sshrl.u32 s26, $0x1F;
	v0 =	vsel vm4, s13, v0;
	s13 =	sshra.s32 s26, $0x1F;
	s26 =	sld [smem:$0x784]  }
0x87d: {  	s8 =	sshra.s32 s17, $0x12;
	s20 =	sshrl.u32 s19, $0x1F;
	v32 =	vmov s12;
	s12 =	sld [smem:$0x78A];
	[tilespmem:$0x1FF60] =	vst v0;
	v0 =	vmov s18  }
0x87e: {  	v31 =	vmov s21;
	s7 =	sshrl.u32 s15, $0x1F;
	s3 =	sshra.s32 s15, $0x12;
	v0 =	vsel vm1, s16, v0;
	s16 =	sld [smem:$0x781]  }
0x87f: {  	v14 =	vsel vm5, s11, v31;
	s24 =	sshrl.u32 s22, $0x1F;
	s2 =	sshra.s32 s22, $0x12;
	s18 =	sld [smem:$0x782]  }
0x880: {  	v14 =	vsel vm11, s13, v14;
	s22 =	sld [smem:$0x783];
	s10 =	sshrl.u32 s26, $0x1F;
	s13 =	sshra.s32 s26, $0x12  }
0x881: {  	v0 =	vsel vm2, s20, v0;
	s17 =	sshrl.u32 s16, $0x1F;
	s6 =	sshra.s32 s16, $0x12;
	s16 =	sld [smem:$0x785]  }
0x882: {  	v15 =	vnsel vm5, $0x0, v32;
	s15 =	sshra.s32 s26, $0x1F;
	s26 =	sld [smem:$0x788];
	s20 =	sshrl.u32 s18, $0x1F;
	v0 =	vsel vm3, s24, v0  }
0x883: {  	s1 =	sshra.s32 s19, $0x12;
	s19 =	sshra.s32 s18, $0x12;
	[tilespmem:$0x1FF70] =	vst v0;
	v0 =	vsel vm1, s20, v15;
	s20 =	sld [smem:$0x787]  }
0x884: {  	s21 =	sshra.s32 s18, $0x1F;
	s18 =	sld [smem:$0x786];
	v14 =	vsel vm1, s19, v14;
	v33 =	vmov s17;
	v0 =	vsel vm2, s10, v0;
	s17 =	sshrl.u32 s16, $0x1F  }
0x885: {  	s24 =	sshrl.u32 s22, $0x1F;
	v14 =	vsel vm12, s21, v14;
	v0 =	vsel vm3, s17, v0;
	s17 =	sld [smem:$0x789]  }
0x886: {  	s5 =	sshra.s32 s22, $0x12;
	s11 =	sshrl.u32 s26, $0x1F;
	v35 =	vmov s6;
	v14 =	vsel vm2, s13, v14;
	s21 =	sshrl.u32 s20, $0x1F  }
0x887: {  	s6 =	sshrl.u32 s12, $0x1F;
	v15 =	vsel vm1, s7, v33;
	s19 =	sshrl.u32 s18, $0x1F;
	v14 =	vsel vm13, s15, v14;
	s22 =	sshra.s32 s16, $0x12;
	v0 =	vsel vm6, s21, v0  }
0x888: {  	s4 =	sshra.s32 s18, $0x12;
	v15 =	vsel vm2, s24, v15;
	s24 =	sshra.s32 s16, $0x1F;
	v14 =	vsel vm3, s22, v14;
	v0 =	vsel vm7, s11, v0;
	s18 =	sshrl.u32 s17, $0x1F  }
0x889: {  	v34 =	vmov s8;
	s13 =	sld [smem:$0x78B];
	s15 =	sshra.s32 s20, $0x12;
	v14 =	vsel vm14, s24, v14;
	s21 =	sshrl.u32 s14, $0x1F;
	v0 =	vsel vm8, s18, v0  }
0x88a: {  	s16 =	sshra.s32 s20, $0x1F;
	v15 =	vsel vm3, s19, v15;
	s19 =	sshra.s32 s26, $0x12;
	v14 =	vsel vm6, s15, v14;
	s15 =	sld [smem:$0x78C];
	v0 =	vsel vm4, s21, v0  }
0x88b: {  	v14 =	vsel vm15, s16, v14;
	s22 =	sshra.s32 s17, $0x12;
	s24 =	sshra.s32 s17, $0x1F;
	s17 =	sld [smem:$0x78E];
	[tilespmem:$0x1FF90] =	vst v0;
	v0 =	vsel vm1, s0, v34  }
0x88c: {  	s20 =	sshra.s32 s26, $0x1F;
	s26 =	sshra.s32 s14, $0x12;
	v14 =	vsel vm7, s19, v14;
	s18 =	sld [smem:$0x78F];
	v0 =	vsel vm2, s1, v0  }
0x88d: {  	s14 =	sshrl.u32 s13, $0x1F;
	v14 =	vsel vm0, s20, v14;
	v24 =	vsel vm3, s2, v0;
	v0 =	vsel vm1, s3, v35;
	s3 =	sshra.s32 s13, $0x12;
	s13 =	sld [smem:$0x78D]  }
0x88e: {  	s8 =	sshrl.u32 s15, $0x1F;
	s0 =	sshra.s32 s12, $0x12;
	v14 =	vsel vm8, s22, v14;
	s22 =	sld [smem:$0x790]  }
0x88f: {  	s2 =	sshra.s32 s17, $0x12;
	v0 =	vsel vm2, s5, v0;
	s5 =	sshrl.u32 s17, $0x1F;
	s17 =	sld [smem:$0x794]  }
0x890: {  	s19 =	sshra.s32 s18, $0x12;
	v29 =	vsel vm3, s4, v0;
	v0 =	vsel vm10, s24, v14;
	s24 =	sld [smem:$0x791];
	s16 =	sshra.s32 s13, $0x1F  }
0x891: {  	s7 =	sshrl.u32 s22, $0x1F;
	s4 =	sshra.s32 s22, $0x12;
	s22 =	sld [smem:$0x796];
	v0 =	vsel vm4, s26, v0;
	v36 =	vmov s16  }
0x892: {  	s1 =	sshra.s32 s15, $0x12;
	s21 =	sshra.s32 s18, $0x1F;
	[tilespmem:$0x1FFA0] =	vst v0;
	v0 =	vmov s14;
	s14 =	sld [smem:$0x792];
	v37 =	vsel vm5, s19, v36  }
0x893: {  	s20 =	sshrl.u32 s18, $0x1F;
	s16 =	sld [smem:$0x793];
	s26 =	sshra.s32 s24, $0x12;
	v14 =	vsel vm11, s21, v37  }
0x894: {  	v38 =	vmov s20;
	s18 =	sshra.s32 s17, $0x12;
	s20 =	sshra.s32 s17, $0x1F;
	v0 =	vsel vm1, s6, v0;
	s12 =	sshra.s32 s24, $0x1F;
	v14 =	vsel vm1, s26, v14  }
0x895: {  	s10 =	sshrl.u32 s24, $0x1F;
	s19 =	sshrl.u32 s17, $0x1F;
	v0 =	vsel vm2, s8, v0;
	s21 =	sld [smem:$0x795];
	v14 =	vsel vm12, s12, v14  }
0x896: {  	s9 =	sshrl.u32 s16, $0x1F;
	v23 =	vsel vm3, s5, v0;
	s5 =	sshra.s32 s16, $0x12;
	s16 =	sld [smem:$0x797];
	v14 =	vsel vm2, s18, v14  }
0x897: {  	s24 =	sshrl.u32 s22, $0x1F;
	s15 =	sshrl.u32 s14, $0x1F;
	v14 =	vsel vm13, s20, v14;
	s20 =	sld [smem:$0x798]  }
0x898: {  	[tilespmem:$0x1FF80] =	vst v15;
	v15 =	vnsel vm5, $0x0, v38;
	s26 =	sshra.s32 s22, $0x12;
	v39 =	vmov s15;
	s15 =	sshra.s32 s22, $0x1F;
	s6 =	sshrl.u32 s21, $0x1F  }
0x899: {  	v0 =	vsel vm1, s10, v15;
	v15 =	vsel vm1, s7, v39;
	s7 =	sshra.s32 s21, $0x12;
	s17 =	sshrl.u32 s16, $0x1F;
	s18 =	sshra.s32 s16, $0x12  }
0x89a: {  	v0 =	vsel vm2, s19, v0;
	s19 =	sshra.s32 s16, $0x1F;
	v14 =	vsel vm3, s26, v14;
	s26 =	sld [smem:$0x799];
	s21 =	sshrl.u32 s20, $0x1F  }
0x89b: {  	v0 =	vsel vm3, s24, v0;
	v14 =	vsel vm14, s15, v14;
	s22 =	sshra.s32 s20, $0x12;
	s24 =	sshra.s32 s20, $0x1F;
	s20 =	sld [smem:$0x79B]  }
0x89c: {  	v0 =	vsel vm6, s17, v0;
	s17 =	sshrl.u32 s13, $0x1F;
	v14 =	vsel vm6, s18, v14;
	s18 =	sshra.s32 s13, $0x12;
	s13 =	sld [smem:$0x79F]  }
0x89d: {  	v14 =	vsel vm15, s19, v14;
	s19 =	sld [smem:$0x79A]  }
0x89e: {  	s8 =	sshra.s32 s14, $0x12;
	v0 =	vsel vm7, s21, v0;
	s14 =	sshrl.u32 s26, $0x1F;
	v14 =	vsel vm7, s22, v14;
	s22 =	sld [smem:$0x79C]  }
0x89f: {  	v0 =	vsel vm8, s14, v0;
	s14 =	sld [smem:$0x7A0]  }
0x8a0: {  	s15 =	sshra.s32 s26, $0x12;
	v14 =	vsel vm0, s24, v14;
	s24 =	sld [smem:$0x79D]  }
0x8a1: {  	v40 =	vmov s3;
	s21 =	sshrl.u32 s20, $0x1F;
	s3 =	sshra.s32 s20, $0x12;
	s20 =	sld [smem:$0x7A2]  }
0x8a2: {  	s16 =	sshra.s32 s26, $0x1F;
	v0 =	vsel vm4, s17, v0;
	s12 =	sshrl.u32 s19, $0x1F;
	v14 =	vsel vm8, s15, v14;
	s15 =	sld [smem:$0x79E]  }
0x8a3: {  	v15 =	vsel vm2, s9, v15;
	[tilespmem:$0x1FFB0] =	vst v0;
	v0 =	vsel vm1, s0, v40;
	s0 =	sshra.s32 s19, $0x12;
	s19 =	sld [smem:$0x7A1];
	s9 =	sshrl.u32 s22, $0x1F  }
0x8a4: {  	v41 =	vmov s8;
	v0 =	vsel vm2, s1, v0;
	s1 =	sshra.s32 s22, $0x12;
	v14 =	vsel vm10, s16, v14;
	s16 =	sshra.s32 s14, $0x12;
	s17 =	sshrl.u32 s14, $0x1F  }
0x8a5: {  	v27 =	vsel vm3, s2, v0;
	v0 =	vsel vm1, s4, v41;
	s10 =	sshrl.u32 s24, $0x1F;
	s2 =	sshra.s32 s24, $0x12;
	s24 =	sld [smem:$0x7A3]  }
0x8a6: {  	v43 =	vmov s21;
	v44 =	vmov s17;
	s21 =	sshra.s32 s20, $0x12;
	s17 =	sld [smem:$0x7A5];
	s26 =	sshra.s32 s15, $0x1F;
	v0 =	vsel vm2, s5, v0  }
0x8a7: {  	s22 =	sshrl.u32 s20, $0x1F;
	s11 =	sshra.s32 s20, $0x1F;
	s20 =	sld [smem:$0x7A7];
	v42 =	vmov s26;
	v30 =	vsel vm3, s7, v0;
	v0 =	vsel vm4, s18, v14  }
0x8a8: {  	s4 =	sshra.s32 s13, $0x12;
	s18 =	sshra.s32 s14, $0x1F;
	s26 =	sld [smem:$0x7A4];
	[tilespmem:$0x1FFC0] =	vst v0;
	v0 =	vsel vm5, s16, v42  }
0x8a9: {  	v33 =	vsel vm3, s6, v15;
	s5 =	sshrl.u32 s13, $0x1F;
	s6 =	sshrl.u32 s19, $0x1F;
	v0 =	vsel vm11, s18, v0;
	s18 =	sld [smem:$0x7A6]  }
0x8aa: {  	s13 =	sshra.s32 s15, $0x12;
	s7 =	sshra.s32 s19, $0x12;
	v14 =	vsel vm1, s12, v43;
	s12 =	sshrl.u32 s24, $0x1F  }
0x8ab: {  	v15 =	vnsel vm5, $0x0, v44;
	s8 =	sshra.s32 s24, $0x12;
	v0 =	vsel vm1, s21, v0;
	s14 =	sshra.s32 s26, $0x12;
	s16 =	sshra.s32 s26, $0x1F  }
0x8ac: {  	v15 =	vsel vm1, s22, v15;
	v46 =	vmov s6;
	v0 =	vsel vm12, s11, v0;
	s11 =	sshrl.u32 s26, $0x1F;
	s26 =	sld [smem:$0x7A8];
	s19 =	sshrl.u32 s18, $0x1F  }
0x8ad: {  	v14 =	vsel vm2, s9, v14;
	v45 =	vsel vm2, s11, v15;
	v0 =	vsel vm2, s14, v0;
	s22 =	sshra.s32 s18, $0x12;
	s24 =	sshra.s32 s18, $0x1F;
	s18 =	sld [smem:$0x7A9]  }
0x8ae: {  	s6 =	sshra.s32 s17, $0x12;
	v28 =	vsel vm3, s10, v14;
	s10 =	sshrl.u32 s17, $0x1F;
	s21 =	sshrl.u32 s20, $0x1F;
	v14 =	vsel vm3, s19, v45;
	v0 =	vsel vm13, s16, v0  }
0x8af: {  	v15 =	vsel vm1, s5, v46;
	s5 =	sld [smem:$0x7AA];
	s16 =	sshra.s32 s20, $0x12;
	v14 =	vsel vm6, s21, v14;
	v0 =	vsel vm3, s22, v0;
	s11 =	sshrl.u32 s26, $0x1F  }
0x8b0: {  	s22 =	sshrl.u32 s15, $0x1F;
	s15 =	sld [smem:$0x7AB];
	v14 =	vsel vm7, s11, v14;
	v0 =	vsel vm14, s24, v0;
	s19 =	sshrl.u32 s18, $0x1F  }
0x8b1: {  	v47 =	vmov s3;
	s17 =	sshra.s32 s20, $0x1F;
	s20 =	sshra.s32 s26, $0x12;
	v14 =	vsel vm8, s19, v14;
	v0 =	vsel vm6, s16, v0;
	s19 =	sld [smem:$0x7AD]  }
0x8b2: {  	s14 =	sshrl.u32 s5, $0x1F;
	v31 =	vsel vm4, s22, v14;
	v0 =	vsel vm15, s17, v0;
	v14 =	vsel vm1, s0, v47;
	s0 =	sshra.s32 s5, $0x12;
	s17 =	sld [smem:$0x7AC]  }
0x8b3: {  	s16 =	sshrl.u32 s15, $0x1F;
	s5 =	sshra.s32 s15, $0x12;
	s15 =	sld [smem:$0x7AF]  }
0x8b4: {  	s21 =	sshra.s32 s26, $0x1F;
	s22 =	sld [smem:$0x7B0];
	v0 =	vsel vm7, s20, v0  }
0x8b5: {  	v48 =	vmov s7;
	s24 =	sshra.s32 s18, $0x12;
	s26 =	sshra.s32 s18, $0x1F;
	v14 =	vsel vm2, s1, v14;
	s20 =	sld [smem:$0x7AE];
	v0 =	vsel vm0, s21, v0  }
0x8b6: {  	v15 =	vsel vm2, s12, v15;
	s9 =	sshrl.u32 s19, $0x1F;
	v26 =	vsel vm3, s2, v14;
	s2 =	sshra.s32 s19, $0x12;
	s19 =	sld [smem:$0x7B4];
	v0 =	vsel vm8, s24, v0  }
0x8b7: {  	v21 =	vsel vm3, s10, v15;
	v15 =	vsel vm1, s4, v48;
	s18 =	sshrl.u32 s17, $0x1F;
	s24 =	sld [smem:$0x7B1];
	v0 =	vsel vm10, s26, v0  }
0x8b8: {  	v49 =	vsel vm2, s8, v15;
	s8 =	sshrl.u32 s20, $0x1F;
	s4 =	sshra.s32 s20, $0x12;
	s20 =	sld [smem:$0x7B5];
	v34 =	vsel vm4, s13, v0;
	v0 =	vmov s16  }
0x8b9: {  	s3 =	sshra.s32 s17, $0x12;
	s21 =	sshra.s32 s15, $0x1F;
	v0 =	vsel vm1, s14, v0;
	s14 =	sld [smem:$0x7B3]  }
0x8ba: {  	v39 =	vsel vm3, s6, v49;
	s6 =	sshrl.u32 s22, $0x1F;
	s7 =	sshra.s32 s22, $0x12;
	v50 =	vmov s21;
	s26 =	sshra.s32 s24, $0x12  }
0x8bb: {  	s13 =	sld [smem:$0x7B2];
	s11 =	sshrl.u32 s24, $0x1F;
	s12 =	sshra.s32 s24, $0x1F;
	v14 =	vsel vm5, s26, v50  }
0x8bc: {  	s21 =	sshrl.u32 s20, $0x1F;
	s22 =	sshra.s32 s20, $0x12;
	v14 =	vsel vm11, s12, v14;
	s16 =	sshra.s32 s14, $0x12  }
0x8bd: {  	v0 =	vsel vm2, s18, v0;
	s24 =	sshra.s32 s20, $0x1F;
	s26 =	sld [smem:$0x7B6];
	s18 =	sshra.s32 s14, $0x1F;
	v14 =	vsel vm1, s16, v14  }
0x8be: {  	v51 =	vmov s11;
	s10 =	sshrl.u32 s13, $0x1F;
	s11 =	sshra.s32 s13, $0x12;
	s13 =	sshrl.u32 s19, $0x1F;
	v14 =	vsel vm12, s18, v14  }
0x8bf: {  	v32 =	vsel vm3, s9, v0;
	s9 =	sshra.s32 s19, $0x12;
	s17 =	sshrl.u32 s14, $0x1F;
	s18 =	sld [smem:$0x7B7];
	v14 =	vsel vm2, s22, v14  }
0x8c0: {  	v52 =	vmov s6;
	v15 =	vnsel vm5, $0x0, v51;
	s14 =	sshra.s32 s15, $0x12;
	s16 =	sshra.s32 s26, $0x12;
	s22 =	sld [smem:$0x7B8];
	v14 =	vsel vm13, s24, v14  }
0x8c1: {  	v0 =	vsel vm1, s17, v15;
	v15 =	vsel vm1, s8, v52;
	s17 =	sshra.s32 s26, $0x1F;
	s8 =	sshrl.u32 s15, $0x1F;
	s15 =	sld [smem:$0x7BF];
	v14 =	vsel vm3, s16, v14  }
0x8c2: {  	s12 =	sshrl.u32 s26, $0x1F;
	v0 =	vsel vm2, s21, v0;
	s19 =	sshrl.u32 s18, $0x1F;
	v14 =	vsel vm14, s17, v14;
	s17 =	sld [smem:$0x7B9]  }
0x8c3: {  	v0 =	vsel vm3, s12, v0;
	s20 =	sshra.s32 s18, $0x12;
	s21 =	sshra.s32 s18, $0x1F;
	s24 =	sshrl.u32 s22, $0x1F  }
0x8c4: {  	v0 =	vsel vm6, s19, v0;
	s26 =	sshra.s32 s22, $0x12;
	s16 =	sshra.s32 s22, $0x1F;
	s22 =	sld [smem:$0x7BB];
	v14 =	vsel vm6, s20, v14  }
0x8c5: {  	v0 =	vsel vm7, s24, v0;
	v14 =	vsel vm15, s21, v14;
	s21 =	sld [smem:$0x7BA];
	s18 =	sshrl.u32 s17, $0x1F  }
0x8c6: {  	v53 =	vmov s5;
	v14 =	vsel vm7, s26, v14;
	s26 =	sld [smem:$0x7BC];
	v0 =	vsel vm8, s18, v0  }
0x8c7: {  	s19 =	sshra.s32 s17, $0x12;
	s20 =	sshra.s32 s17, $0x1F;
	s17 =	sld [smem:$0x7C0];
	v40 =	vsel vm4, s8, v0;
	v0 =	vsel vm1, s0, v53  }
0x8c8: {  	v54 =	vmov s7;
	v14 =	vsel vm0, s16, v14;
	s16 =	sld [smem:$0x7BE];
	v0 =	vsel vm2, s3, v0  }
0x8c9: {  	s6 =	sshrl.u32 s21, $0x1F;
	s1 =	sshra.s32 s21, $0x12;
	s21 =	sld [smem:$0x7C1];
	v46 =	vsel vm3, s2, v0;
	v0 =	vsel vm1, s4, v54  }
0x8ca: {  	s24 =	sshrl.u32 s22, $0x1F;
	s0 =	sshra.s32 s22, $0x12;
	v14 =	vsel vm8, s19, v14;
	s22 =	sld [smem:$0x7C2];
	v0 =	vsel vm2, s11, v0  }
0x8cb: {  	s12 =	sshrl.u32 s26, $0x1F;
	s4 =	sld [smem:$0x7BD];
	v25 =	vsel vm3, s9, v0;
	v0 =	vsel vm10, s20, v14  }
0x8cc: {  	s19 =	sshrl.u32 s17, $0x1F;
	s7 =	sshra.s32 s16, $0x1F;
	v45 =	vsel vm4, s14, v0;
	v0 =	vmov s24;
	s24 =	sld [smem:$0x7C3]  }
0x8cd: {  	v15 =	vsel vm2, s10, v15;
	s3 =	sshra.s32 s26, $0x12;
	s18 =	sshra.s32 s17, $0x12;
	v59 =	vmov s19;
	s19 =	sld [smem:$0x7C5];
	v57 =	vmov s7  }
0x8ce: {  	v42 =	vsel vm3, s13, v15;
	s8 =	sshra.s32 s21, $0x12;
	s13 =	sshrl.u32 s22, $0x1F;
	v58 =	vsel vm5, s18, v57;
	s20 =	sshra.s32 s17, $0x1F  }
0x8cf: {  	s7 =	sshra.s32 s22, $0x12;
	s9 =	sshrl.u32 s21, $0x1F;
	v14 =	vsel vm11, s20, v58;
	s26 =	sshra.s32 s24, $0x12  }
0x8d0: {  	s18 =	sld [smem:$0x7C4];
	s10 =	sshrl.u32 s4, $0x1F;
	s17 =	sshra.s32 s24, $0x1F;
	v14 =	vsel vm1, s26, v14  }
0x8d1: {  	s20 =	sshra.s32 s19, $0x12;
	v0 =	vsel vm1, s6, v0;
	s14 =	sshrl.u32 s24, $0x1F;
	s24 =	sld [smem:$0x7C6];
	v14 =	vsel vm12, s17, v14  }
0x8d2: {  	s21 =	sshrl.u32 s19, $0x1F;
	s22 =	sshra.s32 s19, $0x1F;
	s19 =	sld [smem:$0x7C7];
	v0 =	vsel vm2, s12, v0;
	v14 =	vsel vm2, s20, v14  }
0x8d3: {  	s11 =	sshrl.u32 s15, $0x1F;
	v15 =	vnsel vm5, $0x0, v59;
	v0 =	vsel vm3, s10, v0;
	v14 =	vsel vm13, s22, v14;
	s22 =	sld [smem:$0x7C8]  }
0x8d4: {  	v60 =	vmov s9;
	s6 =	sshrl.u32 s18, $0x1F;
	s12 =	sshra.s32 s18, $0x12;
	[tilespmem:$0x1FFD0] =	vst v0;
	v0 =	vsel vm1, s14, v15;
	s17 =	sshra.s32 s24, $0x12  }
0x8d5: {  	v15 =	vsel vm1, s11, v60;
	s11 =	sshra.s32 s19, $0x1F;
	v0 =	vsel vm2, s21, v0;
	s26 =	sshrl.u32 s24, $0x1F;
	v14 =	vsel vm3, s17, v14;
	s17 =	sld [smem:$0x7C9]  }
0x8d6: {  	s18 =	sshra.s32 s24, $0x1F;
	s20 =	sshrl.u32 s19, $0x1F;
	v0 =	vsel vm3, s26, v0;
	s24 =	sshrl.u32 s22, $0x1F  }
0x8d7: {  	v61 =	vsel vm6, s20, v0;
	s26 =	sshra.s32 s22, $0x12;
	s10 =	sshra.s32 s22, $0x1F;
	s22 =	sld [smem:$0x7CA]  }
0x8d8: {  	v63 =	vmov s0;
	s21 =	sshra.s32 s19, $0x12;
	v14 =	vsel vm14, s18, v14;
	s18 =	sshrl.u32 s17, $0x1F;
	v62 =	vsel vm7, s24, v61;
	s24 =	sld [smem:$0x7CB]  }
0x8d9: {  	v20 =	vsel vm1, s1, v63;
	v15 =	vsel vm2, s13, v15;
	v14 =	vsel vm6, s21, v14;
	s19 =	sshra.s32 s17, $0x12;
	s20 =	sshra.s32 s17, $0x1F;
	s17 =	sld [smem:$0x7CE]  }
0x8da: {  	v38 =	vsel vm3, s6, v15;
	s21 =	sshrl.u32 s16, $0x1F;
	v14 =	vsel vm15, s11, v14;
	s11 =	sshra.s32 s16, $0x12;
	s16 =	sld [smem:$0x7CD];
	v15 =	vsel vm8, s18, v62  }
0x8db: {  	s2 =	sshra.s32 s4, $0x12;
	s4 =	sshra.s32 s15, $0x12;
	v14 =	vsel vm7, s26, v14;
	s26 =	sld [smem:$0x7CC];
	v43 =	vsel vm4, s21, v15;
	v15 =	vsel vm2, s3, v20  }
0x8dc: {  	v14 =	vsel vm0, s10, v14;
	v52 =	vsel vm3, s2, v15;
	s2 =	sshrl.u32 s17, $0x1F;
	s6 =	sshra.s32 s17, $0x12;
	s17 =	sld [smem:$0x7CF]  }
0x8dd: {  	s13 =	sshrl.u32 s22, $0x1F;
	s0 =	sshra.s32 s22, $0x12;
	v14 =	vsel vm8, s19, v14;
	s19 =	sld [smem:$0x7D0]  }
0x8de: {  	v22 =	vmov s8;
	s10 =	sshrl.u32 s16, $0x1F;
	s1 =	sshra.s32 s16, $0x12;
	s16 =	sld [smem:$0x7D3]  }
0x8df: {  	v35 =	vsel vm1, s4, v22;
	s9 =	sshrl.u32 s24, $0x1F;
	s15 =	sshrl.u32 s26, $0x1F;
	v14 =	vsel vm10, s20, v14;
	s20 =	sld [smem:$0x7D1]  }
0x8e0: {  	v15 =	vsel vm2, s7, v35;
	s3 =	sshra.s32 s26, $0x12;
	s26 =	sld [smem:$0x7D2];
	v41 =	vmov s9;
	s18 =	sshra.s32 s17, $0x1F  }
0x8e1: {  	s5 =	sshra.s32 s24, $0x12;
	v57 =	vsel vm3, s12, v15;
	v15 =	vsel vm1, s13, v41;
	s7 =	sshrl.u32 s19, $0x1F;
	v36 =	vmov s18;
	s18 =	sld [smem:$0x7D4]  }
0x8e2: {  	v47 =	vsel vm4, s11, v14;
	s4 =	sshra.s32 s19, $0x12;
	s11 =	sshrl.u32 s16, $0x1F;
	v15 =	vsel vm2, s15, v15;
	s21 =	sshra.s32 s20, $0x12  }
0x8e3: {  	s22 =	sshrl.u32 s20, $0x1F;
	s24 =	sshra.s32 s20, $0x1F;
	v35 =	vsel vm3, s10, v15;
	s10 =	sld [smem:$0x7D6];
	v37 =	vsel vm5, s21, v36  }
0x8e4: {  	s9 =	sshra.s32 s16, $0x12;
	v44 =	vmov s22;
	s22 =	sld [smem:$0x7D5];
	v14 =	vsel vm11, s24, v37;
	s19 =	sshra.s32 s18, $0x12  }
0x8e5: {  	s20 =	sshrl.u32 s18, $0x1F;
	s21 =	sshra.s32 s18, $0x1F;
	s18 =	sld [smem:$0x7D7];
	v14 =	vsel vm1, s19, v14  }
0x8e6: {  	s12 =	sshrl.u32 s26, $0x1F;
	s8 =	sshra.s32 s26, $0x12;
	v16 =	vnsel vm5, $0x0, v44;
	v14 =	vsel vm12, s21, v14;
	s21 =	sld [smem:$0x7D8]  }
0x8e7: {  	s13 =	sshrl.u32 s10, $0x1F;
	v16 =	vsel vm1, s20, v16;
	s24 =	sshrl.u32 s22, $0x1F;
	s26 =	sshra.s32 s22, $0x12  }
0x8e8: {  	v49 =	vmov s7;
	s16 =	sshra.s32 s10, $0x12;
	s14 =	sshra.s32 s10, $0x1F;
	s15 =	sshra.s32 s22, $0x1F;
	v48 =	vsel vm2, s24, v16;
	v14 =	vsel vm2, s26, v14  }
0x8e9: {  	v16 =	vsel vm1, s2, v49;
	s2 =	sld [smem:$0x7D9];
	v15 =	vsel vm3, s13, v48;
	s19 =	sshrl.u32 s18, $0x1F;
	v14 =	vsel vm13, s15, v14;
	s22 =	sshrl.u32 s21, $0x1F  }
0x8ea: {  	v15 =	vsel vm6, s19, v15;
	v14 =	vsel vm3, s16, v14;
	s24 =	sshra.s32 s21, $0x12;
	s26 =	sshra.s32 s21, $0x1F;
	s21 =	sld [smem:$0x7DB]  }
0x8eb: {  	s10 =	sshra.s32 s17, $0x12;
	s20 =	sshra.s32 s18, $0x12;
	v15 =	vsel vm7, s22, v15;
	v14 =	vsel vm14, s14, v14;
	s22 =	sld [smem:$0x7DC]  }
0x8ec: {  	v16 =	vsel vm2, s12, v16;
	s15 =	sshra.s32 s18, $0x1F;
	s12 =	sshrl.u32 s2, $0x1F;
	v14 =	vsel vm6, s20, v14;
	s20 =	sld [smem:$0x7DA]  }
0x8ed: {  	s19 =	sshrl.u32 s17, $0x1F;
	s18 =	sshra.s32 s2, $0x12;
	v15 =	vsel vm8, s12, v15;
	s12 =	sld [smem:$0x7DF]  }
0x8ee: {  	v50 =	vmov s5;
	s14 =	sshra.s32 s2, $0x1F;
	v61 =	vsel vm4, s19, v15;
	v14 =	vsel vm15, s15, v14;
	s15 =	sshrl.u32 s21, $0x1F;
	s19 =	sld [smem:$0x7E1]  }
0x8ef: {  	v51 =	vmov s4;
	s7 =	sshra.s32 s21, $0x12;
	v15 =	vsel vm1, s0, v50;
	v14 =	vsel vm7, s24, v14;
	s0 =	sshrl.u32 s22, $0x1F;
	s24 =	sld [smem:$0x7DD]  }
0x8f0: {  	v20 =	vsel vm3, s11, v16;
	v16 =	vsel vm1, s6, v51;
	s4 =	sshra.s32 s22, $0x12;
	s11 =	sshrl.u32 s20, $0x1F;
	v14 =	vsel vm0, s26, v14;
	s26 =	sld [smem:$0x7DE]  }
0x8f1: {  	v53 =	vsel vm2, s8, v16;
	s2 =	sshra.s32 s20, $0x12;
	s16 =	sshrl.u32 s12, $0x1F;
	v14 =	vsel vm8, s18, v14;
	s18 =	sld [smem:$0x7E0]  }
0x8f2: {  	v19 =	vsel vm3, s9, v53;
	s8 =	sshra.s32 s12, $0x12;
	s20 =	sld [smem:$0x7E2];
	s9 =	sshrl.u32 s19, $0x1F  }
0x8f3: {  	v15 =	vsel vm2, s3, v15;
	v14 =	vsel vm10, s14, v14;
	s3 =	sshrl.u32 s26, $0x1F;
	s6 =	sshra.s32 s26, $0x12;
	s26 =	sld [smem:$0x7E3]  }
0x8f4: {  	v22 =	vsel vm3, s1, v15;
	s1 =	sshra.s32 s19, $0x12;
	v62 =	vsel vm4, s10, v14;
	s10 =	sld [smem:$0x7E4];
	s17 =	sshra.s32 s18, $0x1F  }
0x8f5: {  	s13 =	sshrl.u32 s24, $0x1F;
	s5 =	sshra.s32 s24, $0x12;
	s21 =	sshra.s32 s20, $0x12;
	v54 =	vmov s17  }
0x8f6: {  	v58 =	vmov s15;
	s22 =	sshrl.u32 s20, $0x1F;
	s24 =	sshra.s32 s20, $0x1F;
	v15 =	vsel vm5, s21, v54;
	s21 =	sld [smem:$0x7E5]  }
0x8f7: {  	v14 =	vsel vm1, s11, v58;
	s11 =	sld [smem:$0x7EC];
	s14 =	sshrl.u32 s26, $0x1F;
	s19 =	sshra.s32 s10, $0x12;
	v15 =	vsel vm11, s24, v15  }
0x8f8: {  	v59 =	vmov s22;
	s17 =	sshrl.u32 s10, $0x1F;
	s20 =	sshra.s32 s10, $0x1F;
	s10 =	sld [smem:$0x7E6];
	v15 =	vsel vm1, s19, v15  }
0x8f9: {  	v16 =	vnsel vm5, $0x0, v59;
	s12 =	sshra.s32 s26, $0x12;
	s24 =	sshra.s32 s21, $0x12;
	v15 =	vsel vm12, s20, v15;
	s20 =	sld [smem:$0x7E7]  }
0x8fa: {  	v14 =	vsel vm2, s0, v14;
	v60 =	vsel vm1, s17, v16;
	s17 =	sshra.s32 s18, $0x12;
	s22 =	sshrl.u32 s21, $0x1F;
	v15 =	vsel vm2, s24, v15;
	s24 =	sld [smem:$0x7E8]  }
0x8fb: {  	v41 =	vsel vm3, s13, v14;
	s26 =	sshra.s32 s21, $0x1F;
	s13 =	sshrl.u32 s10, $0x1F;
	s19 =	sshra.s32 s10, $0x12  }
0x8fc: {  	v63 =	vmov s16;
	s16 =	sshra.s32 s10, $0x1F;
	v14 =	vsel vm2, s22, v60;
	v15 =	vsel vm13, s26, v15;
	s21 =	sshrl.u32 s20, $0x1F;
	s22 =	sshra.s32 s20, $0x12  }
0x8fd: {  	v16 =	vsel vm1, s3, v63;
	s3 =	sshra.s32 s20, $0x1F;
	v15 =	vsel vm3, s19, v15;
	s19 =	sld [smem:$0x7E9];
	s26 =	sshrl.u32 s24, $0x1F  }
0x8fe: {  	v16 =	vsel vm2, s9, v16;
	v14 =	vsel vm3, s13, v14;
	s10 =	sshra.s32 s24, $0x12;
	s9 =	sshra.s32 s24, $0x1F;
	s24 =	sld [smem:$0x7EB]  }
0x8ff: {  	v14 =	vsel vm6, s21, v14;
	v15 =	vsel vm14, s16, v15;
	s21 =	sshrl.u32 s18, $0x1F;
	s16 =	sshrl.u32 s11, $0x1F;
	s18 =	sld [smem:$0x7ED]  }
0x900: {  	v36 =	vmov s7;
	v15 =	vsel vm6, s22, v15;
	s22 =	sld [smem:$0x7EA];
	s20 =	sshrl.u32 s19, $0x1F;
	s15 =	sshra.s32 s19, $0x12  }
0x901: {  	v37 =	vsel vm3, s14, v16;
	v14 =	vsel vm7, s26, v14;
	s14 =	sshra.s32 s19, $0x1F;
	v15 =	vsel vm15, s3, v15;
	s3 =	sshra.s32 s11, $0x12;
	s19 =	sld [smem:$0x7EE]  }
0x902: {  	v48 =	vsel vm1, s2, v36;
	v14 =	vsel vm8, s20, v14;
	s26 =	sshrl.u32 s24, $0x1F;
	s2 =	sshra.s32 s24, $0x12;
	s20 =	sld [smem:$0x7EF]  }
0x903: {  	v49 =	vmov s8;
	s8 =	sshrl.u32 s18, $0x1F;
	s24 =	sld [smem:$0x7F2];
	s7 =	sshrl.u32 s22, $0x1F  }
0x904: {  	v15 =	vsel vm7, s10, v15;
	s0 =	sshra.s32 s22, $0x12;
	v44 =	vsel vm4, s21, v14;
	v14 =	vsel vm2, s4, v48;
	s4 =	sshra.s32 s18, $0x12;
	s21 =	sld [smem:$0x7F0]  }
0x905: {  	v15 =	vsel vm0, s9, v15;
	s22 =	sld [smem:$0x7F1];
	s18 =	sshrl.u32 s19, $0x1F;
	s9 =	sshra.s32 s19, $0x12  }
0x906: {  	v53 =	vsel vm3, s5, v14;
	v15 =	vsel vm8, s15, v15;
	s15 =	sshra.s32 s30, $0x1F;
	s19 =	sld [smem:$0x7F3];
	s5 =	sshrl.u32 s20, $0x1F  }
0x907: {  	v50 =	vsel vm1, s6, v49;
	v51 =	vmov s26;
	s11 =	sshra.s32 s20, $0x12;
	v54 =	vsel vm10, s14, v15;
	s26 =	sshrl.u32 s24, $0x1F;
	s14 =	sshra.s32 s24, $0x1F  }
0x908: {  	v14 =	vsel vm2, s1, v50;
	v59 =	vsel vm1, s7, v51;
	s1 =	sshrl.u32 s21, $0x1F;
	s10 =	sshra.s32 s21, $0x12;
	s21 =	sld [smem:$0x7F4]  }
0x909: {  	v63 =	vmov s15;
	s6 =	sshrl.u32 s22, $0x1F;
	v36 =	vsel vm4, s17, v54;
	s17 =	sshra.s32 s24, $0x12;
	v18 =	vmov s26;
	s24 =	sld [smem:$0x7F5]  }
0x90a: {  	v58 =	vsel vm3, s12, v14;
	s7 =	sshra.s32 s22, $0x12;
	s20 =	sshrl.u32 s19, $0x1F;
	v15 =	vsel vm5, s17, v63;
	s13 =	sshra.s32 s19, $0x12;
	v14 =	vnsel vm5, $0x0, v18  }
0x90b: {  	v15 =	vsel vm11, s14, v15;
	v14 =	vsel vm1, s20, v14;
	s20 =	sld [smem:$0x7F6];
	s22 =	sshrl.u32 s21, $0x1F;
	s14 =	sshra.s32 s21, $0x12  }
0x90c: {  	v60 =	vsel vm2, s16, v59;
	s16 =	sshra.s32 s21, $0x1F;
	s26 =	sshrl.u32 s24, $0x1F;
	s21 =	sld [smem:$0x7F7]  }
0x90d: {  	v0 =	vsel vm3, s8, v60;
	v48 =	vmov s5;
	s5 =	sshra.s32 s24, $0x12;
	s8 =	sshra.s32 s24, $0x1F;
	s24 =	sld [smem:$0x7F8]  }
0x90e: {  	(v2sf) =	vpush v12, $0xB;
	s17 =	sshra.s32 s19, $0x1F;
	s19 =	sshra.s32 s30, $0x12;
	v15 =	vsel vm1, s13, v15;
	v14 =	vsel vm2, s22, v14;
	s15 =	sshrl.u32 s20, $0x1F  }
0x90f: {  	v49 =	vmov s2;
	v15 =	vsel vm12, s17, v15;
	s12 =	sshra.s32 s20, $0x12;
	s13 =	sshra.s32 s20, $0x1F;
	v14 =	vsel vm3, s26, v14;
	s20 =	sshrl.u32 s30, $0x1F  }
0x910: {  	v16 =	vsel vm1, s18, v48;
	v15 =	vsel vm2, s14, v15;
	s30 =	sld [smem:$0x7FB];
	s22 =	sshrl.u32 s21, $0x1F;
	s26 =	sshrl.u32 s24, $0x1F;
	v14 =	vsel vm6, s15, v14  }
0x911: {  	v16 =	vsel vm2, s1, v16;
	v15 =	vsel vm13, s16, v15;
	s15 =	sshra.s32 s24, $0x12;
	s16 =	sshra.s32 s24, $0x1F;
	s24 =	sld [smem:$0x7FA];
	v14 =	vsel vm7, s22, v14  }
0x912: {  	v54 =	vsel vm3, s6, v16;
	v15 =	vsel vm3, s5, v15;
	s22 =	sld [smem:$0x7F9];
	v14 =	vsel vm8, s26, v14  }
0x913: {  	s2 =	sshra.s32 s23, $0x12;
	s6 =	sshra.s32 s25, $0x12;
	v15 =	vsel vm14, s8, v15;
	v50 =	vsel vm4, s20, v14;
	v14 =	vsel vm1, s0, v49;
	s0 =	sld [smem:$0x7FC]  }
0x914: {  	s14 =	sshra.s32 s21, $0x12;
	v15 =	vsel vm6, s12, v15;
	s12 =	sshrl.u32 s23, $0x1F;
	s23 =	rddreg [dreg:$0x1e]  }
0x915: {  	s26 =	sshrl.u32 s24, $0x1F;
	s8 =	sshra.s32 s24, $0x12;
	s24 =	rddreg [dreg:$0x1d]  }
0x916: {  	(v2sf) =	vpush v12, $0x0;
	v51 =	vmov s11;
	s17 =	sshra.s32 s21, $0x1F;
	s21 =	sshrl.u32 s22, $0x1F;
	v14 =	vsel vm2, s3, v14;
	s3 =	rddreg [dreg:$0x1f]  }
0x917: {  	(v2sf) =	vpush v12, $0x1;
	v16 =	vsel vm1, s9, v51;
	s1 =	sshra.s32 s22, $0x12;
	s22 =	sshrl.u32 s25, $0x1F;
	s25 =	rddreg [dreg:$0x1c]  }
0x918: {  	v59 =	vsel vm2, s10, v16;
	s5 =	sshra.s32 s30, $0x12;
	v15 =	vsel vm15, s13, v15;
	s13 =	sshrl.u32 s30, $0x1F;
	v60 =	vmov s26;
	s26 =	rddreg [dreg:$0x1b]  }
0x919: {  	(v2sf) =	vpush v12, $0x2;
	v17 =	vsel vm3, s7, v59;
	s9 =	sshrl.u32 s24, $0x1F;
	s10 =	sshra.s32 s24, $0x1F;
	s30 =	rddreg [dreg:$0x1a];
	v15 =	vsel vm7, s14, v15  }
0x91a: {  	s14 =	sshrl.u32 s3, $0x1F;
	v63 =	vsel vm3, s4, v14;
	s4 =	sshra.s32 s24, $0x12;
	s18 =	sshra.s32 s25, $0x1F;
	v16 =	vsel vm1, s21, v60;
	v15 =	vsel vm0, s17, v15  }
0x91b: {  	s7 =	sshra.s32 s26, $0x12;
	s21 =	sshrl.u32 s30, $0x1F;
	v18 =	vmov s9;
	s20 =	sshrl.u32 s0, $0x1F;
	v14 =	vsel vm2, s22, v16;
	v15 =	vsel vm8, s15, v15  }
0x91c: {  	s24 =	sshra.s32 s30, $0x1F;
	s11 =	sshra.s32 s0, $0x12;
	v60 =	vsel vm3, s12, v14;
	v48 =	vmov s20;
	s12 =	sshra.s32 s28, $0x1F;
	v15 =	vsel vm10, s16, v15  }
0x91d: {  	s17 =	sshrl.u32 s23, $0x1F;
	s0 =	sshra.s32 s23, $0x12;
	s15 =	sshrl.u32 s25, $0x1F;
	v49 =	vmov s12;
	v59 =	vsel vm4, s19, v15;
	v15 =	vnsel vm5, $0x0, v18  }
0x91e: {  	s23 =	sshrl.u32 s26, $0x1F;
	s22 =	sshra.s32 s30, $0x12;
	s30 =	spop (v2sf);
	v14 =	vsel vm1, s13, v48;
	v16 =	vsel vm5, s4, v49;
	v15 =	vsel vm1, s15, v15  }
0x91f: {  	s16 =	sshra.s32 s25, $0x12;
	s19 =	sshra.s32 s26, $0x1F;
	s26 =	rddreg [dreg:$0x19];
	v14 =	vsel vm2, s14, v14;
	v16 =	vsel vm11, s10, v16;
	v15 =	vsel vm2, s23, v15  }
0x920: {  	s12 =	sshra.s32 s30, $0x1F;
	v49 =	vmov s8;
	s25 =	sshrl.u32 s26, $0x1F;
	s23 =	rddreg [dreg:$0x18];
	v51 =	vsel vm1, s16, v16;
	v15 =	vsel vm3, s21, v15  }
0x921: {  	s4 =	smul.u32 $0x431BE2E9, s12;
	s16 =	rddreg [dreg:$0x17];
	v16 =	vsel vm3, s17, v14;
	s12 =	sshrl.u32 s23, $0x1F;
	v18 =	vsel vm12, s18, v51;
	v15 =	vsel vm6, s25, v15  }
0x922: {  	v51 =	vsel vm1, s1, v49;
	s25 =	sshrl.u32 s16, $0x1F;
	v14 =	vsel vm7, s12, v15;
	v15 =	vsel vm2, s7, v18  }
0x923: {  	s18 =	sshrl.u32 s28, $0x1F;
	v49 =	vmov s11;
	v14 =	vsel vm8, s25, v14;
	v15 =	vsel vm13, s19, v15  }
0x924: {  	v18 =	vsel vm4, s18, v14;
	v14 =	vsel vm2, s6, v51;
	v51 =	vsel vm3, s22, v15  }
0x925: {  	v15 =	vsel vm3, s2, v14;
	v14 =	vsel vm1, s5, v49;
	v49 =	vsel vm14, s24, v51;
	v51 =	vld [tilespmem:$0x1FF30];
	_ =	sdelay $0x1  }
0x926: {  	(v2sf) =	vpush v12, $0x3  }
0x927: {  	(v2sf) =	vpush v12, $0x4;
	[tilespmem:$0x1FFE0] =	vst v0;
	v0 =	vld [tilespmem:$0x1E0]  }
0x928: {  	v48 =	vld [tilespmem:$0x1DF]  }
0x929: {  	v51 =	vcombine.low v51, v55;
	v55 =	vld [tilespmem:$0x1FF40];
	_ =	sdelay $0x2  }
0x92a: {  	(v2sf) =	vpush v12, $0x5;
	s3 =	sshra.s32 s3, $0x12;
	s20 =	sshra.s32 s26, $0x12  }
0x92b: {  	(v2sf) =	vpush v12, $0x6;
	v0 =	vmul.u32 $0x8DD9, v0;
	s15 =	sshra.s32 s26, $0x1F;
	s26 =	smulhi.u32 $0x431BE2E9, s30;
	s30 =	spop (v2sf);
	v48 =	vmul.u32 $0x6A37, v48  }
0x92c: {  	s14 =	spop (v2sf);
	s21 =	sshra.s32 s23, $0x12;
	s9 =	sshra.s32 s23, $0x1F;
	v55 =	vcombine.low v13, v55  }
0x92d: {  	s23 =	smulhi.u32 $0x431BE2E9, s30;
	s30 =	sshra.s32 s30, $0x1F;
	s13 =	sshra.s32 s16, $0x12;
	v13 =	vxor.u32 v0, v48;
	v48 =	vld [tilespmem:$0x1FF50]  }
0x92e: {  	(v2sf) =	vpush v12, $0x7;
	s10 =	sshra.s32 s16, $0x1F;
	s8 =	smulhi.u32 $0x431BE2E9, s14;
	s1 =	sadd.s32 s4, s26;
	v0 =	vperm.xlane v51, v56;
	v51 =	vperm.xlane v55, v56;
	v55 =	vld [tilespmem:$0x1FF60]  }
0x92f: {  	s30 =	smul.u32 $0x431BE2E9, s30;
	s16 =	sshra.s32 s14, $0x1F;
	s14 =	sshra.s32 s28, $0x12  }
0x930: {  	s28 =	sld [smem:$0x7FD];
	s16 =	smul.u32 $0x431BE2E9, s16;
	s12 =	sshrl.u32 s29, $0x1F  }
0x931: {  	s29 =	sshra.s32 s29, $0x12;
	s25 =	rddreg [dreg:$0x16];
	s19 =	spop (v2sf)  }
0x932: {  	s22 =	rddreg [dreg:$0x15];
	s7 =	sshrl.u32 s25, $0x1F;
	s18 =	smulhi.u32 $0x431BE2E9, s19  }
0x933: {  	s26 =	spop (v2sf);
	s6 =	sshrl.u32 s22, $0x1F;
	s24 =	sshra.s32 s19, $0x1F;
	v48 =	vperm.xlane v48, v1;
	v55 =	vperm.xlane v55, v1  }
0x934: {  	s19 =	smulhi.u32 $0x431BE2E9, s26;
	s5 =	sadd.s32 s30, s23;
	s30 =	spop (v2sf);
	v49 =	vsel vm6, s20, v49;
	(v2sf) =	vpush v13, $0xD  }
0x935: {  	s2 =	sshrl.u32 s28, $0x1F;
	s4 =	sshra.s32 s26, $0x1F;
	s11 =	smul.u32 $0x431BE2E9, s24;
	v49 =	vsel vm15, s15, v49;
	v0 =	vsel vm9, v48, v0;
	v48 =	vld [tilespmem:$0x1FF70];
	v55 =	vsel vm9, v55, v51  }
0x936: {  	s26 =	rddreg [dreg:$0x14];
	s22 =	sshra.s32 s22, $0x12;
	s17 =	smul.u32 $0x431BE2E9, s4;
	v49 =	vsel vm7, s21, v49;
	(v2sf) =	vpush v13, $0xC;
	v0 =	vadd.s32 v0, v55;
	v55 =	vld [tilespmem:$0x1FF80]  }
0x937: {  	v14 =	vsel vm2, s3, v14;
	s3 =	sshrl.u32 s31, $0x1F;
	s4 =	sadd.s32 s16, s8;
	s16 =	smulhi.u32 $0x431BE2E9, s30;
	v49 =	vsel vm0, s9, v49  }
0x938: {  	v29 =	vcombine.low v29, v24;
	s20 =	sshra.s32 s30, $0x1F;
	s24 =	rddreg [dreg:$0x13];
	s30 =	sshrl.u32 s5, $0x1F;
	v49 =	vsel vm8, s13, v49  }
0x939: {  	s15 =	sshrl.u32 s24, $0x1F;
	s21 =	spop (v2sf);
	s9 =	smul.u32 $0x431BE2E9, s20;
	v49 =	vsel vm10, s10, v49;
	(v2sf) =	vpush v13, $0xE;
	v0 =	vmul.u32 $0xF423F, v0  }
0x93a: {  	v14 =	vsel vm3, s0, v14;
	s0 =	smulhi.u32 $0x431BE2E9, s21;
	s8 =	sshra.s32 s21, $0x1F;
	s23 =	spop (v2sf);
	v24 =	vsel vm4, s14, v49;
	(v2sf) =	vpush v13, $0xF  }
0x93b: {  	s20 =	sshrl.u32 s1, $0x1F;
	s10 =	sadd.s32 s11, s18;
	s18 =	smul.u32 $0x431BE2E9, s8;
	v2 =	vsub.s32 v2, v0;
	v48 =	vcombine.low v55, v48;
	v55 =	vmov s6  }
0x93c: {  	s8 =	sadd.s32 s17, s19;
	s17 =	smulhi.u32 $0x431BE2E9, s23;
	s11 =	sshra.s32 s23, $0x1F;
	v0 =	vperm.xlane v29, v56;
	v29 =	vld [tilespmem:$0x1FFA0];
	v49 =	vsel vm1, s12, v55;
	v55 =	vmov s30  }
0x93d: {  	s21 =	sshrl.u32 s4, $0x1F;
	s19 =	smul.u32 $0x431BE2E9, s11;
	s11 =	spop (v2sf);
	(v2sf) =	vpush v13, $0x9;
	v51 =	vnsel vm5, $0x0, v55;
	v55 =	vld [tilespmem:$0x1FF90]  }
0x93e: {  	v27 =	vcombine.low v30, v27;
	s13 =	sshrl.u32 s26, $0x1F;
	s14 =	smulhi.u32 $0x431BE2E9, s11;
	(v2sf) =	vpush v13, $0x8;
	s6 =	sshra.s32 s11, $0x1F  }
0x93f: {  	v33 =	vcombine.low v33, v23;
	(v2sf) =	vpush v13, $0xA;
	s11 =	sadd.s32 s9, s16;
	s9 =	sadd.s32 s18, s0;
	s18 =	sshrl.u32 s8, $0x1F  }
0x940: {  	v27 =	vperm.xlane v27, v56;
	v28 =	vcombine.low v21, v28;
	(v2sf) =	vpush v13, $0xB;
	s23 =	smul.u32 $0x431BE2E9, s6;
	s30 =	sshrl.u32 s10, $0x1F;
	s6 =	sadd.s32 s19, s17  }
0x941: {  	s17 =	sshrl.u32 s11, $0x1F;
	s19 =	sshrl.u32 s9, $0x1F;
	s12 =	sshra.s32 s24, $0x12;
	v48 =	vperm.xlane v48, v56;
	v49 =	vsel vm2, s7, v49;
	v29 =	vperm.xlane v29, v1  }
0x942: {  	s24 =	sshra.s32 s4, $0x1F;
	s7 =	sshra.s32 s31, $0x12;
	s31 =	sshra.s32 s5, $0x12;
	v51 =	vsel vm1, s21, v51;
	v23 =	vsel vm3, s2, v49;
	v55 =	vperm.xlane v55, v1  }
0x943: {  	s0 =	sadd.s32 s23, s14;
	s2 =	sshra.s32 s26, $0x12;
	s26 =	spop (v2sf);
	(v2sf) =	vpush v13, $0x0;
	v51 =	vsel vm2, s30, v51;
	v0 =	vsel vm9, v29, v0  }
0x944: {  	s5 =	sshra.s32 s5, $0x1F;
	s21 =	sshrl.u32 s6, $0x1F;
	s23 =	sshrl.u32 s0, $0x1F;
	v51 =	vsel vm3, s18, v51;
	v48 =	vsel vm9, v55, v48;
	v55 =	vmov s15  }
0x945: {  	s30 =	sshra.s32 s25, $0x12;
	s15 =	sshra.s32 s28, $0x12;
	s28 =	spop (v2sf);
	(v2sf) =	vpush v13, $0x1;
	v29 =	vsel vm1, s3, v55;
	v55 =	vsel vm6, s17, v51  }
0x946: {  	v34 =	vperm.xlane v34, v1;
	v32 =	vcombine.low v42, v32;
	s14 =	sshra.s32 s0, $0x1F;
	s25 =	sshra.s32 s10, $0x12;
	s18 =	sshra.s32 s10, $0x1F;
	v49 =	vsel vm7, s19, v55;
	v55 =	vld [tilespmem:$0x1FFB0]  }
0x947: {  	v30 =	vmov s14;
	s10 =	sshra.s32 s9, $0x12;
	s3 =	sshra.s32 s1, $0x12;
	v51 =	vmov s22;
	s22 =	smulhi.u32 $0x431BE2E9, s28;
	v29 =	vsel vm2, s13, v29  }
0x948: {  	s17 =	sshra.s32 s4, $0x12;
	v0 =	vadd.s32 v48, v0;
	s4 =	sshra.s32 s26, $0x1F;
	v29 =	vsel vm3, s20, v29;
	v48 =	vsel vm8, s21, v49;
	s20 =	smulhi.u32 $0x431BE2E9, s26  }
0x949: {  	s19 =	sshra.s32 s8, $0x12;
	v49 =	vperm.xlane v33, v56;
	s21 =	smul.u32 $0x431BE2E9, s4;
	s4 =	sshra.s32 s28, $0x1F;
	v33 =	vsel vm4, s23, v48;
	v48 =	vsel vm1, s29, v51  }
0x94a: {  	v25 =	vcombine.low v25, v46;
	v30 =	vsel vm5, s31, v30;
	s23 =	sshra.s32 s11, $0x12;
	s1 =	smul.u32 $0x431BE2E9, s4;
	v48 =	vsel vm2, s30, v48;
	s30 =	spop (v2sf)  }
0x94b: {  	v51 =	vsel vm11, s5, v30;
	s4 =	sshra.s32 s11, $0x1F;
	(v2sf) =	vpush v13, $0x2;
	s11 =	smulhi.u32 $0x431BE2E9, s30;
	s31 =	sshra.s32 s30, $0x1F;
	v55 =	vperm.xlane v55, v1  }
0x94c: {  	v45 =	vperm.xlane v45, v1;
	s29 =	sshra.s32 s8, $0x1F;
	v30 =	vsel vm3, s15, v48;
	v48 =	vsel vm1, s17, v51;
	s8 =	spop (v2sf);
	s14 =	smul.u32 $0x431BE2E9, s31  }
0x94d: {  	s9 =	sshra.s32 s9, $0x1F;
	(v2sf) =	vpush v13, $0x3;
	v48 =	vsel vm12, s24, v48;
	s15 =	smulhi.u32 $0x431BE2E9, s8;
	s24 =	sshra.s32 s8, $0x1F;
	v49 =	vsel vm9, v55, v49;
	v55 =	vld [tilespmem:$0x1FFC0]  }
0x94e: {  	v25 =	vperm.xlane v25, v56;
	v0 =	vmul.u32 $0xF423F, v0;
	s5 =	sshra.s32 s6, $0x12;
	s26 =	spop (v2sf);
	v48 =	vsel vm2, s25, v48;
	s25 =	smul.u32 $0x431BE2E9, s24  }
0x94f: {  	v32 =	vperm.xlane v32, v56;
	v40 =	vperm.xlane v40, v1;
	s8 =	sshra.s32 s6, $0x1F;
	s17 =	smulhi.u32 $0x431BE2E9, s26;
	s16 =	sshra.s32 s26, $0x1F;
	v48 =	vsel vm13, s18, v48  }
0x950: {  	v25 =	vsel vm9, v45, v25;
	v21 =	vsub.s32 v3, v0;
	s6 =	sshra.s32 s0, $0x12;
	s28 =	spop (v2sf);
	s16 =	smul.u32 $0x431BE2E9, s16;
	v3 =	vsel vm3, s19, v48  }
0x951: {  	v20 =	vcombine.low v20, v35;
	v19 =	vcombine.low v19, v22;
	s18 =	sshra.s32 s28, $0x1F;
	s19 =	smulhi.u32 $0x431BE2E9, s28;
	v3 =	vsel vm14, s29, v3;
	s29 =	spop (v2sf)  }
0x952: {  	(v2sf) =	vpush v13, $0x4;
	s0 =	sadd.s32 s21, s20;
	s13 =	smul.u32 $0x431BE2E9, s18;
	v3 =	vsel vm6, s23, v3;
	s31 =	spop (v2sf);
	v55 =	vperm.xlane v55, v1  }
0x953: {  	v37 =	vcombine.low v37, v41;
	(v2sf) =	vpush v13, $0x5;
	s20 =	smulhi.u32 $0x431BE2E9, s29;
	s18 =	sshra.s32 s29, $0x1F;
	v3 =	vsel vm15, s4, v3;
	s24 =	spop (v2sf)  }
0x954: {  	(v2sf) =	vpush v13, $0x6;
	s18 =	smul.u32 $0x431BE2E9, s18;
	v3 =	vsel vm7, s10, v3;
	s4 =	sshra.s32 s24, $0x1F;
	s28 =	spop (v2sf);
	v27 =	vsel vm9, v55, v27  }
0x955: {  	v3 =	vsel vm0, s9, v3;
	s26 =	smul.u32 $0x431BE2E9, s4;
	v55 =	vmov s12;
	s9 =	sshra.s32 s28, $0x1F;
	v0 =	vadd.s32 v49, v27  }
0x956: {  	s1 =	sadd.s32 s1, s22;
	v27 =	vperm.xlane v28, v56;
	v28 =	vperm.xlane v31, v1;
	v31 =	vsel vm1, s7, v55;
	s29 =	smul.u32 $0x431BE2E9, s9  }
0x957: {  	v20 =	vperm.xlane v20, v56;
	s23 =	sshra.s32 s31, $0x1F;
	v55 =	vld [tilespmem:$0x1EF];
	v0 =	vmul.u32 $0xF423F, v0;
	v49 =	vsel vm2, s2, v31;
	s2 =	sadd.s32 s14, s11;
	s11 =	smulhi.u32 $0x431BE2E9, s31  }
0x958: {  	v19 =	vperm.xlane v19, v56;
	v37 =	vperm.xlane v37, v56;
	s30 =	sshrl.u32 s1, $0x1F;
	v48 =	vld [tilespmem:$0x1F0];
	(v2sf) =	vpush v13, $0x7;
	s4 =	sadd.s32 s16, s17;
	s14 =	smul.u32 $0x431BE2E9, s23  }
0x959: {  	v44 =	vperm.xlane v44, v1;
	s16 =	sshrl.u32 s4, $0x1F;
	s7 =	sshrl.u32 s0, $0x1F;
	s23 =	smulhi.u32 $0x431BE2E9, s28;
	v5 =	vsub.s32 v5, v0;
	v0 =	vcombine.low v39, v26  }
0x95a: {  	v58 =	vcombine.low v58, v53;
	v36 =	vperm.xlane v36, v1;
	v31 =	vsel vm3, s3, v49;
	s3 =	sadd.s32 s25, s15;
	s25 =	smulhi.u32 $0x431BE2E9, s24;
	s17 =	spop (v2sf)  }
0x95b: {  	v37 =	vsel vm9, v44, v37;
	v14 =	vcombine.low v14, v15;
	s22 =	sshrl.u32 s2, $0x1F;
	s12 =	sshrl.u32 s3, $0x1F;
	s24 =	smulhi.u32 $0x431BE2E9, s17;
	v0 =	vperm.xlane v0, v56  }
0x95c: {  	v51 =	vshrl.u32 v2, $0x2;
	v27 =	vsel vm9, v28, v27;
	s9 =	sshra.s32 s17, $0x1F;
	s17 =	spop (v2sf);
	s10 =	sadd.s32 s26, s25;
	v26 =	vmul.u32 $0x6A37, v55  }
0x95d: {  	v55 =	vsel vm8, s5, v3;
	s5 =	sadd.s32 s13, s19;
	s31 =	smul.u32 $0x431BE2E9, s9;
	s9 =	sshra.s32 s17, $0x1F;
	v0 =	vsel vm9, v34, v0;
	v34 =	vmul.u32 $0x8DD9, v48  }
0x95e: {  	v28 =	vand.u32 $0x3FFFE000, v51;
	v51 =	vmov s30;
	s26 =	sshrl.u32 s10, $0x1F;
	s19 =	sshra.s32 s10, $0x1F;
	v55 =	vsel vm10, s8, v55;
	s30 =	sshrl.u32 s5, $0x1F  }
0x95f: {  	v45 =	vmov s26;
	s15 =	sadd.s32 s31, s24;
	v3 =	vxor.u32 v34, v26;
	v26 =	vsel vm1, s7, v51;
	s7 =	sadd.s32 s18, s20;
	s18 =	smulhi.u32 $0x431BE2E9, s17  }
0x960: {  	s26 =	sshrl.u32 s15, $0x1F;
	v34 =	vsel vm4, s6, v55;
	s6 =	smul.u32 $0x431BE2E9, s9;
	s9 =	sadd.s32 s14, s11;
	v51 =	vmov s30;
	(v2sf) =	vpush v3, $0xD  }
0x961: {  	v49 =	vsel vm9, v40, v32;
	v26 =	vsel vm2, s22, v26;
	s17 =	sshrl.u32 s7, $0x1F;
	s22 =	spop (v2sf);
	v40 =	vsel vm1, s16, v51;
	s16 =	sshrl.u32 s9, $0x1F  }
0x962: {  	v16 =	vcombine.low v16, v60;
	v14 =	vperm.xlane v14, v56;
	(v2sf) =	vpush v3, $0xC;
	s11 =	smulhi.u32 $0x431BE2E9, s22;
	s13 =	sshra.s32 s22, $0x1F;
	s25 =	spop (v2sf)  }
0x963: {  	v24 =	vperm.xlane v24, v1;
	v42 =	vshrl.u32 v21, $0x2;
	v40 =	vsel vm2, s17, v40;
	s22 =	sshra.s32 s0, $0x12;
	s17 =	sshra.s32 s3, $0x12;
	s20 =	smul.u32 $0x431BE2E9, s13  }
0x964: {  	v46 =	vand.u32 $0x1FFF, v21;
	v32 =	vsel vm3, s12, v26;
	s0 =	sshra.s32 s7, $0x12;
	s12 =	smulhi.u32 $0x431BE2E9, s25;
	s13 =	sshra.s32 s25, $0x1F;
	(v2sf) =	vpush v3, $0xE  }
0x965: {  	v42 =	vand.u32 $0x3FFFE000, v42;
	v39 =	vand.u32 $0x1FFF, v2;
	v25 =	vadd.s32 v49, v25;
	s7 =	sshra.s32 s9, $0x12;
	s28 =	spop (v2sf);
	s8 =	smul.u32 $0x431BE2E9, s13  }
0x966: {  	v49 =	vand.u32 $0x1FFF, v5;
	v48 =	vshrl.u32 v5, $0x2;
	s13 =	sadd.s32 s29, s23;
	s29 =	smulhi.u32 $0x431BE2E9, s28;
	s14 =	sshra.s32 s28, $0x1F;
	(v2sf) =	vpush v3, $0xF  }
0x967: {  	v0 =	vadd.s32 v27, v0;
	v48 =	vand.u32 $0x3FFFE000, v48;
	v35 =	vsel vm3, s16, v40;
	s16 =	sshra.s32 s10, $0x12;
	s31 =	spop (v2sf);
	s30 =	smul.u32 $0x431BE2E9, s14  }
0x968: {  	v27 =	vor.u32 v39, v28;
	v0 =	vmul.u32 $0xF423F, v0;
	s14 =	sadd.s32 s6, s18;
	s23 =	smulhi.u32 $0x431BE2E9, s31;
	s24 =	sshra.s32 s31, $0x1F;
	(v2sf) =	vpush v3, $0x9  }
0x969: {  	v55 =	vmul.u32 $0xF423F, v25;
	v25 =	vor.u32 v49, v48;
	v51 =	vnsel vm5, $0x0, v45;
	s11 =	sadd.s32 s20, s11;
	s25 =	sshrl.u32 s13, $0x1F;
	s18 =	smul.u32 $0x431BE2E9, s24  }
0x96a: {  	v28 =	vsub.s32 v4, v0;
	v0 =	vld [tilespmem:$0x1FFD0];
	v4 =	vsel vm1, s25, v51;
	s12 =	sadd.s32 s8, s12;
	s28 =	sshrl.u32 s14, $0x1F;
	(v2sf) =	vpush v3, $0x8;
	s25 =	sshra.s32 s2, $0x12  }
0x96b: {  	v45 =	vperm.xlane v47, v1;
	v26 =	vor.u32 v46, v42;
	s2 =	sshra.s32 s5, $0x12;
	s5 =	sshra.s32 s14, $0x1F;
	s9 =	sshra.s32 s11, $0x12;
	(v2sf) =	vpush v3, $0xA  }
0x96c: {  	v7 =	vsub.s32 v7, v55;
	v46 =	vperm.xlane v61, v1;
	s8 =	sadd.s32 s30, s29;
	s29 =	sshrl.u32 s11, $0x1F;
	v4 =	vsel vm2, s26, v4;
	s30 =	sshrl.u32 s12, $0x1F  }
0x96d: {  	v55 =	vcombine.low v57, v52;
	s26 =	sshra.s32 s13, $0x12;
	s11 =	sshra.s32 s11, $0x1F;
	s6 =	sadd.s32 s18, s23;
	(v2sf) =	vpush v3, $0xB;
	v4 =	vsel vm3, s28, v4  }
0x96e: {  	v57 =	vperm.xlane v43, v1;
	v20 =	vsel vm9, v46, v20;
	s31 =	sshrl.u32 s8, $0x1F;
	s23 =	sshra.s32 s1, $0x12;
	v4 =	vsel vm6, s29, v4;
	s18 =	sshra.s32 s6, $0x1F  }
0x96f: {  	v0 =	vcombine.low v38, v0;
	s1 =	sshra.s32 s4, $0x12;
	s28 =	sshra.s32 s13, $0x1F;
	v4 =	vsel vm7, s30, v4;
	v47 =	vmov s18;
	s24 =	spop (v2sf)  }
0x970: {  	(v2sf) =	vpush v3, $0x0;
	v4 =	vsel vm8, s31, v4;
	v48 =	vsel vm5, s16, v47;
	s31 =	sshra.s32 s14, $0x12;
	s14 =	smulhi.u32 $0x431BE2E9, s24;
	s20 =	sshra.s32 s24, $0x1F  }
0x971: {  	v38 =	vperm.xlane v55, v56;
	s10 =	sshra.s32 s8, $0x12;
	v0 =	vperm.xlane v0, v56;
	v51 =	vsel vm11, s19, v48;
	s3 =	spop (v2sf);
	s16 =	smul.u32 $0x431BE2E9, s20  }
0x972: {  	s21 =	sshrl.u32 s6, $0x1F;
	v55 =	vmov s23;
	(v2sf) =	vpush v3, $0x1;
	v22 =	vsel vm1, s26, v51;
	s19 =	smulhi.u32 $0x431BE2E9, s3;
	s24 =	sshra.s32 s3, $0x1F  }
0x973: {  	v49 =	vld [tilespmem:$0x200];
	s29 =	sshra.s32 s15, $0x12;
	v0 =	vsel vm9, v57, v0;
	v61 =	vsel vm12, s28, v22;
	v22 =	vsel vm4, s21, v4;
	s23 =	spop (v2sf);
	s21 =	smul.u32 $0x431BE2E9, s24  }
0x974: {  	s30 =	sshra.s32 s15, $0x1F;
	v57 =	vperm.xlane v62, v1;
	v62 =	vsel vm1, s22, v55;
	v46 =	vsel vm2, s29, v61;
	s22 =	smulhi.u32 $0x431BE2E9, s23;
	s26 =	sshra.s32 s23, $0x1F  }
0x975: {  	v16 =	vperm.xlane v16, v56;
	v38 =	vsel vm9, v45, v38;
	v45 =	vsel vm13, s30, v46;
	s20 =	sshra.s32 s12, $0x12;
	s28 =	spop (v2sf);
	s18 =	smul.u32 $0x431BE2E9, s26  }
0x976: {  	v14 =	vsel vm9, v24, v14;
	v23 =	vcombine.low v29, v23;
	v47 =	vsel vm3, s31, v45;
	s3 =	sshra.s32 s12, $0x1F;
	s15 =	smulhi.u32 $0x431BE2E9, s28;
	s30 =	sshra.s32 s28, $0x1F  }
0x977: {  	v21 =	vshrl.u32 v21, $0xD;
	(v2sf) =	vpush v3, $0x2;
	v45 =	vsel vm14, s5, v47;
	s12 =	sshra.s32 s8, $0x1F;
	s29 =	spop (v2sf);
	s5 =	smul.u32 $0x431BE2E9, s30  }
0x978: {  	v52 =	vld [tilespmem:$0x1FF];
	v40 =	vmul.u32 $0x8DD9, v49;
	v48 =	vmov s2;
	v49 =	vsel vm6, s9, v45;
	s9 =	sshra.s32 s6, $0x12;
	s2 =	smulhi.u32 $0x431BE2E9, s29;
	s4 =	sshra.s32 s29, $0x1F  }
0x979: {  	v2 =	vshrl.u32 v2, $0xD;
	v4 =	vsel vm2, s25, v62;
	(v2sf) =	vpush v3, $0x3;
	s31 =	spop (v2sf);
	s8 =	sadd.s32 s21, s19;
	s25 =	smul.u32 $0x431BE2E9, s4  }
0x97a: {  	v23 =	vperm.xlane v23, v56;
	v21 =	vand.u32 $0x3, v21;
	v2 =	vand.u32 $0x3, v2;
	s23 =	spop (v2sf);
	s4 =	sadd.s32 s16, s14;
	s16 =	smulhi.u32 $0x431BE2E9, s31  }
0x97b: {  	v5 =	vshrl.u32 v5, $0xD;
	v42 =	vshrl.u32 v28, $0x2;
	(v2sf) =	vpush v3, $0x4;
	s28 =	sshra.s32 s31, $0x1F;
	s6 =	sadd.s32 s18, s22;
	s18 =	sshrl.u32 s8, $0x1F  }
0x97c: {  	v5 =	vand.u32 $0x3, v5;
	v60 =	vperm.xlane v34, v1;
	v42 =	vand.u32 $0x3FFFE000, v42;
	s8 =	sshra.s32 s8, $0x12;
	s24 =	spop (v2sf);
	s29 =	smul.u32 $0x431BE2E9, s28  }
0x97d: {  	v35 =	vcombine.low v35, v32;
	v0 =	vadd.s32 v0, v38;
	v38 =	vmul.u32 $0x6A37, v52;
	s13 =	sshrl.u32 s4, $0x1F;
	s31 =	smulhi.u32 $0x431BE2E9, s23;
	s21 =	sshra.s32 s23, $0x1F  }
0x97e: {  	v52 =	vand.u32 $0x1FFF, v28;
	v19 =	vsel vm9, v57, v19;
	(v2sf) =	vpush v3, $0x5;
	s5 =	sadd.s32 s5, s15;
	s4 =	sshra.s32 s4, $0x12;
	s19 =	smul.u32 $0x431BE2E9, s21  }
0x97f: {  	v51 =	vshrl.u32 v7, $0x2;
	v0 =	vmul.u32 $0xF423F, v0;
	(v2sf) =	vpush v3, $0x6;
	s26 =	spop (v2sf);
	s22 =	smulhi.u32 $0x431BE2E9, s24;
	s23 =	sshra.s32 s24, $0x1F  }
0x980: {  	v39 =	vsel vm3, s17, v4;
	v4 =	vxor.u32 v40, v38;
	v40 =	vsel vm15, s11, v49;
	s2 =	sadd.s32 s25, s2;
	s21 =	sshrl.u32 s6, $0x1F;
	s24 =	smul.u32 $0x431BE2E9, s23  }
0x981: {  	v19 =	vadd.s32 v20, v19;
	v40 =	vsel vm7, s20, v40;
	(v2sf) =	vpush v3, $0x7;
	s30 =	spop (v2sf);
	s20 =	smulhi.u32 $0x431BE2E9, s26;
	s25 =	sshra.s32 s26, $0x1F  }
0x982: {  	v43 =	vand.u32 $0x3FFFE000, v51;
	v62 =	vperm.xlane v58, v56;
	v57 =	vsel vm0, s3, v40;
	s3 =	sadd.s32 s29, s16;
	s23 =	sshrl.u32 s2, $0x1F;
	s28 =	smul.u32 $0x431BE2E9, s25  }
0x983: {  	v38 =	vsel vm1, s1, v48;
	v20 =	vsub.s32 v6, v0;
	(v2sf) =	vpush v4, $0xD;
	s2 =	sshra.s32 s2, $0x12;
	s29 =	smulhi.u32 $0x431BE2E9, s30;
	s16 =	sshra.s32 s30, $0x1F  }
0x984: {  	v0 =	vand.u32 $0x1FFF, v7;
	v38 =	vsel vm2, s0, v38;
	(v2sf) =	vpush v4, $0xC;
	s1 =	sadd.s32 s19, s31;
	s0 =	sadd.s32 s24, s22;
	s30 =	smul.u32 $0x431BE2E9, s16  }
0x985: {  	v55 =	vmul.u32 $0xF423F, v19;
	v19 =	vor.u32 v52, v42;
	v48 =	vsel vm8, s10, v57;
	s11 =	sadd.s32 s28, s20;
	s28 =	sshrl.u32 s3, $0x1F;
	s3 =	sshra.s32 s3, $0x12  }
0x986: {  	v36 =	vsel vm9, v36, v62;
	v49 =	vsel vm10, s12, v48;
	(v2sf) =	vpush v4, $0xE;
	s12 =	sadd.s32 s30, s29;
	s29 =	sshrl.u32 s11, $0x1F;
	s26 =	spop (v2sf)  }
0x987: {  	v8 =	vsub.s32 v8, v55;
	v51 =	vmov s18;
	v55 =	vmov s28;
	s18 =	sshrl.u32 s12, $0x1F;
	s19 =	smulhi.u32 $0x431BE2E9, s26;
	s24 =	sshra.s32 s26, $0x1F  }
0x988: {  	v22 =	vperm.xlane v22, v1;
	v36 =	vadd.s32 v37, v36;
	v57 =	vsel vm1, s23, v55;
	s23 =	sshrl.u32 s5, $0x1F;
	s31 =	spop (v2sf);
	s10 =	smul.u32 $0x431BE2E9, s24  }
0x989: {  	v6 =	vor.u32 v0, v43;
	v61 =	vshrl.u32 v8, $0x2;
	v36 =	vmul.u32 $0xF423F, v36;
	s5 =	sshra.s32 s5, $0x12;
	s30 =	smulhi.u32 $0x431BE2E9, s31;
	s31 =	sshra.s32 s31, $0x1F  }
0x98a: {  	v43 =	vand.u32 $0x3FFFE000, v61;
	v45 =	vand.u32 $0x1FFF, v8;
	(v2sf) =	vpush v4, $0xF;
	s25 =	spop (v2sf);
	s24 =	sshrl.u32 s1, $0x1F;
	s15 =	smul.u32 $0x431BE2E9, s31  }
0x98b: {  	v7 =	vshrl.u32 v7, $0xD;
	v9 =	vsub.s32 v9, v36;
	v36 =	vor.u32 v45, v43;
	s1 =	sshra.s32 s1, $0x12;
	s22 =	smulhi.u32 $0x431BE2E9, s25;
	s31 =	sshrl.u32 s0, $0x1F  }
0x98c: {  	v40 =	vsel vm3, s7, v38;
	v38 =	vsel vm1, s13, v51;
	v55 =	vsel vm2, s24, v57;
	s0 =	sshra.s32 s0, $0x12;
	s10 =	sadd.s32 s10, s19;
	s19 =	sshra.s32 s25, $0x1F  }
0x98d: {  	v61 =	vld [tilespmem:$0x1FFE0];
	v37 =	vsel vm2, s21, v38;
	v52 =	vmov s29;
	v43 =	vsel vm3, s31, v55;
	s31 =	sshra.s32 s11, $0x1F;
	s26 =	spop (v2sf);
	s21 =	sshrl.u32 s10, $0x1F  }
0x98e: {  	v0 =	vshrl.u32 v20, $0x2;
	v53 =	vnsel vm5, $0x0, v52;
	(v2sf) =	vpush v4, $0x9;
	s19 =	smul.u32 $0x431BE2E9, s19;
	s15 =	sadd.s32 s15, s30;
	s17 =	spop (v2sf)  }
0x98f: {  	v42 =	vand.u32 $0x1FFF, v20;
	v38 =	vsel vm1, s18, v53;
	(v2sf) =	vpush v4, $0x8;
	s25 =	smulhi.u32 $0x431BE2E9, s26;
	s20 =	sshra.s32 s26, $0x1F;
	s26 =	sshrl.u32 s15, $0x1F  }
0x990: {  	(v2sf) =	vpush v4, $0xA;
	v58 =	vsel vm2, s21, v38;
	v38 =	vsel vm3, s23, v37;
	s23 =	sshra.s32 s12, $0x1F;
	s7 =	spop (v2sf);
	s28 =	smul.u32 $0x431BE2E9, s20  }
0x991: {  	v7 =	vand.u32 $0x3, v7;
	v20 =	vshrl.u32 v20, $0xD;
	v0 =	vand.u32 $0x3FFFE000, v0;
	s13 =	sadd.s32 s19, s22;
	s30 =	smulhi.u32 $0x431BE2E9, s17;
	s17 =	sshra.s32 s17, $0x1F  }
0x992: {  	v20 =	vand.u32 $0x3, v20;
	v46 =	vcombine.low v40, v39;
	v62 =	vcombine.low v54, v61;
	s16 =	spop (v2sf);
	s29 =	sshrl.u32 s13, $0x1F;
	s24 =	smul.u32 $0x431BE2E9, s17  }
0x993: {  	v51 =	vshrl.u32 v9, $0x2;
	v54 =	vand.u32 $0x1FFF, v9;
	(v2sf) =	vpush v4, $0xB;
	s14 =	spop (v2sf);
	s18 =	sadd.s32 s28, s25;
	s25 =	smulhi.u32 $0x431BE2E9, s7  }
0x994: {  	v61 =	vperm.xlane v50, v1;
	v41 =	vsel vm4, s9, v49;
	(v2sf) =	vpush v4, $0x0;
	s7 =	sshra.s32 s7, $0x1F;
	s28 =	sshra.s32 s6, $0x12;
	s6 =	smulhi.u32 $0x431BE2E9, s16  }
0x995: {  	v52 =	vand.u32 $0x3FFFE000, v51;
	v51 =	vmov s8;
	(v2sf) =	vpush v4, $0x1;
	s20 =	spop (v2sf);
	s9 =	sadd.s32 s24, s30;
	s7 =	smul.u32 $0x431BE2E9, s7  }
0x996: {  	v48 =	vperm.xlane v59, v1;
	v9 =	vshrl.u32 v9, $0xD;
	v45 =	vsel vm1, s4, v51;
	s19 =	sshrl.u32 s18, $0x1F;
	s30 =	sshra.s32 s11, $0x12;
	s11 =	sshra.s32 s12, $0x12  }
0x997: {  	v53 =	vcombine.low v17, v63;
	v57 =	vsel vm3, s26, v58;
	v45 =	vsel vm2, s28, v45;
	s24 =	sshra.s32 s16, $0x1F;
	s28 =	sshra.s32 s15, $0x12;
	s7 =	sadd.s32 s7, s25  }
0x998: {  	v58 =	vperm.xlane v62, v56;
	v62 =	vsel vm6, s29, v57;
	(v2sf) =	vpush v4, $0x2;
	s26 =	sshrl.u32 s9, $0x1F;
	s16 =	smul.u32 $0x431BE2E9, s24;
	s29 =	sshra.s32 s7, $0x1F  }
0x999: {  	v17 =	vor.u32 v54, v52;
	v49 =	vsel vm7, s19, v62;
	s22 =	spop (v2sf);
	s12 =	smulhi.u32 $0x431BE2E9, s20;
	s25 =	sshra.s32 s10, $0x12;
	v52 =	vmov s29  }
0x99a: {  	v9 =	vand.u32 $0x3, v9;
	v50 =	vsel vm8, s26, v49;
	s10 =	sshra.s32 s10, $0x1F;
	s26 =	sshra.s32 s14, $0x1F;
	s17 =	sshrl.u32 s7, $0x1F;
	v15 =	vsel vm5, s30, v52  }
0x99b: {  	v54 =	vcombine.low v31, v30;
	v63 =	vperm.xlane v53, v56;
	s24 =	smul.u32 $0x431BE2E9, s26;
	s29 =	sshra.s32 s15, $0x1F;
	s15 =	sshra.s32 s22, $0x1F;
	v15 =	vsel vm11, s31, v15  }
0x99c: {  	v53 =	vperm.xlane v18, v1;
	(v2sf) =	vpush v4, $0x3;
	s31 =	sshra.s32 s13, $0x12;
	v15 =	vsel vm1, s11, v15;
	s11 =	sshra.s32 s13, $0x1F;
	s13 =	smulhi.u32 $0x431BE2E9, s22  }
0x99d: {  	v59 =	vperm.xlane v54, v56;
	(v2sf) =	vpush v4, $0x4;
	s30 =	sshra.s32 s20, $0x1F;
	s21 =	spop (v2sf);
	v15 =	vsel vm12, s23, v15;
	s23 =	smulhi.u32 $0x431BE2E9, s14  }
0x99e: {  	v44 =	vsel vm9, v48, v63;
	v37 =	vor.u32 v42, v0;
	s20 =	sshra.s32 s18, $0x12;
	s14 =	smul.u32 $0x431BE2E9, s30;
	s19 =	spop (v2sf);
	(v2sf) =	vpush v4, $0x5  }
0x99f: {  	v42 =	vsel vm4, s17, v50;
	s22 =	sshra.s32 s18, $0x1F;
	s18 =	smulhi.u32 $0x431BE2E9, s21;
	v15 =	vsel vm2, s25, v15;
	s17 =	spop (v2sf);
	(v2sf) =	vpush v4, $0x6  }
0x9a0: {  	v0 =	vsel vm9, v61, v58;
	s6 =	sadd.s32 s16, s6;
	s25 =	smul.u32 $0x431BE2E9, s15;
	v15 =	vsel vm13, s10, v15;
	s10 =	sadd.s32 s24, s23;
	(v2sf) =	vpush v4, $0x7  }
0x9a1: {  	v55 =	vperm.xlane v33, v1;
	v0 =	vadd.s32 v0, v44;
	s24 =	sshrl.u32 s6, $0x1F;
	v15 =	vsel vm3, s28, v15;
	s26 =	smulhi.u32 $0x431BE2E9, s19;
	s28 =	sshra.s32 s19, $0x1F  }
0x9a2: {  	v61 =	vmov s3;
	v0 =	vmul.u32 $0xF423F, v0;
	s30 =	sshrl.u32 s10, $0x1F;
	s8 =	spop (v2sf);
	v57 =	vsel vm14, s29, v15;
	s29 =	smul.u32 $0x431BE2E9, s28  }
0x9a3: {  	v16 =	vsel vm9, v53, v16;
	v24 =	vsel vm1, s2, v61;
	v18 =	vsel vm3, s5, v45;
	s19 =	smulhi.u32 $0x431BE2E9, s17;
	s17 =	sshra.s32 s17, $0x1F;
	s4 =	spop (v2sf)  }
0x9a4: {  	v10 =	vsub.s32 v10, v0;
	v0 =	vadd.s32 v16, v14;
	v14 =	vsel vm6, s31, v57;
	s31 =	sshra.s32 s21, $0x1F;
	s17 =	smul.u32 $0x431BE2E9, s17;
	s5 =	spop (v2sf)  }
0x9a5: {  	v53 =	vcombine.low v43, v38;
	v58 =	vsel vm9, v55, v23;
	v62 =	vsel vm2, s1, v24;
	s21 =	smul.u32 $0x431BE2E9, s31;
	s31 =	sshra.s32 s7, $0x12;
	s7 =	sadd.s32 s14, s12  }
0x9a6: {  	v45 =	vperm.xlane v35, v56;
	v23 =	vsel vm3, s0, v62;
	v49 =	vperm.xlane v41, v1;
	s12 =	smulhi.u32 $0x431BE2E9, s4;
	s14 =	sshra.s32 s4, $0x1F;
	s4 =	sadd.s32 s25, s13  }
0x9a7: {  	v62 =	vshrl.u32 v28, $0xD;
	v16 =	vsel vm9, v60, v59;
	v14 =	vsel vm15, s11, v14;
	s16 =	sadd.s32 s29, s26;
	s11 =	spop (v2sf);
	s25 =	smul.u32 $0x431BE2E9, s14  }
0x9a8: {  	v63 =	vshrl.u32 v10, $0x2;
	v0 =	vmul.u32 $0xF423F, v0;
	v14 =	vsel vm7, s20, v14;
	s20 =	sshra.s32 s9, $0x12;
	s9 =	sshra.s32 s9, $0x1F;
	s15 =	smulhi.u32 $0x431BE2E9, s5  }
0x9a9: {  	v44 =	vand.u32 $0x1FFF, v10;
	v10 =	vshrl.u32 v10, $0xD;
	s5 =	sshra.s32 s5, $0x1F;
	s26 =	sshrl.u32 s7, $0x1F;
	v14 =	vsel vm0, s22, v14;
	s22 =	smulhi.u32 $0x431BE2E9, s8  }
0x9aa: {  	v34 =	vand.u32 $0x3FFFE000, v63;
	v11 =	vsub.s32 v11, v0;
	v48 =	vmov s30;
	s28 =	sshrl.u32 s16, $0x1F;
	s30 =	sshrl.u32 s4, $0x1F;
	s5 =	smul.u32 $0x431BE2E9, s5  }
0x9ab: {  	v0 =	vadd.s32 v58, v16;
	v16 =	vperm.xlane v46, v56;
	v58 =	vperm.xlane v42, v1;
	s3 =	spop (v2sf);
	s8 =	sshra.s32 s8, $0x1F;
	s29 =	smulhi.u32 $0x431BE2E9, s11  }
0x9ac: {  	v46 =	vshrl.u32 v8, $0xD;
	v0 =	vmul.u32 $0xF423F, v0;
	s2 =	spop (v2sf);
	v33 =	vsel vm8, s20, v14;
	s23 =	smul.u32 $0x431BE2E9, s8;
	s8 =	sadd.s32 s21, s18  }
0x9ad: {  	v50 =	vshrl.u32 v11, $0x2;
	v51 =	vand.u32 $0x1FFF, v11;
	v47 =	vsel vm10, s9, v33;
	s20 =	sshrl.u32 s8, $0x1F;
	s9 =	sadd.s32 s17, s19;
	s1 =	spop (v2sf)  }
0x9ae: {  	v29 =	vsel vm1, s24, v48;
	v55 =	vmov s28;
	v24 =	vsel vm4, s31, v47;
	s31 =	smulhi.u32 $0x431BE2E9, s3;
	s3 =	sshra.s32 s3, $0x1F;
	s0 =	spop (v2sf)  }
0x9af: {  	[tilespmem:$0x3E0] =	vst v6;
	v6 =	vand.u32 $0x3, v46;
	v29 =	vsel vm2, s26, v29;
	v60 =	vsel vm1, s20, v55;
	s19 =	sshrl.u32 s9, $0x1F;
	s3 =	smul.u32 $0x431BE2E9, s3;
	s20 =	spop (v2sf)  }
0x9b0: {  	v12 =	vsub.s32 v12, v0;
	s6 =	sshra.s32 s6, $0x12;
	v59 =	vsel vm3, s30, v29;
	v29 =	vsel vm2, s19, v60;
	s21 =	smulhi.u32 $0x431BE2E9, s20;
	s19 =	sshra.s32 s20, $0x1F  }
0x9b1: {  	v16 =	vsel vm9, v49, v16;
	v0 =	vsel vm9, v22, v45;
	v52 =	vshrl.u32 v12, $0x2;
	s11 =	sshra.s32 s11, $0x1F;
	s12 =	sadd.s32 s25, s12;
	s25 =	smul.u32 $0x431BE2E9, s19  }
0x9b2: {  	v0 =	vadd.s32 v0, v16;
	v54 =	vand.u32 $0x1FFF, v12;
	v16 =	vand.u32 $0x3FFFE000, v52;
	s10 =	sshra.s32 s10, $0x12;
	s7 =	sshra.s32 s7, $0x12;
	s11 =	smul.u32 $0x431BE2E9, s11  }
0x9b3: {  	v0 =	vmul.u32 $0xF423F, v0;
	v52 =	vshrl.u32 v11, $0xD;
	v15 =	vand.u32 $0x3FFFE000, v50;
	s15 =	sadd.s32 s5, s15;
	s5 =	sadd.s32 s3, s31;
	s3 =	sadd.s32 s25, s21  }
0x9b4: {  	v16 =	vor.u32 v54, v16;
	v32 =	vmov s10;
	v15 =	vor.u32 v51, v15;
	s4 =	sshra.s32 s4, $0x12;
	s11 =	sadd.s32 s11, s29;
	s29 =	sshra.s32 s3, $0x1F  }
0x9b5: {  	v13 =	vsub.s32 v13, v0;
	v14 =	vor.u32 v44, v34;
	s30 =	sshra.s32 s16, $0x12;
	s28 =	sshrl.u32 s12, $0x1F;
	s31 =	sshra.s32 s12, $0x12;
	v34 =	vmov s29  }
0x9b6: {  	[tilespmem:$0x5B0] =	vst v21;
	v0 =	vcombine.low v23, v18;
	v57 =	vperm.xlane v53, v56;
	s17 =	smulhi.u32 $0x431BE2E9, s2;
	s2 =	sshra.s32 s2, $0x1F;
	s12 =	sshra.s32 s12, $0x1F;
	v38 =	vsel vm5, s31, v34  }
0x9b7: {  	[tilespmem:$0x5A0] =	vst v2;
	v51 =	vand.u32 $0x3, v10;
	v53 =	vshrl.u32 v12, $0xD;
	s8 =	sshra.s32 s8, $0x12;
	s24 =	sadd.s32 s23, s22;
	s18 =	sshra.s32 s15, $0x12;
	v23 =	vsel vm11, s12, v38  }
0x9b8: {  	[tilespmem:$0x3A0] =	vst v27;
	v18 =	vsel vm9, v58, v57;
	v33 =	vsel vm1, s6, v32;
	s6 =	sshrl.u32 s15, $0x1F;
	s2 =	smul.u32 $0x431BE2E9, s2;
	s21 =	sshra.s32 s15, $0x1F;
	v40 =	vsel vm1, s18, v23  }
0x9b9: {  	[tilespmem:$0x5C0] =	vst v5;
	v0 =	vperm.xlane v0, v56;
	v61 =	vperm.xlane v24, v1;
	s26 =	sshrl.u32 s24, $0x1F;
	s16 =	sshrl.u32 s11, $0x1F;
	s23 =	sshra.s32 s11, $0x12;
	v22 =	vsel vm12, s21, v40  }
0x9ba: {  	[tilespmem:$0x3C0] =	vst v25;
	v35 =	vmov s30;
	v44 =	vmov s28;
	s22 =	sshra.s32 s24, $0x12;
	s2 =	sadd.s32 s2, s17;
	s25 =	sshra.s32 s11, $0x1F;
	v43 =	vsel vm2, s23, v22  }
0x9bb: {  	[tilespmem:$0x3B0] =	vst v26;
	v63 =	vsel vm3, s26, v29;
	v0 =	vsel vm9, v61, v0;
	s28 =	sshra.s32 s5, $0x12;
	s26 =	smulhi.u32 $0x431BE2E9, s1;
	s1 =	sshra.s32 s1, $0x1F;
	v45 =	vsel vm13, s25, v43  }
0x9bc: {  	[tilespmem:$0x3D0] =	vst v19;
	v0 =	vadd.s32 v18, v0;
	v18 =	vsel vm2, s7, v33;
	s24 =	sshrl.u32 s5, $0x1F;
	s1 =	smul.u32 $0x431BE2E9, s1;
	s29 =	sshra.s32 s5, $0x1F;
	v19 =	vsel vm3, s28, v45  }
0x9bd: {  	[tilespmem:$0x5E0] =	vst v7;
	v41 =	vsel vm3, s4, v18;
	v18 =	vnsel vm5, $0x0, v44;
	s30 =	smulhi.u32 $0x431BE2E9, s0;
	s0 =	sshra.s32 s0, $0x1F;
	s31 =	sshra.s32 s2, $0x12;
	v48 =	vsel vm14, s29, v19  }
0x9be: {  	[tilespmem:$0x5F0] =	vst v20;
	v39 =	vsel vm1, s8, v35;
	v47 =	vsel vm1, s6, v18;
	s6 =	sshra.s32 s2, $0x1F;
	s0 =	smul.u32 $0x431BE2E9, s0;
	s1 =	sadd.s32 s1, s26;
	v50 =	vsel vm6, s31, v48  }
0x9bf: {  	[tilespmem:$0x400] =	vst v36;
	v2 =	vcombine.low v63, v59;
	v49 =	vsel vm2, s16, v47;
	s19 =	sshra.s32 s9, $0x12;
	s7 =	sshra.s32 s1, $0x12;
	s8 =	sshrl.u32 s1, $0x1F;
	v8 =	vsel vm15, s6, v50  }
0x9c0: {  	[tilespmem:$0x610] =	vst v9;
	v7 =	vsel vm3, s24, v49;
	v21 =	vsel vm2, s19, v39;
	s0 =	sadd.s32 s0, s30;
	s1 =	sshra.s32 s1, $0x1F;
	s2 =	sshrl.u32 s2, $0x1F;
	v8 =	vsel vm7, s7, v8  }
0x9c1: {  	[tilespmem:$0x410] =	vst v17;
	v42 =	vsel vm3, s22, v21;
	s10 =	sshra.s32 s0, $0x12;
	v7 =	vsel vm6, s2, v7;
	v8 =	vsel vm0, s1, v8  }
0x9c2: {  	[tilespmem:$0x3F0] =	vst v37;
	s9 =	sshrl.u32 s0, $0x1F;
	s0 =	sshra.s32 s0, $0x1F;
	v5 =	vcombine.low v42, v41;
	v7 =	vsel vm7, s8, v7;
	v8 =	vsel vm8, s10, v8  }
0x9c3: {  	[tilespmem:$0x600] =	vst v6;
	v2 =	vperm.xlane v2, v56;
	s11 =	sshrl.u32 s3, $0x1F;
	s12 =	sshra.s32 s3, $0x12;
	v7 =	vsel vm8, s9, v7;
	v8 =	vsel vm10, s0, v8  }
0x9c4: {  	[tilespmem:$0x440] =	vst v16;
	v5 =	vperm.xlane v5, v56;
	v7 =	vsel vm4, s11, v7;
	v8 =	vsel vm4, s12, v8  }
0x9c5: {  	[tilespmem:$0x620] =	vst v51;
	v54 =	vshrl.u32 v13, $0x2;
	v7 =	vperm.xlane v7, v1;
	v8 =	vperm.xlane v8, v1  }
0x9c6: {  	[tilespmem:$0x430] =	vst v15;
	v57 =	vand.u32 $0x1FFF, v13;
	v58 =	vshrl.u32 v13, $0xD;
	v0 =	vmul.u32 $0xF423F, v0  }
0x9c7: {  	[tilespmem:$0x420] =	vst v14;
	v24 =	vand.u32 $0x3, v62;
	v2 =	vsel vm9, v7, v2;
	v5 =	vsel vm9, v8, v5  }
0x9c8: {  	[tilespmem:$0x5D0] =	vst v24;
	v0 =	vsub.s32 v3, v0;
	v3 =	vand.u32 $0x3, v52;
	v2 =	vadd.s32 v2, v5  }
0x9c9: {  	v55 =	vand.u32 $0x3FFFE000, v54;
	[tilespmem:$0x630] =	vst v3;
	v3 =	vand.u32 $0x3, v53;
	v2 =	vmul.u32 $0xF423F, v2  }
0x9ca: {  	v59 =	vand.u32 $0x3, v58;
	v60 =	vshrl.u32 v0, $0x2;
	[tilespmem:$0x640] =	vst v3;
	v3 =	vor.u32 v57, v55  }
0x9cb: {  	v61 =	vand.u32 $0x1FFF, v0;
	[tilespmem:$0x450] =	vst v3;
	v3 =	vand.u32 $0x3FFFE000, v60;
	v2 =	vsub.s32 v4, v2  }
0x9cc: {  	s13 =	rddreg [dreg:$0x9];
	[tilespmem:$0x650] =	vst v59;
	v0 =	vshrl.u32 v0, $0xD;
	v3 =	vor.u32 v61, v3;
	v62 =	vshrl.u32 v2, $0x2  }
0x9cd: {  	s14 =	rddreg [dreg:$0xa];
	v0 =	vand.u32 $0x3, v0;
	[tilespmem:$0x460] =	vst v3;
	v63 =	vand.u32 $0x1FFF, v2;
	v3 =	vand.u32 $0x3FFFE000, v62  }
0x9ce: {  	s16 =	rddreg [dreg:$0x11];
	[tilespmem:$0x660] =	vst v0;
	v2 =	vshrl.u32 v2, $0xD;
	v0 =	vor.u32 v63, v3  }
0x9cf: {  	s20 =	rddreg [dreg:$0xd];
	[tilespmem:$0x470] =	vst v0;
	v0 =	vand.u32 $0x3, v2  }
0x9d0: {  	s17 =	simm.s32 $0x80;
	s19 =	rddreg [dreg:$0xc];
	s18 =	simm.s32 $0x680;
	[tilespmem:$0x670] =	vst v0  }
0x9d1: {  	[tilespmem:s18], [sflag:$0x1] =	stream.indirect.gather [hbm4b:s16+s17], $0x80, s13, s17, $0xb8;
	[tilespmem:$0x10680] =	vst v63  }
0x9d2: {  	s15 =	rddreg [dreg:$0xb]  }
0x9d3: {  	[tilespmem:s15], [sflag:$0x1] =	stream.indirect.gather [hbm4b:s16+s17], $0x80, s14, s17, $0xb8;
	[tilespmem:$0x10680] =	vst v63  }
0x9d4: {  	s22 =	rddreg [dreg:$0xf]  }
0x9d5: {  	[tilespmem:s20], [sflag:$0x1] =	stream.indirect.gather [hbm4b:s16+s17], $0x80, s19, s17, $0xb8;
	[tilespmem:$0x10680] =	vst v63  }
0x9d6: {  	s24 =	simm.s32 $0x1;
	s21 =	rddreg [dreg:$0xe]  }
0x9d7: {  	[tilespmem:s22], [sflag:$0x1] =	stream.indirect.gather [hbm4b:s16+s17], $0x80, s21, s17, $0xb8;
	[tilespmem:$0x10680] =	vst v63  }
0x9d8: {  	s23 =	rddreg [dreg:$0x12];
	_ =	swait.ge [sflag:s24], $0x4000  }
0x9d9: {  	[sflag:s24] =	ssyncset.done $0x0  }
0x9da: {  	[sflag:s24] =	ssyncadd.s32 $0xFFFFC000  }
0x9db: {  	_ =	swait.ge [sflag:s24], $0x4000  }
0x9dc: {  	[sflag:s24] =	ssyncset.done $0x0  }
0x9dd: {  	[sflag:s24] =	ssyncadd.s32 $0xFFFFC000  }
0x9de: {  	_ =	swait.ge [sflag:s24], $0x4000  }
0x9df: {  	[sflag:s24] =	ssyncset.done $0x0  }
0x9e0: {  	[sflag:s24] =	ssyncadd.s32 $0xFFFFC000  }
0x9e1: {  	_ =	swait.ge [sflag:s24], $0x4000  }
0x9e2: {  	s26 =	simm.s32 $0x0;
	[sflag:s24] =	ssyncset.done $0x0  }
0x9e3: {  	s28 =	simm.s32 $0x2;
	s25 =	rddreg [dreg:$0x5];
	[sflag:s24] =	ssyncadd.s32 $0xFFFFC000  }
0x9e4: {  	[hbm4b:s25+s26] =	stream.linear.scatter [tilespmem:s18], [sflag:$0x2], $0x10000, $0x38;
	[tilespmem:$0x10680] =	vst v63  }
0x9e5: {  	_ =	swait.ge [sflag:s28], $0x10000  }
0x9e6: {  	p0 =	sne.s32 s23, $0x1;
	s29 =	rddreg [dreg:$0x6];
	[sflag:s28] =	ssyncset.done $0x0  }
.Ltmp0:
0x9e7: {  	s30 =	rddreg [dreg:$0x10];
	[sflag:s28] =	ssyncadd.s32 $0xFFFF0000;
	(pc) =	sbr.rel @p0 .LBB2_1-.Ltmp0, $4  }
0x9e8: {  	[hbm4b:s29+s26] =	stream.linear.scatter [tilespmem:s30], [sflag:$0x2], $0x200, $0x38;
	[tilespmem:$0x10680] =	vst v63  }
0x9e9: {  	_ =	swait.ge [sflag:s28], $0x200  }
0x9ea: {  	s31 =	simm.s32 $0x2;
	[sflag:s28] =	ssyncset.done $0x0  }
0x9eb: {  	s2 =	sadd.s32 $0xFFFFFFFF, s23;
	[sflag:s31] =	ssyncadd.s32 $0xFFFFFE00  }
0x9ec: {  	_ =	sfence.sel $0x180000  }
0x9ed: {  	[bflag:$0x0] =	sbarrier.arrive $0xFFFF  }
0x9ee: {  	_ =	strace $0x90000047  }
0x9ef: {  	s0 =	stileid.u32;
	[bflag:$0x2] =	sbarrier.arrive $0xFFFF  }
0x9f0: {  	p0 =	sne.s32 s0, $0x0;
	s0 =	rddreg [dreg:$0x2]  }
0x9f1: {  	s0 =	sadd.s32 @!p0 $0x100000, s0  }
0x9f2: {  	[sflag:s0] =	ssyncadd.tile.s32 @!p0 $0x1;
	_ =	shalt  }
.Lfunc_end2:
_tile_overlayer_lowered:
.L_overlay_start_2:
0x9f3: {  	(tag) =	ssettag $0x2  }
0x9f4: {  	s0 =	rddreg [dreg:$0x0];
	s2 =	stileid.u32  }
0x9f5: {  	s1 =	rddreg [dreg:$0x1];
	p0 =	sne.s32 s2, $0x0  }
0x9f6: {  	s3 =	rddreg [dreg:$0x2];
	[bflag:$0x3] =	sbarrier.arrive $0xFFFF;
	s2 =	simm.s32 @!p0 $0x1C02  }
0x9f7: {  	[timem:s3], [sflag:s2] =	dma.local @!p0 [hbm:s0], s1  }
0x9f8: {  	s0 =	simm.s32 @!p0 $0x2  }
0x9f9: {  	_ =	swait.ge @!p0 [sflag:s0], s1  }
0x9fa: {  	s1 =	ssub.s32 @!p0 $0x0, s1;
	[sflag:s0] =	ssyncset.done @!p0 $0x0  }
0x9fb: {  	[sflag:s0] =	ssyncadd.s32 @!p0 s1  }
0x9fc: {  	[bflag:$0x3] =	sbarrier.arrive $0xFFFF  }
0x9fd: {  	_ =	shalt  }

</sc_bundles>
